<compile_context>
chip_gen: v7x
topology: tpu7x:2x2x1
jax: 0.10.2.dev20260603
libtpu: 0.0.44.dev20260713+nightly
codegen_flags: <defaults>
</compile_context>

<pallas_src>
import jax
import jax.numpy as jnp
from jax import lax
from jax.experimental import pallas as pl
from jax.experimental.pallas import tpu as pltpu
from jax.experimental.pallas import tpu_sc as plsc

N = 10000
NPAD = 10240
D = 128
DH = D // 2
E = 320000
C = 128
NSUB = 16
NCORE = 2
NCH = 160
EPAD = NSUB * NCH * C
IB = 80
RPT = NPAD // NSUB
ZR = 32

BLK = 512
NB = NPAD // BLK
_HIGHEST = jax.lax.Precision.HIGHEST



def _make_sc_agg(with_deg: bool):
    mesh = plsc.VectorSubcoreMesh(core_axis_name="c", subcore_axis_name="s")
    out_types = [jax.ShapeDtypeStruct((NCORE * NPAD, D), jnp.float32)]
    scratch = [
        pltpu.VMEM((IB, C), jnp.int32),
        pltpu.VMEM((IB, C), jnp.int32),
        pltpu.VMEM((C, DH), jnp.float32),
        pltpu.VMEM((C, DH), jnp.float32),
        pltpu.VMEM((ZR, DH), jnp.float32),
        pltpu.VMEM_SHARED((NPAD, DH), jnp.float32),
        pltpu.VMEM_SHARED((NPAD, DH), jnp.float32),
        pltpu.SemaphoreType.DMA,
        pltpu.SemaphoreType.DMA,
        pltpu.SemaphoreType.DMA,
        pltpu.SemaphoreType.DMA,
    ]
    if with_deg:
        out_types.append(jax.ShapeDtypeStruct((NPAD,), jnp.float32))
        scratch += [
            pltpu.VMEM((RPT,), jnp.float32),
            pltpu.VMEM((C,), jnp.float32),
            pltpu.VMEM_SHARED((NPAD,), jnp.float32),
        ]

    def body(hs, src2, dst2, aggs, *rest):
        if with_deg:
            (deg_out, src_idx, dst_idx, rows0, rows1, zeros2, table, acc,
             gsem0, gsem1, ssem0, ssem1, zeros1, ones, deg_sh) = rest
        else:
            (src_idx, dst_idx, rows0, rows1, zeros2, table, acc,
             gsem0, gsem1, ssem0, ssem1) = rest
        c = lax.axis_index("c")
        s = lax.axis_index("s")

        @pl.loop(0, ZR)
        def _fill(r):
            @pl.loop(0, DH // 16)
            def _fill_row(i):
                zeros2[r, pl.ds(i * 16, 16)] = jnp.zeros((16,), jnp.float32)

        if with_deg:
            @pl.loop(0, RPT // 16)
            def _fill1(i):
                zeros1[pl.ds(i * 16, 16)] = jnp.zeros((16,), jnp.float32)

            @pl.loop(0, C // 16)
            def _fillo(i):
                ones[pl.ds(i * 16, 16)] = jnp.full((16,), 1.0, jnp.float32)

            @pl.when(c == 0)
            def _zdeg():
                pltpu.sync_copy(zeros1, deg_sh.at[pl.ds(s * RPT, RPT)])

        def scat0(j):
            return pltpu.make_async_copy(rows0, acc.at[dst_idx.at[j]], ssem0)

        def scat1(j):
            return pltpu.make_async_copy(rows1, acc.at[dst_idx.at[j]], ssem1)

        for p in range(2):
            @pl.loop(0, RPT // ZR)
            def _zero(k):
                pltpu.sync_copy(zeros2, acc.at[pl.ds(s * RPT + k * ZR, ZR)])

            pltpu.sync_copy(
                hs.at[pl.ds(c * NPAD + s * RPT, RPT), pl.ds(p * DH, DH)],
                table.at[pl.ds(s * RPT, RPT)])
            plsc.subcore_barrier()

            @pl.loop(0, NCH // IB)
            def _stage(t):
                @pl.when(t > 0)
                def _drain():
                    scat0(0).wait()
                    scat1(1).wait()
                pltpu.sync_copy(src2.at[pl.ds(s * NCH + t * IB, IB)], src_idx)
                pltpu.sync_copy(dst2.at[pl.ds(s * NCH + t * IB, IB)], dst_idx)

                @pl.loop(0, IB // 2)
                def _pair(k):
                    j0 = 2 * k
                    j1 = 2 * k + 1

                    @pl.when(k > 0)
                    def _reuse():
                        scat0(j0).wait()
                        scat1(j1).wait()

                    g0 = pltpu.make_async_copy(table.at[src_idx.at[j0]],
                                               rows0, gsem0)
                    g1 = pltpu.make_async_copy(table.at[src_idx.at[j1]],
                                               rows1, gsem1)
                    g0.start()
                    g1.start()
                    g0.wait()
                    scat0(j0).start(add=True)
                    g1.wait()
                    scat1(j1).start(add=True)

                if with_deg and p == 0:
                    @pl.when(c == 0)
                    def _degt():
                        @pl.loop(0, IB)
                        def _degj(j):
                            pltpu.sync_copy(ones, deg_sh.at[dst_idx.at[j]],
                                            add=True)

            scat0(0).wait()
            scat1(1).wait()
            plsc.subcore_barrier()
            pltpu.sync_copy(
                acc.at[pl.ds(s * RPT, RPT)],
                aggs.at[pl.ds(c * NPAD + s * RPT, RPT), pl.ds(p * DH, DH)])

        if with_deg:
            @pl.when(c == 0)
            def _wdeg():
                pltpu.sync_copy(deg_sh.at[pl.ds(s * RPT, RPT)],
                                deg_out.at[pl.ds(s * RPT, RPT)])

    return pl.kernel(body, out_type=tuple(out_types) if with_deg else out_types[0],
                     mesh=mesh, scratch_types=scratch,
                     compiler_params=pltpu.CompilerParams(
                         use_tc_tiling_on_sc=False))


_sc_agg_deg = _make_sc_agg(with_deg=True)
_sc_agg = _make_sc_agg(with_deg=False)



def _mm_body(x_ref, w_ref, b_ref, h_ref):
    h = lax.dot_general(x_ref[...], w_ref[0], (((1,), (0,)), ((), ())),
                        precision=_HIGHEST, preferred_element_type=jnp.float32)
    h_ref[...] = h + b_ref[0, 0]


def _tc_mm(xs, Ws, bs):
    return pl.pallas_call(
        _mm_body,
        grid=(NCORE * NB,),
        in_specs=[
            pl.BlockSpec((BLK, D), lambda i: (i, 0)),
            pl.BlockSpec((1, D, D), lambda i: (i // NB, 0, 0)),
            pl.BlockSpec((1, 1, D), lambda i: (i // NB, 0, 0)),
        ],
        out_specs=pl.BlockSpec((BLK, D), lambda i: (i, 0)),
        out_shape=jax.ShapeDtypeStruct((NCORE * NPAD, D), jnp.float32),
    )(xs, Ws, bs)


def _combine(a_ref, o_ref, deg_ref, dinv_ref):
    dg = jnp.maximum(deg_ref[...], 1.0)
    return jax.nn.relu(a_ref[...] / dg + o_ref[...] * dinv_ref[...])


def _cmm_body(a_ref, o_ref, deg_ref, dinv_ref, w_ref, b_ref, xc_ref, h_ref):
    xc = _combine(a_ref, o_ref, deg_ref, dinv_ref)
    xc_ref[...] = xc
    h = lax.dot_general(xc, w_ref[0], (((1,), (0,)), ((), ())),
                        precision=_HIGHEST, preferred_element_type=jnp.float32)
    h_ref[...] = h + b_ref[0, 0]


def _tc_combine_mm(aggs, deg, dinv, Ws, bs):
    return pl.pallas_call(
        _cmm_body,
        grid=(NCORE * NB,),
        in_specs=[
            pl.BlockSpec((BLK, D), lambda i: (i, 0)),
            pl.BlockSpec((BLK, D), lambda i: ((i + NB) % (NCORE * NB), 0)),
            pl.BlockSpec((BLK, 1), lambda i: (i % NB, 0)),
            pl.BlockSpec((BLK, 1), lambda i: (i % NB, 0)),
            pl.BlockSpec((1, D, D), lambda i: (i // NB, 0, 0)),
            pl.BlockSpec((1, 1, D), lambda i: (i // NB, 0, 0)),
        ],
        out_specs=[
            pl.BlockSpec((BLK, D), lambda i: (i, 0)),
            pl.BlockSpec((BLK, D), lambda i: (i, 0)),
        ],
        out_shape=[
            jax.ShapeDtypeStruct((NCORE * NPAD, D), jnp.float32),
            jax.ShapeDtypeStruct((NCORE * NPAD, D), jnp.float32),
        ],
    )(aggs, aggs, deg, dinv, Ws, bs)


def _c_body(a_ref, o_ref, deg_ref, dinv_ref, xc_ref):
    xc_ref[...] = _combine(a_ref, o_ref, deg_ref, dinv_ref)


def _tc_combine(aggs, deg, dinv):
    return pl.pallas_call(
        _c_body,
        grid=(NCORE * NB,),
        in_specs=[
            pl.BlockSpec((BLK, D), lambda i: (i, 0)),
            pl.BlockSpec((BLK, D), lambda i: ((i + NB) % (NCORE * NB), 0)),
            pl.BlockSpec((BLK, 1), lambda i: (i % NB, 0)),
            pl.BlockSpec((BLK, 1), lambda i: (i % NB, 0)),
        ],
        out_specs=pl.BlockSpec((BLK, D), lambda i: (i, 0)),
        out_shape=jax.ShapeDtypeStruct((NCORE * NPAD, D), jnp.float32),
    )(aggs, aggs, deg, dinv)



def kernel(x, view2, edge_index, D_inv,
           W1, b1, W2, b2, W3, b3, W4, b4, W5, b5, W6, b6):
    padn = ((0, NPAD - N), (0, 0))
    xs = jnp.concatenate([jnp.pad(x, padn), jnp.pad(view2, padn)], axis=0)
    dinv = jnp.pad(D_inv, padn)

    src, dst = edge_index[0], edge_index[1]
    pad_e = EPAD - E
    src_p = jnp.concatenate([src, jnp.zeros((pad_e,), jnp.int32)])
    dst_p = jnp.concatenate(
        [dst, N + (jnp.arange(pad_e, dtype=jnp.int32) % (NPAD - N))])
    src2 = src_p.reshape(NSUB * NCH, C)
    dst2 = dst_p.reshape(NSUB * NCH, C)

    W14 = jnp.stack([W1, W4])
    b14 = jnp.stack([b1, b4]).reshape(NCORE, 1, D)
    W25 = jnp.stack([W2, W5])
    b25 = jnp.stack([b2, b5]).reshape(NCORE, 1, D)
    W36 = jnp.stack([W3, W6])
    b36 = jnp.stack([b3, b6]).reshape(NCORE, 1, D)

    h = _tc_mm(xs, W14, b14)
    agg, deg = _sc_agg_deg(h, src2, dst2)
    deg = deg.reshape(NPAD, 1)
    xc1, h = _tc_combine_mm(agg, deg, dinv, W25, b25)
    agg = _sc_agg(h, src2, dst2)
    xc2, h = _tc_combine_mm(agg, deg, dinv, W36, b36)
    agg = _sc_agg(h, src2, dst2)
    xc3 = _tc_combine(agg, deg, dinv)

    q = jnp.concatenate([xc1[:N], xc2[:N], xc3[:N]], axis=1)
    p = jnp.concatenate([xc1[NPAD:NPAD + N], xc2[NPAD:NPAD + N],
                         xc3[NPAD:NPAD + N]], axis=1)
    return (q, p)

# --- scband reference (transcript-rebuilt; emitter-appended) ---
"""Pipeline reference for scband-gcn-5394478924432 (READ-ONLY COPY).

The authoritative reference and input builder live on the scoring server;
editing this copy changes nothing except your own understanding.
"""

import jax, jax.numpy as jnp
import numpy as np

N = 10000
E = 320000
D_IN = 128
D_HID = 128

def _glorot(key, shape):
    fan_in, fan_out = shape
    lim = (6.0 / (fan_in + fan_out)) ** 0.5
    return jax.random.uniform(key, shape, jnp.float32, -lim, lim)

def setup_inputs(seed: int = 0):
    key = jax.random.key(seed)
    ks = jax.random.split(key, 16)
    inp = {}
    inp['x'] = jax.random.normal(ks[0], (N, D_IN), dtype=jnp.float32)
    inp['view2'] = jax.random.normal(ks[1], (N, D_IN), dtype=jnp.float32)
    inp['edge_index'] = jax.random.randint(ks[2], (2, E), 0, N, dtype=jnp.int32)
    inp['D_inv'] = jax.random.uniform(ks[3], (N, 1), dtype=jnp.float32)
    dims = [(D_IN, D_HID), (D_HID, D_HID), (D_HID, D_HID), (D_IN, D_HID), (D_HID, D_HID), (D_HID, D_HID)]
    for i, (di, do) in enumerate(dims):
        inp['W%d' % (i + 1)] = _glorot(ks[4 + i], (di, do))
        inp['b%d' % (i + 1)] = jnp.zeros((do,), jnp.float32)
    return inp

def _gcn_conv(h_in, edge_index, W, b):
    # Linear transform then message passing over edges.
    # view1: degree-normalized (mean) neighbor aggregation.
    # view2: raw sum aggregation (normalized externally via D_inv).
    h = h_in @ W + b
    src = edge_index[0]
    dst = edge_index[1]
    msgs = jnp.take(h, src, axis=0)
    agg = jax.ops.segment_sum(msgs, dst, num_segments=N)
    deg = jax.ops.segment_sum(jnp.ones((edge_index.shape[1],), jnp.float32), dst, num_segments=N)
    view1 = agg / jnp.maximum(deg, 1.0)[:, None]
    return view1, agg

def reference(x, view2, edge_index, D_inv, W1, b1, W2, b2, W3, b3, W4, b4, W5, b5, W6, b6):
    relu = jax.nn.relu
    x1v1, x1v2 = _gcn_conv(x, edge_index, W1, b1)
    x2v1, x2v2 = _gcn_conv(view2, edge_index, W4, b4)
    x1 = relu(x1v1 + x2v2 * D_inv)
    x2 = relu(x2v1 + x1v2 * D_inv)
    z1v1, z1v2 = _gcn_conv(x1, edge_index, W2, b2)
    z2v1, z2v2 = _gcn_conv(x2, edge_index, W5, b5)
    z1 = relu(z1v1 + z2v2 * D_inv)
    z2 = relu(z2v1 + z1v2 * D_inv)
    v1v1, v1v2 = _gcn_conv(z1, edge_index, W3, b3)
    v2v1, v2v2 = _gcn_conv(z2, edge_index, W6, b6)
    v1 = relu(v1v1 + v2v2 * D_inv)
    v2 = relu(v2v1 + v1v2 * D_inv)
    q = jnp.concatenate((x1, z1, v1), axis=1)
    p = jnp.concatenate((x2, z2, v2), axis=1)
    return (q, p)

if __name__ == "__main__":
    import jax
    _d = setup_inputs()
    print(jax.jit(kernel)(*tuple(_d.values())))

</pallas_src>

<mosaic_0001>
#map = affine_map<(d0, d1) -> (0, 0)>
module attributes {stable_mosaic.version = 14 : i64} {
  func.func @body(%arg0: i32, %arg1: i32, %arg2: memref<20480x128xf32, #tpu.memory_space<hbm>>, %arg3: memref<2560x128xi32, #tpu.memory_space<hbm>>, %arg4: memref<2560x128xi32, #tpu.memory_space<hbm>>, %arg5: memref<20480x128xf32, #tpu.memory_space<hbm>>, %arg6: memref<80x128xi32, #tpu.memory_space<vmem>>, %arg7: memref<80x128xi32, #tpu.memory_space<vmem>>, %arg8: memref<128x64xf32, #tpu.memory_space<vmem>>, %arg9: memref<128x64xf32, #tpu.memory_space<vmem>>, %arg10: memref<32x64xf32, #tpu.memory_space<vmem>>, %arg11: memref<10240x64xf32, #tpu.memory_space<vmem_shared>>, %arg12: memref<10240x64xf32, #tpu.memory_space<vmem_shared>>, %arg13: memref<!tpu.dma_semaphore, #tpu.memory_space<semaphore_mem>>, %arg14: memref<!tpu.dma_semaphore, #tpu.memory_space<semaphore_mem>>, %arg15: memref<!tpu.dma_semaphore, #tpu.memory_space<semaphore_mem>>, %arg16: memref<!tpu.dma_semaphore, #tpu.memory_space<semaphore_mem>>) attributes {dimension_semantics = [#tpu.dimension_semantics<core_parallel>, #tpu.dimension_semantics<subcore_parallel>], iteration_bounds = array<i64: 2, 16>, scalar_prefetch = 0 : i64, scratch_operands = 11 : i64, tpu.core_type = #tpu.core_type<sc_vector_subcore>, window_params = [{transform_indices = #map}, {transform_indices = #map}, {transform_indices = #map}, {transform_indices = #map}]} {
    %scan3A = arith.constant 0 : i32
    %scan3A_0 = arith.constant 32 : i32
    %scan3A_1 = arith.addi %scan3A, %scan3A_0 : i32
    %scan3A_2 = arith.constant 1 : i32
    scf.for %scan3A_80 = %scan3A to %scan3A_1 step %scan3A_2  : i32 {
      %mul3A_81 = arith.constant 1 : i32
      %mul3A_82 = arith.muli %scan3A_80, %mul3A_81 : i32
      %add3A_83 = arith.constant 0 : i32
      %add3A_84 = arith.addi %add3A_83, %mul3A_82 : i32
      %scan3A_85 = arith.constant 0 : i32
      %scan3A_86 = arith.constant 4 : i32
      %scan3A_87 = arith.addi %scan3A_85, %scan3A_86 : i32
      %scan3A_88 = arith.constant 1 : i32
      scf.for %scan3A_90 = %scan3A_85 to %scan3A_87 step %scan3A_88  : i32 {
        %mul3A_91 = arith.constant 1 : i32
        %mul3A_92 = arith.muli %scan3A_90, %mul3A_91 : i32
        %add3A_93 = arith.constant 0 : i32
        %add3A_94 = arith.addi %add3A_93, %mul3A_92 : i32
        %broadcast_in_dim3A = arith.constant 0.000000e+00 : f32
        %broadcast_in_dim3A_95 = vector.broadcast %broadcast_in_dim3A : f32 to vector<16xf32>
        %mul3A_96 = arith.constant 16 : i32
        %mul3A_97 = arith.muli %add3A_94, %mul3A_96 : i32
        %swap3A = arith.index_cast %add3A_84 : i32 to index
        %swap3A_98 = arith.index_cast %mul3A_97 : i32 to index
        %swap3A_99 = tpu.vector_load %arg10[%swap3A, %swap3A_98] {strides = array<i32>} : memref<32x64xf32, #tpu.memory_space<vmem>>, vector<1x16xf32>,
        %swap3A_100 = vector.shape_cast %swap3A_99 : vector<1x16xf32> to vector<16xf32>
        %swap3A_101 = vector.shape_cast %broadcast_in_dim3A_95 : vector<16xf32> to vector<1x16xf32>
        tpu.vector_store %arg10[%swap3A, %swap3A_98], %swap3A_101 {strides = array<i32>} : memref<32x64xf32, #tpu.memory_space<vmem>>, vector<1x16xf32>,
      }
      %scan3A_89 = arith.constant 4 : i32
    }
    %scan3A_3 = arith.constant 32 : i32
    %scan3A_4 = arith.constant 0 : i32
    %scan3A_5 = arith.constant 20 : i32
    %scan3A_6 = arith.addi %scan3A_4, %scan3A_5 : i32
    %scan3A_7 = arith.constant 1 : i32
    scf.for %scan3A_80 = %scan3A_4 to %scan3A_6 step %scan3A_7  : i32 {
      %mul3A_81 = arith.constant 1 : i32
      %mul3A_82 = arith.muli %scan3A_80, %mul3A_81 : i32
      %add3A_83 = arith.constant 0 : i32
      %add3A_84 = arith.addi %add3A_83, %mul3A_82 : i32
      %mul3A_85 = arith.constant 640 : i32
      %mul3A_86 = arith.muli %arg1, %mul3A_85 : i32
      %mul3A_87 = arith.constant 32 : i32
      %mul3A_88 = arith.muli %add3A_84, %mul3A_87 : i32
      %add3A_89 = arith.addi %mul3A_86, %mul3A_88 : i32
      "tpu.region"() ({
        %run_scoped3A = tpu.sem_alloc : memref<!tpu.dma_semaphore, #tpu.memory_space<semaphore_mem>>
        %dma_start3A = arith.constant 0 : i32
        %dma_start3A_90 = tpu.memref_slice %arg12[%add3A_89, %dma_start3A] : memref<10240x64xf32, #tpu.memory_space<vmem_shared>> -> memref<32x64xf32, #tpu.memory_space<vmem_shared>>
        %dma_start3A_91 = arith.constant 0 : i32
        %dma_start3A_92 = tpu.memref_slice %arg12[%add3A_89, %dma_start3A_91] : memref<10240x64xf32, #tpu.memory_space<vmem_shared>> -> memref<32x64xf32, #tpu.memory_space<vmem_shared>>
        tpu.enqueue_dma source(%arg10 : memref<32x64xf32, #tpu.memory_space<vmem>>) target(%dma_start3A_92 : memref<32x64xf32, #tpu.memory_space<vmem_shared>>) target_semaphore(%run_scoped3A : memref<!tpu.dma_semaphore, #tpu.memory_space<semaphore_mem>>)
        %dma_wait3A_93 = arith.constant 0 : i32
        %dma_wait3A_94 = tpu.memref_slice %arg12[%add3A_89, %dma_wait3A_93] : memref<10240x64xf32, #tpu.memory_space<vmem_shared>> -> memref<32x64xf32, #tpu.memory_space<vmem_shared>>
        %dma_wait3A_95 = arith.constant 0 : i32
        %dma_wait3A_96 = tpu.memref_slice %arg12[%add3A_89, %dma_wait3A_95] : memref<10240x64xf32, #tpu.memory_space<vmem_shared>> -> memref<32x64xf32, #tpu.memory_space<vmem_shared>>
        tpu.wait_dma2 semaphore(%run_scoped3A : memref<!tpu.dma_semaphore, #tpu.memory_space<semaphore_mem>>) src(%arg10 : memref<32x64xf32, #tpu.memory_space<vmem>>) dst(%dma_wait3A_96 : memref<32x64xf32, #tpu.memory_space<vmem_shared>>)
        tpu.yield
      }) : () -> ()
    }
    %scan3A_8 = arith.constant 20 : i32
    %mul3A = arith.constant 10240 : i32
    %mul3A_9 = arith.muli %arg0, %mul3A : i32
    %mul3A_10 = arith.constant 640 : i32
    %mul3A_11 = arith.muli %arg1, %mul3A_10 : i32
    %add3A = arith.addi %mul3A_9, %mul3A_11 : i32
    %mul3A_12 = arith.constant 640 : i32
    %mul3A_13 = arith.muli %arg1, %mul3A_12 : i32
    "tpu.region"() ({
      %run_scoped3A = tpu.sem_alloc : memref<!tpu.dma_semaphore, #tpu.memory_space<semaphore_mem>>
      %dma_start3A = arith.constant 0 : i32
      %dma_start3A_80 = tpu.memref_slice %arg11[%mul3A_13, %dma_start3A] : memref<10240x64xf32, #tpu.memory_space<vmem_shared>> -> memref<640x64xf32, #tpu.memory_space<vmem_shared>>
      %dma_start3A_81 = arith.constant 0 : i32
      %dma_start3A_82 = tpu.memref_slice %arg2[%add3A, %dma_start3A_81] : memref<20480x128xf32, #tpu.memory_space<hbm>> -> memref<640x64xf32, #tpu.memory_space<hbm>>
      tpu.enqueue_dma source(%dma_start3A_82 : memref<640x64xf32, #tpu.memory_space<hbm>>) target(%dma_start3A_80 : memref<640x64xf32, #tpu.memory_space<vmem_shared>>) target_semaphore(%run_scoped3A : memref<!tpu.dma_semaphore, #tpu.memory_space<semaphore_mem>>)
      %dma_wait3A_83 = arith.constant 0 : i32
      %dma_wait3A_84 = tpu.memref_slice %arg11[%mul3A_13, %dma_wait3A_83] : memref<10240x64xf32, #tpu.memory_space<vmem_shared>> -> memref<640x64xf32, #tpu.memory_space<vmem_shared>>
      %dma_wait3A_85 = arith.constant 0 : i32
      %dma_wait3A_86 = tpu.memref_slice %arg2[%add3A, %dma_wait3A_85] : memref<20480x128xf32, #tpu.memory_space<hbm>> -> memref<640x64xf32, #tpu.memory_space<hbm>>
      tpu.wait_dma2 semaphore(%run_scoped3A : memref<!tpu.dma_semaphore, #tpu.memory_space<semaphore_mem>>) src(%dma_wait3A_86 : memref<640x64xf32, #tpu.memory_space<hbm>>) dst(%dma_wait3A_84 : memref<640x64xf32, #tpu.memory_space<vmem_shared>>)
      tpu.yield
    }) : () -> ()
    %barrier3A = arith.constant 0 : index
    tpu.barrier barrier_id(%barrier3A)
    %scan3A_14 = arith.constant 0 : i32
    %scan3A_15 = arith.constant 2 : i32
    %scan3A_16 = arith.addi %scan3A_14, %scan3A_15 : i32
    %scan3A_17 = arith.constant 1 : i32
    scf.for %scan3A_80 = %scan3A_14 to %scan3A_16 step %scan3A_17  : i32 {
      %mul3A_81 = arith.constant 1 : i32
      %mul3A_82 = arith.muli %scan3A_80, %mul3A_81 : i32
      %add3A_83 = arith.constant 0 : i32
      %add3A_84 = arith.addi %add3A_83, %mul3A_82 : i32
      %gt3A = arith.constant 0 : i32
      %gt3A_85 = arith.cmpi sgt, %add3A_84, %gt3A : i32
      %convert_element_type3A = arith.extui %gt3A_85 : i1 to i32
      %cond3A = arith.constant 0 : i32
      %cond3A_86 = arith.cmpi ne, %convert_element_type3A, %cond3A : i32
      scf.if %cond3A_86 {
        %dma_wait3A_102 = arith.constant 0 : i32
        %dma_wait3A_103 = arith.constant 0 : i32
        %dma_wait3A_104 = tpu.memref_slice %arg7[%dma_wait3A_102, %dma_wait3A_103] : memref<80x128xi32, #tpu.memory_space<vmem>> -> memref<1x128xi32, #tpu.memory_space<vmem>>
        %dma_wait3A_105 = tpu.memref_squeeze %dma_wait3A_104 : memref<1x128xi32, #tpu.memory_space<vmem>> -> memref<128xi32, #tpu.memory_space<vmem>>
        %dma_wait3A_106 = arith.constant 0 : i32
        %dma_wait3A_107 = arith.constant 0 : i32
        %dma_wait3A_108 = tpu.memref_slice %arg12[%dma_wait3A_106, %dma_wait3A_107] : memref<10240x64xf32, #tpu.memory_space<vmem_shared>> -> memref<10240x64xf32, #tpu.memory_space<vmem_shared>>
        tpu.wait_indirect_dma semaphore(%arg15 : memref<!tpu.dma_semaphore, #tpu.memory_space<semaphore_mem>>) src(%arg8 : memref<128x64xf32, #tpu.memory_space<vmem>>) dst(%dma_wait3A_108 : memref<10240x64xf32, #tpu.memory_space<vmem_shared>>)
        %dma_wait3A_109 = arith.constant 1 : i32
        %dma_wait3A_110 = arith.constant 0 : i32
        %dma_wait3A_111 = tpu.memref_slice %arg7[%dma_wait3A_109, %dma_wait3A_110] : memref<80x128xi32, #tpu.memory_space<vmem>> -> memref<1x128xi32, #tpu.memory_space<vmem>>
        %dma_wait3A_112 = tpu.memref_squeeze %dma_wait3A_111 : memref<1x128xi32, #tpu.memory_space<vmem>> -> memref<128xi32, #tpu.memory_space<vmem>>
        %dma_wait3A_113 = arith.constant 0 : i32
        %dma_wait3A_114 = arith.constant 0 : i32
        %dma_wait3A_115 = tpu.memref_slice %arg12[%dma_wait3A_113, %dma_wait3A_114] : memref<10240x64xf32, #tpu.memory_space<vmem_shared>> -> memref<10240x64xf32, #tpu.memory_space<vmem_shared>>
        tpu.wait_indirect_dma semaphore(%arg16 : memref<!tpu.dma_semaphore, #tpu.memory_space<semaphore_mem>>) src(%arg9 : memref<128x64xf32, #tpu.memory_space<vmem>>) dst(%dma_wait3A_115 : memref<10240x64xf32, #tpu.memory_space<vmem_shared>>)
      } else {
      }
      %mul3A_87 = arith.constant 160 : i32
      %mul3A_88 = arith.muli %arg1, %mul3A_87 : i32
      %mul3A_89 = arith.constant 80 : i32
      %mul3A_90 = arith.muli %add3A_84, %mul3A_89 : i32
      %add3A_91 = arith.addi %mul3A_88, %mul3A_90 : i32
      "tpu.region"() ({
        %run_scoped3A = tpu.sem_alloc : memref<!tpu.dma_semaphore, #tpu.memory_space<semaphore_mem>>
        %dma_start3A = arith.constant 0 : i32
        %dma_start3A_102 = tpu.memref_slice %arg3[%add3A_91, %dma_start3A] : memref<2560x128xi32, #tpu.memory_space<hbm>> -> memref<80x128xi32, #tpu.memory_space<hbm>>
        %dma_start3A_103 = arith.constant 0 : i32
        %dma_start3A_104 = tpu.memref_slice %arg3[%add3A_91, %dma_start3A_103] : memref<2560x128xi32, #tpu.memory_space<hbm>> -> memref<80x128xi32, #tpu.memory_space<hbm>>
        tpu.enqueue_dma source(%dma_start3A_104 : memref<80x128xi32, #tpu.memory_space<hbm>>) target(%arg6 : memref<80x128xi32, #tpu.memory_space<vmem>>) target_semaphore(%run_scoped3A : memref<!tpu.dma_semaphore, #tpu.memory_space<semaphore_mem>>)
        %dma_wait3A_105 = arith.constant 0 : i32
        %dma_wait3A_106 = tpu.memref_slice %arg3[%add3A_91, %dma_wait3A_105] : memref<2560x128xi32, #tpu.memory_space<hbm>> -> memref<80x128xi32, #tpu.memory_space<hbm>>
        %dma_wait3A_107 = arith.constant 0 : i32
        %dma_wait3A_108 = tpu.memref_slice %arg3[%add3A_91, %dma_wait3A_107] : memref<2560x128xi32, #tpu.memory_space<hbm>> -> memref<80x128xi32, #tpu.memory_space<hbm>>
        tpu.wait_dma2 semaphore(%run_scoped3A : memref<!tpu.dma_semaphore, #tpu.memory_space<semaphore_mem>>) src(%dma_wait3A_108 : memref<80x128xi32, #tpu.memory_space<hbm>>) dst(%arg6 : memref<80x128xi32, #tpu.memory_space<vmem>>)
        tpu.yield
      }) : () -> ()
      %mul3A_92 = arith.constant 160 : i32
      %mul3A_93 = arith.muli %arg1, %mul3A_92 : i32
      %mul3A_94 = arith.constant 80 : i32
      %mul3A_95 = arith.muli %add3A_84, %mul3A_94 : i32
      %add3A_96 = arith.addi %mul3A_93, %mul3A_95 : i32
      "tpu.region"() ({
        %run_scoped3A = tpu.sem_alloc : memref<!tpu.dma_semaphore, #tpu.memory_space<semaphore_mem>>
        %dma_start3A = arith.constant 0 : i32
        %dma_start3A_102 = tpu.memref_slice %arg4[%add3A_96, %dma_start3A] : memref<2560x128xi32, #tpu.memory_space<hbm>> -> memref<80x128xi32, #tpu.memory_space<hbm>>
        %dma_start3A_103 = arith.constant 0 : i32
        %dma_start3A_104 = tpu.memref_slice %arg4[%add3A_96, %dma_start3A_103] : memref<2560x128xi32, #tpu.memory_space<hbm>> -> memref<80x128xi32, #tpu.memory_space<hbm>>
        tpu.enqueue_dma source(%dma_start3A_104 : memref<80x128xi32, #tpu.memory_space<hbm>>) target(%arg7 : memref<80x128xi32, #tpu.memory_space<vmem>>) target_semaphore(%run_scoped3A : memref<!tpu.dma_semaphore, #tpu.memory_space<semaphore_mem>>)
        %dma_wait3A_105 = arith.constant 0 : i32
        %dma_wait3A_106 = tpu.memref_slice %arg4[%add3A_96, %dma_wait3A_105] : memref<2560x128xi32, #tpu.memory_space<hbm>> -> memref<80x128xi32, #tpu.memory_space<hbm>>
        %dma_wait3A_107 = arith.constant 0 : i32
        %dma_wait3A_108 = tpu.memref_slice %arg4[%add3A_96, %dma_wait3A_107] : memref<2560x128xi32, #tpu.memory_space<hbm>> -> memref<80x128xi32, #tpu.memory_space<hbm>>
        tpu.wait_dma2 semaphore(%run_scoped3A : memref<!tpu.dma_semaphore, #tpu.memory_space<semaphore_mem>>) src(%dma_wait3A_108 : memref<80x128xi32, #tpu.memory_space<hbm>>) dst(%arg7 : memref<80x128xi32, #tpu.memory_space<vmem>>)
        tpu.yield
      }) : () -> ()
      %scan3A_97 = arith.constant 0 : i32
      %scan3A_98 = arith.constant 40 : i32
      %scan3A_99 = arith.addi %scan3A_97, %scan3A_98 : i32
      %scan3A_100 = arith.constant 1 : i32
      scf.for %scan3A_102 = %scan3A_97 to %scan3A_99 step %scan3A_100  : i32 {
        %mul3A_103 = arith.constant 1 : i32
        %mul3A_104 = arith.muli %scan3A_102, %mul3A_103 : i32
        %add3A_105 = arith.constant 0 : i32
        %add3A_106 = arith.addi %add3A_105, %mul3A_104 : i32
        %mul3A_107 = arith.constant 2 : i32
        %mul3A_108 = arith.muli %mul3A_107, %add3A_106 : i32
        %mul3A_109 = arith.constant 2 : i32
        %mul3A_110 = arith.muli %mul3A_109, %add3A_106 : i32
        %add3A_111 = arith.constant 1 : i32
        %add3A_112 = arith.addi %mul3A_110, %add3A_111 : i32
        %gt3A_113 = arith.constant 0 : i32
        %gt3A_114 = arith.cmpi sgt, %add3A_106, %gt3A_113 : i32
        %convert_element_type3A_115 = arith.extui %gt3A_114 : i1 to i32
        %cond3A_116 = arith.constant 0 : i32
        %cond3A_117 = arith.cmpi ne, %convert_element_type3A_115, %cond3A_116 : i32
        scf.if %cond3A_117 {
          %dma_wait3A_153 = arith.constant 0 : i32
          %dma_wait3A_154 = tpu.memref_slice %arg7[%mul3A_108, %dma_wait3A_153] : memref<80x128xi32, #tpu.memory_space<vmem>> -> memref<1x128xi32, #tpu.memory_space<vmem>>
          %dma_wait3A_155 = tpu.memref_squeeze %dma_wait3A_154 : memref<1x128xi32, #tpu.memory_space<vmem>> -> memref<128xi32, #tpu.memory_space<vmem>>
          %dma_wait3A_156 = arith.constant 0 : i32
          %dma_wait3A_157 = arith.constant 0 : i32
          %dma_wait3A_158 = tpu.memref_slice %arg12[%dma_wait3A_156, %dma_wait3A_157] : memref<10240x64xf32, #tpu.memory_space<vmem_shared>> -> memref<10240x64xf32, #tpu.memory_space<vmem_shared>>
          tpu.wait_indirect_dma semaphore(%arg15 : memref<!tpu.dma_semaphore, #tpu.memory_space<semaphore_mem>>) src(%arg8 : memref<128x64xf32, #tpu.memory_space<vmem>>) dst(%dma_wait3A_158 : memref<10240x64xf32, #tpu.memory_space<vmem_shared>>)
          %dma_wait3A_159 = arith.constant 0 : i32
          %dma_wait3A_160 = tpu.memref_slice %arg7[%add3A_112, %dma_wait3A_159] : memref<80x128xi32, #tpu.memory_space<vmem>> -> memref<1x128xi32, #tpu.memory_space<vmem>>
          %dma_wait3A_161 = tpu.memref_squeeze %dma_wait3A_160 : memref<1x128xi32, #tpu.memory_space<vmem>> -> memref<128xi32, #tpu.memory_space<vmem>>
          %dma_wait3A_162 = arith.constant 0 : i32
          %dma_wait3A_163 = arith.constant 0 : i32
          %dma_wait3A_164 = tpu.memref_slice %arg12[%dma_wait3A_162, %dma_wait3A_163] : memref<10240x64xf32, #tpu.memory_space<vmem_shared>> -> memref<10240x64xf32, #tpu.memory_space<vmem_shared>>
          tpu.wait_indirect_dma semaphore(%arg16 : memref<!tpu.dma_semaphore, #tpu.memory_space<semaphore_mem>>) src(%arg9 : memref<128x64xf32, #tpu.memory_space<vmem>>) dst(%dma_wait3A_164 : memref<10240x64xf32, #tpu.memory_space<vmem_shared>>)
        } else {
        }
        %dma_start3A = arith.constant 0 : i32
        %dma_start3A_118 = tpu.memref_slice %arg6[%mul3A_108, %dma_start3A] : memref<80x128xi32, #tpu.memory_space<vmem>> -> memref<1x128xi32, #tpu.memory_space<vmem>>
        %dma_start3A_119 = tpu.memref_squeeze %dma_start3A_118 : memref<1x128xi32, #tpu.memory_space<vmem>> -> memref<128xi32, #tpu.memory_space<vmem>>
        %dma_start3A_120 = arith.constant 0 : i32
        %dma_start3A_121 = arith.constant 0 : i32
        %dma_start3A_122 = tpu.memref_slice %arg11[%dma_start3A_120, %dma_start3A_121] : memref<10240x64xf32, #tpu.memory_space<vmem_shared>> -> memref<10240x64xf32, #tpu.memory_space<vmem_shared>>
        tpu.enqueue_indirect_dma source(%dma_start3A_122 : memref<10240x64xf32, #tpu.memory_space<vmem_shared>>) target(%arg8 : memref<128x64xf32, #tpu.memory_space<vmem>>) offsets(%dma_start3A_119 : memref<128xi32, #tpu.memory_space<vmem>>) semaphore(%arg13 : memref<!tpu.dma_semaphore, #tpu.memory_space<semaphore_mem>>)
        %dma_start3A_123 = arith.constant 0 : i32
        %dma_start3A_124 = tpu.memref_slice %arg6[%add3A_112, %dma_start3A_123] : memref<80x128xi32, #tpu.memory_space<vmem>> -> memref<1x128xi32, #tpu.memory_space<vmem>>
        %dma_start3A_125 = tpu.memref_squeeze %dma_start3A_124 : memref<1x128xi32, #tpu.memory_space<vmem>> -> memref<128xi32, #tpu.memory_space<vmem>>
        %dma_start3A_126 = arith.constant 0 : i32
        %dma_start3A_127 = arith.constant 0 : i32
        %dma_start3A_128 = tpu.memref_slice %arg11[%dma_start3A_126, %dma_start3A_127] : memref<10240x64xf32, #tpu.memory_space<vmem_shared>> -> memref<10240x64xf32, #tpu.memory_space<vmem_shared>>
        tpu.enqueue_indirect_dma source(%dma_start3A_128 : memref<10240x64xf32, #tpu.memory_space<vmem_shared>>) target(%arg9 : memref<128x64xf32, #tpu.memory_space<vmem>>) offsets(%dma_start3A_125 : memref<128xi32, #tpu.memory_space<vmem>>) semaphore(%arg14 : memref<!tpu.dma_semaphore, #tpu.memory_space<semaphore_mem>>)
        %dma_wait3A_129 = arith.constant 0 : i32
        %dma_wait3A_130 = tpu.memref_slice %arg6[%mul3A_108, %dma_wait3A_129] : memref<80x128xi32, #tpu.memory_space<vmem>> -> memref<1x128xi32, #tpu.memory_space<vmem>>
        %dma_wait3A_131 = tpu.memref_squeeze %dma_wait3A_130 : memref<1x128xi32, #tpu.memory_space<vmem>> -> memref<128xi32, #tpu.memory_space<vmem>>
        %dma_wait3A_132 = arith.constant 0 : i32
        %dma_wait3A_133 = arith.constant 0 : i32
        %dma_wait3A_134 = tpu.memref_slice %arg11[%dma_wait3A_132, %dma_wait3A_133] : memref<10240x64xf32, #tpu.memory_space<vmem_shared>> -> memref<10240x64xf32, #tpu.memory_space<vmem_shared>>
        tpu.wait_indirect_dma semaphore(%arg13 : memref<!tpu.dma_semaphore, #tpu.memory_space<semaphore_mem>>) src(%dma_wait3A_134 : memref<10240x64xf32, #tpu.memory_space<vmem_shared>>) dst(%arg8 : memref<128x64xf32, #tpu.memory_space<vmem>>)
        %dma_start3A_135 = arith.constant 0 : i32
        %dma_start3A_136 = tpu.memref_slice %arg7[%mul3A_108, %dma_start3A_135] : memref<80x128xi32, #tpu.memory_space<vmem>> -> memref<1x128xi32, #tpu.memory_space<vmem>>
        %dma_start3A_137 = tpu.memref_squeeze %dma_start3A_136 : memref<1x128xi32, #tpu.memory_space<vmem>> -> memref<128xi32, #tpu.memory_space<vmem>>
        %dma_start3A_138 = arith.constant 0 : i32
        %dma_start3A_139 = arith.constant 0 : i32
        %dma_start3A_140 = tpu.memref_slice %arg12[%dma_start3A_138, %dma_start3A_139] : memref<10240x64xf32, #tpu.memory_space<vmem_shared>> -> memref<10240x64xf32, #tpu.memory_space<vmem_shared>>
        tpu.enqueue_indirect_dma source(%arg8 : memref<128x64xf32, #tpu.memory_space<vmem>>) target(%dma_start3A_140 : memref<10240x64xf32, #tpu.memory_space<vmem_shared>>) offsets(%dma_start3A_137 : memref<128xi32, #tpu.memory_space<vmem>>) semaphore(%arg15 : memref<!tpu.dma_semaphore, #tpu.memory_space<semaphore_mem>>) {add = true}
        %dma_wait3A_141 = arith.constant 0 : i32
        %dma_wait3A_142 = tpu.memref_slice %arg6[%add3A_112, %dma_wait3A_141] : memref<80x128xi32, #tpu.memory_space<vmem>> -> memref<1x128xi32, #tpu.memory_space<vmem>>
        %dma_wait3A_143 = tpu.memref_squeeze %dma_wait3A_142 : memref<1x128xi32, #tpu.memory_space<vmem>> -> memref<128xi32, #tpu.memory_space<vmem>>
        %dma_wait3A_144 = arith.constant 0 : i32
        %dma_wait3A_145 = arith.constant 0 : i32
        %dma_wait3A_146 = tpu.memref_slice %arg11[%dma_wait3A_144, %dma_wait3A_145] : memref<10240x64xf32, #tpu.memory_space<vmem_shared>> -> memref<10240x64xf32, #tpu.memory_space<vmem_shared>>
        tpu.wait_indirect_dma semaphore(%arg14 : memref<!tpu.dma_semaphore, #tpu.memory_space<semaphore_mem>>) src(%dma_wait3A_146 : memref<10240x64xf32, #tpu.memory_space<vmem_shared>>) dst(%arg9 : memref<128x64xf32, #tpu.memory_space<vmem>>)
        %dma_start3A_147 = arith.constant 0 : i32
        %dma_start3A_148 = tpu.memref_slice %arg7[%add3A_112, %dma_start3A_147] : memref<80x128xi32, #tpu.memory_space<vmem>> -> memref<1x128xi32, #tpu.memory_space<vmem>>
        %dma_start3A_149 = tpu.memref_squeeze %dma_start3A_148 : memref<1x128xi32, #tpu.memory_space<vmem>> -> memref<128xi32, #tpu.memory_space<vmem>>
        %dma_start3A_150 = arith.constant 0 : i32
        %dma_start3A_151 = arith.constant 0 : i32
        %dma_start3A_152 = tpu.memref_slice %arg12[%dma_start3A_150, %dma_start3A_151] : memref<10240x64xf32, #tpu.memory_space<vmem_shared>> -> memref<10240x64xf32, #tpu.memory_space<vmem_shared>>
        tpu.enqueue_indirect_dma source(%arg9 : memref<128x64xf32, #tpu.memory_space<vmem>>) target(%dma_start3A_152 : memref<10240x64xf32, #tpu.memory_space<vmem_shared>>) offsets(%dma_start3A_149 : memref<128xi32, #tpu.memory_space<vmem>>) semaphore(%arg16 : memref<!tpu.dma_semaphore, #tpu.memory_space<semaphore_mem>>) {add = true}
      }
      %scan3A_101 = arith.constant 40 : i32
    }
    %scan3A_18 = arith.constant 2 : i32
    %dma_wait3A = arith.constant 0 : i32
    %dma_wait3A_19 = arith.constant 0 : i32
    %dma_wait3A_20 = tpu.memref_slice %arg7[%dma_wait3A, %dma_wait3A_19] : memref<80x128xi32, #tpu.memory_space<vmem>> -> memref<1x128xi32, #tpu.memory_space<vmem>>
    %dma_wait3A_21 = tpu.memref_squeeze %dma_wait3A_20 : memref<1x128xi32, #tpu.memory_space<vmem>> -> memref<128xi32, #tpu.memory_space<vmem>>
    %dma_wait3A_22 = arith.constant 0 : i32
    %dma_wait3A_23 = arith.constant 0 : i32
    %dma_wait3A_24 = tpu.memref_slice %arg12[%dma_wait3A_22, %dma_wait3A_23] : memref<10240x64xf32, #tpu.memory_space<vmem_shared>> -> memref<10240x64xf32, #tpu.memory_space<vmem_shared>>
    tpu.wait_indirect_dma semaphore(%arg15 : memref<!tpu.dma_semaphore, #tpu.memory_space<semaphore_mem>>) src(%arg8 : memref<128x64xf32, #tpu.memory_space<vmem>>) dst(%dma_wait3A_24 : memref<10240x64xf32, #tpu.memory_space<vmem_shared>>)
    %dma_wait3A_25 = arith.constant 1 : i32
    %dma_wait3A_26 = arith.constant 0 : i32
    %dma_wait3A_27 = tpu.memref_slice %arg7[%dma_wait3A_25, %dma_wait3A_26] : memref<80x128xi32, #tpu.memory_space<vmem>> -> memref<1x128xi32, #tpu.memory_space<vmem>>
    %dma_wait3A_28 = tpu.memref_squeeze %dma_wait3A_27 : memref<1x128xi32, #tpu.memory_space<vmem>> -> memref<128xi32, #tpu.memory_space<vmem>>
    %dma_wait3A_29 = arith.constant 0 : i32
    %dma_wait3A_30 = arith.constant 0 : i32
    %dma_wait3A_31 = tpu.memref_slice %arg12[%dma_wait3A_29, %dma_wait3A_30] : memref<10240x64xf32, #tpu.memory_space<vmem_shared>> -> memref<10240x64xf32, #tpu.memory_space<vmem_shared>>
    tpu.wait_indirect_dma semaphore(%arg16 : memref<!tpu.dma_semaphore, #tpu.memory_space<semaphore_mem>>) src(%arg9 : memref<128x64xf32, #tpu.memory_space<vmem>>) dst(%dma_wait3A_31 : memref<10240x64xf32, #tpu.memory_space<vmem_shared>>)
    %barrier3A_32 = arith.constant 0 : index
    tpu.barrier barrier_id(%barrier3A_32)
    %mul3A_33 = arith.constant 640 : i32
    %mul3A_34 = arith.muli %arg1, %mul3A_33 : i32
    %mul3A_35 = arith.constant 10240 : i32
    %mul3A_36 = arith.muli %arg0, %mul3A_35 : i32
    %mul3A_37 = arith.constant 640 : i32
    %mul3A_38 = arith.muli %arg1, %mul3A_37 : i32
    %add3A_39 = arith.addi %mul3A_36, %mul3A_38 : i32
    "tpu.region"() ({
      %run_scoped3A = tpu.sem_alloc : memref<!tpu.dma_semaphore, #tpu.memory_space<semaphore_mem>>
      %dma_start3A = arith.constant 0 : i32
      %dma_start3A_80 = tpu.memref_slice %arg5[%add3A_39, %dma_start3A] : memref<20480x128xf32, #tpu.memory_space<hbm>> -> memref<640x64xf32, #tpu.memory_space<hbm>>
      %dma_start3A_81 = arith.constant 0 : i32
      %dma_start3A_82 = tpu.memref_slice %arg12[%mul3A_34, %dma_start3A_81] : memref<10240x64xf32, #tpu.memory_space<vmem_shared>> -> memref<640x64xf32, #tpu.memory_space<vmem_shared>>
      tpu.enqueue_dma source(%dma_start3A_82 : memref<640x64xf32, #tpu.memory_space<vmem_shared>>) target(%dma_start3A_80 : memref<640x64xf32, #tpu.memory_space<hbm>>) target_semaphore(%run_scoped3A : memref<!tpu.dma_semaphore, #tpu.memory_space<semaphore_mem>>)
      %dma_wait3A_83 = arith.constant 0 : i32
      %dma_wait3A_84 = tpu.memref_slice %arg5[%add3A_39, %dma_wait3A_83] : memref<20480x128xf32, #tpu.memory_space<hbm>> -> memref<640x64xf32, #tpu.memory_space<hbm>>
      %dma_wait3A_85 = arith.constant 0 : i32
      %dma_wait3A_86 = tpu.memref_slice %arg12[%mul3A_34, %dma_wait3A_85] : memref<10240x64xf32, #tpu.memory_space<vmem_shared>> -> memref<640x64xf32, #tpu.memory_space<vmem_shared>>
      tpu.wait_dma2 semaphore(%run_scoped3A : memref<!tpu.dma_semaphore, #tpu.memory_space<semaphore_mem>>) src(%dma_wait3A_86 : memref<640x64xf32, #tpu.memory_space<vmem_shared>>) dst(%dma_wait3A_84 : memref<640x64xf32, #tpu.memory_space<hbm>>)
      tpu.yield
    }) : () -> ()
    %scan3A_40 = arith.constant 0 : i32
    %scan3A_41 = arith.constant 20 : i32
    %scan3A_42 = arith.addi %scan3A_40, %scan3A_41 : i32
    %scan3A_43 = arith.constant 1 : i32
    scf.for %scan3A_80 = %scan3A_40 to %scan3A_42 step %scan3A_43  : i32 {
      %mul3A_81 = arith.constant 1 : i32
      %mul3A_82 = arith.muli %scan3A_80, %mul3A_81 : i32
      %add3A_83 = arith.constant 0 : i32
      %add3A_84 = arith.addi %add3A_83, %mul3A_82 : i32
      %mul3A_85 = arith.constant 640 : i32
      %mul3A_86 = arith.muli %arg1, %mul3A_85 : i32
      %mul3A_87 = arith.constant 32 : i32
      %mul3A_88 = arith.muli %add3A_84, %mul3A_87 : i32
      %add3A_89 = arith.addi %mul3A_86, %mul3A_88 : i32
      "tpu.region"() ({
        %run_scoped3A = tpu.sem_alloc : memref<!tpu.dma_semaphore, #tpu.memory_space<semaphore_mem>>
        %dma_start3A = arith.constant 0 : i32
        %dma_start3A_90 = tpu.memref_slice %arg12[%add3A_89, %dma_start3A] : memref<10240x64xf32, #tpu.memory_space<vmem_shared>> -> memref<32x64xf32, #tpu.memory_space<vmem_shared>>
        %dma_start3A_91 = arith.constant 0 : i32
        %dma_start3A_92 = tpu.memref_slice %arg12[%add3A_89, %dma_start3A_91] : memref<10240x64xf32, #tpu.memory_space<vmem_shared>> -> memref<32x64xf32, #tpu.memory_space<vmem_shared>>
        tpu.enqueue_dma source(%arg10 : memref<32x64xf32, #tpu.memory_space<vmem>>) target(%dma_start3A_92 : memref<32x64xf32, #tpu.memory_space<vmem_shared>>) target_semaphore(%run_scoped3A : memref<!tpu.dma_semaphore, #tpu.memory_space<semaphore_mem>>)
        %dma_wait3A_93 = arith.constant 0 : i32
        %dma_wait3A_94 = tpu.memref_slice %arg12[%add3A_89, %dma_wait3A_93] : memref<10240x64xf32, #tpu.memory_space<vmem_shared>> -> memref<32x64xf32, #tpu.memory_space<vmem_shared>>
        %dma_wait3A_95 = arith.constant 0 : i32
        %dma_wait3A_96 = tpu.memref_slice %arg12[%add3A_89, %dma_wait3A_95] : memref<10240x64xf32, #tpu.memory_space<vmem_shared>> -> memref<32x64xf32, #tpu.memory_space<vmem_shared>>
        tpu.wait_dma2 semaphore(%run_scoped3A : memref<!tpu.dma_semaphore, #tpu.memory_space<semaphore_mem>>) src(%arg10 : memref<32x64xf32, #tpu.memory_space<vmem>>) dst(%dma_wait3A_96 : memref<32x64xf32, #tpu.memory_space<vmem_shared>>)
        tpu.yield
      }) : () -> ()
    }
    %scan3A_44 = arith.constant 20 : i32
    %mul3A_45 = arith.constant 10240 : i32
    %mul3A_46 = arith.muli %arg0, %mul3A_45 : i32
    %mul3A_47 = arith.constant 640 : i32
    %mul3A_48 = arith.muli %arg1, %mul3A_47 : i32
    %add3A_49 = arith.addi %mul3A_46, %mul3A_48 : i32
    %mul3A_50 = arith.constant 640 : i32
    %mul3A_51 = arith.muli %arg1, %mul3A_50 : i32
    "tpu.region"() ({
      %run_scoped3A = tpu.sem_alloc : memref<!tpu.dma_semaphore, #tpu.memory_space<semaphore_mem>>
      %dma_start3A = arith.constant 0 : i32
      %dma_start3A_80 = tpu.memref_slice %arg11[%mul3A_51, %dma_start3A] : memref<10240x64xf32, #tpu.memory_space<vmem_shared>> -> memref<640x64xf32, #tpu.memory_space<vmem_shared>>
      %dma_start3A_81 = arith.constant 64 : i32
      %dma_start3A_82 = tpu.memref_slice %arg2[%add3A_49, %dma_start3A_81] : memref<20480x128xf32, #tpu.memory_space<hbm>> -> memref<640x64xf32, #tpu.memory_space<hbm>>
      tpu.enqueue_dma source(%dma_start3A_82 : memref<640x64xf32, #tpu.memory_space<hbm>>) target(%dma_start3A_80 : memref<640x64xf32, #tpu.memory_space<vmem_shared>>) target_semaphore(%run_scoped3A : memref<!tpu.dma_semaphore, #tpu.memory_space<semaphore_mem>>)
      %dma_wait3A_83 = arith.constant 0 : i32
      %dma_wait3A_84 = tpu.memref_slice %arg11[%mul3A_51, %dma_wait3A_83] : memref<10240x64xf32, #tpu.memory_space<vmem_shared>> -> memref<640x64xf32, #tpu.memory_space<vmem_shared>>
      %dma_wait3A_85 = arith.constant 64 : i32
      %dma_wait3A_86 = tpu.memref_slice %arg2[%add3A_49, %dma_wait3A_85] : memref<20480x128xf32, #tpu.memory_space<hbm>> -> memref<640x64xf32, #tpu.memory_space<hbm>>
      tpu.wait_dma2 semaphore(%run_scoped3A : memref<!tpu.dma_semaphore, #tpu.memory_space<semaphore_mem>>) src(%dma_wait3A_86 : memref<640x64xf32, #tpu.memory_space<hbm>>) dst(%dma_wait3A_84 : memref<640x64xf32, #tpu.memory_space<vmem_shared>>)
      tpu.yield
    }) : () -> ()
    %barrier3A_52 = arith.constant 0 : index
    tpu.barrier barrier_id(%barrier3A_52)
    %scan3A_53 = arith.constant 0 : i32
    %scan3A_54 = arith.constant 2 : i32
    %scan3A_55 = arith.addi %scan3A_53, %scan3A_54 : i32
    %scan3A_56 = arith.constant 1 : i32
    scf.for %scan3A_80 = %scan3A_53 to %scan3A_55 step %scan3A_56  : i32 {
      %mul3A_81 = arith.constant 1 : i32
      %mul3A_82 = arith.muli %scan3A_80, %mul3A_81 : i32
      %add3A_83 = arith.constant 0 : i32
      %add3A_84 = arith.addi %add3A_83, %mul3A_82 : i32
      %gt3A = arith.constant 0 : i32
      %gt3A_85 = arith.cmpi sgt, %add3A_84, %gt3A : i32
      %convert_element_type3A = arith.extui %gt3A_85 : i1 to i32
      %cond3A = arith.constant 0 : i32
      %cond3A_86 = arith.cmpi ne, %convert_element_type3A, %cond3A : i32
      scf.if %cond3A_86 {
        %dma_wait3A_102 = arith.constant 0 : i32
        %dma_wait3A_103 = arith.constant 0 : i32
        %dma_wait3A_104 = tpu.memref_slice %arg7[%dma_wait3A_102, %dma_wait3A_103] : memref<80x128xi32, #tpu.memory_space<vmem>> -> memref<1x128xi32, #tpu.memory_space<vmem>>
        %dma_wait3A_105 = tpu.memref_squeeze %dma_wait3A_104 : memref<1x128xi32, #tpu.memory_space<vmem>> -> memref<128xi32, #tpu.memory_space<vmem>>
        %dma_wait3A_106 = arith.constant 0 : i32
        %dma_wait3A_107 = arith.constant 0 : i32
        %dma_wait3A_108 = tpu.memref_slice %arg12[%dma_wait3A_106, %dma_wait3A_107] : memref<10240x64xf32, #tpu.memory_space<vmem_shared>> -> memref<10240x64xf32, #tpu.memory_space<vmem_shared>>
        tpu.wait_indirect_dma semaphore(%arg15 : memref<!tpu.dma_semaphore, #tpu.memory_space<semaphore_mem>>) src(%arg8 : memref<128x64xf32, #tpu.memory_space<vmem>>) dst(%dma_wait3A_108 : memref<10240x64xf32, #tpu.memory_space<vmem_shared>>)
        %dma_wait3A_109 = arith.constant 1 : i32
        %dma_wait3A_110 = arith.constant 0 : i32
        %dma_wait3A_111 = tpu.memref_slice %arg7[%dma_wait3A_109, %dma_wait3A_110] : memref<80x128xi32, #tpu.memory_space<vmem>> -> memref<1x128xi32, #tpu.memory_space<vmem>>
        %dma_wait3A_112 = tpu.memref_squeeze %dma_wait3A_111 : memref<1x128xi32, #tpu.memory_space<vmem>> -> memref<128xi32, #tpu.memory_space<vmem>>
        %dma_wait3A_113 = arith.constant 0 : i32
        %dma_wait3A_114 = arith.constant 0 : i32
        %dma_wait3A_115 = tpu.memref_slice %arg12[%dma_wait3A_113, %dma_wait3A_114] : memref<10240x64xf32, #tpu.memory_space<vmem_shared>> -> memref<10240x64xf32, #tpu.memory_space<vmem_shared>>
        tpu.wait_indirect_dma semaphore(%arg16 : memref<!tpu.dma_semaphore, #tpu.memory_space<semaphore_mem>>) src(%arg9 : memref<128x64xf32, #tpu.memory_space<vmem>>) dst(%dma_wait3A_115 : memref<10240x64xf32, #tpu.memory_space<vmem_shared>>)
      } else {
      }
      %mul3A_87 = arith.constant 160 : i32
      %mul3A_88 = arith.muli %arg1, %mul3A_87 : i32
      %mul3A_89 = arith.constant 80 : i32
      %mul3A_90 = arith.muli %add3A_84, %mul3A_89 : i32
      %add3A_91 = arith.addi %mul3A_88, %mul3A_90 : i32
      "tpu.region"() ({
        %run_scoped3A = tpu.sem_alloc : memref<!tpu.dma_semaphore, #tpu.memory_space<semaphore_mem>>
        %dma_start3A = arith.constant 0 : i32
        %dma_start3A_102 = tpu.memref_slice %arg3[%add3A_91, %dma_start3A] : memref<2560x128xi32, #tpu.memory_space<hbm>> -> memref<80x128xi32, #tpu.memory_space<hbm>>
        %dma_start3A_103 = arith.constant 0 : i32
        %dma_start3A_104 = tpu.memref_slice %arg3[%add3A_91, %dma_start3A_103] : memref<2560x128xi32, #tpu.memory_space<hbm>> -> memref<80x128xi32, #tpu.memory_space<hbm>>
        tpu.enqueue_dma source(%dma_start3A_104 : memref<80x128xi32, #tpu.memory_space<hbm>>) target(%arg6 : memref<80x128xi32, #tpu.memory_space<vmem>>) target_semaphore(%run_scoped3A : memref<!tpu.dma_semaphore, #tpu.memory_space<semaphore_mem>>)
        %dma_wait3A_105 = arith.constant 0 : i32
        %dma_wait3A_106 = tpu.memref_slice %arg3[%add3A_91, %dma_wait3A_105] : memref<2560x128xi32, #tpu.memory_space<hbm>> -> memref<80x128xi32, #tpu.memory_space<hbm>>
        %dma_wait3A_107 = arith.constant 0 : i32
        %dma_wait3A_108 = tpu.memref_slice %arg3[%add3A_91, %dma_wait3A_107] : memref<2560x128xi32, #tpu.memory_space<hbm>> -> memref<80x128xi32, #tpu.memory_space<hbm>>
        tpu.wait_dma2 semaphore(%run_scoped3A : memref<!tpu.dma_semaphore, #tpu.memory_space<semaphore_mem>>) src(%dma_wait3A_108 : memref<80x128xi32, #tpu.memory_space<hbm>>) dst(%arg6 : memref<80x128xi32, #tpu.memory_space<vmem>>)
        tpu.yield
      }) : () -> ()
      %mul3A_92 = arith.constant 160 : i32
      %mul3A_93 = arith.muli %arg1, %mul3A_92 : i32
      %mul3A_94 = arith.constant 80 : i32
      %mul3A_95 = arith.muli %add3A_84, %mul3A_94 : i32
      %add3A_96 = arith.addi %mul3A_93, %mul3A_95 : i32
      "tpu.region"() ({
        %run_scoped3A = tpu.sem_alloc : memref<!tpu.dma_semaphore, #tpu.memory_space<semaphore_mem>>
        %dma_start3A = arith.constant 0 : i32
        %dma_start3A_102 = tpu.memref_slice %arg4[%add3A_96, %dma_start3A] : memref<2560x128xi32, #tpu.memory_space<hbm>> -> memref<80x128xi32, #tpu.memory_space<hbm>>
        %dma_start3A_103 = arith.constant 0 : i32
        %dma_start3A_104 = tpu.memref_slice %arg4[%add3A_96, %dma_start3A_103] : memref<2560x128xi32, #tpu.memory_space<hbm>> -> memref<80x128xi32, #tpu.memory_space<hbm>>
        tpu.enqueue_dma source(%dma_start3A_104 : memref<80x128xi32, #tpu.memory_space<hbm>>) target(%arg7 : memref<80x128xi32, #tpu.memory_space<vmem>>) target_semaphore(%run_scoped3A : memref<!tpu.dma_semaphore, #tpu.memory_space<semaphore_mem>>)
        %dma_wait3A_105 = arith.constant 0 : i32
        %dma_wait3A_106 = tpu.memref_slice %arg4[%add3A_96, %dma_wait3A_105] : memref<2560x128xi32, #tpu.memory_space<hbm>> -> memref<80x128xi32, #tpu.memory_space<hbm>>
        %dma_wait3A_107 = arith.constant 0 : i32
        %dma_wait3A_108 = tpu.memref_slice %arg4[%add3A_96, %dma_wait3A_107] : memref<2560x128xi32, #tpu.memory_space<hbm>> -> memref<80x128xi32, #tpu.memory_space<hbm>>
        tpu.wait_dma2 semaphore(%run_scoped3A : memref<!tpu.dma_semaphore, #tpu.memory_space<semaphore_mem>>) src(%dma_wait3A_108 : memref<80x128xi32, #tpu.memory_space<hbm>>) dst(%arg7 : memref<80x128xi32, #tpu.memory_space<vmem>>)
        tpu.yield
      }) : () -> ()
      %scan3A_97 = arith.constant 0 : i32
      %scan3A_98 = arith.constant 40 : i32
      %scan3A_99 = arith.addi %scan3A_97, %scan3A_98 : i32
      %scan3A_100 = arith.constant 1 : i32
      scf.for %scan3A_102 = %scan3A_97 to %scan3A_99 step %scan3A_100  : i32 {
        %mul3A_103 = arith.constant 1 : i32
        %mul3A_104 = arith.muli %scan3A_102, %mul3A_103 : i32
        %add3A_105 = arith.constant 0 : i32
        %add3A_106 = arith.addi %add3A_105, %mul3A_104 : i32
        %mul3A_107 = arith.constant 2 : i32
        %mul3A_108 = arith.muli %mul3A_107, %add3A_106 : i32
        %mul3A_109 = arith.constant 2 : i32
        %mul3A_110 = arith.muli %mul3A_109, %add3A_106 : i32
        %add3A_111 = arith.constant 1 : i32
        %add3A_112 = arith.addi %mul3A_110, %add3A_111 : i32
        %gt3A_113 = arith.constant 0 : i32
        %gt3A_114 = arith.cmpi sgt, %add3A_106, %gt3A_113 : i32
        %convert_element_type3A_115 = arith.extui %gt3A_114 : i1 to i32
        %cond3A_116 = arith.constant 0 : i32
        %cond3A_117 = arith.cmpi ne, %convert_element_type3A_115, %cond3A_116 : i32
        scf.if %cond3A_117 {
          %dma_wait3A_153 = arith.constant 0 : i32
          %dma_wait3A_154 = tpu.memref_slice %arg7[%mul3A_108, %dma_wait3A_153] : memref<80x128xi32, #tpu.memory_space<vmem>> -> memref<1x128xi32, #tpu.memory_space<vmem>>
          %dma_wait3A_155 = tpu.memref_squeeze %dma_wait3A_154 : memref<1x128xi32, #tpu.memory_space<vmem>> -> memref<128xi32, #tpu.memory_space<vmem>>
          %dma_wait3A_156 = arith.constant 0 : i32
          %dma_wait3A_157 = arith.constant 0 : i32
          %dma_wait3A_158 = tpu.memref_slice %arg12[%dma_wait3A_156, %dma_wait3A_157] : memref<10240x64xf32, #tpu.memory_space<vmem_shared>> -> memref<10240x64xf32, #tpu.memory_space<vmem_shared>>
          tpu.wait_indirect_dma semaphore(%arg15 : memref<!tpu.dma_semaphore, #tpu.memory_space<semaphore_mem>>) src(%arg8 : memref<128x64xf32, #tpu.memory_space<vmem>>) dst(%dma_wait3A_158 : memref<10240x64xf32, #tpu.memory_space<vmem_shared>>)
          %dma_wait3A_159 = arith.constant 0 : i32
          %dma_wait3A_160 = tpu.memref_slice %arg7[%add3A_112, %dma_wait3A_159] : memref<80x128xi32, #tpu.memory_space<vmem>> -> memref<1x128xi32, #tpu.memory_space<vmem>>
          %dma_wait3A_161 = tpu.memref_squeeze %dma_wait3A_160 : memref<1x128xi32, #tpu.memory_space<vmem>> -> memref<128xi32, #tpu.memory_space<vmem>>
          %dma_wait3A_162 = arith.constant 0 : i32
          %dma_wait3A_163 = arith.constant 0 : i32
          %dma_wait3A_164 = tpu.memref_slice %arg12[%dma_wait3A_162, %dma_wait3A_163] : memref<10240x64xf32, #tpu.memory_space<vmem_shared>> -> memref<10240x64xf32, #tpu.memory_space<vmem_shared>>
          tpu.wait_indirect_dma semaphore(%arg16 : memref<!tpu.dma_semaphore, #tpu.memory_space<semaphore_mem>>) src(%arg9 : memref<128x64xf32, #tpu.memory_space<vmem>>) dst(%dma_wait3A_164 : memref<10240x64xf32, #tpu.memory_space<vmem_shared>>)
        } else {
        }
        %dma_start3A = arith.constant 0 : i32
        %dma_start3A_118 = tpu.memref_slice %arg6[%mul3A_108, %dma_start3A] : memref<80x128xi32, #tpu.memory_space<vmem>> -> memref<1x128xi32, #tpu.memory_space<vmem>>
        %dma_start3A_119 = tpu.memref_squeeze %dma_start3A_118 : memref<1x128xi32, #tpu.memory_space<vmem>> -> memref<128xi32, #tpu.memory_space<vmem>>
        %dma_start3A_120 = arith.constant 0 : i32
        %dma_start3A_121 = arith.constant 0 : i32
        %dma_start3A_122 = tpu.memref_slice %arg11[%dma_start3A_120, %dma_start3A_121] : memref<10240x64xf32, #tpu.memory_space<vmem_shared>> -> memref<10240x64xf32, #tpu.memory_space<vmem_shared>>
        tpu.enqueue_indirect_dma source(%dma_start3A_122 : memref<10240x64xf32, #tpu.memory_space<vmem_shared>>) target(%arg8 : memref<128x64xf32, #tpu.memory_space<vmem>>) offsets(%dma_start3A_119 : memref<128xi32, #tpu.memory_space<vmem>>) semaphore(%arg13 : memref<!tpu.dma_semaphore, #tpu.memory_space<semaphore_mem>>)
        %dma_start3A_123 = arith.constant 0 : i32
        %dma_start3A_124 = tpu.memref_slice %arg6[%add3A_112, %dma_start3A_123] : memref<80x128xi32, #tpu.memory_space<vmem>> -> memref<1x128xi32, #tpu.memory_space<vmem>>
        %dma_start3A_125 = tpu.memref_squeeze %dma_start3A_124 : memref<1x128xi32, #tpu.memory_space<vmem>> -> memref<128xi32, #tpu.memory_space<vmem>>
        %dma_start3A_126 = arith.constant 0 : i32
        %dma_start3A_127 = arith.constant 0 : i32
        %dma_start3A_128 = tpu.memref_slice %arg11[%dma_start3A_126, %dma_start3A_127] : memref<10240x64xf32, #tpu.memory_space<vmem_shared>> -> memref<10240x64xf32, #tpu.memory_space<vmem_shared>>
        tpu.enqueue_indirect_dma source(%dma_start3A_128 : memref<10240x64xf32, #tpu.memory_space<vmem_shared>>) target(%arg9 : memref<128x64xf32, #tpu.memory_space<vmem>>) offsets(%dma_start3A_125 : memref<128xi32, #tpu.memory_space<vmem>>) semaphore(%arg14 : memref<!tpu.dma_semaphore, #tpu.memory_space<semaphore_mem>>)
        %dma_wait3A_129 = arith.constant 0 : i32
        %dma_wait3A_130 = tpu.memref_slice %arg6[%mul3A_108, %dma_wait3A_129] : memref<80x128xi32, #tpu.memory_space<vmem>> -> memref<1x128xi32, #tpu.memory_space<vmem>>
        %dma_wait3A_131 = tpu.memref_squeeze %dma_wait3A_130 : memref<1x128xi32, #tpu.memory_space<vmem>> -> memref<128xi32, #tpu.memory_space<vmem>>
        %dma_wait3A_132 = arith.constant 0 : i32
        %dma_wait3A_133 = arith.constant 0 : i32
        %dma_wait3A_134 = tpu.memref_slice %arg11[%dma_wait3A_132, %dma_wait3A_133] : memref<10240x64xf32, #tpu.memory_space<vmem_shared>> -> memref<10240x64xf32, #tpu.memory_space<vmem_shared>>
        tpu.wait_indirect_dma semaphore(%arg13 : memref<!tpu.dma_semaphore, #tpu.memory_space<semaphore_mem>>) src(%dma_wait3A_134 : memref<10240x64xf32, #tpu.memory_space<vmem_shared>>) dst(%arg8 : memref<128x64xf32, #tpu.memory_space<vmem>>)
        %dma_start3A_135 = arith.constant 0 : i32
        %dma_start3A_136 = tpu.memref_slice %arg7[%mul3A_108, %dma_start3A_135] : memref<80x128xi32, #tpu.memory_space<vmem>> -> memref<1x128xi32, #tpu.memory_space<vmem>>
        %dma_start3A_137 = tpu.memref_squeeze %dma_start3A_136 : memref<1x128xi32, #tpu.memory_space<vmem>> -> memref<128xi32, #tpu.memory_space<vmem>>
        %dma_start3A_138 = arith.constant 0 : i32
        %dma_start3A_139 = arith.constant 0 : i32
        %dma_start3A_140 = tpu.memref_slice %arg12[%dma_start3A_138, %dma_start3A_139] : memref<10240x64xf32, #tpu.memory_space<vmem_shared>> -> memref<10240x64xf32, #tpu.memory_space<vmem_shared>>
        tpu.enqueue_indirect_dma source(%arg8 : memref<128x64xf32, #tpu.memory_space<vmem>>) target(%dma_start3A_140 : memref<10240x64xf32, #tpu.memory_space<vmem_shared>>) offsets(%dma_start3A_137 : memref<128xi32, #tpu.memory_space<vmem>>) semaphore(%arg15 : memref<!tpu.dma_semaphore, #tpu.memory_space<semaphore_mem>>) {add = true}
        %dma_wait3A_141 = arith.constant 0 : i32
        %dma_wait3A_142 = tpu.memref_slice %arg6[%add3A_112, %dma_wait3A_141] : memref<80x128xi32, #tpu.memory_space<vmem>> -> memref<1x128xi32, #tpu.memory_space<vmem>>
        %dma_wait3A_143 = tpu.memref_squeeze %dma_wait3A_142 : memref<1x128xi32, #tpu.memory_space<vmem>> -> memref<128xi32, #tpu.memory_space<vmem>>
        %dma_wait3A_144 = arith.constant 0 : i32
        %dma_wait3A_145 = arith.constant 0 : i32
        %dma_wait3A_146 = tpu.memref_slice %arg11[%dma_wait3A_144, %dma_wait3A_145] : memref<10240x64xf32, #tpu.memory_space<vmem_shared>> -> memref<10240x64xf32, #tpu.memory_space<vmem_shared>>
        tpu.wait_indirect_dma semaphore(%arg14 : memref<!tpu.dma_semaphore, #tpu.memory_space<semaphore_mem>>) src(%dma_wait3A_146 : memref<10240x64xf32, #tpu.memory_space<vmem_shared>>) dst(%arg9 : memref<128x64xf32, #tpu.memory_space<vmem>>)
        %dma_start3A_147 = arith.constant 0 : i32
        %dma_start3A_148 = tpu.memref_slice %arg7[%add3A_112, %dma_start3A_147] : memref<80x128xi32, #tpu.memory_space<vmem>> -> memref<1x128xi32, #tpu.memory_space<vmem>>
        %dma_start3A_149 = tpu.memref_squeeze %dma_start3A_148 : memref<1x128xi32, #tpu.memory_space<vmem>> -> memref<128xi32, #tpu.memory_space<vmem>>
        %dma_start3A_150 = arith.constant 0 : i32
        %dma_start3A_151 = arith.constant 0 : i32
        %dma_start3A_152 = tpu.memref_slice %arg12[%dma_start3A_150, %dma_start3A_151] : memref<10240x64xf32, #tpu.memory_space<vmem_shared>> -> memref<10240x64xf32, #tpu.memory_space<vmem_shared>>
        tpu.enqueue_indirect_dma source(%arg9 : memref<128x64xf32, #tpu.memory_space<vmem>>) target(%dma_start3A_152 : memref<10240x64xf32, #tpu.memory_space<vmem_shared>>) offsets(%dma_start3A_149 : memref<128xi32, #tpu.memory_space<vmem>>) semaphore(%arg16 : memref<!tpu.dma_semaphore, #tpu.memory_space<semaphore_mem>>) {add = true}
      }
      %scan3A_101 = arith.constant 40 : i32
    }
    %scan3A_57 = arith.constant 2 : i32
    %dma_wait3A_58 = arith.constant 0 : i32
    %dma_wait3A_59 = arith.constant 0 : i32
    %dma_wait3A_60 = tpu.memref_slice %arg7[%dma_wait3A_58, %dma_wait3A_59] : memref<80x128xi32, #tpu.memory_space<vmem>> -> memref<1x128xi32, #tpu.memory_space<vmem>>
    %dma_wait3A_61 = tpu.memref_squeeze %dma_wait3A_60 : memref<1x128xi32, #tpu.memory_space<vmem>> -> memref<128xi32, #tpu.memory_space<vmem>>
    %dma_wait3A_62 = arith.constant 0 : i32
    %dma_wait3A_63 = arith.constant 0 : i32
    %dma_wait3A_64 = tpu.memref_slice %arg12[%dma_wait3A_62, %dma_wait3A_63] : memref<10240x64xf32, #tpu.memory_space<vmem_shared>> -> memref<10240x64xf32, #tpu.memory_space<vmem_shared>>
    tpu.wait_indirect_dma semaphore(%arg15 : memref<!tpu.dma_semaphore, #tpu.memory_space<semaphore_mem>>) src(%arg8 : memref<128x64xf32, #tpu.memory_space<vmem>>) dst(%dma_wait3A_64 : memref<10240x64xf32, #tpu.memory_space<vmem_shared>>)
    %dma_wait3A_65 = arith.constant 1 : i32
    %dma_wait3A_66 = arith.constant 0 : i32
    %dma_wait3A_67 = tpu.memref_slice %arg7[%dma_wait3A_65, %dma_wait3A_66] : memref<80x128xi32, #tpu.memory_space<vmem>> -> memref<1x128xi32, #tpu.memory_space<vmem>>
    %dma_wait3A_68 = tpu.memref_squeeze %dma_wait3A_67 : memref<1x128xi32, #tpu.memory_space<vmem>> -> memref<128xi32, #tpu.memory_space<vmem>>
    %dma_wait3A_69 = arith.constant 0 : i32
    %dma_wait3A_70 = arith.constant 0 : i32
    %dma_wait3A_71 = tpu.memref_slice %arg12[%dma_wait3A_69, %dma_wait3A_70] : memref<10240x64xf32, #tpu.memory_space<vmem_shared>> -> memref<10240x64xf32, #tpu.memory_space<vmem_shared>>
    tpu.wait_indirect_dma semaphore(%arg16 : memref<!tpu.dma_semaphore, #tpu.memory_space<semaphore_mem>>) src(%arg9 : memref<128x64xf32, #tpu.memory_space<vmem>>) dst(%dma_wait3A_71 : memref<10240x64xf32, #tpu.memory_space<vmem_shared>>)
    %barrier3A_72 = arith.constant 0 : index
    tpu.barrier barrier_id(%barrier3A_72)
    %mul3A_73 = arith.constant 640 : i32
    %mul3A_74 = arith.muli %arg1, %mul3A_73 : i32
    %mul3A_75 = arith.constant 10240 : i32
    %mul3A_76 = arith.muli %arg0, %mul3A_75 : i32
    %mul3A_77 = arith.constant 640 : i32
    %mul3A_78 = arith.muli %arg1, %mul3A_77 : i32
    %add3A_79 = arith.addi %mul3A_76, %mul3A_78 : i32
    "tpu.region"() ({
      %run_scoped3A = tpu.sem_alloc : memref<!tpu.dma_semaphore, #tpu.memory_space<semaphore_mem>>
      %dma_start3A = arith.constant 64 : i32
      %dma_start3A_80 = tpu.memref_slice %arg5[%add3A_79, %dma_start3A] : memref<20480x128xf32, #tpu.memory_space<hbm>> -> memref<640x64xf32, #tpu.memory_space<hbm>>
      %dma_start3A_81 = arith.constant 0 : i32
      %dma_start3A_82 = tpu.memref_slice %arg12[%mul3A_74, %dma_start3A_81] : memref<10240x64xf32, #tpu.memory_space<vmem_shared>> -> memref<640x64xf32, #tpu.memory_space<vmem_shared>>
      tpu.enqueue_dma source(%dma_start3A_82 : memref<640x64xf32, #tpu.memory_space<vmem_shared>>) target(%dma_start3A_80 : memref<640x64xf32, #tpu.memory_space<hbm>>) target_semaphore(%run_scoped3A : memref<!tpu.dma_semaphore, #tpu.memory_space<semaphore_mem>>)
      %dma_wait3A_83 = arith.constant 64 : i32
      %dma_wait3A_84 = tpu.memref_slice %arg5[%add3A_79, %dma_wait3A_83] : memref<20480x128xf32, #tpu.memory_space<hbm>> -> memref<640x64xf32, #tpu.memory_space<hbm>>
      %dma_wait3A_85 = arith.constant 0 : i32
      %dma_wait3A_86 = tpu.memref_slice %arg12[%mul3A_74, %dma_wait3A_85] : memref<10240x64xf32, #tpu.memory_space<vmem_shared>> -> memref<640x64xf32, #tpu.memory_space<vmem_shared>>
      tpu.wait_dma2 semaphore(%run_scoped3A : memref<!tpu.dma_semaphore, #tpu.memory_space<semaphore_mem>>) src(%dma_wait3A_86 : memref<640x64xf32, #tpu.memory_space<vmem_shared>>) dst(%dma_wait3A_84 : memref<640x64xf32, #tpu.memory_space<hbm>>)
      tpu.yield
    }) : () -> ()
    return
  }
}

#map = affine_map<(d0, d1) -> (0, 0)>
module attributes {stable_mosaic.version = 14 : i64} {
  func.func @body(%arg0: i32, %arg1: i32, %arg2: memref<20480x128xf32, #tpu.memory_space<hbm>>, %arg3: memref<2560x128xi32, #tpu.memory_space<hbm>>, %arg4: memref<2560x128xi32, #tpu.memory_space<hbm>>, %arg5: memref<20480x128xf32, #tpu.memory_space<hbm>>, %arg6: memref<80x128xi32, #tpu.memory_space<vmem>>, %arg7: memref<80x128xi32, #tpu.memory_space<vmem>>, %arg8: memref<128x64xf32, #tpu.memory_space<vmem>>, %arg9: memref<128x64xf32, #tpu.memory_space<vmem>>, %arg10: memref<32x64xf32, #tpu.memory_space<vmem>>, %arg11: memref<10240x64xf32, #tpu.memory_space<vmem_shared>>, %arg12: memref<10240x64xf32, #tpu.memory_space<vmem_shared>>, %arg13: memref<!tpu.dma_semaphore, #tpu.memory_space<semaphore_mem>>, %arg14: memref<!tpu.dma_semaphore, #tpu.memory_space<semaphore_mem>>, %arg15: memref<!tpu.dma_semaphore, #tpu.memory_space<semaphore_mem>>, %arg16: memref<!tpu.dma_semaphore, #tpu.memory_space<semaphore_mem>>) attributes {dimension_semantics = [#tpu.dimension_semantics<core_parallel>, #tpu.dimension_semantics<subcore_parallel>], iteration_bounds = array<i64: 2, 16>, scalar_prefetch = 0 : i64, scratch_operands = 11 : i64, tpu.core_type = #tpu.core_type<sc_vector_subcore>, window_params = [{transform_indices = #map}, {transform_indices = #map}, {transform_indices = #map}, {transform_indices = #map}]} {
    %scan3A = arith.constant 0 : i32
    %scan3A_0 = arith.constant 32 : i32
    %scan3A_1 = arith.addi %scan3A, %scan3A_0 : i32
    %scan3A_2 = arith.constant 1 : i32
    scf.for %scan3A_80 = %scan3A to %scan3A_1 step %scan3A_2  : i32 {
      %mul3A_81 = arith.constant 1 : i32
      %mul3A_82 = arith.muli %scan3A_80, %mul3A_81 : i32
      %add3A_83 = arith.constant 0 : i32
      %add3A_84 = arith.addi %add3A_83, %mul3A_82 : i32
      %scan3A_85 = arith.constant 0 : i32
      %scan3A_86 = arith.constant 4 : i32
      %scan3A_87 = arith.addi %scan3A_85, %scan3A_86 : i32
      %scan3A_88 = arith.constant 1 : i32
      scf.for %scan3A_90 = %scan3A_85 to %scan3A_87 step %scan3A_88  : i32 {
        %mul3A_91 = arith.constant 1 : i32
        %mul3A_92 = arith.muli %scan3A_90, %mul3A_91 : i32
        %add3A_93 = arith.constant 0 : i32
        %add3A_94 = arith.addi %add3A_93, %mul3A_92 : i32
        %broadcast_in_dim3A = arith.constant 0.000000e+00 : f32
        %broadcast_in_dim3A_95 = vector.broadcast %broadcast_in_dim3A : f32 to vector<16xf32>
        %mul3A_96 = arith.constant 16 : i32
        %mul3A_97 = arith.muli %add3A_94, %mul3A_96 : i32
        %swap3A = arith.index_cast %add3A_84 : i32 to index
        %swap3A_98 = arith.index_cast %mul3A_97 : i32 to index
        %swap3A_99 = tpu.vector_load %arg10[%swap3A, %swap3A_98] {strides = array<i32>} : memref<32x64xf32, #tpu.memory_space<vmem>>, vector<1x16xf32>,
        %swap3A_100 = vector.shape_cast %swap3A_99 : vector<1x16xf32> to vector<16xf32>
        %swap3A_101 = vector.shape_cast %broadcast_in_dim3A_95 : vector<16xf32> to vector<1x16xf32>
        tpu.vector_store %arg10[%swap3A, %swap3A_98], %swap3A_101 {strides = array<i32>} : memref<32x64xf32, #tpu.memory_space<vmem>>, vector<1x16xf32>,
      }
      %scan3A_89 = arith.constant 4 : i32
    }
    %scan3A_3 = arith.constant 32 : i32
    %scan3A_4 = arith.constant 0 : i32
    %scan3A_5 = arith.constant 20 : i32
    %scan3A_6 = arith.addi %scan3A_4, %scan3A_5 : i32
    %scan3A_7 = arith.constant 1 : i32
    scf.for %scan3A_80 = %scan3A_4 to %scan3A_6 step %scan3A_7  : i32 {
      %mul3A_81 = arith.constant 1 : i32
      %mul3A_82 = arith.muli %scan3A_80, %mul3A_81 : i32
      %add3A_83 = arith.constant 0 : i32
      %add3A_84 = arith.addi %add3A_83, %mul3A_82 : i32
      %mul3A_85 = arith.constant 640 : i32
      %mul3A_86 = arith.muli %arg1, %mul3A_85 : i32
      %mul3A_87 = arith.constant 32 : i32
      %mul3A_88 = arith.muli %add3A_84, %mul3A_87 : i32
      %add3A_89 = arith.addi %mul3A_86, %mul3A_88 : i32
      "tpu.region"() ({
        %run_scoped3A = tpu.sem_alloc : memref<!tpu.dma_semaphore, #tpu.memory_space<semaphore_mem>>
        %dma_start3A = arith.constant 0 : i32
        %dma_start3A_90 = tpu.memref_slice %arg12[%add3A_89, %dma_start3A] : memref<10240x64xf32, #tpu.memory_space<vmem_shared>> -> memref<32x64xf32, #tpu.memory_space<vmem_shared>>
        %dma_start3A_91 = arith.constant 0 : i32
        %dma_start3A_92 = tpu.memref_slice %arg12[%add3A_89, %dma_start3A_91] : memref<10240x64xf32, #tpu.memory_space<vmem_shared>> -> memref<32x64xf32, #tpu.memory_space<vmem_shared>>
        tpu.enqueue_dma source(%arg10 : memref<32x64xf32, #tpu.memory_space<vmem>>) target(%dma_start3A_92 : memref<32x64xf32, #tpu.memory_space<vmem_shared>>) target_semaphore(%run_scoped3A : memref<!tpu.dma_semaphore, #tpu.memory_space<semaphore_mem>>)
        %dma_wait3A_93 = arith.constant 0 : i32
        %dma_wait3A_94 = tpu.memref_slice %arg12[%add3A_89, %dma_wait3A_93] : memref<10240x64xf32, #tpu.memory_space<vmem_shared>> -> memref<32x64xf32, #tpu.memory_space<vmem_shared>>
        %dma_wait3A_95 = arith.constant 0 : i32
        %dma_wait3A_96 = tpu.memref_slice %arg12[%add3A_89, %dma_wait3A_95] : memref<10240x64xf32, #tpu.memory_space<vmem_shared>> -> memref<32x64xf32, #tpu.memory_space<vmem_shared>>
        tpu.wait_dma2 semaphore(%run_scoped3A : memref<!tpu.dma_semaphore, #tpu.memory_space<semaphore_mem>>) src(%arg10 : memref<32x64xf32, #tpu.memory_space<vmem>>) dst(%dma_wait3A_96 : memref<32x64xf32, #tpu.memory_space<vmem_shared>>)
        tpu.yield
      }) : () -> ()
    }
    %scan3A_8 = arith.constant 20 : i32
    %mul3A = arith.constant 10240 : i32
    %mul3A_9 = arith.muli %arg0, %mul3A : i32
    %mul3A_10 = arith.constant 640 : i32
    %mul3A_11 = arith.muli %arg1, %mul3A_10 : i32
    %add3A = arith.addi %mul3A_9, %mul3A_11 : i32
    %mul3A_12 = arith.constant 640 : i32
    %mul3A_13 = arith.muli %arg1, %mul3A_12 : i32
    "tpu.region"() ({
      %run_scoped3A = tpu.sem_alloc : memref<!tpu.dma_semaphore, #tpu.memory_space<semaphore_mem>>
      %dma_start3A = arith.constant 0 : i32
      %dma_start3A_80 = tpu.memref_slice %arg11[%mul3A_13, %dma_start3A] : memref<10240x64xf32, #tpu.memory_space<vmem_shared>> -> memref<640x64xf32, #tpu.memory_space<vmem_shared>>
      %dma_start3A_81 = arith.constant 0 : i32
      %dma_start3A_82 = tpu.memref_slice %arg2[%add3A, %dma_start3A_81] : memref<20480x128xf32, #tpu.memory_space<hbm>> -> memref<640x64xf32, #tpu.memory_space<hbm>>
      tpu.enqueue_dma source(%dma_start3A_82 : memref<640x64xf32, #tpu.memory_space<hbm>>) target(%dma_start3A_80 : memref<640x64xf32, #tpu.memory_space<vmem_shared>>) target_semaphore(%run_scoped3A : memref<!tpu.dma_semaphore, #tpu.memory_space<semaphore_mem>>)
      %dma_wait3A_83 = arith.constant 0 : i32
      %dma_wait3A_84 = tpu.memref_slice %arg11[%mul3A_13, %dma_wait3A_83] : memref<10240x64xf32, #tpu.memory_space<vmem_shared>> -> memref<640x64xf32, #tpu.memory_space<vmem_shared>>
      %dma_wait3A_85 = arith.constant 0 : i32
      %dma_wait3A_86 = tpu.memref_slice %arg2[%add3A, %dma_wait3A_85] : memref<20480x128xf32, #tpu.memory_space<hbm>> -> memref<640x64xf32, #tpu.memory_space<hbm>>
      tpu.wait_dma2 semaphore(%run_scoped3A : memref<!tpu.dma_semaphore, #tpu.memory_space<semaphore_mem>>) src(%dma_wait3A_86 : memref<640x64xf32, #tpu.memory_space<hbm>>) dst(%dma_wait3A_84 : memref<640x64xf32, #tpu.memory_space<vmem_shared>>)
      tpu.yield
    }) : () -> ()
    %barrier3A = arith.constant 0 : index
    tpu.barrier barrier_id(%barrier3A)
    %scan3A_14 = arith.constant 0 : i32
    %scan3A_15 = arith.constant 2 : i32
    %scan3A_16 = arith.addi %scan3A_14, %scan3A_15 : i32
    %scan3A_17 = arith.constant 1 : i32
    scf.for %scan3A_80 = %scan3A_14 to %scan3A_16 step %scan3A_17  : i32 {
      %mul3A_81 = arith.constant 1 : i32
      %mul3A_82 = arith.muli %scan3A_80, %mul3A_81 : i32
      %add3A_83 = arith.constant 0 : i32
      %add3A_84 = arith.addi %add3A_83, %mul3A_82 : i32
      %gt3A = arith.constant 0 : i32
      %gt3A_85 = arith.cmpi sgt, %add3A_84, %gt3A : i32
      %convert_element_type3A = arith.extui %gt3A_85 : i1 to i32
      %cond3A = arith.constant 0 : i32
      %cond3A_86 = arith.cmpi ne, %convert_element_type3A, %cond3A : i32
      scf.if %cond3A_86 {
        %dma_wait3A_102 = arith.constant 0 : i32
        %dma_wait3A_103 = arith.constant 0 : i32
        %dma_wait3A_104 = tpu.memref_slice %arg7[%dma_wait3A_102, %dma_wait3A_103] : memref<80x128xi32, #tpu.memory_space<vmem>> -> memref<1x128xi32, #tpu.memory_space<vmem>>
        %dma_wait3A_105 = tpu.memref_squeeze %dma_wait3A_104 : memref<1x128xi32, #tpu.memory_space<vmem>> -> memref<128xi32, #tpu.memory_space<vmem>>
        %dma_wait3A_106 = arith.constant 0 : i32
        %dma_wait3A_107 = arith.constant 0 : i32
        %dma_wait3A_108 = tpu.memref_slice %arg12[%dma_wait3A_106, %dma_wait3A_107] : memref<10240x64xf32, #tpu.memory_space<vmem_shared>> -> memref<10240x64xf32, #tpu.memory_space<vmem_shared>>
        tpu.wait_indirect_dma semaphore(%arg15 : memref<!tpu.dma_semaphore, #tpu.memory_space<semaphore_mem>>) src(%arg8 : memref<128x64xf32, #tpu.memory_space<vmem>>) dst(%dma_wait3A_108 : memref<10240x64xf32, #tpu.memory_space<vmem_shared>>)
        %dma_wait3A_109 = arith.constant 1 : i32
        %dma_wait3A_110 = arith.constant 0 : i32
        %dma_wait3A_111 = tpu.memref_slice %arg7[%dma_wait3A_109, %dma_wait3A_110] : memref<80x128xi32, #tpu.memory_space<vmem>> -> memref<1x128xi32, #tpu.memory_space<vmem>>
        %dma_wait3A_112 = tpu.memref_squeeze %dma_wait3A_111 : memref<1x128xi32, #tpu.memory_space<vmem>> -> memref<128xi32, #tpu.memory_space<vmem>>
        %dma_wait3A_113 = arith.constant 0 : i32
        %dma_wait3A_114 = arith.constant 0 : i32
        %dma_wait3A_115 = tpu.memref_slice %arg12[%dma_wait3A_113, %dma_wait3A_114] : memref<10240x64xf32, #tpu.memory_space<vmem_shared>> -> memref<10240x64xf32, #tpu.memory_space<vmem_shared>>
        tpu.wait_indirect_dma semaphore(%arg16 : memref<!tpu.dma_semaphore, #tpu.memory_space<semaphore_mem>>) src(%arg9 : memref<128x64xf32, #tpu.memory_space<vmem>>) dst(%dma_wait3A_115 : memref<10240x64xf32, #tpu.memory_space<vmem_shared>>)
      } else {
      }
      %mul3A_87 = arith.constant 160 : i32
      %mul3A_88 = arith.muli %arg1, %mul3A_87 : i32
      %mul3A_89 = arith.constant 80 : i32
      %mul3A_90 = arith.muli %add3A_84, %mul3A_89 : i32
      %add3A_91 = arith.addi %mul3A_88, %mul3A_90 : i32
      "tpu.region"() ({
        %run_scoped3A = tpu.sem_alloc : memref<!tpu.dma_semaphore, #tpu.memory_space<semaphore_mem>>
        %dma_start3A = arith.constant 0 : i32
        %dma_start3A_102 = tpu.memref_slice %arg3[%add3A_91, %dma_start3A] : memref<2560x128xi32, #tpu.memory_space<hbm>> -> memref<80x128xi32, #tpu.memory_space<hbm>>
        %dma_start3A_103 = arith.constant 0 : i32
        %dma_start3A_104 = tpu.memref_slice %arg3[%add3A_91, %dma_start3A_103] : memref<2560x128xi32, #tpu.memory_space<hbm>> -> memref<80x128xi32, #tpu.memory_space<hbm>>
        tpu.enqueue_dma source(%dma_start3A_104 : memref<80x128xi32, #tpu.memory_space<hbm>>) target(%arg6 : memref<80x128xi32, #tpu.memory_space<vmem>>) target_semaphore(%run_scoped3A : memref<!tpu.dma_semaphore, #tpu.memory_space<semaphore_mem>>)
        %dma_wait3A_105 = arith.constant 0 : i32
        %dma_wait3A_106 = tpu.memref_slice %arg3[%add3A_91, %dma_wait3A_105] : memref<2560x128xi32, #tpu.memory_space<hbm>> -> memref<80x128xi32, #tpu.memory_space<hbm>>
        %dma_wait3A_107 = arith.constant 0 : i32
        %dma_wait3A_108 = tpu.memref_slice %arg3[%add3A_91, %dma_wait3A_107] : memref<2560x128xi32, #tpu.memory_space<hbm>> -> memref<80x128xi32, #tpu.memory_space<hbm>>
        tpu.wait_dma2 semaphore(%run_scoped3A : memref<!tpu.dma_semaphore, #tpu.memory_space<semaphore_mem>>) src(%dma_wait3A_108 : memref<80x128xi32, #tpu.memory_space<hbm>>) dst(%arg6 : memref<80x128xi32, #tpu.memory_space<vmem>>)
        tpu.yield
      }) : () -> ()
      %mul3A_92 = arith.constant 160 : i32
      %mul3A_93 = arith.muli %arg1, %mul3A_92 : i32
      %mul3A_94 = arith.constant 80 : i32
      %mul3A_95 = arith.muli %add3A_84, %mul3A_94 : i32
      %add3A_96 = arith.addi %mul3A_93, %mul3A_95 : i32
      "tpu.region"() ({
        %run_scoped3A = tpu.sem_alloc : memref<!tpu.dma_semaphore, #tpu.memory_space<semaphore_mem>>
        %dma_start3A = arith.constant 0 : i32
        %dma_start3A_102 = tpu.memref_slice %arg4[%add3A_96, %dma_start3A] : memref<2560x128xi32, #tpu.memory_space<hbm>> -> memref<80x128xi32, #tpu.memory_space<hbm>>
        %dma_start3A_103 = arith.constant 0 : i32
        %dma_start3A_104 = tpu.memref_slice %arg4[%add3A_96, %dma_start3A_103] : memref<2560x128xi32, #tpu.memory_space<hbm>> -> memref<80x128xi32, #tpu.memory_space<hbm>>
        tpu.enqueue_dma source(%dma_start3A_104 : memref<80x128xi32, #tpu.memory_space<hbm>>) target(%arg7 : memref<80x128xi32, #tpu.memory_space<vmem>>) target_semaphore(%run_scoped3A : memref<!tpu.dma_semaphore, #tpu.memory_space<semaphore_mem>>)
        %dma_wait3A_105 = arith.constant 0 : i32
        %dma_wait3A_106 = tpu.memref_slice %arg4[%add3A_96, %dma_wait3A_105] : memref<2560x128xi32, #tpu.memory_space<hbm>> -> memref<80x128xi32, #tpu.memory_space<hbm>>
        %dma_wait3A_107 = arith.constant 0 : i32
        %dma_wait3A_108 = tpu.memref_slice %arg4[%add3A_96, %dma_wait3A_107] : memref<2560x128xi32, #tpu.memory_space<hbm>> -> memref<80x128xi32, #tpu.memory_space<hbm>>
        tpu.wait_dma2 semaphore(%run_scoped3A : memref<!tpu.dma_semaphore, #tpu.memory_space<semaphore_mem>>) src(%dma_wait3A_108 : memref<80x128xi32, #tpu.memory_space<hbm>>) dst(%arg7 : memref<80x128xi32, #tpu.memory_space<vmem>>)
        tpu.yield
      }) : () -> ()
      %scan3A_97 = arith.constant 0 : i32
      %scan3A_98 = arith.constant 40 : i32
      %scan3A_99 = arith.addi %scan3A_97, %scan3A_98 : i32
      %scan3A_100 = arith.constant 1 : i32
      scf.for %scan3A_102 = %scan3A_97 to %scan3A_99 step %scan3A_100  : i32 {
        %mul3A_103 = arith.constant 1 : i32
        %mul3A_104 = arith.muli %scan3A_102, %mul3A_103 : i32
        %add3A_105 = arith.constant 0 : i32
        %add3A_106 = arith.addi %add3A_105, %mul3A_104 : i32
        %mul3A_107 = arith.constant 2 : i32
        %mul3A_108 = arith.muli %mul3A_107, %add3A_106 : i32
        %mul3A_109 = arith.constant 2 : i32
        %mul3A_110 = arith.muli %mul3A_109, %add3A_106 : i32
        %add3A_111 = arith.constant 1 : i32
        %add3A_112 = arith.addi %mul3A_110, %add3A_111 : i32
        %gt3A_113 = arith.constant 0 : i32
        %gt3A_114 = arith.cmpi sgt, %add3A_106, %gt3A_113 : i32
        %convert_element_type3A_115 = arith.extui %gt3A_114 : i1 to i32
        %cond3A_116 = arith.constant 0 : i32
        %cond3A_117 = arith.cmpi ne, %convert_element_type3A_115, %cond3A_116 : i32
        scf.if %cond3A_117 {
          %dma_wait3A_153 = arith.constant 0 : i32
          %dma_wait3A_154 = tpu.memref_slice %arg7[%mul3A_108, %dma_wait3A_153] : memref<80x128xi32, #tpu.memory_space<vmem>> -> memref<1x128xi32, #tpu.memory_space<vmem>>
          %dma_wait3A_155 = tpu.memref_squeeze %dma_wait3A_154 : memref<1x128xi32, #tpu.memory_space<vmem>> -> memref<128xi32, #tpu.memory_space<vmem>>
          %dma_wait3A_156 = arith.constant 0 : i32
          %dma_wait3A_157 = arith.constant 0 : i32
          %dma_wait3A_158 = tpu.memref_slice %arg12[%dma_wait3A_156, %dma_wait3A_157] : memref<10240x64xf32, #tpu.memory_space<vmem_shared>> -> memref<10240x64xf32, #tpu.memory_space<vmem_shared>>
          tpu.wait_indirect_dma semaphore(%arg15 : memref<!tpu.dma_semaphore, #tpu.memory_space<semaphore_mem>>) src(%arg8 : memref<128x64xf32, #tpu.memory_space<vmem>>) dst(%dma_wait3A_158 : memref<10240x64xf32, #tpu.memory_space<vmem_shared>>)
          %dma_wait3A_159 = arith.constant 0 : i32
          %dma_wait3A_160 = tpu.memref_slice %arg7[%add3A_112, %dma_wait3A_159] : memref<80x128xi32, #tpu.memory_space<vmem>> -> memref<1x128xi32, #tpu.memory_space<vmem>>
          %dma_wait3A_161 = tpu.memref_squeeze %dma_wait3A_160 : memref<1x128xi32, #tpu.memory_space<vmem>> -> memref<128xi32, #tpu.memory_space<vmem>>
          %dma_wait3A_162 = arith.constant 0 : i32
          %dma_wait3A_163 = arith.constant 0 : i32
          %dma_wait3A_164 = tpu.memref_slice %arg12[%dma_wait3A_162, %dma_wait3A_163] : memref<10240x64xf32, #tpu.memory_space<vmem_shared>> -> memref<10240x64xf32, #tpu.memory_space<vmem_shared>>
          tpu.wait_indirect_dma semaphore(%arg16 : memref<!tpu.dma_semaphore, #tpu.memory_space<semaphore_mem>>) src(%arg9 : memref<128x64xf32, #tpu.memory_space<vmem>>) dst(%dma_wait3A_164 : memref<10240x64xf32, #tpu.memory_space<vmem_shared>>)
        } else {
        }
        %dma_start3A = arith.constant 0 : i32
        %dma_start3A_118 = tpu.memref_slice %arg6[%mul3A_108, %dma_start3A] : memref<80x128xi32, #tpu.memory_space<vmem>> -> memref<1x128xi32, #tpu.memory_space<vmem>>
        %dma_start3A_119 = tpu.memref_squeeze %dma_start3A_118 : memref<1x128xi32, #tpu.memory_space<vmem>> -> memref<128xi32, #tpu.memory_space<vmem>>
        %dma_start3A_120 = arith.constant 0 : i32
        %dma_start3A_121 = arith.constant 0 : i32
        %dma_start3A_122 = tpu.memref_slice %arg11[%dma_start3A_120, %dma_start3A_121] : memref<10240x64xf32, #tpu.memory_space<vmem_shared>> -> memref<10240x64xf32, #tpu.memory_space<vmem_shared>>
        tpu.enqueue_indirect_dma source(%dma_start3A_122 : memref<10240x64xf32, #tpu.memory_space<vmem_shared>>) target(%arg8 : memref<128x64xf32, #tpu.memory_space<vmem>>) offsets(%dma_start3A_119 : memref<128xi32, #tpu.memory_space<vmem>>) semaphore(%arg13 : memref<!tpu.dma_semaphore, #tpu.memory_space<semaphore_mem>>)
        %dma_start3A_123 = arith.constant 0 : i32
        %dma_start3A_124 = tpu.memref_slice %arg6[%add3A_112, %dma_start3A_123] : memref<80x128xi32, #tpu.memory_space<vmem>> -> memref<1x128xi32, #tpu.memory_space<vmem>>
        %dma_start3A_125 = tpu.memref_squeeze %dma_start3A_124 : memref<1x128xi32, #tpu.memory_space<vmem>> -> memref<128xi32, #tpu.memory_space<vmem>>
        %dma_start3A_126 = arith.constant 0 : i32
        %dma_start3A_127 = arith.constant 0 : i32
        %dma_start3A_128 = tpu.memref_slice %arg11[%dma_start3A_126, %dma_start3A_127] : memref<10240x64xf32, #tpu.memory_space<vmem_shared>> -> memref<10240x64xf32, #tpu.memory_space<vmem_shared>>
        tpu.enqueue_indirect_dma source(%dma_start3A_128 : memref<10240x64xf32, #tpu.memory_space<vmem_shared>>) target(%arg9 : memref<128x64xf32, #tpu.memory_space<vmem>>) offsets(%dma_start3A_125 : memref<128xi32, #tpu.memory_space<vmem>>) semaphore(%arg14 : memref<!tpu.dma_semaphore, #tpu.memory_space<semaphore_mem>>)
        %dma_wait3A_129 = arith.constant 0 : i32
        %dma_wait3A_130 = tpu.memref_slice %arg6[%mul3A_108, %dma_wait3A_129] : memref<80x128xi32, #tpu.memory_space<vmem>> -> memref<1x128xi32, #tpu.memory_space<vmem>>
        %dma_wait3A_131 = tpu.memref_squeeze %dma_wait3A_130 : memref<1x128xi32, #tpu.memory_space<vmem>> -> memref<128xi32, #tpu.memory_space<vmem>>
        %dma_wait3A_132 = arith.constant 0 : i32
        %dma_wait3A_133 = arith.constant 0 : i32
        %dma_wait3A_134 = tpu.memref_slice %arg11[%dma_wait3A_132, %dma_wait3A_133] : memref<10240x64xf32, #tpu.memory_space<vmem_shared>> -> memref<10240x64xf32, #tpu.memory_space<vmem_shared>>
        tpu.wait_indirect_dma semaphore(%arg13 : memref<!tpu.dma_semaphore, #tpu.memory_space<semaphore_mem>>) src(%dma_wait3A_134 : memref<10240x64xf32, #tpu.memory_space<vmem_shared>>) dst(%arg8 : memref<128x64xf32, #tpu.memory_space<vmem>>)
        %dma_start3A_135 = arith.constant 0 : i32
        %dma_start3A_136 = tpu.memref_slice %arg7[%mul3A_108, %dma_start3A_135] : memref<80x128xi32, #tpu.memory_space<vmem>> -> memref<1x128xi32, #tpu.memory_space<vmem>>
        %dma_start3A_137 = tpu.memref_squeeze %dma_start3A_136 : memref<1x128xi32, #tpu.memory_space<vmem>> -> memref<128xi32, #tpu.memory_space<vmem>>
        %dma_start3A_138 = arith.constant 0 : i32
        %dma_start3A_139 = arith.constant 0 : i32
        %dma_start3A_140 = tpu.memref_slice %arg12[%dma_start3A_138, %dma_start3A_139] : memref<10240x64xf32, #tpu.memory_space<vmem_shared>> -> memref<10240x64xf32, #tpu.memory_space<vmem_shared>>
        tpu.enqueue_indirect_dma source(%arg8 : memref<128x64xf32, #tpu.memory_space<vmem>>) target(%dma_start3A_140 : memref<10240x64xf32, #tpu.memory_space<vmem_shared>>) offsets(%dma_start3A_137 : memref<128xi32, #tpu.memory_space<vmem>>) semaphore(%arg15 : memref<!tpu.dma_semaphore, #tpu.memory_space<semaphore_mem>>) {add = true}
        %dma_wait3A_141 = arith.constant 0 : i32
        %dma_wait3A_142 = tpu.memref_slice %arg6[%add3A_112, %dma_wait3A_141] : memref<80x128xi32, #tpu.memory_space<vmem>> -> memref<1x128xi32, #tpu.memory_space<vmem>>
        %dma_wait3A_143 = tpu.memref_squeeze %dma_wait3A_142 : memref<1x128xi32, #tpu.memory_space<vmem>> -> memref<128xi32, #tpu.memory_space<vmem>>
        %dma_wait3A_144 = arith.constant 0 : i32
        %dma_wait3A_145 = arith.constant 0 : i32
        %dma_wait3A_146 = tpu.memref_slice %arg11[%dma_wait3A_144, %dma_wait3A_145] : memref<10240x64xf32, #tpu.memory_space<vmem_shared>> -> memref<10240x64xf32, #tpu.memory_space<vmem_shared>>
        tpu.wait_indirect_dma semaphore(%arg14 : memref<!tpu.dma_semaphore, #tpu.memory_space<semaphore_mem>>) src(%dma_wait3A_146 : memref<10240x64xf32, #tpu.memory_space<vmem_shared>>) dst(%arg9 : memref<128x64xf32, #tpu.memory_space<vmem>>)
        %dma_start3A_147 = arith.constant 0 : i32
        %dma_start3A_148 = tpu.memref_slice %arg7[%add3A_112, %dma_start3A_147] : memref<80x128xi32, #tpu.memory_space<vmem>> -> memref<1x128xi32, #tpu.memory_space<vmem>>
        %dma_start3A_149 = tpu.memref_squeeze %dma_start3A_148 : memref<1x128xi32, #tpu.memory_space<vmem>> -> memref<128xi32, #tpu.memory_space<vmem>>
        %dma_start3A_150 = arith.constant 0 : i32
        %dma_start3A_151 = arith.constant 0 : i32
        %dma_start3A_152 = tpu.memref_slice %arg12[%dma_start3A_150, %dma_start3A_151] : memref<10240x64xf32, #tpu.memory_space<vmem_shared>> -> memref<10240x64xf32, #tpu.memory_space<vmem_shared>>
        tpu.enqueue_indirect_dma source(%arg9 : memref<128x64xf32, #tpu.memory_space<vmem>>) target(%dma_start3A_152 : memref<10240x64xf32, #tpu.memory_space<vmem_shared>>) offsets(%dma_start3A_149 : memref<128xi32, #tpu.memory_space<vmem>>) semaphore(%arg16 : memref<!tpu.dma_semaphore, #tpu.memory_space<semaphore_mem>>) {add = true}
      }
      %scan3A_101 = arith.constant 40 : i32
    }
    %scan3A_18 = arith.constant 2 : i32
    %dma_wait3A = arith.constant 0 : i32
    %dma_wait3A_19 = arith.constant 0 : i32
    %dma_wait3A_20 = tpu.memref_slice %arg7[%dma_wait3A, %dma_wait3A_19] : memref<80x128xi32, #tpu.memory_space<vmem>> -> memref<1x128xi32, #tpu.memory_space<vmem>>
    %dma_wait3A_21 = tpu.memref_squeeze %dma_wait3A_20 : memref<1x128xi32, #tpu.memory_space<vmem>> -> memref<128xi32, #tpu.memory_space<vmem>>
    %dma_wait3A_22 = arith.constant 0 : i32
    %dma_wait3A_23 = arith.constant 0 : i32
    %dma_wait3A_24 = tpu.memref_slice %arg12[%dma_wait3A_22, %dma_wait3A_23] : memref<10240x64xf32, #tpu.memory_space<vmem_shared>> -> memref<10240x64xf32, #tpu.memory_space<vmem_shared>>
    tpu.wait_indirect_dma semaphore(%arg15 : memref<!tpu.dma_semaphore, #tpu.memory_space<semaphore_mem>>) src(%arg8 : memref<128x64xf32, #tpu.memory_space<vmem>>) dst(%dma_wait3A_24 : memref<10240x64xf32, #tpu.memory_space<vmem_shared>>)
    %dma_wait3A_25 = arith.constant 1 : i32
    %dma_wait3A_26 = arith.constant 0 : i32
    %dma_wait3A_27 = tpu.memref_slice %arg7[%dma_wait3A_25, %dma_wait3A_26] : memref<80x128xi32, #tpu.memory_space<vmem>> -> memref<1x128xi32, #tpu.memory_space<vmem>>
    %dma_wait3A_28 = tpu.memref_squeeze %dma_wait3A_27 : memref<1x128xi32, #tpu.memory_space<vmem>> -> memref<128xi32, #tpu.memory_space<vmem>>
    %dma_wait3A_29 = arith.constant 0 : i32
    %dma_wait3A_30 = arith.constant 0 : i32
    %dma_wait3A_31 = tpu.memref_slice %arg12[%dma_wait3A_29, %dma_wait3A_30] : memref<10240x64xf32, #tpu.memory_space<vmem_shared>> -> memref<10240x64xf32, #tpu.memory_space<vmem_shared>>
    tpu.wait_indirect_dma semaphore(%arg16 : memref<!tpu.dma_semaphore, #tpu.memory_space<semaphore_mem>>) src(%arg9 : memref<128x64xf32, #tpu.memory_space<vmem>>) dst(%dma_wait3A_31 : memref<10240x64xf32, #tpu.memory_space<vmem_shared>>)
    %barrier3A_32 = arith.constant 0 : index
    tpu.barrier barrier_id(%barrier3A_32)
    %mul3A_33 = arith.constant 640 : i32
    %mul3A_34 = arith.muli %arg1, %mul3A_33 : i32
    %mul3A_35 = arith.constant 10240 : i32
    %mul3A_36 = arith.muli %arg0, %mul3A_35 : i32
    %mul3A_37 = arith.constant 640 : i32
    %mul3A_38 = arith.muli %arg1, %mul3A_37 : i32
    %add3A_39 = arith.addi %mul3A_36, %mul3A_38 : i32
    "tpu.region"() ({
      %run_scoped3A = tpu.sem_alloc : memref<!tpu.dma_semaphore, #tpu.memory_space<semaphore_mem>>
      %dma_start3A = arith.constant 0 : i32
      %dma_start3A_80 = tpu.memref_slice %arg5[%add3A_39, %dma_start3A] : memref<20480x128xf32, #tpu.memory_space<hbm>> -> memref<640x64xf32, #tpu.memory_space<hbm>>
      %dma_start3A_81 = arith.constant 0 : i32
      %dma_start3A_82 = tpu.memref_slice %arg12[%mul3A_34, %dma_start3A_81] : memref<10240x64xf32, #tpu.memory_space<vmem_shared>> -> memref<640x64xf32, #tpu.memory_space<vmem_shared>>
      tpu.enqueue_dma source(%dma_start3A_82 : memref<640x64xf32, #tpu.memory_space<vmem_shared>>) target(%dma_start3A_80 : memref<640x64xf32, #tpu.memory_space<hbm>>) target_semaphore(%run_scoped3A : memref<!tpu.dma_semaphore, #tpu.memory_space<semaphore_mem>>)
      %dma_wait3A_83 = arith.constant 0 : i32
      %dma_wait3A_84 = tpu.memref_slice %arg5[%add3A_39, %dma_wait3A_83] : memref<20480x128xf32, #tpu.memory_space<hbm>> -> memref<640x64xf32, #tpu.memory_space<hbm>>
      %dma_wait3A_85 = arith.constant 0 : i32
      %dma_wait3A_86 = tpu.memref_slice %arg12[%mul3A_34, %dma_wait3A_85] : memref<10240x64xf32, #tpu.memory_space<vmem_shared>> -> memref<640x64xf32, #tpu.memory_space<vmem_shared>>
      tpu.wait_dma2 semaphore(%run_scoped3A : memref<!tpu.dma_semaphore, #tpu.memory_space<semaphore_mem>>) src(%dma_wait3A_86 : memref<640x64xf32, #tpu.memory_space<vmem_shared>>) dst(%dma_wait3A_84 : memref<640x64xf32, #tpu.memory_space<hbm>>)
      tpu.yield
    }) : () -> ()
    %scan3A_40 = arith.constant 0 : i32
    %scan3A_41 = arith.constant 20 : i32
    %scan3A_42 = arith.addi %scan3A_40, %scan3A_41 : i32
    %scan3A_43 = arith.constant 1 : i32
    scf.for %scan3A_80 = %scan3A_40 to %scan3A_42 step %scan3A_43  : i32 {
      %mul3A_81 = arith.constant 1 : i32
      %mul3A_82 = arith.muli %scan3A_80, %mul3A_81 : i32
      %add3A_83 = arith.constant 0 : i32
      %add3A_84 = arith.addi %add3A_83, %mul3A_82 : i32
      %mul3A_85 = arith.constant 640 : i32
      %mul3A_86 = arith.muli %arg1, %mul3A_85 : i32
      %mul3A_87 = arith.constant 32 : i32
      %mul3A_88 = arith.muli %add3A_84, %mul3A_87 : i32
      %add3A_89 = arith.addi %mul3A_86, %mul3A_88 : i32
      "tpu.region"() ({
        %run_scoped3A = tpu.sem_alloc : memref<!tpu.dma_semaphore, #tpu.memory_space<semaphore_mem>>
        %dma_start3A = arith.constant 0 : i32
        %dma_start3A_90 = tpu.memref_slice %arg12[%add3A_89, %dma_start3A] : memref<10240x64xf32, #tpu.memory_space<vmem_shared>> -> memref<32x64xf32, #tpu.memory_space<vmem_shared>>
        %dma_start3A_91 = arith.constant 0 : i32
        %dma_start3A_92 = tpu.memref_slice %arg12[%add3A_89, %dma_start3A_91] : memref<10240x64xf32, #tpu.memory_space<vmem_shared>> -> memref<32x64xf32, #tpu.memory_space<vmem_shared>>
        tpu.enqueue_dma source(%arg10 : memref<32x64xf32, #tpu.memory_space<vmem>>) target(%dma_start3A_92 : memref<32x64xf32, #tpu.memory_space<vmem_shared>>) target_semaphore(%run_scoped3A : memref<!tpu.dma_semaphore, #tpu.memory_space<semaphore_mem>>)
        %dma_wait3A_93 = arith.constant 0 : i32
        %dma_wait3A_94 = tpu.memref_slice %arg12[%add3A_89, %dma_wait3A_93] : memref<10240x64xf32, #tpu.memory_space<vmem_shared>> -> memref<32x64xf32, #tpu.memory_space<vmem_shared>>
        %dma_wait3A_95 = arith.constant 0 : i32
        %dma_wait3A_96 = tpu.memref_slice %arg12[%add3A_89, %dma_wait3A_95] : memref<10240x64xf32, #tpu.memory_space<vmem_shared>> -> memref<32x64xf32, #tpu.memory_space<vmem_shared>>
        tpu.wait_dma2 semaphore(%run_scoped3A : memref<!tpu.dma_semaphore, #tpu.memory_space<semaphore_mem>>) src(%arg10 : memref<32x64xf32, #tpu.memory_space<vmem>>) dst(%dma_wait3A_96 : memref<32x64xf32, #tpu.memory_space<vmem_shared>>)
        tpu.yield
      }) : () -> ()
    }
    %scan3A_44 = arith.constant 20 : i32
    %mul3A_45 = arith.constant 10240 : i32
    %mul3A_46 = arith.muli %arg0, %mul3A_45 : i32
    %mul3A_47 = arith.constant 640 : i32
    %mul3A_48 = arith.muli %arg1, %mul3A_47 : i32
    %add3A_49 = arith.addi %mul3A_46, %mul3A_48 : i32
    %mul3A_50 = arith.constant 640 : i32
    %mul3A_51 = arith.muli %arg1, %mul3A_50 : i32
    "tpu.region"() ({
      %run_scoped3A = tpu.sem_alloc : memref<!tpu.dma_semaphore, #tpu.memory_space<semaphore_mem>>
      %dma_start3A = arith.constant 0 : i32
      %dma_start3A_80 = tpu.memref_slice %arg11[%mul3A_51, %dma_start3A] : memref<10240x64xf32, #tpu.memory_space<vmem_shared>> -> memref<640x64xf32, #tpu.memory_space<vmem_shared>>
      %dma_start3A_81 = arith.constant 64 : i32
      %dma_start3A_82 = tpu.memref_slice %arg2[%add3A_49, %dma_start3A_81] : memref<20480x128xf32, #tpu.memory_space<hbm>> -> memref<640x64xf32, #tpu.memory_space<hbm>>
      tpu.enqueue_dma source(%dma_start3A_82 : memref<640x64xf32, #tpu.memory_space<hbm>>) target(%dma_start3A_80 : memref<640x64xf32, #tpu.memory_space<vmem_shared>>) target_semaphore(%run_scoped3A : memref<!tpu.dma_semaphore, #tpu.memory_space<semaphore_mem>>)
      %dma_wait3A_83 = arith.constant 0 : i32
      %dma_wait3A_84 = tpu.memref_slice %arg11[%mul3A_51, %dma_wait3A_83] : memref<10240x64xf32, #tpu.memory_space<vmem_shared>> -> memref<640x64xf32, #tpu.memory_space<vmem_shared>>
      %dma_wait3A_85 = arith.constant 64 : i32
      %dma_wait3A_86 = tpu.memref_slice %arg2[%add3A_49, %dma_wait3A_85] : memref<20480x128xf32, #tpu.memory_space<hbm>> -> memref<640x64xf32, #tpu.memory_space<hbm>>
      tpu.wait_dma2 semaphore(%run_scoped3A : memref<!tpu.dma_semaphore, #tpu.memory_space<semaphore_mem>>) src(%dma_wait3A_86 : memref<640x64xf32, #tpu.memory_space<hbm>>) dst(%dma_wait3A_84 : memref<640x64xf32, #tpu.memory_space<vmem_shared>>)
      tpu.yield
    }) : () -> ()
    %barrier3A_52 = arith.constant 0 : index
    tpu.barrier barrier_id(%barrier3A_52)
    %scan3A_53 = arith.constant 0 : i32
    %scan3A_54 = arith.constant 2 : i32
    %scan3A_55 = arith.addi %scan3A_53, %scan3A_54 : i32
    %scan3A_56 = arith.constant 1 : i32
    scf.for %scan3A_80 = %scan3A_53 to %scan3A_55 step %scan3A_56  : i32 {
      %mul3A_81 = arith.constant 1 : i32
      %mul3A_82 = arith.muli %scan3A_80, %mul3A_81 : i32
      %add3A_83 = arith.constant 0 : i32
      %add3A_84 = arith.addi %add3A_83, %mul3A_82 : i32
      %gt3A = arith.constant 0 : i32
      %gt3A_85 = arith.cmpi sgt, %add3A_84, %gt3A : i32
      %convert_element_type3A = arith.extui %gt3A_85 : i1 to i32
      %cond3A = arith.constant 0 : i32
      %cond3A_86 = arith.cmpi ne, %convert_element_type3A, %cond3A : i32
      scf.if %cond3A_86 {
        %dma_wait3A_102 = arith.constant 0 : i32
        %dma_wait3A_103 = arith.constant 0 : i32
        %dma_wait3A_104 = tpu.memref_slice %arg7[%dma_wait3A_102, %dma_wait3A_103] : memref<80x128xi32, #tpu.memory_space<vmem>> -> memref<1x128xi32, #tpu.memory_space<vmem>>
        %dma_wait3A_105 = tpu.memref_squeeze %dma_wait3A_104 : memref<1x128xi32, #tpu.memory_space<vmem>> -> memref<128xi32, #tpu.memory_space<vmem>>
        %dma_wait3A_106 = arith.constant 0 : i32
        %dma_wait3A_107 = arith.constant 0 : i32
        %dma_wait3A_108 = tpu.memref_slice %arg12[%dma_wait3A_106, %dma_wait3A_107] : memref<10240x64xf32, #tpu.memory_space<vmem_shared>> -> memref<10240x64xf32, #tpu.memory_space<vmem_shared>>
        tpu.wait_indirect_dma semaphore(%arg15 : memref<!tpu.dma_semaphore, #tpu.memory_space<semaphore_mem>>) src(%arg8 : memref<128x64xf32, #tpu.memory_space<vmem>>) dst(%dma_wait3A_108 : memref<10240x64xf32, #tpu.memory_space<vmem_shared>>)
        %dma_wait3A_109 = arith.constant 1 : i32
        %dma_wait3A_110 = arith.constant 0 : i32
        %dma_wait3A_111 = tpu.memref_slice %arg7[%dma_wait3A_109, %dma_wait3A_110] : memref<80x128xi32, #tpu.memory_space<vmem>> -> memref<1x128xi32, #tpu.memory_space<vmem>>
        %dma_wait3A_112 = tpu.memref_squeeze %dma_wait3A_111 : memref<1x128xi32, #tpu.memory_space<vmem>> -> memref<128xi32, #tpu.memory_space<vmem>>
        %dma_wait3A_113 = arith.constant 0 : i32
        %dma_wait3A_114 = arith.constant 0 : i32
        %dma_wait3A_115 = tpu.memref_slice %arg12[%dma_wait3A_113, %dma_wait3A_114] : memref<10240x64xf32, #tpu.memory_space<vmem_shared>> -> memref<10240x64xf32, #tpu.memory_space<vmem_shared>>
        tpu.wait_indirect_dma semaphore(%arg16 : memref<!tpu.dma_semaphore, #tpu.memory_space<semaphore_mem>>) src(%arg9 : memref<128x64xf32, #tpu.memory_space<vmem>>) dst(%dma_wait3A_115 : memref<10240x64xf32, #tpu.memory_space<vmem_shared>>)
      } else {
      }
      %mul3A_87 = arith.constant 160 : i32
      %mul3A_88 = arith.muli %arg1, %mul3A_87 : i32
      %mul3A_89 = arith.constant 80 : i32
      %mul3A_90 = arith.muli %add3A_84, %mul3A_89 : i32
      %add3A_91 = arith.addi %mul3A_88, %mul3A_90 : i32
      "tpu.region"() ({
        %run_scoped3A = tpu.sem_alloc : memref<!tpu.dma_semaphore, #tpu.memory_space<semaphore_mem>>
        %dma_start3A = arith.constant 0 : i32
        %dma_start3A_102 = tpu.memref_slice %arg3[%add3A_91, %dma_start3A] : memref<2560x128xi32, #tpu.memory_space<hbm>> -> memref<80x128xi32, #tpu.memory_space<hbm>>
        %dma_start3A_103 = arith.constant 0 : i32
        %dma_start3A_104 = tpu.memref_slice %arg3[%add3A_91, %dma_start3A_103] : memref<2560x128xi32, #tpu.memory_space<hbm>> -> memref<80x128xi32, #tpu.memory_space<hbm>>
        tpu.enqueue_dma source(%dma_start3A_104 : memref<80x128xi32, #tpu.memory_space<hbm>>) target(%arg6 : memref<80x128xi32, #tpu.memory_space<vmem>>) target_semaphore(%run_scoped3A : memref<!tpu.dma_semaphore, #tpu.memory_space<semaphore_mem>>)
        %dma_wait3A_105 = arith.constant 0 : i32
        %dma_wait3A_106 = tpu.memref_slice %arg3[%add3A_91, %dma_wait3A_105] : memref<2560x128xi32, #tpu.memory_space<hbm>> -> memref<80x128xi32, #tpu.memory_space<hbm>>
        %dma_wait3A_107 = arith.constant 0 : i32
        %dma_wait3A_108 = tpu.memref_slice %arg3[%add3A_91, %dma_wait3A_107] : memref<2560x128xi32, #tpu.memory_space<hbm>> -> memref<80x128xi32, #tpu.memory_space<hbm>>
        tpu.wait_dma2 semaphore(%run_scoped3A : memref<!tpu.dma_semaphore, #tpu.memory_space<semaphore_mem>>) src(%dma_wait3A_108 : memref<80x128xi32, #tpu.memory_space<hbm>>) dst(%arg6 : memref<80x128xi32, #tpu.memory_space<vmem>>)
        tpu.yield
      }) : () -> ()
      %mul3A_92 = arith.constant 160 : i32
      %mul3A_93 = arith.muli %arg1, %mul3A_92 : i32
      %mul3A_94 = arith.constant 80 : i32
      %mul3A_95 = arith.muli %add3A_84, %mul3A_94 : i32
      %add3A_96 = arith.addi %mul3A_93, %mul3A_95 : i32
      "tpu.region"() ({
        %run_scoped3A = tpu.sem_alloc : memref<!tpu.dma_semaphore, #tpu.memory_space<semaphore_mem>>
        %dma_start3A = arith.constant 0 : i32
        %dma_start3A_102 = tpu.memref_slice %arg4[%add3A_96, %dma_start3A] : memref<2560x128xi32, #tpu.memory_space<hbm>> -> memref<80x128xi32, #tpu.memory_space<hbm>>
        %dma_start3A_103 = arith.constant 0 : i32
        %dma_start3A_104 = tpu.memref_slice %arg4[%add3A_96, %dma_start3A_103] : memref<2560x128xi32, #tpu.memory_space<hbm>> -> memref<80x128xi32, #tpu.memory_space<hbm>>
        tpu.enqueue_dma source(%dma_start3A_104 : memref<80x128xi32, #tpu.memory_space<hbm>>) target(%arg7 : memref<80x128xi32, #tpu.memory_space<vmem>>) target_semaphore(%run_scoped3A : memref<!tpu.dma_semaphore, #tpu.memory_space<semaphore_mem>>)
        %dma_wait3A_105 = arith.constant 0 : i32
        %dma_wait3A_106 = tpu.memref_slice %arg4[%add3A_96, %dma_wait3A_105] : memref<2560x128xi32, #tpu.memory_space<hbm>> -> memref<80x128xi32, #tpu.memory_space<hbm>>
        %dma_wait3A_107 = arith.constant 0 : i32
        %dma_wait3A_108 = tpu.memref_slice %arg4[%add3A_96, %dma_wait3A_107] : memref<2560x128xi32, #tpu.memory_space<hbm>> -> memref<80x128xi32, #tpu.memory_space<hbm>>
        tpu.wait_dma2 semaphore(%run_scoped3A : memref<!tpu.dma_semaphore, #tpu.memory_space<semaphore_mem>>) src(%dma_wait3A_108 : memref<80x128xi32, #tpu.memory_space<hbm>>) dst(%arg7 : memref<80x128xi32, #tpu.memory_space<vmem>>)
        tpu.yield
      }) : () -> ()
      %scan3A_97 = arith.constant 0 : i32
      %scan3A_98 = arith.constant 40 : i32
      %scan3A_99 = arith.addi %scan3A_97, %scan3A_98 : i32
      %scan3A_100 = arith.constant 1 : i32
      scf.for %scan3A_102 = %scan3A_97 to %scan3A_99 step %scan3A_100  : i32 {
        %mul3A_103 = arith.constant 1 : i32
        %mul3A_104 = arith.muli %scan3A_102, %mul3A_103 : i32
        %add3A_105 = arith.constant 0 : i32
        %add3A_106 = arith.addi %add3A_105, %mul3A_104 : i32
        %mul3A_107 = arith.constant 2 : i32
        %mul3A_108 = arith.muli %mul3A_107, %add3A_106 : i32
        %mul3A_109 = arith.constant 2 : i32
        %mul3A_110 = arith.muli %mul3A_109, %add3A_106 : i32
        %add3A_111 = arith.constant 1 : i32
        %add3A_112 = arith.addi %mul3A_110, %add3A_111 : i32
        %gt3A_113 = arith.constant 0 : i32
        %gt3A_114 = arith.cmpi sgt, %add3A_106, %gt3A_113 : i32
        %convert_element_type3A_115 = arith.extui %gt3A_114 : i1 to i32
        %cond3A_116 = arith.constant 0 : i32
        %cond3A_117 = arith.cmpi ne, %convert_element_type3A_115, %cond3A_116 : i32
        scf.if %cond3A_117 {
          %dma_wait3A_153 = arith.constant 0 : i32
          %dma_wait3A_154 = tpu.memref_slice %arg7[%mul3A_108, %dma_wait3A_153] : memref<80x128xi32, #tpu.memory_space<vmem>> -> memref<1x128xi32, #tpu.memory_space<vmem>>
          %dma_wait3A_155 = tpu.memref_squeeze %dma_wait3A_154 : memref<1x128xi32, #tpu.memory_space<vmem>> -> memref<128xi32, #tpu.memory_space<vmem>>
          %dma_wait3A_156 = arith.constant 0 : i32
          %dma_wait3A_157 = arith.constant 0 : i32
          %dma_wait3A_158 = tpu.memref_slice %arg12[%dma_wait3A_156, %dma_wait3A_157] : memref<10240x64xf32, #tpu.memory_space<vmem_shared>> -> memref<10240x64xf32, #tpu.memory_space<vmem_shared>>
          tpu.wait_indirect_dma semaphore(%arg15 : memref<!tpu.dma_semaphore, #tpu.memory_space<semaphore_mem>>) src(%arg8 : memref<128x64xf32, #tpu.memory_space<vmem>>) dst(%dma_wait3A_158 : memref<10240x64xf32, #tpu.memory_space<vmem_shared>>)
          %dma_wait3A_159 = arith.constant 0 : i32
          %dma_wait3A_160 = tpu.memref_slice %arg7[%add3A_112, %dma_wait3A_159] : memref<80x128xi32, #tpu.memory_space<vmem>> -> memref<1x128xi32, #tpu.memory_space<vmem>>
          %dma_wait3A_161 = tpu.memref_squeeze %dma_wait3A_160 : memref<1x128xi32, #tpu.memory_space<vmem>> -> memref<128xi32, #tpu.memory_space<vmem>>
          %dma_wait3A_162 = arith.constant 0 : i32
          %dma_wait3A_163 = arith.constant 0 : i32
          %dma_wait3A_164 = tpu.memref_slice %arg12[%dma_wait3A_162, %dma_wait3A_163] : memref<10240x64xf32, #tpu.memory_space<vmem_shared>> -> memref<10240x64xf32, #tpu.memory_space<vmem_shared>>
          tpu.wait_indirect_dma semaphore(%arg16 : memref<!tpu.dma_semaphore, #tpu.memory_space<semaphore_mem>>) src(%arg9 : memref<128x64xf32, #tpu.memory_space<vmem>>) dst(%dma_wait3A_164 : memref<10240x64xf32, #tpu.memory_space<vmem_shared>>)
        } else {
        }
        %dma_start3A = arith.constant 0 : i32
        %dma_start3A_118 = tpu.memref_slice %arg6[%mul3A_108, %dma_start3A] : memref<80x128xi32, #tpu.memory_space<vmem>> -> memref<1x128xi32, #tpu.memory_space<vmem>>
        %dma_start3A_119 = tpu.memref_squeeze %dma_start3A_118 : memref<1x128xi32, #tpu.memory_space<vmem>> -> memref<128xi32, #tpu.memory_space<vmem>>
        %dma_start3A_120 = arith.constant 0 : i32
        %dma_start3A_121 = arith.constant 0 : i32
        %dma_start3A_122 = tpu.memref_slice %arg11[%dma_start3A_120, %dma_start3A_121] : memref<10240x64xf32, #tpu.memory_space<vmem_shared>> -> memref<10240x64xf32, #tpu.memory_space<vmem_shared>>
        tpu.enqueue_indirect_dma source(%dma_start3A_122 : memref<10240x64xf32, #tpu.memory_space<vmem_shared>>) target(%arg8 : memref<128x64xf32, #tpu.memory_space<vmem>>) offsets(%dma_start3A_119 : memref<128xi32, #tpu.memory_space<vmem>>) semaphore(%arg13 : memref<!tpu.dma_semaphore, #tpu.memory_space<semaphore_mem>>)
        %dma_start3A_123 = arith.constant 0 : i32
        %dma_start3A_124 = tpu.memref_slice %arg6[%add3A_112, %dma_start3A_123] : memref<80x128xi32, #tpu.memory_space<vmem>> -> memref<1x128xi32, #tpu.memory_space<vmem>>
        %dma_start3A_125 = tpu.memref_squeeze %dma_start3A_124 : memref<1x128xi32, #tpu.memory_space<vmem>> -> memref<128xi32, #tpu.memory_space<vmem>>
        %dma_start3A_126 = arith.constant 0 : i32
        %dma_start3A_127 = arith.constant 0 : i32
        %dma_start3A_128 = tpu.memref_slice %arg11[%dma_start3A_126, %dma_start3A_127] : memref<10240x64xf32, #tpu.memory_space<vmem_shared>> -> memref<10240x64xf32, #tpu.memory_space<vmem_shared>>
        tpu.enqueue_indirect_dma source(%dma_start3A_128 : memref<10240x64xf32, #tpu.memory_space<vmem_shared>>) target(%arg9 : memref<128x64xf32, #tpu.memory_space<vmem>>) offsets(%dma_start3A_125 : memref<128xi32, #tpu.memory_space<vmem>>) semaphore(%arg14 : memref<!tpu.dma_semaphore, #tpu.memory_space<semaphore_mem>>)
        %dma_wait3A_129 = arith.constant 0 : i32
        %dma_wait3A_130 = tpu.memref_slice %arg6[%mul3A_108, %dma_wait3A_129] : memref<80x128xi32, #tpu.memory_space<vmem>> -> memref<1x128xi32, #tpu.memory_space<vmem>>
        %dma_wait3A_131 = tpu.memref_squeeze %dma_wait3A_130 : memref<1x128xi32, #tpu.memory_space<vmem>> -> memref<128xi32, #tpu.memory_space<vmem>>
        %dma_wait3A_132 = arith.constant 0 : i32
        %dma_wait3A_133 = arith.constant 0 : i32
        %dma_wait3A_134 = tpu.memref_slice %arg11[%dma_wait3A_132, %dma_wait3A_133] : memref<10240x64xf32, #tpu.memory_space<vmem_shared>> -> memref<10240x64xf32, #tpu.memory_space<vmem_shared>>
        tpu.wait_indirect_dma semaphore(%arg13 : memref<!tpu.dma_semaphore, #tpu.memory_space<semaphore_mem>>) src(%dma_wait3A_134 : memref<10240x64xf32, #tpu.memory_space<vmem_shared>>) dst(%arg8 : memref<128x64xf32, #tpu.memory_space<vmem>>)
        %dma_start3A_135 = arith.constant 0 : i32
        %dma_start3A_136 = tpu.memref_slice %arg7[%mul3A_108, %dma_start3A_135] : memref<80x128xi32, #tpu.memory_space<vmem>> -> memref<1x128xi32, #tpu.memory_space<vmem>>
        %dma_start3A_137 = tpu.memref_squeeze %dma_start3A_136 : memref<1x128xi32, #tpu.memory_space<vmem>> -> memref<128xi32, #tpu.memory_space<vmem>>
        %dma_start3A_138 = arith.constant 0 : i32
        %dma_start3A_139 = arith.constant 0 : i32
        %dma_start3A_140 = tpu.memref_slice %arg12[%dma_start3A_138, %dma_start3A_139] : memref<10240x64xf32, #tpu.memory_space<vmem_shared>> -> memref<10240x64xf32, #tpu.memory_space<vmem_shared>>
        tpu.enqueue_indirect_dma source(%arg8 : memref<128x64xf32, #tpu.memory_space<vmem>>) target(%dma_start3A_140 : memref<10240x64xf32, #tpu.memory_space<vmem_shared>>) offsets(%dma_start3A_137 : memref<128xi32, #tpu.memory_space<vmem>>) semaphore(%arg15 : memref<!tpu.dma_semaphore, #tpu.memory_space<semaphore_mem>>) {add = true}
        %dma_wait3A_141 = arith.constant 0 : i32
        %dma_wait3A_142 = tpu.memref_slice %arg6[%add3A_112, %dma_wait3A_141] : memref<80x128xi32, #tpu.memory_space<vmem>> -> memref<1x128xi32, #tpu.memory_space<vmem>>
        %dma_wait3A_143 = tpu.memref_squeeze %dma_wait3A_142 : memref<1x128xi32, #tpu.memory_space<vmem>> -> memref<128xi32, #tpu.memory_space<vmem>>
        %dma_wait3A_144 = arith.constant 0 : i32
        %dma_wait3A_145 = arith.constant 0 : i32
        %dma_wait3A_146 = tpu.memref_slice %arg11[%dma_wait3A_144, %dma_wait3A_145] : memref<10240x64xf32, #tpu.memory_space<vmem_shared>> -> memref<10240x64xf32, #tpu.memory_space<vmem_shared>>
        tpu.wait_indirect_dma semaphore(%arg14 : memref<!tpu.dma_semaphore, #tpu.memory_space<semaphore_mem>>) src(%dma_wait3A_146 : memref<10240x64xf32, #tpu.memory_space<vmem_shared>>) dst(%arg9 : memref<128x64xf32, #tpu.memory_space<vmem>>)
        %dma_start3A_147 = arith.constant 0 : i32
        %dma_start3A_148 = tpu.memref_slice %arg7[%add3A_112, %dma_start3A_147] : memref<80x128xi32, #tpu.memory_space<vmem>> -> memref<1x128xi32, #tpu.memory_space<vmem>>
        %dma_start3A_149 = tpu.memref_squeeze %dma_start3A_148 : memref<1x128xi32, #tpu.memory_space<vmem>> -> memref<128xi32, #tpu.memory_space<vmem>>
        %dma_start3A_150 = arith.constant 0 : i32
        %dma_start3A_151 = arith.constant 0 : i32
        %dma_start3A_152 = tpu.memref_slice %arg12[%dma_start3A_150, %dma_start3A_151] : memref<10240x64xf32, #tpu.memory_space<vmem_shared>> -> memref<10240x64xf32, #tpu.memory_space<vmem_shared>>
        tpu.enqueue_indirect_dma source(%arg9 : memref<128x64xf32, #tpu.memory_space<vmem>>) target(%dma_start3A_152 : memref<10240x64xf32, #tpu.memory_space<vmem_shared>>) offsets(%dma_start3A_149 : memref<128xi32, #tpu.memory_space<vmem>>) semaphore(%arg16 : memref<!tpu.dma_semaphore, #tpu.memory_space<semaphore_mem>>) {add = true}
      }
      %scan3A_101 = arith.constant 40 : i32
    }
    %scan3A_57 = arith.constant 2 : i32
    %dma_wait3A_58 = arith.constant 0 : i32
    %dma_wait3A_59 = arith.constant 0 : i32
    %dma_wait3A_60 = tpu.memref_slice %arg7[%dma_wait3A_58, %dma_wait3A_59] : memref<80x128xi32, #tpu.memory_space<vmem>> -> memref<1x128xi32, #tpu.memory_space<vmem>>
    %dma_wait3A_61 = tpu.memref_squeeze %dma_wait3A_60 : memref<1x128xi32, #tpu.memory_space<vmem>> -> memref<128xi32, #tpu.memory_space<vmem>>
    %dma_wait3A_62 = arith.constant 0 : i32
    %dma_wait3A_63 = arith.constant 0 : i32
    %dma_wait3A_64 = tpu.memref_slice %arg12[%dma_wait3A_62, %dma_wait3A_63] : memref<10240x64xf32, #tpu.memory_space<vmem_shared>> -> memref<10240x64xf32, #tpu.memory_space<vmem_shared>>
    tpu.wait_indirect_dma semaphore(%arg15 : memref<!tpu.dma_semaphore, #tpu.memory_space<semaphore_mem>>) src(%arg8 : memref<128x64xf32, #tpu.memory_space<vmem>>) dst(%dma_wait3A_64 : memref<10240x64xf32, #tpu.memory_space<vmem_shared>>)
    %dma_wait3A_65 = arith.constant 1 : i32
    %dma_wait3A_66 = arith.constant 0 : i32
    %dma_wait3A_67 = tpu.memref_slice %arg7[%dma_wait3A_65, %dma_wait3A_66] : memref<80x128xi32, #tpu.memory_space<vmem>> -> memref<1x128xi32, #tpu.memory_space<vmem>>
    %dma_wait3A_68 = tpu.memref_squeeze %dma_wait3A_67 : memref<1x128xi32, #tpu.memory_space<vmem>> -> memref<128xi32, #tpu.memory_space<vmem>>
    %dma_wait3A_69 = arith.constant 0 : i32
    %dma_wait3A_70 = arith.constant 0 : i32
    %dma_wait3A_71 = tpu.memref_slice %arg12[%dma_wait3A_69, %dma_wait3A_70] : memref<10240x64xf32, #tpu.memory_space<vmem_shared>> -> memref<10240x64xf32, #tpu.memory_space<vmem_shared>>
    tpu.wait_indirect_dma semaphore(%arg16 : memref<!tpu.dma_semaphore, #tpu.memory_space<semaphore_mem>>) src(%arg9 : memref<128x64xf32, #tpu.memory_space<vmem>>) dst(%dma_wait3A_71 : memref<10240x64xf32, #tpu.memory_space<vmem_shared>>)
    %barrier3A_72 = arith.constant 0 : index
    tpu.barrier barrier_id(%barrier3A_72)
    %mul3A_73 = arith.constant 640 : i32
    %mul3A_74 = arith.muli %arg1, %mul3A_73 : i32
    %mul3A_75 = arith.constant 10240 : i32
    %mul3A_76 = arith.muli %arg0, %mul3A_75 : i32
    %mul3A_77 = arith.constant 640 : i32
    %mul3A_78 = arith.muli %arg1, %mul3A_77 : i32
    %add3A_79 = arith.addi %mul3A_76, %mul3A_78 : i32
    "tpu.region"() ({
      %run_scoped3A = tpu.sem_alloc : memref<!tpu.dma_semaphore, #tpu.memory_space<semaphore_mem>>
      %dma_start3A = arith.constant 64 : i32
      %dma_start3A_80 = tpu.memref_slice %arg5[%add3A_79, %dma_start3A] : memref<20480x128xf32, #tpu.memory_space<hbm>> -> memref<640x64xf32, #tpu.memory_space<hbm>>
      %dma_start3A_81 = arith.constant 0 : i32
      %dma_start3A_82 = tpu.memref_slice %arg12[%mul3A_74, %dma_start3A_81] : memref<10240x64xf32, #tpu.memory_space<vmem_shared>> -> memref<640x64xf32, #tpu.memory_space<vmem_shared>>
      tpu.enqueue_dma source(%dma_start3A_82 : memref<640x64xf32, #tpu.memory_space<vmem_shared>>) target(%dma_start3A_80 : memref<640x64xf32, #tpu.memory_space<hbm>>) target_semaphore(%run_scoped3A : memref<!tpu.dma_semaphore, #tpu.memory_space<semaphore_mem>>)
      %dma_wait3A_83 = arith.constant 64 : i32
      %dma_wait3A_84 = tpu.memref_slice %arg5[%add3A_79, %dma_wait3A_83] : memref<20480x128xf32, #tpu.memory_space<hbm>> -> memref<640x64xf32, #tpu.memory_space<hbm>>
      %dma_wait3A_85 = arith.constant 0 : i32
      %dma_wait3A_86 = tpu.memref_slice %arg12[%mul3A_74, %dma_wait3A_85] : memref<10240x64xf32, #tpu.memory_space<vmem_shared>> -> memref<640x64xf32, #tpu.memory_space<vmem_shared>>
      tpu.wait_dma2 semaphore(%run_scoped3A : memref<!tpu.dma_semaphore, #tpu.memory_space<semaphore_mem>>) src(%dma_wait3A_86 : memref<640x64xf32, #tpu.memory_space<vmem_shared>>) dst(%dma_wait3A_84 : memref<640x64xf32, #tpu.memory_space<hbm>>)
      tpu.yield
    }) : () -> ()
    return
  }
}

#map = affine_map<(d0, d1) -> (0, 0)>
#map1 = affine_map<(d0, d1) -> (0)>
module attributes {stable_mosaic.version = 14 : i64} {
  func.func @body(%arg0: i32, %arg1: i32, %arg2: memref<20480x128xf32, #tpu.memory_space<hbm>>, %arg3: memref<2560x128xi32, #tpu.memory_space<hbm>>, %arg4: memref<2560x128xi32, #tpu.memory_space<hbm>>, %arg5: memref<20480x128xf32, #tpu.memory_space<hbm>>, %arg6: memref<10240xf32, #tpu.memory_space<hbm>>, %arg7: memref<80x128xi32, #tpu.memory_space<vmem>>, %arg8: memref<80x128xi32, #tpu.memory_space<vmem>>, %arg9: memref<128x64xf32, #tpu.memory_space<vmem>>, %arg10: memref<128x64xf32, #tpu.memory_space<vmem>>, %arg11: memref<32x64xf32, #tpu.memory_space<vmem>>, %arg12: memref<10240x64xf32, #tpu.memory_space<vmem_shared>>, %arg13: memref<10240x64xf32, #tpu.memory_space<vmem_shared>>, %arg14: memref<!tpu.dma_semaphore, #tpu.memory_space<semaphore_mem>>, %arg15: memref<!tpu.dma_semaphore, #tpu.memory_space<semaphore_mem>>, %arg16: memref<!tpu.dma_semaphore, #tpu.memory_space<semaphore_mem>>, %arg17: memref<!tpu.dma_semaphore, #tpu.memory_space<semaphore_mem>>, %arg18: memref<640xf32, #tpu.memory_space<vmem>>, %arg19: memref<128xf32, #tpu.memory_space<vmem>>, %arg20: memref<10240xf32, #tpu.memory_space<vmem_shared>>) attributes {dimension_semantics = [#tpu.dimension_semantics<core_parallel>, #tpu.dimension_semantics<subcore_parallel>], iteration_bounds = array<i64: 2, 16>, scalar_prefetch = 0 : i64, scratch_operands = 14 : i64, tpu.core_type = #tpu.core_type<sc_vector_subcore>, window_params = [{transform_indices = #map}, {transform_indices = #map}, {transform_indices = #map}, {transform_indices = #map}, {transform_indices = #map1}]} {
    %scan3A = arith.constant 0 : i32
    %scan3A_0 = arith.constant 32 : i32
    %scan3A_1 = arith.addi %scan3A, %scan3A_0 : i32
    %scan3A_2 = arith.constant 1 : i32
    scf.for %scan3A_97 = %scan3A to %scan3A_1 step %scan3A_2  : i32 {
      %mul3A_98 = arith.constant 1 : i32
      %mul3A_99 = arith.muli %scan3A_97, %mul3A_98 : i32
      %add3A_100 = arith.constant 0 : i32
      %add3A_101 = arith.addi %add3A_100, %mul3A_99 : i32
      %scan3A_102 = arith.constant 0 : i32
      %scan3A_103 = arith.constant 4 : i32
      %scan3A_104 = arith.addi %scan3A_102, %scan3A_103 : i32
      %scan3A_105 = arith.constant 1 : i32
      scf.for %scan3A_107 = %scan3A_102 to %scan3A_104 step %scan3A_105  : i32 {
        %mul3A_108 = arith.constant 1 : i32
        %mul3A_109 = arith.muli %scan3A_107, %mul3A_108 : i32
        %add3A_110 = arith.constant 0 : i32
        %add3A_111 = arith.addi %add3A_110, %mul3A_109 : i32
        %broadcast_in_dim3A = arith.constant 0.000000e+00 : f32
        %broadcast_in_dim3A_112 = vector.broadcast %broadcast_in_dim3A : f32 to vector<16xf32>
        %mul3A_113 = arith.constant 16 : i32
        %mul3A_114 = arith.muli %add3A_111, %mul3A_113 : i32
        %swap3A = arith.index_cast %add3A_101 : i32 to index
        %swap3A_115 = arith.index_cast %mul3A_114 : i32 to index
        %swap3A_116 = tpu.vector_load %arg11[%swap3A, %swap3A_115] {strides = array<i32>} : memref<32x64xf32, #tpu.memory_space<vmem>>, vector<1x16xf32>,
        %swap3A_117 = vector.shape_cast %swap3A_116 : vector<1x16xf32> to vector<16xf32>
        %swap3A_118 = vector.shape_cast %broadcast_in_dim3A_112 : vector<16xf32> to vector<1x16xf32>
        tpu.vector_store %arg11[%swap3A, %swap3A_115], %swap3A_118 {strides = array<i32>} : memref<32x64xf32, #tpu.memory_space<vmem>>, vector<1x16xf32>,
      }
      %scan3A_106 = arith.constant 4 : i32
    }
    %scan3A_3 = arith.constant 32 : i32
    %scan3A_4 = arith.constant 0 : i32
    %scan3A_5 = arith.constant 40 : i32
    %scan3A_6 = arith.addi %scan3A_4, %scan3A_5 : i32
    %scan3A_7 = arith.constant 1 : i32
    scf.for %scan3A_97 = %scan3A_4 to %scan3A_6 step %scan3A_7  : i32 {
      %mul3A_98 = arith.constant 1 : i32
      %mul3A_99 = arith.muli %scan3A_97, %mul3A_98 : i32
      %add3A_100 = arith.constant 0 : i32
      %add3A_101 = arith.addi %add3A_100, %mul3A_99 : i32
      %broadcast_in_dim3A = arith.constant 0.000000e+00 : f32
      %broadcast_in_dim3A_102 = vector.broadcast %broadcast_in_dim3A : f32 to vector<16xf32>
      %mul3A_103 = arith.constant 16 : i32
      %mul3A_104 = arith.muli %add3A_101, %mul3A_103 : i32
      %swap3A = arith.index_cast %mul3A_104 : i32 to index
      %swap3A_105 = tpu.vector_load %arg18[%swap3A] {strides = array<i32>} : memref<640xf32, #tpu.memory_space<vmem>>, vector<16xf32>,
      %swap3A_106 = vector.shape_cast %swap3A_105 : vector<16xf32> to vector<16xf32>
      %swap3A_107 = vector.shape_cast %broadcast_in_dim3A_102 : vector<16xf32> to vector<16xf32>
      tpu.vector_store %arg18[%swap3A], %swap3A_107 {strides = array<i32>} : memref<640xf32, #tpu.memory_space<vmem>>, vector<16xf32>,
    }
    %scan3A_8 = arith.constant 40 : i32
    %scan3A_9 = arith.constant 0 : i32
    %scan3A_10 = arith.constant 8 : i32
    %scan3A_11 = arith.addi %scan3A_9, %scan3A_10 : i32
    %scan3A_12 = arith.constant 1 : i32
    scf.for %scan3A_97 = %scan3A_9 to %scan3A_11 step %scan3A_12  : i32 {
      %mul3A_98 = arith.constant 1 : i32
      %mul3A_99 = arith.muli %scan3A_97, %mul3A_98 : i32
      %add3A_100 = arith.constant 0 : i32
      %add3A_101 = arith.addi %add3A_100, %mul3A_99 : i32
      %broadcast_in_dim3A = arith.constant 1.000000e+00 : f32
      %broadcast_in_dim3A_102 = vector.broadcast %broadcast_in_dim3A : f32 to vector<16xf32>
      %mul3A_103 = arith.constant 16 : i32
      %mul3A_104 = arith.muli %add3A_101, %mul3A_103 : i32
      %swap3A = arith.index_cast %mul3A_104 : i32 to index
      %swap3A_105 = tpu.vector_load %arg19[%swap3A] {strides = array<i32>} : memref<128xf32, #tpu.memory_space<vmem>>, vector<16xf32>,
      %swap3A_106 = vector.shape_cast %swap3A_105 : vector<16xf32> to vector<16xf32>
      %swap3A_107 = vector.shape_cast %broadcast_in_dim3A_102 : vector<16xf32> to vector<16xf32>
      tpu.vector_store %arg19[%swap3A], %swap3A_107 {strides = array<i32>} : memref<128xf32, #tpu.memory_space<vmem>>, vector<16xf32>,
    }
    %scan3A_13 = arith.constant 8 : i32
    %eq3A = arith.constant 0 : i32
    %eq3A_14 = arith.cmpi eq, %arg0, %eq3A : i32
    %convert_element_type3A = arith.extui %eq3A_14 : i1 to i32
    %cond3A = arith.constant 0 : i32
    %cond3A_15 = arith.cmpi ne, %convert_element_type3A, %cond3A : i32
    scf.if %cond3A_15 {
      %mul3A_97 = arith.constant 640 : i32
      %mul3A_98 = arith.muli %arg1, %mul3A_97 : i32
      "tpu.region"() ({
        %run_scoped3A = tpu.sem_alloc : memref<!tpu.dma_semaphore, #tpu.memory_space<semaphore_mem>>
        %dma_start3A = tpu.memref_slice %arg20[%mul3A_98] : memref<10240xf32, #tpu.memory_space<vmem_shared>> -> memref<640xf32, #tpu.memory_space<vmem_shared>>
        %dma_start3A_99 = tpu.memref_slice %arg20[%mul3A_98] : memref<10240xf32, #tpu.memory_space<vmem_shared>> -> memref<640xf32, #tpu.memory_space<vmem_shared>>
        tpu.enqueue_dma source(%arg18 : memref<640xf32, #tpu.memory_space<vmem>>) target(%dma_start3A_99 : memref<640xf32, #tpu.memory_space<vmem_shared>>) target_semaphore(%run_scoped3A : memref<!tpu.dma_semaphore, #tpu.memory_space<semaphore_mem>>)
        %dma_wait3A_100 = tpu.memref_slice %arg20[%mul3A_98] : memref<10240xf32, #tpu.memory_space<vmem_shared>> -> memref<640xf32, #tpu.memory_space<vmem_shared>>
        %dma_wait3A_101 = tpu.memref_slice %arg20[%mul3A_98] : memref<10240xf32, #tpu.memory_space<vmem_shared>> -> memref<640xf32, #tpu.memory_space<vmem_shared>>
        tpu.wait_dma2 semaphore(%run_scoped3A : memref<!tpu.dma_semaphore, #tpu.memory_space<semaphore_mem>>) src(%arg18 : memref<640xf32, #tpu.memory_space<vmem>>) dst(%dma_wait3A_101 : memref<640xf32, #tpu.memory_space<vmem_shared>>)
        tpu.yield
      }) : () -> ()
    } else {
    }
    %scan3A_16 = arith.constant 0 : i32
    %scan3A_17 = arith.constant 20 : i32
    %scan3A_18 = arith.addi %scan3A_16, %scan3A_17 : i32
    %scan3A_19 = arith.constant 1 : i32
    scf.for %scan3A_97 = %scan3A_16 to %scan3A_18 step %scan3A_19  : i32 {
      %mul3A_98 = arith.constant 1 : i32
      %mul3A_99 = arith.muli %scan3A_97, %mul3A_98 : i32
      %add3A_100 = arith.constant 0 : i32
      %add3A_101 = arith.addi %add3A_100, %mul3A_99 : i32
      %mul3A_102 = arith.constant 640 : i32
      %mul3A_103 = arith.muli %arg1, %mul3A_102 : i32
      %mul3A_104 = arith.constant 32 : i32
      %mul3A_105 = arith.muli %add3A_101, %mul3A_104 : i32
      %add3A_106 = arith.addi %mul3A_103, %mul3A_105 : i32
      "tpu.region"() ({
        %run_scoped3A = tpu.sem_alloc : memref<!tpu.dma_semaphore, #tpu.memory_space<semaphore_mem>>
        %dma_start3A = arith.constant 0 : i32
        %dma_start3A_107 = tpu.memref_slice %arg13[%add3A_106, %dma_start3A] : memref<10240x64xf32, #tpu.memory_space<vmem_shared>> -> memref<32x64xf32, #tpu.memory_space<vmem_shared>>
        %dma_start3A_108 = arith.constant 0 : i32
        %dma_start3A_109 = tpu.memref_slice %arg13[%add3A_106, %dma_start3A_108] : memref<10240x64xf32, #tpu.memory_space<vmem_shared>> -> memref<32x64xf32, #tpu.memory_space<vmem_shared>>
        tpu.enqueue_dma source(%arg11 : memref<32x64xf32, #tpu.memory_space<vmem>>) target(%dma_start3A_109 : memref<32x64xf32, #tpu.memory_space<vmem_shared>>) target_semaphore(%run_scoped3A : memref<!tpu.dma_semaphore, #tpu.memory_space<semaphore_mem>>)
        %dma_wait3A_110 = arith.constant 0 : i32
        %dma_wait3A_111 = tpu.memref_slice %arg13[%add3A_106, %dma_wait3A_110] : memref<10240x64xf32, #tpu.memory_space<vmem_shared>> -> memref<32x64xf32, #tpu.memory_space<vmem_shared>>
        %dma_wait3A_112 = arith.constant 0 : i32
        %dma_wait3A_113 = tpu.memref_slice %arg13[%add3A_106, %dma_wait3A_112] : memref<10240x64xf32, #tpu.memory_space<vmem_shared>> -> memref<32x64xf32, #tpu.memory_space<vmem_shared>>
        tpu.wait_dma2 semaphore(%run_scoped3A : memref<!tpu.dma_semaphore, #tpu.memory_space<semaphore_mem>>) src(%arg11 : memref<32x64xf32, #tpu.memory_space<vmem>>) dst(%dma_wait3A_113 : memref<32x64xf32, #tpu.memory_space<vmem_shared>>)
        tpu.yield
      }) : () -> ()
    }
    %scan3A_20 = arith.constant 20 : i32
    %mul3A = arith.constant 10240 : i32
    %mul3A_21 = arith.muli %arg0, %mul3A : i32
    %mul3A_22 = arith.constant 640 : i32
    %mul3A_23 = arith.muli %arg1, %mul3A_22 : i32
    %add3A = arith.addi %mul3A_21, %mul3A_23 : i32
    %mul3A_24 = arith.constant 640 : i32
    %mul3A_25 = arith.muli %arg1, %mul3A_24 : i32
    "tpu.region"() ({
      %run_scoped3A = tpu.sem_alloc : memref<!tpu.dma_semaphore, #tpu.memory_space<semaphore_mem>>
      %dma_start3A = arith.constant 0 : i32
      %dma_start3A_97 = tpu.memref_slice %arg12[%mul3A_25, %dma_start3A] : memref<10240x64xf32, #tpu.memory_space<vmem_shared>> -> memref<640x64xf32, #tpu.memory_space<vmem_shared>>
      %dma_start3A_98 = arith.constant 0 : i32
      %dma_start3A_99 = tpu.memref_slice %arg2[%add3A, %dma_start3A_98] : memref<20480x128xf32, #tpu.memory_space<hbm>> -> memref<640x64xf32, #tpu.memory_space<hbm>>
      tpu.enqueue_dma source(%dma_start3A_99 : memref<640x64xf32, #tpu.memory_space<hbm>>) target(%dma_start3A_97 : memref<640x64xf32, #tpu.memory_space<vmem_shared>>) target_semaphore(%run_scoped3A : memref<!tpu.dma_semaphore, #tpu.memory_space<semaphore_mem>>)
      %dma_wait3A_100 = arith.constant 0 : i32
      %dma_wait3A_101 = tpu.memref_slice %arg12[%mul3A_25, %dma_wait3A_100] : memref<10240x64xf32, #tpu.memory_space<vmem_shared>> -> memref<640x64xf32, #tpu.memory_space<vmem_shared>>
      %dma_wait3A_102 = arith.constant 0 : i32
      %dma_wait3A_103 = tpu.memref_slice %arg2[%add3A, %dma_wait3A_102] : memref<20480x128xf32, #tpu.memory_space<hbm>> -> memref<640x64xf32, #tpu.memory_space<hbm>>
      tpu.wait_dma2 semaphore(%run_scoped3A : memref<!tpu.dma_semaphore, #tpu.memory_space<semaphore_mem>>) src(%dma_wait3A_103 : memref<640x64xf32, #tpu.memory_space<hbm>>) dst(%dma_wait3A_101 : memref<640x64xf32, #tpu.memory_space<vmem_shared>>)
      tpu.yield
    }) : () -> ()
    %barrier3A = arith.constant 0 : index
    tpu.barrier barrier_id(%barrier3A)
    %scan3A_26 = arith.constant 0 : i32
    %scan3A_27 = arith.constant 2 : i32
    %scan3A_28 = arith.addi %scan3A_26, %scan3A_27 : i32
    %scan3A_29 = arith.constant 1 : i32
    scf.for %scan3A_97 = %scan3A_26 to %scan3A_28 step %scan3A_29  : i32 {
      %mul3A_98 = arith.constant 1 : i32
      %mul3A_99 = arith.muli %scan3A_97, %mul3A_98 : i32
      %add3A_100 = arith.constant 0 : i32
      %add3A_101 = arith.addi %add3A_100, %mul3A_99 : i32
      %gt3A = arith.constant 0 : i32
      %gt3A_102 = arith.cmpi sgt, %add3A_101, %gt3A : i32
      %convert_element_type3A_103 = arith.extui %gt3A_102 : i1 to i32
      %cond3A_104 = arith.constant 0 : i32
      %cond3A_105 = arith.cmpi ne, %convert_element_type3A_103, %cond3A_104 : i32
      scf.if %cond3A_105 {
        %dma_wait3A_126 = arith.constant 0 : i32
        %dma_wait3A_127 = arith.constant 0 : i32
        %dma_wait3A_128 = tpu.memref_slice %arg8[%dma_wait3A_126, %dma_wait3A_127] : memref<80x128xi32, #tpu.memory_space<vmem>> -> memref<1x128xi32, #tpu.memory_space<vmem>>
        %dma_wait3A_129 = tpu.memref_squeeze %dma_wait3A_128 : memref<1x128xi32, #tpu.memory_space<vmem>> -> memref<128xi32, #tpu.memory_space<vmem>>
        %dma_wait3A_130 = arith.constant 0 : i32
        %dma_wait3A_131 = arith.constant 0 : i32
        %dma_wait3A_132 = tpu.memref_slice %arg13[%dma_wait3A_130, %dma_wait3A_131] : memref<10240x64xf32, #tpu.memory_space<vmem_shared>> -> memref<10240x64xf32, #tpu.memory_space<vmem_shared>>
        tpu.wait_indirect_dma semaphore(%arg16 : memref<!tpu.dma_semaphore, #tpu.memory_space<semaphore_mem>>) src(%arg9 : memref<128x64xf32, #tpu.memory_space<vmem>>) dst(%dma_wait3A_132 : memref<10240x64xf32, #tpu.memory_space<vmem_shared>>)
        %dma_wait3A_133 = arith.constant 1 : i32
        %dma_wait3A_134 = arith.constant 0 : i32
        %dma_wait3A_135 = tpu.memref_slice %arg8[%dma_wait3A_133, %dma_wait3A_134] : memref<80x128xi32, #tpu.memory_space<vmem>> -> memref<1x128xi32, #tpu.memory_space<vmem>>
        %dma_wait3A_136 = tpu.memref_squeeze %dma_wait3A_135 : memref<1x128xi32, #tpu.memory_space<vmem>> -> memref<128xi32, #tpu.memory_space<vmem>>
        %dma_wait3A_137 = arith.constant 0 : i32
        %dma_wait3A_138 = arith.constant 0 : i32
        %dma_wait3A_139 = tpu.memref_slice %arg13[%dma_wait3A_137, %dma_wait3A_138] : memref<10240x64xf32, #tpu.memory_space<vmem_shared>> -> memref<10240x64xf32, #tpu.memory_space<vmem_shared>>
        tpu.wait_indirect_dma semaphore(%arg17 : memref<!tpu.dma_semaphore, #tpu.memory_space<semaphore_mem>>) src(%arg10 : memref<128x64xf32, #tpu.memory_space<vmem>>) dst(%dma_wait3A_139 : memref<10240x64xf32, #tpu.memory_space<vmem_shared>>)
      } else {
      }
      %mul3A_106 = arith.constant 160 : i32
      %mul3A_107 = arith.muli %arg1, %mul3A_106 : i32
      %mul3A_108 = arith.constant 80 : i32
      %mul3A_109 = arith.muli %add3A_101, %mul3A_108 : i32
      %add3A_110 = arith.addi %mul3A_107, %mul3A_109 : i32
      "tpu.region"() ({
        %run_scoped3A = tpu.sem_alloc : memref<!tpu.dma_semaphore, #tpu.memory_space<semaphore_mem>>
        %dma_start3A = arith.constant 0 : i32
        %dma_start3A_126 = tpu.memref_slice %arg3[%add3A_110, %dma_start3A] : memref<2560x128xi32, #tpu.memory_space<hbm>> -> memref<80x128xi32, #tpu.memory_space<hbm>>
        %dma_start3A_127 = arith.constant 0 : i32
        %dma_start3A_128 = tpu.memref_slice %arg3[%add3A_110, %dma_start3A_127] : memref<2560x128xi32, #tpu.memory_space<hbm>> -> memref<80x128xi32, #tpu.memory_space<hbm>>
        tpu.enqueue_dma source(%dma_start3A_128 : memref<80x128xi32, #tpu.memory_space<hbm>>) target(%arg7 : memref<80x128xi32, #tpu.memory_space<vmem>>) target_semaphore(%run_scoped3A : memref<!tpu.dma_semaphore, #tpu.memory_space<semaphore_mem>>)
        %dma_wait3A_129 = arith.constant 0 : i32
        %dma_wait3A_130 = tpu.memref_slice %arg3[%add3A_110, %dma_wait3A_129] : memref<2560x128xi32, #tpu.memory_space<hbm>> -> memref<80x128xi32, #tpu.memory_space<hbm>>
        %dma_wait3A_131 = arith.constant 0 : i32
        %dma_wait3A_132 = tpu.memref_slice %arg3[%add3A_110, %dma_wait3A_131] : memref<2560x128xi32, #tpu.memory_space<hbm>> -> memref<80x128xi32, #tpu.memory_space<hbm>>
        tpu.wait_dma2 semaphore(%run_scoped3A : memref<!tpu.dma_semaphore, #tpu.memory_space<semaphore_mem>>) src(%dma_wait3A_132 : memref<80x128xi32, #tpu.memory_space<hbm>>) dst(%arg7 : memref<80x128xi32, #tpu.memory_space<vmem>>)
        tpu.yield
      }) : () -> ()
      %mul3A_111 = arith.constant 160 : i32
      %mul3A_112 = arith.muli %arg1, %mul3A_111 : i32
      %mul3A_113 = arith.constant 80 : i32
      %mul3A_114 = arith.muli %add3A_101, %mul3A_113 : i32
      %add3A_115 = arith.addi %mul3A_112, %mul3A_114 : i32
      "tpu.region"() ({
        %run_scoped3A = tpu.sem_alloc : memref<!tpu.dma_semaphore, #tpu.memory_space<semaphore_mem>>
        %dma_start3A = arith.constant 0 : i32
        %dma_start3A_126 = tpu.memref_slice %arg4[%add3A_115, %dma_start3A] : memref<2560x128xi32, #tpu.memory_space<hbm>> -> memref<80x128xi32, #tpu.memory_space<hbm>>
        %dma_start3A_127 = arith.constant 0 : i32
        %dma_start3A_128 = tpu.memref_slice %arg4[%add3A_115, %dma_start3A_127] : memref<2560x128xi32, #tpu.memory_space<hbm>> -> memref<80x128xi32, #tpu.memory_space<hbm>>
        tpu.enqueue_dma source(%dma_start3A_128 : memref<80x128xi32, #tpu.memory_space<hbm>>) target(%arg8 : memref<80x128xi32, #tpu.memory_space<vmem>>) target_semaphore(%run_scoped3A : memref<!tpu.dma_semaphore, #tpu.memory_space<semaphore_mem>>)
        %dma_wait3A_129 = arith.constant 0 : i32
        %dma_wait3A_130 = tpu.memref_slice %arg4[%add3A_115, %dma_wait3A_129] : memref<2560x128xi32, #tpu.memory_space<hbm>> -> memref<80x128xi32, #tpu.memory_space<hbm>>
        %dma_wait3A_131 = arith.constant 0 : i32
        %dma_wait3A_132 = tpu.memref_slice %arg4[%add3A_115, %dma_wait3A_131] : memref<2560x128xi32, #tpu.memory_space<hbm>> -> memref<80x128xi32, #tpu.memory_space<hbm>>
        tpu.wait_dma2 semaphore(%run_scoped3A : memref<!tpu.dma_semaphore, #tpu.memory_space<semaphore_mem>>) src(%dma_wait3A_132 : memref<80x128xi32, #tpu.memory_space<hbm>>) dst(%arg8 : memref<80x128xi32, #tpu.memory_space<vmem>>)
        tpu.yield
      }) : () -> ()
      %scan3A_116 = arith.constant 0 : i32
      %scan3A_117 = arith.constant 40 : i32
      %scan3A_118 = arith.addi %scan3A_116, %scan3A_117 : i32
      %scan3A_119 = arith.constant 1 : i32
      scf.for %scan3A_126 = %scan3A_116 to %scan3A_118 step %scan3A_119  : i32 {
        %mul3A_127 = arith.constant 1 : i32
        %mul3A_128 = arith.muli %scan3A_126, %mul3A_127 : i32
        %add3A_129 = arith.constant 0 : i32
        %add3A_130 = arith.addi %add3A_129, %mul3A_128 : i32
        %mul3A_131 = arith.constant 2 : i32
        %mul3A_132 = arith.muli %mul3A_131, %add3A_130 : i32
        %mul3A_133 = arith.constant 2 : i32
        %mul3A_134 = arith.muli %mul3A_133, %add3A_130 : i32
        %add3A_135 = arith.constant 1 : i32
        %add3A_136 = arith.addi %mul3A_134, %add3A_135 : i32
        %gt3A_137 = arith.constant 0 : i32
        %gt3A_138 = arith.cmpi sgt, %add3A_130, %gt3A_137 : i32
        %convert_element_type3A_139 = arith.extui %gt3A_138 : i1 to i32
        %cond3A_140 = arith.constant 0 : i32
        %cond3A_141 = arith.cmpi ne, %convert_element_type3A_139, %cond3A_140 : i32
        scf.if %cond3A_141 {
          %dma_wait3A_177 = arith.constant 0 : i32
          %dma_wait3A_178 = tpu.memref_slice %arg8[%mul3A_132, %dma_wait3A_177] : memref<80x128xi32, #tpu.memory_space<vmem>> -> memref<1x128xi32, #tpu.memory_space<vmem>>
          %dma_wait3A_179 = tpu.memref_squeeze %dma_wait3A_178 : memref<1x128xi32, #tpu.memory_space<vmem>> -> memref<128xi32, #tpu.memory_space<vmem>>
          %dma_wait3A_180 = arith.constant 0 : i32
          %dma_wait3A_181 = arith.constant 0 : i32
          %dma_wait3A_182 = tpu.memref_slice %arg13[%dma_wait3A_180, %dma_wait3A_181] : memref<10240x64xf32, #tpu.memory_space<vmem_shared>> -> memref<10240x64xf32, #tpu.memory_space<vmem_shared>>
          tpu.wait_indirect_dma semaphore(%arg16 : memref<!tpu.dma_semaphore, #tpu.memory_space<semaphore_mem>>) src(%arg9 : memref<128x64xf32, #tpu.memory_space<vmem>>) dst(%dma_wait3A_182 : memref<10240x64xf32, #tpu.memory_space<vmem_shared>>)
          %dma_wait3A_183 = arith.constant 0 : i32
          %dma_wait3A_184 = tpu.memref_slice %arg8[%add3A_136, %dma_wait3A_183] : memref<80x128xi32, #tpu.memory_space<vmem>> -> memref<1x128xi32, #tpu.memory_space<vmem>>
          %dma_wait3A_185 = tpu.memref_squeeze %dma_wait3A_184 : memref<1x128xi32, #tpu.memory_space<vmem>> -> memref<128xi32, #tpu.memory_space<vmem>>
          %dma_wait3A_186 = arith.constant 0 : i32
          %dma_wait3A_187 = arith.constant 0 : i32
          %dma_wait3A_188 = tpu.memref_slice %arg13[%dma_wait3A_186, %dma_wait3A_187] : memref<10240x64xf32, #tpu.memory_space<vmem_shared>> -> memref<10240x64xf32, #tpu.memory_space<vmem_shared>>
          tpu.wait_indirect_dma semaphore(%arg17 : memref<!tpu.dma_semaphore, #tpu.memory_space<semaphore_mem>>) src(%arg10 : memref<128x64xf32, #tpu.memory_space<vmem>>) dst(%dma_wait3A_188 : memref<10240x64xf32, #tpu.memory_space<vmem_shared>>)
        } else {
        }
        %dma_start3A = arith.constant 0 : i32
        %dma_start3A_142 = tpu.memref_slice %arg7[%mul3A_132, %dma_start3A] : memref<80x128xi32, #tpu.memory_space<vmem>> -> memref<1x128xi32, #tpu.memory_space<vmem>>
        %dma_start3A_143 = tpu.memref_squeeze %dma_start3A_142 : memref<1x128xi32, #tpu.memory_space<vmem>> -> memref<128xi32, #tpu.memory_space<vmem>>
        %dma_start3A_144 = arith.constant 0 : i32
        %dma_start3A_145 = arith.constant 0 : i32
        %dma_start3A_146 = tpu.memref_slice %arg12[%dma_start3A_144, %dma_start3A_145] : memref<10240x64xf32, #tpu.memory_space<vmem_shared>> -> memref<10240x64xf32, #tpu.memory_space<vmem_shared>>
        tpu.enqueue_indirect_dma source(%dma_start3A_146 : memref<10240x64xf32, #tpu.memory_space<vmem_shared>>) target(%arg9 : memref<128x64xf32, #tpu.memory_space<vmem>>) offsets(%dma_start3A_143 : memref<128xi32, #tpu.memory_space<vmem>>) semaphore(%arg14 : memref<!tpu.dma_semaphore, #tpu.memory_space<semaphore_mem>>)
        %dma_start3A_147 = arith.constant 0 : i32
        %dma_start3A_148 = tpu.memref_slice %arg7[%add3A_136, %dma_start3A_147] : memref<80x128xi32, #tpu.memory_space<vmem>> -> memref<1x128xi32, #tpu.memory_space<vmem>>
        %dma_start3A_149 = tpu.memref_squeeze %dma_start3A_148 : memref<1x128xi32, #tpu.memory_space<vmem>> -> memref<128xi32, #tpu.memory_space<vmem>>
        %dma_start3A_150 = arith.constant 0 : i32
        %dma_start3A_151 = arith.constant 0 : i32
        %dma_start3A_152 = tpu.memref_slice %arg12[%dma_start3A_150, %dma_start3A_151] : memref<10240x64xf32, #tpu.memory_space<vmem_shared>> -> memref<10240x64xf32, #tpu.memory_space<vmem_shared>>
        tpu.enqueue_indirect_dma source(%dma_start3A_152 : memref<10240x64xf32, #tpu.memory_space<vmem_shared>>) target(%arg10 : memref<128x64xf32, #tpu.memory_space<vmem>>) offsets(%dma_start3A_149 : memref<128xi32, #tpu.memory_space<vmem>>) semaphore(%arg15 : memref<!tpu.dma_semaphore, #tpu.memory_space<semaphore_mem>>)
        %dma_wait3A_153 = arith.constant 0 : i32
        %dma_wait3A_154 = tpu.memref_slice %arg7[%mul3A_132, %dma_wait3A_153] : memref<80x128xi32, #tpu.memory_space<vmem>> -> memref<1x128xi32, #tpu.memory_space<vmem>>
        %dma_wait3A_155 = tpu.memref_squeeze %dma_wait3A_154 : memref<1x128xi32, #tpu.memory_space<vmem>> -> memref<128xi32, #tpu.memory_space<vmem>>
        %dma_wait3A_156 = arith.constant 0 : i32
        %dma_wait3A_157 = arith.constant 0 : i32
        %dma_wait3A_158 = tpu.memref_slice %arg12[%dma_wait3A_156, %dma_wait3A_157] : memref<10240x64xf32, #tpu.memory_space<vmem_shared>> -> memref<10240x64xf32, #tpu.memory_space<vmem_shared>>
        tpu.wait_indirect_dma semaphore(%arg14 : memref<!tpu.dma_semaphore, #tpu.memory_space<semaphore_mem>>) src(%dma_wait3A_158 : memref<10240x64xf32, #tpu.memory_space<vmem_shared>>) dst(%arg9 : memref<128x64xf32, #tpu.memory_space<vmem>>)
        %dma_start3A_159 = arith.constant 0 : i32
        %dma_start3A_160 = tpu.memref_slice %arg8[%mul3A_132, %dma_start3A_159] : memref<80x128xi32, #tpu.memory_space<vmem>> -> memref<1x128xi32, #tpu.memory_space<vmem>>
        %dma_start3A_161 = tpu.memref_squeeze %dma_start3A_160 : memref<1x128xi32, #tpu.memory_space<vmem>> -> memref<128xi32, #tpu.memory_space<vmem>>
        %dma_start3A_162 = arith.constant 0 : i32
        %dma_start3A_163 = arith.constant 0 : i32
        %dma_start3A_164 = tpu.memref_slice %arg13[%dma_start3A_162, %dma_start3A_163] : memref<10240x64xf32, #tpu.memory_space<vmem_shared>> -> memref<10240x64xf32, #tpu.memory_space<vmem_shared>>
        tpu.enqueue_indirect_dma source(%arg9 : memref<128x64xf32, #tpu.memory_space<vmem>>) target(%dma_start3A_164 : memref<10240x64xf32, #tpu.memory_space<vmem_shared>>) offsets(%dma_start3A_161 : memref<128xi32, #tpu.memory_space<vmem>>) semaphore(%arg16 : memref<!tpu.dma_semaphore, #tpu.memory_space<semaphore_mem>>) {add = true}
        %dma_wait3A_165 = arith.constant 0 : i32
        %dma_wait3A_166 = tpu.memref_slice %arg7[%add3A_136, %dma_wait3A_165] : memref<80x128xi32, #tpu.memory_space<vmem>> -> memref<1x128xi32, #tpu.memory_space<vmem>>
        %dma_wait3A_167 = tpu.memref_squeeze %dma_wait3A_166 : memref<1x128xi32, #tpu.memory_space<vmem>> -> memref<128xi32, #tpu.memory_space<vmem>>
        %dma_wait3A_168 = arith.constant 0 : i32
        %dma_wait3A_169 = arith.constant 0 : i32
        %dma_wait3A_170 = tpu.memref_slice %arg12[%dma_wait3A_168, %dma_wait3A_169] : memref<10240x64xf32, #tpu.memory_space<vmem_shared>> -> memref<10240x64xf32, #tpu.memory_space<vmem_shared>>
        tpu.wait_indirect_dma semaphore(%arg15 : memref<!tpu.dma_semaphore, #tpu.memory_space<semaphore_mem>>) src(%dma_wait3A_170 : memref<10240x64xf32, #tpu.memory_space<vmem_shared>>) dst(%arg10 : memref<128x64xf32, #tpu.memory_space<vmem>>)
        %dma_start3A_171 = arith.constant 0 : i32
        %dma_start3A_172 = tpu.memref_slice %arg8[%add3A_136, %dma_start3A_171] : memref<80x128xi32, #tpu.memory_space<vmem>> -> memref<1x128xi32, #tpu.memory_space<vmem>>
        %dma_start3A_173 = tpu.memref_squeeze %dma_start3A_172 : memref<1x128xi32, #tpu.memory_space<vmem>> -> memref<128xi32, #tpu.memory_space<vmem>>
        %dma_start3A_174 = arith.constant 0 : i32
        %dma_start3A_175 = arith.constant 0 : i32
        %dma_start3A_176 = tpu.memref_slice %arg13[%dma_start3A_174, %dma_start3A_175] : memref<10240x64xf32, #tpu.memory_space<vmem_shared>> -> memref<10240x64xf32, #tpu.memory_space<vmem_shared>>
        tpu.enqueue_indirect_dma source(%arg10 : memref<128x64xf32, #tpu.memory_space<vmem>>) target(%dma_start3A_176 : memref<10240x64xf32, #tpu.memory_space<vmem_shared>>) offsets(%dma_start3A_173 : memref<128xi32, #tpu.memory_space<vmem>>) semaphore(%arg17 : memref<!tpu.dma_semaphore, #tpu.memory_space<semaphore_mem>>) {add = true}
      }
      %scan3A_120 = arith.constant 40 : i32
      %eq3A_121 = arith.constant 0 : i32
      %eq3A_122 = arith.cmpi eq, %arg0, %eq3A_121 : i32
      %convert_element_type3A_123 = arith.extui %eq3A_122 : i1 to i32
      %cond3A_124 = arith.constant 0 : i32
      %cond3A_125 = arith.cmpi ne, %convert_element_type3A_123, %cond3A_124 : i32
      scf.if %cond3A_125 {
        %scan3A_126 = arith.constant 0 : i32
        %scan3A_127 = arith.constant 80 : i32
        %scan3A_128 = arith.addi %scan3A_126, %scan3A_127 : i32
        %scan3A_129 = arith.constant 1 : i32
        scf.for %scan3A_131 = %scan3A_126 to %scan3A_128 step %scan3A_129  : i32 {
          %mul3A_132 = arith.constant 1 : i32
          %mul3A_133 = arith.muli %scan3A_131, %mul3A_132 : i32
          %add3A_134 = arith.constant 0 : i32
          %add3A_135 = arith.addi %add3A_134, %mul3A_133 : i32
          "tpu.region"() ({
            %run_scoped3A = tpu.sem_alloc : memref<!tpu.dma_semaphore, #tpu.memory_space<semaphore_mem>>
            %dma_start3A = arith.constant 0 : i32
            %dma_start3A_136 = tpu.memref_slice %arg8[%add3A_135, %dma_start3A] : memref<80x128xi32, #tpu.memory_space<vmem>> -> memref<1x128xi32, #tpu.memory_space<vmem>>
            %dma_start3A_137 = tpu.memref_squeeze %dma_start3A_136 : memref<1x128xi32, #tpu.memory_space<vmem>> -> memref<128xi32, #tpu.memory_space<vmem>>
            %dma_start3A_138 = arith.constant 0 : i32
            %dma_start3A_139 = tpu.memref_slice %arg20[%dma_start3A_138] : memref<10240xf32, #tpu.memory_space<vmem_shared>> -> memref<10240xf32, #tpu.memory_space<vmem_shared>>
            tpu.enqueue_indirect_dma source(%arg19 : memref<128xf32, #tpu.memory_space<vmem>>) target(%dma_start3A_139 : memref<10240xf32, #tpu.memory_space<vmem_shared>>) offsets(%dma_start3A_137 : memref<128xi32, #tpu.memory_space<vmem>>) semaphore(%run_scoped3A : memref<!tpu.dma_semaphore, #tpu.memory_space<semaphore_mem>>) {add = true}
            %dma_wait3A_140 = arith.constant 0 : i32
            %dma_wait3A_141 = tpu.memref_slice %arg8[%add3A_135, %dma_wait3A_140] : memref<80x128xi32, #tpu.memory_space<vmem>> -> memref<1x128xi32, #tpu.memory_space<vmem>>
            %dma_wait3A_142 = tpu.memref_squeeze %dma_wait3A_141 : memref<1x128xi32, #tpu.memory_space<vmem>> -> memref<128xi32, #tpu.memory_space<vmem>>
            %dma_wait3A_143 = arith.constant 0 : i32
            %dma_wait3A_144 = tpu.memref_slice %arg20[%dma_wait3A_143] : memref<10240xf32, #tpu.memory_space<vmem_shared>> -> memref<10240xf32, #tpu.memory_space<vmem_shared>>
            tpu.wait_indirect_dma semaphore(%run_scoped3A : memref<!tpu.dma_semaphore, #tpu.memory_space<semaphore_mem>>) src(%arg19 : memref<128xf32, #tpu.memory_space<vmem>>) dst(%dma_wait3A_144 : memref<10240xf32, #tpu.memory_space<vmem_shared>>)
            tpu.yield
          }) : () -> ()
        }
        %scan3A_130 = arith.constant 80 : i32
      } else {
      }
    }
    %scan3A_30 = arith.constant 2 : i32
    %dma_wait3A = arith.constant 0 : i32
    %dma_wait3A_31 = arith.constant 0 : i32
    %dma_wait3A_32 = tpu.memref_slice %arg8[%dma_wait3A, %dma_wait3A_31] : memref<80x128xi32, #tpu.memory_space<vmem>> -> memref<1x128xi32, #tpu.memory_space<vmem>>
    %dma_wait3A_33 = tpu.memref_squeeze %dma_wait3A_32 : memref<1x128xi32, #tpu.memory_space<vmem>> -> memref<128xi32, #tpu.memory_space<vmem>>
    %dma_wait3A_34 = arith.constant 0 : i32
    %dma_wait3A_35 = arith.constant 0 : i32
    %dma_wait3A_36 = tpu.memref_slice %arg13[%dma_wait3A_34, %dma_wait3A_35] : memref<10240x64xf32, #tpu.memory_space<vmem_shared>> -> memref<10240x64xf32, #tpu.memory_space<vmem_shared>>
    tpu.wait_indirect_dma semaphore(%arg16 : memref<!tpu.dma_semaphore, #tpu.memory_space<semaphore_mem>>) src(%arg9 : memref<128x64xf32, #tpu.memory_space<vmem>>) dst(%dma_wait3A_36 : memref<10240x64xf32, #tpu.memory_space<vmem_shared>>)
    %dma_wait3A_37 = arith.constant 1 : i32
    %dma_wait3A_38 = arith.constant 0 : i32
    %dma_wait3A_39 = tpu.memref_slice %arg8[%dma_wait3A_37, %dma_wait3A_38] : memref<80x128xi32, #tpu.memory_space<vmem>> -> memref<1x128xi32, #tpu.memory_space<vmem>>
    %dma_wait3A_40 = tpu.memref_squeeze %dma_wait3A_39 : memref<1x128xi32, #tpu.memory_space<vmem>> -> memref<128xi32, #tpu.memory_space<vmem>>
    %dma_wait3A_41 = arith.constant 0 : i32
    %dma_wait3A_42 = arith.constant 0 : i32
    %dma_wait3A_43 = tpu.memref_slice %arg13[%dma_wait3A_41, %dma_wait3A_42] : memref<10240x64xf32, #tpu.memory_space<vmem_shared>> -> memref<10240x64xf32, #tpu.memory_space<vmem_shared>>
    tpu.wait_indirect_dma semaphore(%arg17 : memref<!tpu.dma_semaphore, #tpu.memory_space<semaphore_mem>>) src(%arg10 : memref<128x64xf32, #tpu.memory_space<vmem>>) dst(%dma_wait3A_43 : memref<10240x64xf32, #tpu.memory_space<vmem_shared>>)
    %barrier3A_44 = arith.constant 0 : index
    tpu.barrier barrier_id(%barrier3A_44)
    %mul3A_45 = arith.constant 640 : i32
    %mul3A_46 = arith.muli %arg1, %mul3A_45 : i32
    %mul3A_47 = arith.constant 10240 : i32
    %mul3A_48 = arith.muli %arg0, %mul3A_47 : i32
    %mul3A_49 = arith.constant 640 : i32
    %mul3A_50 = arith.muli %arg1, %mul3A_49 : i32
    %add3A_51 = arith.addi %mul3A_48, %mul3A_50 : i32
    "tpu.region"() ({
      %run_scoped3A = tpu.sem_alloc : memref<!tpu.dma_semaphore, #tpu.memory_space<semaphore_mem>>
      %dma_start3A = arith.constant 0 : i32
      %dma_start3A_97 = tpu.memref_slice %arg5[%add3A_51, %dma_start3A] : memref<20480x128xf32, #tpu.memory_space<hbm>> -> memref<640x64xf32, #tpu.memory_space<hbm>>
      %dma_start3A_98 = arith.constant 0 : i32
      %dma_start3A_99 = tpu.memref_slice %arg13[%mul3A_46, %dma_start3A_98] : memref<10240x64xf32, #tpu.memory_space<vmem_shared>> -> memref<640x64xf32, #tpu.memory_space<vmem_shared>>
      tpu.enqueue_dma source(%dma_start3A_99 : memref<640x64xf32, #tpu.memory_space<vmem_shared>>) target(%dma_start3A_97 : memref<640x64xf32, #tpu.memory_space<hbm>>) target_semaphore(%run_scoped3A : memref<!tpu.dma_semaphore, #tpu.memory_space<semaphore_mem>>)
      %dma_wait3A_100 = arith.constant 0 : i32
      %dma_wait3A_101 = tpu.memref_slice %arg5[%add3A_51, %dma_wait3A_100] : memref<20480x128xf32, #tpu.memory_space<hbm>> -> memref<640x64xf32, #tpu.memory_space<hbm>>
      %dma_wait3A_102 = arith.constant 0 : i32
      %dma_wait3A_103 = tpu.memref_slice %arg13[%mul3A_46, %dma_wait3A_102] : memref<10240x64xf32, #tpu.memory_space<vmem_shared>> -> memref<640x64xf32, #tpu.memory_space<vmem_shared>>
      tpu.wait_dma2 semaphore(%run_scoped3A : memref<!tpu.dma_semaphore, #tpu.memory_space<semaphore_mem>>) src(%dma_wait3A_103 : memref<640x64xf32, #tpu.memory_space<vmem_shared>>) dst(%dma_wait3A_101 : memref<640x64xf32, #tpu.memory_space<hbm>>)
      tpu.yield
    }) : () -> ()
    %scan3A_52 = arith.constant 0 : i32
    %scan3A_53 = arith.constant 20 : i32
    %scan3A_54 = arith.addi %scan3A_52, %scan3A_53 : i32
    %scan3A_55 = arith.constant 1 : i32
    scf.for %scan3A_97 = %scan3A_52 to %scan3A_54 step %scan3A_55  : i32 {
      %mul3A_98 = arith.constant 1 : i32
      %mul3A_99 = arith.muli %scan3A_97, %mul3A_98 : i32
      %add3A_100 = arith.constant 0 : i32
      %add3A_101 = arith.addi %add3A_100, %mul3A_99 : i32
      %mul3A_102 = arith.constant 640 : i32
      %mul3A_103 = arith.muli %arg1, %mul3A_102 : i32
      %mul3A_104 = arith.constant 32 : i32
      %mul3A_105 = arith.muli %add3A_101, %mul3A_104 : i32
      %add3A_106 = arith.addi %mul3A_103, %mul3A_105 : i32
      "tpu.region"() ({
        %run_scoped3A = tpu.sem_alloc : memref<!tpu.dma_semaphore, #tpu.memory_space<semaphore_mem>>
        %dma_start3A = arith.constant 0 : i32
        %dma_start3A_107 = tpu.memref_slice %arg13[%add3A_106, %dma_start3A] : memref<10240x64xf32, #tpu.memory_space<vmem_shared>> -> memref<32x64xf32, #tpu.memory_space<vmem_shared>>
        %dma_start3A_108 = arith.constant 0 : i32
        %dma_start3A_109 = tpu.memref_slice %arg13[%add3A_106, %dma_start3A_108] : memref<10240x64xf32, #tpu.memory_space<vmem_shared>> -> memref<32x64xf32, #tpu.memory_space<vmem_shared>>
        tpu.enqueue_dma source(%arg11 : memref<32x64xf32, #tpu.memory_space<vmem>>) target(%dma_start3A_109 : memref<32x64xf32, #tpu.memory_space<vmem_shared>>) target_semaphore(%run_scoped3A : memref<!tpu.dma_semaphore, #tpu.memory_space<semaphore_mem>>)
        %dma_wait3A_110 = arith.constant 0 : i32
        %dma_wait3A_111 = tpu.memref_slice %arg13[%add3A_106, %dma_wait3A_110] : memref<10240x64xf32, #tpu.memory_space<vmem_shared>> -> memref<32x64xf32, #tpu.memory_space<vmem_shared>>
        %dma_wait3A_112 = arith.constant 0 : i32
        %dma_wait3A_113 = tpu.memref_slice %arg13[%add3A_106, %dma_wait3A_112] : memref<10240x64xf32, #tpu.memory_space<vmem_shared>> -> memref<32x64xf32, #tpu.memory_space<vmem_shared>>
        tpu.wait_dma2 semaphore(%run_scoped3A : memref<!tpu.dma_semaphore, #tpu.memory_space<semaphore_mem>>) src(%arg11 : memref<32x64xf32, #tpu.memory_space<vmem>>) dst(%dma_wait3A_113 : memref<32x64xf32, #tpu.memory_space<vmem_shared>>)
        tpu.yield
      }) : () -> ()
    }
    %scan3A_56 = arith.constant 20 : i32
    %mul3A_57 = arith.constant 10240 : i32
    %mul3A_58 = arith.muli %arg0, %mul3A_57 : i32
    %mul3A_59 = arith.constant 640 : i32
    %mul3A_60 = arith.muli %arg1, %mul3A_59 : i32
    %add3A_61 = arith.addi %mul3A_58, %mul3A_60 : i32
    %mul3A_62 = arith.constant 640 : i32
    %mul3A_63 = arith.muli %arg1, %mul3A_62 : i32
    "tpu.region"() ({
      %run_scoped3A = tpu.sem_alloc : memref<!tpu.dma_semaphore, #tpu.memory_space<semaphore_mem>>
      %dma_start3A = arith.constant 0 : i32
      %dma_start3A_97 = tpu.memref_slice %arg12[%mul3A_63, %dma_start3A] : memref<10240x64xf32, #tpu.memory_space<vmem_shared>> -> memref<640x64xf32, #tpu.memory_space<vmem_shared>>
      %dma_start3A_98 = arith.constant 64 : i32
      %dma_start3A_99 = tpu.memref_slice %arg2[%add3A_61, %dma_start3A_98] : memref<20480x128xf32, #tpu.memory_space<hbm>> -> memref<640x64xf32, #tpu.memory_space<hbm>>
      tpu.enqueue_dma source(%dma_start3A_99 : memref<640x64xf32, #tpu.memory_space<hbm>>) target(%dma_start3A_97 : memref<640x64xf32, #tpu.memory_space<vmem_shared>>) target_semaphore(%run_scoped3A : memref<!tpu.dma_semaphore, #tpu.memory_space<semaphore_mem>>)
      %dma_wait3A_100 = arith.constant 0 : i32
      %dma_wait3A_101 = tpu.memref_slice %arg12[%mul3A_63, %dma_wait3A_100] : memref<10240x64xf32, #tpu.memory_space<vmem_shared>> -> memref<640x64xf32, #tpu.memory_space<vmem_shared>>
      %dma_wait3A_102 = arith.constant 64 : i32
      %dma_wait3A_103 = tpu.memref_slice %arg2[%add3A_61, %dma_wait3A_102] : memref<20480x128xf32, #tpu.memory_space<hbm>> -> memref<640x64xf32, #tpu.memory_space<hbm>>
      tpu.wait_dma2 semaphore(%run_scoped3A : memref<!tpu.dma_semaphore, #tpu.memory_space<semaphore_mem>>) src(%dma_wait3A_103 : memref<640x64xf32, #tpu.memory_space<hbm>>) dst(%dma_wait3A_101 : memref<640x64xf32, #tpu.memory_space<vmem_shared>>)
      tpu.yield
    }) : () -> ()
    %barrier3A_64 = arith.constant 0 : index
    tpu.barrier barrier_id(%barrier3A_64)
    %scan3A_65 = arith.constant 0 : i32
    %scan3A_66 = arith.constant 2 : i32
    %scan3A_67 = arith.addi %scan3A_65, %scan3A_66 : i32
    %scan3A_68 = arith.constant 1 : i32
    scf.for %scan3A_97 = %scan3A_65 to %scan3A_67 step %scan3A_68  : i32 {
      %mul3A_98 = arith.constant 1 : i32
      %mul3A_99 = arith.muli %scan3A_97, %mul3A_98 : i32
      %add3A_100 = arith.constant 0 : i32
      %add3A_101 = arith.addi %add3A_100, %mul3A_99 : i32
      %gt3A = arith.constant 0 : i32
      %gt3A_102 = arith.cmpi sgt, %add3A_101, %gt3A : i32
      %convert_element_type3A_103 = arith.extui %gt3A_102 : i1 to i32
      %cond3A_104 = arith.constant 0 : i32
      %cond3A_105 = arith.cmpi ne, %convert_element_type3A_103, %cond3A_104 : i32
      scf.if %cond3A_105 {
        %dma_wait3A_121 = arith.constant 0 : i32
        %dma_wait3A_122 = arith.constant 0 : i32
        %dma_wait3A_123 = tpu.memref_slice %arg8[%dma_wait3A_121, %dma_wait3A_122] : memref<80x128xi32, #tpu.memory_space<vmem>> -> memref<1x128xi32, #tpu.memory_space<vmem>>
        %dma_wait3A_124 = tpu.memref_squeeze %dma_wait3A_123 : memref<1x128xi32, #tpu.memory_space<vmem>> -> memref<128xi32, #tpu.memory_space<vmem>>
        %dma_wait3A_125 = arith.constant 0 : i32
        %dma_wait3A_126 = arith.constant 0 : i32
        %dma_wait3A_127 = tpu.memref_slice %arg13[%dma_wait3A_125, %dma_wait3A_126] : memref<10240x64xf32, #tpu.memory_space<vmem_shared>> -> memref<10240x64xf32, #tpu.memory_space<vmem_shared>>
        tpu.wait_indirect_dma semaphore(%arg16 : memref<!tpu.dma_semaphore, #tpu.memory_space<semaphore_mem>>) src(%arg9 : memref<128x64xf32, #tpu.memory_space<vmem>>) dst(%dma_wait3A_127 : memref<10240x64xf32, #tpu.memory_space<vmem_shared>>)
        %dma_wait3A_128 = arith.constant 1 : i32
        %dma_wait3A_129 = arith.constant 0 : i32
        %dma_wait3A_130 = tpu.memref_slice %arg8[%dma_wait3A_128, %dma_wait3A_129] : memref<80x128xi32, #tpu.memory_space<vmem>> -> memref<1x128xi32, #tpu.memory_space<vmem>>
        %dma_wait3A_131 = tpu.memref_squeeze %dma_wait3A_130 : memref<1x128xi32, #tpu.memory_space<vmem>> -> memref<128xi32, #tpu.memory_space<vmem>>
        %dma_wait3A_132 = arith.constant 0 : i32
        %dma_wait3A_133 = arith.constant 0 : i32
        %dma_wait3A_134 = tpu.memref_slice %arg13[%dma_wait3A_132, %dma_wait3A_133] : memref<10240x64xf32, #tpu.memory_space<vmem_shared>> -> memref<10240x64xf32, #tpu.memory_space<vmem_shared>>
        tpu.wait_indirect_dma semaphore(%arg17 : memref<!tpu.dma_semaphore, #tpu.memory_space<semaphore_mem>>) src(%arg10 : memref<128x64xf32, #tpu.memory_space<vmem>>) dst(%dma_wait3A_134 : memref<10240x64xf32, #tpu.memory_space<vmem_shared>>)
      } else {
      }
      %mul3A_106 = arith.constant 160 : i32
      %mul3A_107 = arith.muli %arg1, %mul3A_106 : i32
      %mul3A_108 = arith.constant 80 : i32
      %mul3A_109 = arith.muli %add3A_101, %mul3A_108 : i32
      %add3A_110 = arith.addi %mul3A_107, %mul3A_109 : i32
      "tpu.region"() ({
        %run_scoped3A = tpu.sem_alloc : memref<!tpu.dma_semaphore, #tpu.memory_space<semaphore_mem>>
        %dma_start3A = arith.constant 0 : i32
        %dma_start3A_121 = tpu.memref_slice %arg3[%add3A_110, %dma_start3A] : memref<2560x128xi32, #tpu.memory_space<hbm>> -> memref<80x128xi32, #tpu.memory_space<hbm>>
        %dma_start3A_122 = arith.constant 0 : i32
        %dma_start3A_123 = tpu.memref_slice %arg3[%add3A_110, %dma_start3A_122] : memref<2560x128xi32, #tpu.memory_space<hbm>> -> memref<80x128xi32, #tpu.memory_space<hbm>>
        tpu.enqueue_dma source(%dma_start3A_123 : memref<80x128xi32, #tpu.memory_space<hbm>>) target(%arg7 : memref<80x128xi32, #tpu.memory_space<vmem>>) target_semaphore(%run_scoped3A : memref<!tpu.dma_semaphore, #tpu.memory_space<semaphore_mem>>)
        %dma_wait3A_124 = arith.constant 0 : i32
        %dma_wait3A_125 = tpu.memref_slice %arg3[%add3A_110, %dma_wait3A_124] : memref<2560x128xi32, #tpu.memory_space<hbm>> -> memref<80x128xi32, #tpu.memory_space<hbm>>
        %dma_wait3A_126 = arith.constant 0 : i32
        %dma_wait3A_127 = tpu.memref_slice %arg3[%add3A_110, %dma_wait3A_126] : memref<2560x128xi32, #tpu.memory_space<hbm>> -> memref<80x128xi32, #tpu.memory_space<hbm>>
        tpu.wait_dma2 semaphore(%run_scoped3A : memref<!tpu.dma_semaphore, #tpu.memory_space<semaphore_mem>>) src(%dma_wait3A_127 : memref<80x128xi32, #tpu.memory_space<hbm>>) dst(%arg7 : memref<80x128xi32, #tpu.memory_space<vmem>>)
        tpu.yield
      }) : () -> ()
      %mul3A_111 = arith.constant 160 : i32
      %mul3A_112 = arith.muli %arg1, %mul3A_111 : i32
      %mul3A_113 = arith.constant 80 : i32
      %mul3A_114 = arith.muli %add3A_101, %mul3A_113 : i32
      %add3A_115 = arith.addi %mul3A_112, %mul3A_114 : i32
      "tpu.region"() ({
        %run_scoped3A = tpu.sem_alloc : memref<!tpu.dma_semaphore, #tpu.memory_space<semaphore_mem>>
        %dma_start3A = arith.constant 0 : i32
        %dma_start3A_121 = tpu.memref_slice %arg4[%add3A_115, %dma_start3A] : memref<2560x128xi32, #tpu.memory_space<hbm>> -> memref<80x128xi32, #tpu.memory_space<hbm>>
        %dma_start3A_122 = arith.constant 0 : i32
        %dma_start3A_123 = tpu.memref_slice %arg4[%add3A_115, %dma_start3A_122] : memref<2560x128xi32, #tpu.memory_space<hbm>> -> memref<80x128xi32, #tpu.memory_space<hbm>>
        tpu.enqueue_dma source(%dma_start3A_123 : memref<80x128xi32, #tpu.memory_space<hbm>>) target(%arg8 : memref<80x128xi32, #tpu.memory_space<vmem>>) target_semaphore(%run_scoped3A : memref<!tpu.dma_semaphore, #tpu.memory_space<semaphore_mem>>)
        %dma_wait3A_124 = arith.constant 0 : i32
        %dma_wait3A_125 = tpu.memref_slice %arg4[%add3A_115, %dma_wait3A_124] : memref<2560x128xi32, #tpu.memory_space<hbm>> -> memref<80x128xi32, #tpu.memory_space<hbm>>
        %dma_wait3A_126 = arith.constant 0 : i32
        %dma_wait3A_127 = tpu.memref_slice %arg4[%add3A_115, %dma_wait3A_126] : memref<2560x128xi32, #tpu.memory_space<hbm>> -> memref<80x128xi32, #tpu.memory_space<hbm>>
        tpu.wait_dma2 semaphore(%run_scoped3A : memref<!tpu.dma_semaphore, #tpu.memory_space<semaphore_mem>>) src(%dma_wait3A_127 : memref<80x128xi32, #tpu.memory_space<hbm>>) dst(%arg8 : memref<80x128xi32, #tpu.memory_space<vmem>>)
        tpu.yield
      }) : () -> ()
      %scan3A_116 = arith.constant 0 : i32
      %scan3A_117 = arith.constant 40 : i32
      %scan3A_118 = arith.addi %scan3A_116, %scan3A_117 : i32
      %scan3A_119 = arith.constant 1 : i32
      scf.for %scan3A_121 = %scan3A_116 to %scan3A_118 step %scan3A_119  : i32 {
        %mul3A_122 = arith.constant 1 : i32
        %mul3A_123 = arith.muli %scan3A_121, %mul3A_122 : i32
        %add3A_124 = arith.constant 0 : i32
        %add3A_125 = arith.addi %add3A_124, %mul3A_123 : i32
        %mul3A_126 = arith.constant 2 : i32
        %mul3A_127 = arith.muli %mul3A_126, %add3A_125 : i32
        %mul3A_128 = arith.constant 2 : i32
        %mul3A_129 = arith.muli %mul3A_128, %add3A_125 : i32
        %add3A_130 = arith.constant 1 : i32
        %add3A_131 = arith.addi %mul3A_129, %add3A_130 : i32
        %gt3A_132 = arith.constant 0 : i32
        %gt3A_133 = arith.cmpi sgt, %add3A_125, %gt3A_132 : i32
        %convert_element_type3A_134 = arith.extui %gt3A_133 : i1 to i32
        %cond3A_135 = arith.constant 0 : i32
        %cond3A_136 = arith.cmpi ne, %convert_element_type3A_134, %cond3A_135 : i32
        scf.if %cond3A_136 {
          %dma_wait3A_172 = arith.constant 0 : i32
          %dma_wait3A_173 = tpu.memref_slice %arg8[%mul3A_127, %dma_wait3A_172] : memref<80x128xi32, #tpu.memory_space<vmem>> -> memref<1x128xi32, #tpu.memory_space<vmem>>
          %dma_wait3A_174 = tpu.memref_squeeze %dma_wait3A_173 : memref<1x128xi32, #tpu.memory_space<vmem>> -> memref<128xi32, #tpu.memory_space<vmem>>
          %dma_wait3A_175 = arith.constant 0 : i32
          %dma_wait3A_176 = arith.constant 0 : i32
          %dma_wait3A_177 = tpu.memref_slice %arg13[%dma_wait3A_175, %dma_wait3A_176] : memref<10240x64xf32, #tpu.memory_space<vmem_shared>> -> memref<10240x64xf32, #tpu.memory_space<vmem_shared>>
          tpu.wait_indirect_dma semaphore(%arg16 : memref<!tpu.dma_semaphore, #tpu.memory_space<semaphore_mem>>) src(%arg9 : memref<128x64xf32, #tpu.memory_space<vmem>>) dst(%dma_wait3A_177 : memref<10240x64xf32, #tpu.memory_space<vmem_shared>>)
          %dma_wait3A_178 = arith.constant 0 : i32
          %dma_wait3A_179 = tpu.memref_slice %arg8[%add3A_131, %dma_wait3A_178] : memref<80x128xi32, #tpu.memory_space<vmem>> -> memref<1x128xi32, #tpu.memory_space<vmem>>
          %dma_wait3A_180 = tpu.memref_squeeze %dma_wait3A_179 : memref<1x128xi32, #tpu.memory_space<vmem>> -> memref<128xi32, #tpu.memory_space<vmem>>
          %dma_wait3A_181 = arith.constant 0 : i32
          %dma_wait3A_182 = arith.constant 0 : i32
          %dma_wait3A_183 = tpu.memref_slice %arg13[%dma_wait3A_181, %dma_wait3A_182] : memref<10240x64xf32, #tpu.memory_space<vmem_shared>> -> memref<10240x64xf32, #tpu.memory_space<vmem_shared>>
          tpu.wait_indirect_dma semaphore(%arg17 : memref<!tpu.dma_semaphore, #tpu.memory_space<semaphore_mem>>) src(%arg10 : memref<128x64xf32, #tpu.memory_space<vmem>>) dst(%dma_wait3A_183 : memref<10240x64xf32, #tpu.memory_space<vmem_shared>>)
        } else {
        }
        %dma_start3A = arith.constant 0 : i32
        %dma_start3A_137 = tpu.memref_slice %arg7[%mul3A_127, %dma_start3A] : memref<80x128xi32, #tpu.memory_space<vmem>> -> memref<1x128xi32, #tpu.memory_space<vmem>>
        %dma_start3A_138 = tpu.memref_squeeze %dma_start3A_137 : memref<1x128xi32, #tpu.memory_space<vmem>> -> memref<128xi32, #tpu.memory_space<vmem>>
        %dma_start3A_139 = arith.constant 0 : i32
        %dma_start3A_140 = arith.constant 0 : i32
        %dma_start3A_141 = tpu.memref_slice %arg12[%dma_start3A_139, %dma_start3A_140] : memref<10240x64xf32, #tpu.memory_space<vmem_shared>> -> memref<10240x64xf32, #tpu.memory_space<vmem_shared>>
        tpu.enqueue_indirect_dma source(%dma_start3A_141 : memref<10240x64xf32, #tpu.memory_space<vmem_shared>>) target(%arg9 : memref<128x64xf32, #tpu.memory_space<vmem>>) offsets(%dma_start3A_138 : memref<128xi32, #tpu.memory_space<vmem>>) semaphore(%arg14 : memref<!tpu.dma_semaphore, #tpu.memory_space<semaphore_mem>>)
        %dma_start3A_142 = arith.constant 0 : i32
        %dma_start3A_143 = tpu.memref_slice %arg7[%add3A_131, %dma_start3A_142] : memref<80x128xi32, #tpu.memory_space<vmem>> -> memref<1x128xi32, #tpu.memory_space<vmem>>
        %dma_start3A_144 = tpu.memref_squeeze %dma_start3A_143 : memref<1x128xi32, #tpu.memory_space<vmem>> -> memref<128xi32, #tpu.memory_space<vmem>>
        %dma_start3A_145 = arith.constant 0 : i32
        %dma_start3A_146 = arith.constant 0 : i32
        %dma_start3A_147 = tpu.memref_slice %arg12[%dma_start3A_145, %dma_start3A_146] : memref<10240x64xf32, #tpu.memory_space<vmem_shared>> -> memref<10240x64xf32, #tpu.memory_space<vmem_shared>>
        tpu.enqueue_indirect_dma source(%dma_start3A_147 : memref<10240x64xf32, #tpu.memory_space<vmem_shared>>) target(%arg10 : memref<128x64xf32, #tpu.memory_space<vmem>>) offsets(%dma_start3A_144 : memref<128xi32, #tpu.memory_space<vmem>>) semaphore(%arg15 : memref<!tpu.dma_semaphore, #tpu.memory_space<semaphore_mem>>)
        %dma_wait3A_148 = arith.constant 0 : i32
        %dma_wait3A_149 = tpu.memref_slice %arg7[%mul3A_127, %dma_wait3A_148] : memref<80x128xi32, #tpu.memory_space<vmem>> -> memref<1x128xi32, #tpu.memory_space<vmem>>
        %dma_wait3A_150 = tpu.memref_squeeze %dma_wait3A_149 : memref<1x128xi32, #tpu.memory_space<vmem>> -> memref<128xi32, #tpu.memory_space<vmem>>
        %dma_wait3A_151 = arith.constant 0 : i32
        %dma_wait3A_152 = arith.constant 0 : i32
        %dma_wait3A_153 = tpu.memref_slice %arg12[%dma_wait3A_151, %dma_wait3A_152] : memref<10240x64xf32, #tpu.memory_space<vmem_shared>> -> memref<10240x64xf32, #tpu.memory_space<vmem_shared>>
        tpu.wait_indirect_dma semaphore(%arg14 : memref<!tpu.dma_semaphore, #tpu.memory_space<semaphore_mem>>) src(%dma_wait3A_153 : memref<10240x64xf32, #tpu.memory_space<vmem_shared>>) dst(%arg9 : memref<128x64xf32, #tpu.memory_space<vmem>>)
        %dma_start3A_154 = arith.constant 0 : i32
        %dma_start3A_155 = tpu.memref_slice %arg8[%mul3A_127, %dma_start3A_154] : memref<80x128xi32, #tpu.memory_space<vmem>> -> memref<1x128xi32, #tpu.memory_space<vmem>>
        %dma_start3A_156 = tpu.memref_squeeze %dma_start3A_155 : memref<1x128xi32, #tpu.memory_space<vmem>> -> memref<128xi32, #tpu.memory_space<vmem>>
        %dma_start3A_157 = arith.constant 0 : i32
        %dma_start3A_158 = arith.constant 0 : i32
        %dma_start3A_159 = tpu.memref_slice %arg13[%dma_start3A_157, %dma_start3A_158] : memref<10240x64xf32, #tpu.memory_space<vmem_shared>> -> memref<10240x64xf32, #tpu.memory_space<vmem_shared>>
        tpu.enqueue_indirect_dma source(%arg9 : memref<128x64xf32, #tpu.memory_space<vmem>>) target(%dma_start3A_159 : memref<10240x64xf32, #tpu.memory_space<vmem_shared>>) offsets(%dma_start3A_156 : memref<128xi32, #tpu.memory_space<vmem>>) semaphore(%arg16 : memref<!tpu.dma_semaphore, #tpu.memory_space<semaphore_mem>>) {add = true}
        %dma_wait3A_160 = arith.constant 0 : i32
        %dma_wait3A_161 = tpu.memref_slice %arg7[%add3A_131, %dma_wait3A_160] : memref<80x128xi32, #tpu.memory_space<vmem>> -> memref<1x128xi32, #tpu.memory_space<vmem>>
        %dma_wait3A_162 = tpu.memref_squeeze %dma_wait3A_161 : memref<1x128xi32, #tpu.memory_space<vmem>> -> memref<128xi32, #tpu.memory_space<vmem>>
        %dma_wait3A_163 = arith.constant 0 : i32
        %dma_wait3A_164 = arith.constant 0 : i32
        %dma_wait3A_165 = tpu.memref_slice %arg12[%dma_wait3A_163, %dma_wait3A_164] : memref<10240x64xf32, #tpu.memory_space<vmem_shared>> -> memref<10240x64xf32, #tpu.memory_space<vmem_shared>>
        tpu.wait_indirect_dma semaphore(%arg15 : memref<!tpu.dma_semaphore, #tpu.memory_space<semaphore_mem>>) src(%dma_wait3A_165 : memref<10240x64xf32, #tpu.memory_space<vmem_shared>>) dst(%arg10 : memref<128x64xf32, #tpu.memory_space<vmem>>)
        %dma_start3A_166 = arith.constant 0 : i32
        %dma_start3A_167 = tpu.memref_slice %arg8[%add3A_131, %dma_start3A_166] : memref<80x128xi32, #tpu.memory_space<vmem>> -> memref<1x128xi32, #tpu.memory_space<vmem>>
        %dma_start3A_168 = tpu.memref_squeeze %dma_start3A_167 : memref<1x128xi32, #tpu.memory_space<vmem>> -> memref<128xi32, #tpu.memory_space<vmem>>
        %dma_start3A_169 = arith.constant 0 : i32
        %dma_start3A_170 = arith.constant 0 : i32
        %dma_start3A_171 = tpu.memref_slice %arg13[%dma_start3A_169, %dma_start3A_170] : memref<10240x64xf32, #tpu.memory_space<vmem_shared>> -> memref<10240x64xf32, #tpu.memory_space<vmem_shared>>
        tpu.enqueue_indirect_dma source(%arg10 : memref<128x64xf32, #tpu.memory_space<vmem>>) target(%dma_start3A_171 : memref<10240x64xf32, #tpu.memory_space<vmem_shared>>) offsets(%dma_start3A_168 : memref<128xi32, #tpu.memory_space<vmem>>) semaphore(%arg17 : memref<!tpu.dma_semaphore, #tpu.memory_space<semaphore_mem>>) {add = true}
      }
      %scan3A_120 = arith.constant 40 : i32
    }
    %scan3A_69 = arith.constant 2 : i32
    %dma_wait3A_70 = arith.constant 0 : i32
    %dma_wait3A_71 = arith.constant 0 : i32
    %dma_wait3A_72 = tpu.memref_slice %arg8[%dma_wait3A_70, %dma_wait3A_71] : memref<80x128xi32, #tpu.memory_space<vmem>> -> memref<1x128xi32, #tpu.memory_space<vmem>>
    %dma_wait3A_73 = tpu.memref_squeeze %dma_wait3A_72 : memref<1x128xi32, #tpu.memory_space<vmem>> -> memref<128xi32, #tpu.memory_space<vmem>>
    %dma_wait3A_74 = arith.constant 0 : i32
    %dma_wait3A_75 = arith.constant 0 : i32
    %dma_wait3A_76 = tpu.memref_slice %arg13[%dma_wait3A_74, %dma_wait3A_75] : memref<10240x64xf32, #tpu.memory_space<vmem_shared>> -> memref<10240x64xf32, #tpu.memory_space<vmem_shared>>
    tpu.wait_indirect_dma semaphore(%arg16 : memref<!tpu.dma_semaphore, #tpu.memory_space<semaphore_mem>>) src(%arg9 : memref<128x64xf32, #tpu.memory_space<vmem>>) dst(%dma_wait3A_76 : memref<10240x64xf32, #tpu.memory_space<vmem_shared>>)
    %dma_wait3A_77 = arith.constant 1 : i32
    %dma_wait3A_78 = arith.constant 0 : i32
    %dma_wait3A_79 = tpu.memref_slice %arg8[%dma_wait3A_77, %dma_wait3A_78] : memref<80x128xi32, #tpu.memory_space<vmem>> -> memref<1x128xi32, #tpu.memory_space<vmem>>
    %dma_wait3A_80 = tpu.memref_squeeze %dma_wait3A_79 : memref<1x128xi32, #tpu.memory_space<vmem>> -> memref<128xi32, #tpu.memory_space<vmem>>
    %dma_wait3A_81 = arith.constant 0 : i32
    %dma_wait3A_82 = arith.constant 0 : i32
    %dma_wait3A_83 = tpu.memref_slice %arg13[%dma_wait3A_81, %dma_wait3A_82] : memref<10240x64xf32, #tpu.memory_space<vmem_shared>> -> memref<10240x64xf32, #tpu.memory_space<vmem_shared>>
    tpu.wait_indirect_dma semaphore(%arg17 : memref<!tpu.dma_semaphore, #tpu.memory_space<semaphore_mem>>) src(%arg10 : memref<128x64xf32, #tpu.memory_space<vmem>>) dst(%dma_wait3A_83 : memref<10240x64xf32, #tpu.memory_space<vmem_shared>>)
    %barrier3A_84 = arith.constant 0 : index
    tpu.barrier barrier_id(%barrier3A_84)
    %mul3A_85 = arith.constant 640 : i32
    %mul3A_86 = arith.muli %arg1, %mul3A_85 : i32
    %mul3A_87 = arith.constant 10240 : i32
    %mul3A_88 = arith.muli %arg0, %mul3A_87 : i32
    %mul3A_89 = arith.constant 640 : i32
    %mul3A_90 = arith.muli %arg1, %mul3A_89 : i32
    %add3A_91 = arith.addi %mul3A_88, %mul3A_90 : i32
    "tpu.region"() ({
      %run_scoped3A = tpu.sem_alloc : memref<!tpu.dma_semaphore, #tpu.memory_space<semaphore_mem>>
      %dma_start3A = arith.constant 64 : i32
      %dma_start3A_97 = tpu.memref_slice %arg5[%add3A_91, %dma_start3A] : memref<20480x128xf32, #tpu.memory_space<hbm>> -> memref<640x64xf32, #tpu.memory_space<hbm>>
      %dma_start3A_98 = arith.constant 0 : i32
      %dma_start3A_99 = tpu.memref_slice %arg13[%mul3A_86, %dma_start3A_98] : memref<10240x64xf32, #tpu.memory_space<vmem_shared>> -> memref<640x64xf32, #tpu.memory_space<vmem_shared>>
      tpu.enqueue_dma source(%dma_start3A_99 : memref<640x64xf32, #tpu.memory_space<vmem_shared>>) target(%dma_start3A_97 : memref<640x64xf32, #tpu.memory_space<hbm>>) target_semaphore(%run_scoped3A : memref<!tpu.dma_semaphore, #tpu.memory_space<semaphore_mem>>)
      %dma_wait3A_100 = arith.constant 64 : i32
      %dma_wait3A_101 = tpu.memref_slice %arg5[%add3A_91, %dma_wait3A_100] : memref<20480x128xf32, #tpu.memory_space<hbm>> -> memref<640x64xf32, #tpu.memory_space<hbm>>
      %dma_wait3A_102 = arith.constant 0 : i32
      %dma_wait3A_103 = tpu.memref_slice %arg13[%mul3A_86, %dma_wait3A_102] : memref<10240x64xf32, #tpu.memory_space<vmem_shared>> -> memref<640x64xf32, #tpu.memory_space<vmem_shared>>
      tpu.wait_dma2 semaphore(%run_scoped3A : memref<!tpu.dma_semaphore, #tpu.memory_space<semaphore_mem>>) src(%dma_wait3A_103 : memref<640x64xf32, #tpu.memory_space<vmem_shared>>) dst(%dma_wait3A_101 : memref<640x64xf32, #tpu.memory_space<hbm>>)
      tpu.yield
    }) : () -> ()
    %eq3A_92 = arith.constant 0 : i32
    %eq3A_93 = arith.cmpi eq, %arg0, %eq3A_92 : i32
    %convert_element_type3A_94 = arith.extui %eq3A_93 : i1 to i32
    %cond3A_95 = arith.constant 0 : i32
    %cond3A_96 = arith.cmpi ne, %convert_element_type3A_94, %cond3A_95 : i32
    scf.if %cond3A_96 {
      %mul3A_97 = arith.constant 640 : i32
      %mul3A_98 = arith.muli %arg1, %mul3A_97 : i32
      %mul3A_99 = arith.constant 640 : i32
      %mul3A_100 = arith.muli %arg1, %mul3A_99 : i32
      "tpu.region"() ({
        %run_scoped3A = tpu.sem_alloc : memref<!tpu.dma_semaphore, #tpu.memory_space<semaphore_mem>>
        %dma_start3A = tpu.memref_slice %arg6[%mul3A_100] : memref<10240xf32, #tpu.memory_space<hbm>> -> memref<640xf32, #tpu.memory_space<hbm>>
        %dma_start3A_101 = tpu.memref_slice %arg20[%mul3A_98] : memref<10240xf32, #tpu.memory_space<vmem_shared>> -> memref<640xf32, #tpu.memory_space<vmem_shared>>
        tpu.enqueue_dma source(%dma_start3A_101 : memref<640xf32, #tpu.memory_space<vmem_shared>>) target(%dma_start3A : memref<640xf32, #tpu.memory_space<hbm>>) target_semaphore(%run_scoped3A : memref<!tpu.dma_semaphore, #tpu.memory_space<semaphore_mem>>)
        %dma_wait3A_102 = tpu.memref_slice %arg6[%mul3A_100] : memref<10240xf32, #tpu.memory_space<hbm>> -> memref<640xf32, #tpu.memory_space<hbm>>
        %dma_wait3A_103 = tpu.memref_slice %arg20[%mul3A_98] : memref<10240xf32, #tpu.memory_space<vmem_shared>> -> memref<640xf32, #tpu.memory_space<vmem_shared>>
        tpu.wait_dma2 semaphore(%run_scoped3A : memref<!tpu.dma_semaphore, #tpu.memory_space<semaphore_mem>>) src(%dma_wait3A_103 : memref<640xf32, #tpu.memory_space<vmem_shared>>) dst(%dma_wait3A_102 : memref<640xf32, #tpu.memory_space<hbm>>)
        tpu.yield
      }) : () -> ()
    } else {
    }
    return
  }
}

module attributes {stable_mosaic.version = 14 : i64} {
  func.func @_mm_body(%arg0: i32, %arg1: memref<512x128xf32, #tpu.memory_space<vmem>>, %arg2: memref<1x128x128xf32, #tpu.memory_space<vmem>>, %arg3: memref<1x1x128xf32, #tpu.memory_space<vmem>>, %arg4: memref<512x128xf32, #tpu.memory_space<vmem>>) attributes {dimension_semantics = [#tpu.dimension_semantics<arbitrary>], iteration_bounds = array<i64: 40>, scalar_prefetch = 0 : i64, scratch_operands = 0 : i64, tpu.core_type = #tpu.core_type<tc>, window_params = [{transform_indices = @transform_0, window_bounds = array<i64: 512, 128>}, {transform_indices = @transform_1, window_bounds = array<i64: 1, 128, 128>}, {transform_indices = @transform_2, window_bounds = array<i64: 1, 1, 128>}, {transform_indices = @transform_3, window_bounds = array<i64: 512, 128>}]} {
    %get3A = arith.constant 0 : index
    %get3A_0 = arith.constant 0 : index
    %get3A_1 = vector.load %arg1[%get3A, %get3A_0] : memref<512x128xf32, #tpu.memory_space<vmem>>, vector<512x128xf32>
    %get3A_2 = arith.constant 0 : index
    %get3A_3 = arith.constant 0 : index
    %get3A_4 = arith.constant 0 : index
    %get3A_5 = vector.load %arg2[%get3A_2, %get3A_3, %get3A_4] : memref<1x128x128xf32, #tpu.memory_space<vmem>>, vector<1x128x128xf32>
    %get3A_6 = vector.shape_cast %get3A_5 : vector<1x128x128xf32> to vector<128x128xf32>
    %dot_general3A = arith.constant dense<0.000000e+00> : vector<512x128xf32>
    %dot_general3A_7 = tpu.matmul %get3A_1, %get3A_6, %dot_general3A {dimension_numbers = #tpu.dot_dimension_numbers<[1], [0], [0], [1], [0, 0, 1, 1], [], []>, precision = #tpu.contract_precision<fp32>, transpose_lhs_hint = false} : vector<512x128xf32>, vector<128x128xf32>, vector<512x128xf32> -> vector<512x128xf32>
    %get3A_8 = arith.constant 0 : index
    %get3A_9 = arith.constant 0 : index
    %get3A_10 = arith.constant 0 : index
    %get3A_11 = vector.load %arg3[%get3A_8, %get3A_9, %get3A_10] : memref<1x1x128xf32, #tpu.memory_space<vmem>>, vector<1x1x128xf32>
    %get3A_12 = vector.shape_cast %get3A_11 : vector<1x1x128xf32> to vector<128xf32>
    %broadcast_in_dim3A = vector.shape_cast %get3A_12 : vector<128xf32> to vector<1x128xf32>
    %add3A = vector.broadcast %broadcast_in_dim3A : vector<1x128xf32> to vector<512x128xf32>
    %add3A_13 = arith.addf %dot_general3A_7, %add3A : vector<512x128xf32>
    %swap3A = arith.constant 0 : index
    %swap3A_14 = arith.constant 0 : index
    %swap3A_15 = vector.load %arg4[%swap3A, %swap3A_14] : memref<512x128xf32, #tpu.memory_space<vmem>>, vector<512x128xf32>
    tpu.vector_store %arg4[%swap3A, %swap3A_14], %add3A_13 {strides = array<i32>} : memref<512x128xf32, #tpu.memory_space<vmem>>, vector<512x128xf32>,
    return
  }
  func.func @transform_0(%arg0: i32) -> (i32, i32) {
    %c0_i32 = arith.constant 0 : i32
    %c0_i32_0 = arith.constant 0 : i32
    return %arg0, %c0_i32 : i32, i32
  }
  func.func @transform_1(%arg0: i32) -> (i32, i32, i32) {
    %jit3A = arith.constant 20 : i32
    %div3A = arith.divsi %arg0, %jit3A : i32
    %sign3A = arith.constant 0 : i32
    %sign3A_0 = arith.cmpi sgt, %arg0, %sign3A : i32
    %sign3A_1 = arith.extui %sign3A_0 : i1 to i32
    %sign3A_2 = arith.constant 0 : i32
    %sign3A_3 = arith.cmpi slt, %arg0, %sign3A_2 : i32
    %sign3A_4 = arith.extui %sign3A_3 : i1 to i32
    %sign3A_5 = arith.subi %sign3A_1, %sign3A_4 : i32
    %sign3A_6 = arith.constant 0 : i32
    %sign3A_7 = arith.cmpi sgt, %jit3A, %sign3A_6 : i32
    %sign3A_8 = arith.extui %sign3A_7 : i1 to i32
    %sign3A_9 = arith.constant 0 : i32
    %sign3A_10 = arith.cmpi slt, %jit3A, %sign3A_9 : i32
    %sign3A_11 = arith.extui %sign3A_10 : i1 to i32
    %sign3A_12 = arith.subi %sign3A_8, %sign3A_11 : i32
    %ne3A = arith.cmpi ne, %sign3A_5, %sign3A_12 : i32
    %rem3A = arith.remsi %arg0, %jit3A : i32
    %ne3A_13 = arith.constant 0 : i32
    %ne3A_14 = arith.cmpi ne, %rem3A, %ne3A_13 : i32
    %and3A = arith.andi %ne3A, %ne3A_14 : i1
    %sub3A = arith.constant 1 : i32
    %sub3A_15 = arith.subi %div3A, %sub3A : i32
    %select_n3A = arith.select %and3A, %sub3A_15, %div3A : i32
    %c0_i32 = arith.constant 0 : i32
    %c0_i32_16 = arith.constant 0 : i32
    %c0_i32_17 = arith.constant 0 : i32
    return %select_n3A, %c0_i32, %c0_i32_16 : i32, i32, i32
  }
  func.func @transform_2(%arg0: i32) -> (i32, i32, i32) {
    %jit3A = arith.constant 20 : i32
    %div3A = arith.divsi %arg0, %jit3A : i32
    %sign3A = arith.constant 0 : i32
    %sign3A_0 = arith.cmpi sgt, %arg0, %sign3A : i32
    %sign3A_1 = arith.extui %sign3A_0 : i1 to i32
    %sign3A_2 = arith.constant 0 : i32
    %sign3A_3 = arith.cmpi slt, %arg0, %sign3A_2 : i32
    %sign3A_4 = arith.extui %sign3A_3 : i1 to i32
    %sign3A_5 = arith.subi %sign3A_1, %sign3A_4 : i32
    %sign3A_6 = arith.constant 0 : i32
    %sign3A_7 = arith.cmpi sgt, %jit3A, %sign3A_6 : i32
    %sign3A_8 = arith.extui %sign3A_7 : i1 to i32
    %sign3A_9 = arith.constant 0 : i32
    %sign3A_10 = arith.cmpi slt, %jit3A, %sign3A_9 : i32
    %sign3A_11 = arith.extui %sign3A_10 : i1 to i32
    %sign3A_12 = arith.subi %sign3A_8, %sign3A_11 : i32
    %ne3A = arith.cmpi ne, %sign3A_5, %sign3A_12 : i32
    %rem3A = arith.remsi %arg0, %jit3A : i32
    %ne3A_13 = arith.constant 0 : i32
    %ne3A_14 = arith.cmpi ne, %rem3A, %ne3A_13 : i32
    %and3A = arith.andi %ne3A, %ne3A_14 : i1
    %sub3A = arith.constant 1 : i32
    %sub3A_15 = arith.subi %div3A, %sub3A : i32
    %select_n3A = arith.select %and3A, %sub3A_15, %div3A : i32
    %c0_i32 = arith.constant 0 : i32
    %c0_i32_16 = arith.constant 0 : i32
    %c0_i32_17 = arith.constant 0 : i32
    return %select_n3A, %c0_i32, %c0_i32_16 : i32, i32, i32
  }
  func.func @transform_3(%arg0: i32) -> (i32, i32) {
    %c0_i32 = arith.constant 0 : i32
    %c0_i32_0 = arith.constant 0 : i32
    return %arg0, %c0_i32 : i32, i32
  }
}

module attributes {stable_mosaic.version = 14 : i64} {
  func.func @_cmm_body(%arg0: i32, %arg1: memref<512x128xf32, #tpu.memory_space<vmem>>, %arg2: memref<512x128xf32, #tpu.memory_space<vmem>>, %arg3: memref<512x1xf32, #tpu.memory_space<vmem>>, %arg4: memref<512x1xf32, #tpu.memory_space<vmem>>, %arg5: memref<1x128x128xf32, #tpu.memory_space<vmem>>, %arg6: memref<1x1x128xf32, #tpu.memory_space<vmem>>, %arg7: memref<512x128xf32, #tpu.memory_space<vmem>>, %arg8: memref<512x128xf32, #tpu.memory_space<vmem>>) attributes {dimension_semantics = [#tpu.dimension_semantics<arbitrary>], iteration_bounds = array<i64: 40>, scalar_prefetch = 0 : i64, scratch_operands = 0 : i64, tpu.core_type = #tpu.core_type<tc>, window_params = [{transform_indices = @transform_0, window_bounds = array<i64: 512, 128>}, {transform_indices = @transform_1, window_bounds = array<i64: 512, 128>}, {transform_indices = @transform_2, window_bounds = array<i64: 512, 1>}, {transform_indices = @transform_3, window_bounds = array<i64: 512, 1>}, {transform_indices = @transform_4, window_bounds = array<i64: 1, 128, 128>}, {transform_indices = @transform_5, window_bounds = array<i64: 1, 1, 128>}, {transform_indices = @transform_6, window_bounds = array<i64: 512, 128>}, {transform_indices = @transform_7, window_bounds = array<i64: 512, 128>}]} {
    %get3A = arith.constant 0 : index
    %get3A_0 = arith.constant 0 : index
    %get3A_1 = vector.load %arg3[%get3A, %get3A_0] : memref<512x1xf32, #tpu.memory_space<vmem>>, vector<512x1xf32>
    %max3A = arith.constant 1.000000e+00 : f32
    %max3A_2 = vector.broadcast %max3A : f32 to vector<512x1xf32>
    %max3A_3 = arith.maximumf %get3A_1, %max3A_2 : vector<512x1xf32>
    %get3A_4 = arith.constant 0 : index
    %get3A_5 = arith.constant 0 : index
    %get3A_6 = vector.load %arg1[%get3A_4, %get3A_5] : memref<512x128xf32, #tpu.memory_space<vmem>>, vector<512x128xf32>
    %div3A = vector.broadcast %max3A_3 : vector<512x1xf32> to vector<512x128xf32>
    %div3A_7 = arith.divf %get3A_6, %div3A : vector<512x128xf32>
    %get3A_8 = arith.constant 0 : index
    %get3A_9 = arith.constant 0 : index
    %get3A_10 = vector.load %arg2[%get3A_8, %get3A_9] : memref<512x128xf32, #tpu.memory_space<vmem>>, vector<512x128xf32>
    %get3A_11 = arith.constant 0 : index
    %get3A_12 = arith.constant 0 : index
    %get3A_13 = vector.load %arg4[%get3A_11, %get3A_12] : memref<512x1xf32, #tpu.memory_space<vmem>>, vector<512x1xf32>
    %mul3A = vector.broadcast %get3A_13 : vector<512x1xf32> to vector<512x128xf32>
    %mul3A_14 = arith.mulf %get3A_10, %mul3A : vector<512x128xf32>
    %add3A = arith.addf %div3A_7, %mul3A_14 : vector<512x128xf32>
    %max3A_15 = arith.constant 0.000000e+00 : f32
    %max3A_16 = vector.broadcast %max3A_15 : f32 to vector<512x128xf32>
    %max3A_17 = arith.maximumf %add3A, %max3A_16 : vector<512x128xf32>
    %swap3A = arith.constant 0 : index
    %swap3A_18 = arith.constant 0 : index
    %swap3A_19 = vector.load %arg7[%swap3A, %swap3A_18] : memref<512x128xf32, #tpu.memory_space<vmem>>, vector<512x128xf32>
    tpu.vector_store %arg7[%swap3A, %swap3A_18], %max3A_17 {strides = array<i32>} : memref<512x128xf32, #tpu.memory_space<vmem>>, vector<512x128xf32>,
    %get3A_20 = arith.constant 0 : index
    %get3A_21 = arith.constant 0 : index
    %get3A_22 = arith.constant 0 : index
    %get3A_23 = vector.load %arg5[%get3A_20, %get3A_21, %get3A_22] : memref<1x128x128xf32, #tpu.memory_space<vmem>>, vector<1x128x128xf32>
    %get3A_24 = vector.shape_cast %get3A_23 : vector<1x128x128xf32> to vector<128x128xf32>
    %dot_general3A = arith.constant dense<0.000000e+00> : vector<512x128xf32>
    %dot_general3A_25 = tpu.matmul %max3A_17, %get3A_24, %dot_general3A {dimension_numbers = #tpu.dot_dimension_numbers<[1], [0], [0], [1], [0, 0, 1, 1], [], []>, precision = #tpu.contract_precision<fp32>, transpose_lhs_hint = false} : vector<512x128xf32>, vector<128x128xf32>, vector<512x128xf32> -> vector<512x128xf32>
    %get3A_26 = arith.constant 0 : index
    %get3A_27 = arith.constant 0 : index
    %get3A_28 = arith.constant 0 : index
    %get3A_29 = vector.load %arg6[%get3A_26, %get3A_27, %get3A_28] : memref<1x1x128xf32, #tpu.memory_space<vmem>>, vector<1x1x128xf32>
    %get3A_30 = vector.shape_cast %get3A_29 : vector<1x1x128xf32> to vector<128xf32>
    %broadcast_in_dim3A = vector.shape_cast %get3A_30 : vector<128xf32> to vector<1x128xf32>
    %add3A_31 = vector.broadcast %broadcast_in_dim3A : vector<1x128xf32> to vector<512x128xf32>
    %add3A_32 = arith.addf %dot_general3A_25, %add3A_31 : vector<512x128xf32>
    %swap3A_33 = arith.constant 0 : index
    %swap3A_34 = arith.constant 0 : index
    %swap3A_35 = vector.load %arg8[%swap3A_33, %swap3A_34] : memref<512x128xf32, #tpu.memory_space<vmem>>, vector<512x128xf32>
    tpu.vector_store %arg8[%swap3A_33, %swap3A_34], %add3A_32 {strides = array<i32>} : memref<512x128xf32, #tpu.memory_space<vmem>>, vector<512x128xf32>,
    return
  }
  func.func @transform_0(%arg0: i32) -> (i32, i32) {
    %c0_i32 = arith.constant 0 : i32
    %c0_i32_0 = arith.constant 0 : i32
    return %arg0, %c0_i32 : i32, i32
  }
  func.func @transform_1(%arg0: i32) -> (i32, i32) {
    %add3A = arith.constant 20 : i32
    %add3A_0 = arith.addi %arg0, %add3A : i32
    %jit3A = arith.constant 40 : i32
    %eq3A = arith.constant 0 : i32
    %eq3A_1 = arith.cmpi eq, %jit3A, %eq3A : i32
    %jit3A_2 = arith.constant 1 : i32
    %select_n3A = arith.select %eq3A_1, %jit3A_2, %jit3A : i32
    %rem3A = arith.remsi %add3A_0, %select_n3A : i32
    %ne3A = arith.constant 0 : i32
    %ne3A_3 = arith.cmpi ne, %rem3A, %ne3A : i32
    %lt3A = arith.constant 0 : i32
    %lt3A_4 = arith.cmpi slt, %rem3A, %lt3A : i32
    %lt3A_5 = arith.constant 0 : i32
    %lt3A_6 = arith.cmpi slt, %select_n3A, %lt3A_5 : i32
    %ne3A_7 = arith.xori %lt3A_4, %lt3A_6 : i1
    %and3A = arith.andi %ne3A_7, %ne3A_3 : i1
    %add3A_8 = arith.addi %rem3A, %select_n3A : i32
    %select_n3A_9 = arith.select %and3A, %add3A_8, %rem3A : i32
    %c0_i32 = arith.constant 0 : i32
    %c0_i32_10 = arith.constant 0 : i32
    return %select_n3A_9, %c0_i32 : i32, i32
  }
  func.func @transform_2(%arg0: i32) -> (i32, i32) {
    %jit3A = arith.constant 20 : i32
    %eq3A = arith.constant 0 : i32
    %eq3A_0 = arith.cmpi eq, %jit3A, %eq3A : i32
    %jit3A_1 = arith.constant 1 : i32
    %select_n3A = arith.select %eq3A_0, %jit3A_1, %jit3A : i32
    %rem3A = arith.remsi %arg0, %select_n3A : i32
    %ne3A = arith.constant 0 : i32
    %ne3A_2 = arith.cmpi ne, %rem3A, %ne3A : i32
    %lt3A = arith.constant 0 : i32
    %lt3A_3 = arith.cmpi slt, %rem3A, %lt3A : i32
    %lt3A_4 = arith.constant 0 : i32
    %lt3A_5 = arith.cmpi slt, %select_n3A, %lt3A_4 : i32
    %ne3A_6 = arith.xori %lt3A_3, %lt3A_5 : i1
    %and3A = arith.andi %ne3A_6, %ne3A_2 : i1
    %add3A = arith.addi %rem3A, %select_n3A : i32
    %select_n3A_7 = arith.select %and3A, %add3A, %rem3A : i32
    %c0_i32 = arith.constant 0 : i32
    %c0_i32_8 = arith.constant 0 : i32
    return %select_n3A_7, %c0_i32 : i32, i32
  }
  func.func @transform_3(%arg0: i32) -> (i32, i32) {
    %jit3A = arith.constant 20 : i32
    %eq3A = arith.constant 0 : i32
    %eq3A_0 = arith.cmpi eq, %jit3A, %eq3A : i32
    %jit3A_1 = arith.constant 1 : i32
    %select_n3A = arith.select %eq3A_0, %jit3A_1, %jit3A : i32
    %rem3A = arith.remsi %arg0, %select_n3A : i32
    %ne3A = arith.constant 0 : i32
    %ne3A_2 = arith.cmpi ne, %rem3A, %ne3A : i32
    %lt3A = arith.constant 0 : i32
    %lt3A_3 = arith.cmpi slt, %rem3A, %lt3A : i32
    %lt3A_4 = arith.constant 0 : i32
    %lt3A_5 = arith.cmpi slt, %select_n3A, %lt3A_4 : i32
    %ne3A_6 = arith.xori %lt3A_3, %lt3A_5 : i1
    %and3A = arith.andi %ne3A_6, %ne3A_2 : i1
    %add3A = arith.addi %rem3A, %select_n3A : i32
    %select_n3A_7 = arith.select %and3A, %add3A, %rem3A : i32
    %c0_i32 = arith.constant 0 : i32
    %c0_i32_8 = arith.constant 0 : i32
    return %select_n3A_7, %c0_i32 : i32, i32
  }
  func.func @transform_4(%arg0: i32) -> (i32, i32, i32) {
    %jit3A = arith.constant 20 : i32
    %div3A = arith.divsi %arg0, %jit3A : i32
    %sign3A = arith.constant 0 : i32
    %sign3A_0 = arith.cmpi sgt, %arg0, %sign3A : i32
    %sign3A_1 = arith.extui %sign3A_0 : i1 to i32
    %sign3A_2 = arith.constant 0 : i32
    %sign3A_3 = arith.cmpi slt, %arg0, %sign3A_2 : i32
    %sign3A_4 = arith.extui %sign3A_3 : i1 to i32
    %sign3A_5 = arith.subi %sign3A_1, %sign3A_4 : i32
    %sign3A_6 = arith.constant 0 : i32
    %sign3A_7 = arith.cmpi sgt, %jit3A, %sign3A_6 : i32
    %sign3A_8 = arith.extui %sign3A_7 : i1 to i32
    %sign3A_9 = arith.constant 0 : i32
    %sign3A_10 = arith.cmpi slt, %jit3A, %sign3A_9 : i32
    %sign3A_11 = arith.extui %sign3A_10 : i1 to i32
    %sign3A_12 = arith.subi %sign3A_8, %sign3A_11 : i32
    %ne3A = arith.cmpi ne, %sign3A_5, %sign3A_12 : i32
    %rem3A = arith.remsi %arg0, %jit3A : i32
    %ne3A_13 = arith.constant 0 : i32
    %ne3A_14 = arith.cmpi ne, %rem3A, %ne3A_13 : i32
    %and3A = arith.andi %ne3A, %ne3A_14 : i1
    %sub3A = arith.constant 1 : i32
    %sub3A_15 = arith.subi %div3A, %sub3A : i32
    %select_n3A = arith.select %and3A, %sub3A_15, %div3A : i32
    %c0_i32 = arith.constant 0 : i32
    %c0_i32_16 = arith.constant 0 : i32
    %c0_i32_17 = arith.constant 0 : i32
    return %select_n3A, %c0_i32, %c0_i32_16 : i32, i32, i32
  }
  func.func @transform_5(%arg0: i32) -> (i32, i32, i32) {
    %jit3A = arith.constant 20 : i32
    %div3A = arith.divsi %arg0, %jit3A : i32
    %sign3A = arith.constant 0 : i32
    %sign3A_0 = arith.cmpi sgt, %arg0, %sign3A : i32
    %sign3A_1 = arith.extui %sign3A_0 : i1 to i32
    %sign3A_2 = arith.constant 0 : i32
    %sign3A_3 = arith.cmpi slt, %arg0, %sign3A_2 : i32
    %sign3A_4 = arith.extui %sign3A_3 : i1 to i32
    %sign3A_5 = arith.subi %sign3A_1, %sign3A_4 : i32
    %sign3A_6 = arith.constant 0 : i32
    %sign3A_7 = arith.cmpi sgt, %jit3A, %sign3A_6 : i32
    %sign3A_8 = arith.extui %sign3A_7 : i1 to i32
    %sign3A_9 = arith.constant 0 : i32
    %sign3A_10 = arith.cmpi slt, %jit3A, %sign3A_9 : i32
    %sign3A_11 = arith.extui %sign3A_10 : i1 to i32
    %sign3A_12 = arith.subi %sign3A_8, %sign3A_11 : i32
    %ne3A = arith.cmpi ne, %sign3A_5, %sign3A_12 : i32
    %rem3A = arith.remsi %arg0, %jit3A : i32
    %ne3A_13 = arith.constant 0 : i32
    %ne3A_14 = arith.cmpi ne, %rem3A, %ne3A_13 : i32
    %and3A = arith.andi %ne3A, %ne3A_14 : i1
    %sub3A = arith.constant 1 : i32
    %sub3A_15 = arith.subi %div3A, %sub3A : i32
    %select_n3A = arith.select %and3A, %sub3A_15, %div3A : i32
    %c0_i32 = arith.constant 0 : i32
    %c0_i32_16 = arith.constant 0 : i32
    %c0_i32_17 = arith.constant 0 : i32
    return %select_n3A, %c0_i32, %c0_i32_16 : i32, i32, i32
  }
  func.func @transform_6(%arg0: i32) -> (i32, i32) {
    %c0_i32 = arith.constant 0 : i32
    %c0_i32_0 = arith.constant 0 : i32
    return %arg0, %c0_i32 : i32, i32
  }
  func.func @transform_7(%arg0: i32) -> (i32, i32) {
    %c0_i32 = arith.constant 0 : i32
    %c0_i32_0 = arith.constant 0 : i32
    return %arg0, %c0_i32 : i32, i32
  }
}

module attributes {stable_mosaic.version = 14 : i64} {
  func.func @_c_body(%arg0: i32, %arg1: memref<512x128xf32, #tpu.memory_space<vmem>>, %arg2: memref<512x128xf32, #tpu.memory_space<vmem>>, %arg3: memref<512x1xf32, #tpu.memory_space<vmem>>, %arg4: memref<512x1xf32, #tpu.memory_space<vmem>>, %arg5: memref<512x128xf32, #tpu.memory_space<vmem>>) attributes {dimension_semantics = [#tpu.dimension_semantics<arbitrary>], iteration_bounds = array<i64: 40>, scalar_prefetch = 0 : i64, scratch_operands = 0 : i64, tpu.core_type = #tpu.core_type<tc>, window_params = [{transform_indices = @transform_0, window_bounds = array<i64: 512, 128>}, {transform_indices = @transform_1, window_bounds = array<i64: 512, 128>}, {transform_indices = @transform_2, window_bounds = array<i64: 512, 1>}, {transform_indices = @transform_3, window_bounds = array<i64: 512, 1>}, {transform_indices = @transform_4, window_bounds = array<i64: 512, 128>}]} {
    %get3A = arith.constant 0 : index
    %get3A_0 = arith.constant 0 : index
    %get3A_1 = vector.load %arg3[%get3A, %get3A_0] : memref<512x1xf32, #tpu.memory_space<vmem>>, vector<512x1xf32>
    %max3A = arith.constant 1.000000e+00 : f32
    %max3A_2 = vector.broadcast %max3A : f32 to vector<512x1xf32>
    %max3A_3 = arith.maximumf %get3A_1, %max3A_2 : vector<512x1xf32>
    %get3A_4 = arith.constant 0 : index
    %get3A_5 = arith.constant 0 : index
    %get3A_6 = vector.load %arg1[%get3A_4, %get3A_5] : memref<512x128xf32, #tpu.memory_space<vmem>>, vector<512x128xf32>
    %div3A = vector.broadcast %max3A_3 : vector<512x1xf32> to vector<512x128xf32>
    %div3A_7 = arith.divf %get3A_6, %div3A : vector<512x128xf32>
    %get3A_8 = arith.constant 0 : index
    %get3A_9 = arith.constant 0 : index
    %get3A_10 = vector.load %arg2[%get3A_8, %get3A_9] : memref<512x128xf32, #tpu.memory_space<vmem>>, vector<512x128xf32>
    %get3A_11 = arith.constant 0 : index
    %get3A_12 = arith.constant 0 : index
    %get3A_13 = vector.load %arg4[%get3A_11, %get3A_12] : memref<512x1xf32, #tpu.memory_space<vmem>>, vector<512x1xf32>
    %mul3A = vector.broadcast %get3A_13 : vector<512x1xf32> to vector<512x128xf32>
    %mul3A_14 = arith.mulf %get3A_10, %mul3A : vector<512x128xf32>
    %add3A = arith.addf %div3A_7, %mul3A_14 : vector<512x128xf32>
    %max3A_15 = arith.constant 0.000000e+00 : f32
    %max3A_16 = vector.broadcast %max3A_15 : f32 to vector<512x128xf32>
    %max3A_17 = arith.maximumf %add3A, %max3A_16 : vector<512x128xf32>
    %swap3A = arith.constant 0 : index
    %swap3A_18 = arith.constant 0 : index
    %swap3A_19 = vector.load %arg5[%swap3A, %swap3A_18] : memref<512x128xf32, #tpu.memory_space<vmem>>, vector<512x128xf32>
    tpu.vector_store %arg5[%swap3A, %swap3A_18], %max3A_17 {strides = array<i32>} : memref<512x128xf32, #tpu.memory_space<vmem>>, vector<512x128xf32>,
    return
  }
  func.func @transform_0(%arg0: i32) -> (i32, i32) {
    %c0_i32 = arith.constant 0 : i32
    %c0_i32_0 = arith.constant 0 : i32
    return %arg0, %c0_i32 : i32, i32
  }
  func.func @transform_1(%arg0: i32) -> (i32, i32) {
    %add3A = arith.constant 20 : i32
    %add3A_0 = arith.addi %arg0, %add3A : i32
    %jit3A = arith.constant 40 : i32
    %eq3A = arith.constant 0 : i32
    %eq3A_1 = arith.cmpi eq, %jit3A, %eq3A : i32
    %jit3A_2 = arith.constant 1 : i32
    %select_n3A = arith.select %eq3A_1, %jit3A_2, %jit3A : i32
    %rem3A = arith.remsi %add3A_0, %select_n3A : i32
    %ne3A = arith.constant 0 : i32
    %ne3A_3 = arith.cmpi ne, %rem3A, %ne3A : i32
    %lt3A = arith.constant 0 : i32
    %lt3A_4 = arith.cmpi slt, %rem3A, %lt3A : i32
    %lt3A_5 = arith.constant 0 : i32
    %lt3A_6 = arith.cmpi slt, %select_n3A, %lt3A_5 : i32
    %ne3A_7 = arith.xori %lt3A_4, %lt3A_6 : i1
    %and3A = arith.andi %ne3A_7, %ne3A_3 : i1
    %add3A_8 = arith.addi %rem3A, %select_n3A : i32
    %select_n3A_9 = arith.select %and3A, %add3A_8, %rem3A : i32
    %c0_i32 = arith.constant 0 : i32
    %c0_i32_10 = arith.constant 0 : i32
    return %select_n3A_9, %c0_i32 : i32, i32
  }
  func.func @transform_2(%arg0: i32) -> (i32, i32) {
    %jit3A = arith.constant 20 : i32
    %eq3A = arith.constant 0 : i32
    %eq3A_0 = arith.cmpi eq, %jit3A, %eq3A : i32
    %jit3A_1 = arith.constant 1 : i32
    %select_n3A = arith.select %eq3A_0, %jit3A_1, %jit3A : i32
    %rem3A = arith.remsi %arg0, %select_n3A : i32
    %ne3A = arith.constant 0 : i32
    %ne3A_2 = arith.cmpi ne, %rem3A, %ne3A : i32
    %lt3A = arith.constant 0 : i32
    %lt3A_3 = arith.cmpi slt, %rem3A, %lt3A : i32
    %lt3A_4 = arith.constant 0 : i32
    %lt3A_5 = arith.cmpi slt, %select_n3A, %lt3A_4 : i32
    %ne3A_6 = arith.xori %lt3A_3, %lt3A_5 : i1
    %and3A = arith.andi %ne3A_6, %ne3A_2 : i1
    %add3A = arith.addi %rem3A, %select_n3A : i32
    %select_n3A_7 = arith.select %and3A, %add3A, %rem3A : i32
    %c0_i32 = arith.constant 0 : i32
    %c0_i32_8 = arith.constant 0 : i32
    return %select_n3A_7, %c0_i32 : i32, i32
  }
  func.func @transform_3(%arg0: i32) -> (i32, i32) {
    %jit3A = arith.constant 20 : i32
    %eq3A = arith.constant 0 : i32
    %eq3A_0 = arith.cmpi eq, %jit3A, %eq3A : i32
    %jit3A_1 = arith.constant 1 : i32
    %select_n3A = arith.select %eq3A_0, %jit3A_1, %jit3A : i32
    %rem3A = arith.remsi %arg0, %select_n3A : i32
    %ne3A = arith.constant 0 : i32
    %ne3A_2 = arith.cmpi ne, %rem3A, %ne3A : i32
    %lt3A = arith.constant 0 : i32
    %lt3A_3 = arith.cmpi slt, %rem3A, %lt3A : i32
    %lt3A_4 = arith.constant 0 : i32
    %lt3A_5 = arith.cmpi slt, %select_n3A, %lt3A_4 : i32
    %ne3A_6 = arith.xori %lt3A_3, %lt3A_5 : i1
    %and3A = arith.andi %ne3A_6, %ne3A_2 : i1
    %add3A = arith.addi %rem3A, %select_n3A : i32
    %select_n3A_7 = arith.select %and3A, %add3A, %rem3A : i32
    %c0_i32 = arith.constant 0 : i32
    %c0_i32_8 = arith.constant 0 : i32
    return %select_n3A_7, %c0_i32 : i32, i32
  }
  func.func @transform_4(%arg0: i32) -> (i32, i32) {
    %c0_i32 = arith.constant 0 : i32
    %c0_i32_0 = arith.constant 0 : i32
    return %arg0, %c0_i32 : i32, i32
  }
}

</mosaic_0001>

<sc_bundles>
// kernel: kernel.12.cloned.1.call-start
scs
__scs_entry_jumppad:
0x0: {  	(pc) =	sbr.rel $0x88, $3  }
0x1: {  	(tag) =	ssettag $0x0;
	lr =	simm.s32 $0x1  }
0x2: {  	[smem:$0x3F91] =	sst lr;
	_ =	strace $0xD0000000  }
0x3: {  	_ = 	snop  }
0x4: {  	_ = 	snop  }
0x5: {  	_ = 	snop  }
0x6: {  	_ = 	snop  }
0x7: {  	_ = 	snop  }
__scs_overlays_trampoline_lowered:
0x8: {  	[smem:$0x3FA0] =	sst s0  }
0x9: {  	[smem:$0x3FA1] =	sst s1  }
0xa: {  	[smem:$0x3FA2] =	sst s2  }
0xb: {  	[smem:$0x3FA3] =	sst s3  }
0xc: {  	[smem:$0x3FA4] =	sst s4  }
0xd: {  	[smem:$0x3FA5] =	sst s5  }
0xe: {  	[smem:$0x3FA6] =	sst s6  }
0xf: {  	[smem:$0x3FA7] =	sst s7  }
0x10: {  	[smem:$0x3FA8] =	sst s8  }
0x11: {  	[smem:$0x3FA9] =	sst s9;
	s0 =	simm.s32 @!p0 $0x0  }
0x12: {  	s1 =	sld [smem:$0x3F8F];
	s0 =	simm.s32 @p0 $0x1  }
0x13: {  	[smem:$0x3FAA] =	sst s0;
	s0 =	simm.s32 @!p1 $0x0  }
0x14: {  	s2 =	sld [smem:$0x3F8E];
	s0 =	simm.s32 @p1 $0x1  }
0x15: {  	[smem:$0x3FAB] =	sst s0;
	s0 =	simm.s32 @!p2 $0x0  }
0x16: {  	s3 =	sld [smem:$0x3FDB];
	s0 =	simm.s32 @p2 $0x1  }
0x17: {  	s4 =	simm.s32 $0x1BF5;
	[smem:$0x3FAD] =	sst s0  }
0x18: {  	s0 =	sld [smem:$0x3F90];
	_ =	swait.ge [sflag:s4], $0x0  }
0x19: {  	s7 =	sld [smem:$0x3F91]  }
0x1a: {  	s8 =	sadd.s32 $0xFFFFE003, lr  }
0x1b: {  	s9 =	sadd.s32 $0xFFFFFEF7, lr;
	s5 =	simm.s32 $0xFFFFFFFF;
	p2 =	slt.u32 s8, $0xFFFFF086  }
0x1c: {  	p1 =	slt.u32 s9, $0xF7A;
	s5 =	simm.s32 @!p2 $0x0  }
0x1d: {  	s5 =	simm.s32 @p1 $0x1;
	p0 =	seq.s32 s7, s2  }
0x1e: {  	s7 =	smul.u32 @!p0 $0xF7A, s2;
	p2 =	seq.s32 @!p0 s5, $0x0  }
0x1f: {  	s9 =	smul.u32 $0xF7A, s1;
	s8 =	simm.s32 @!p0 $0x1BF5;
	p2 =	por !p2, p0  }
0x20: {  	[sflag:s8] =	ssyncset.s32 @!p0 $0xFFFFF086;
	s6 =	sadd.s32 @!p0 s3, s7;
	s7 =	simm.s32 @!p0 $0x108  }
0x21: {  	s3 =	sadd.s32 s3, s9;
	s6 =	sadd.s32 @!p0 $0x88, s6;
	s7 =	simm.s32 @p2 $0x1082  }
0x22: {  	[simem:s7], [sflag:s8] =	dma.local @!p0 [hbm:s6], $0xF7A  }
0x23: {  	s9 =	sor.u32 $0xD0000000, s2;
	s6 =	simm.s32 $0x108;
	_ =	swait.ge @!p0 [sflag:s8], $0x0  }
0x24: {  	s3 =	sadd.s32 $0x88, s3;
	s6 =	simm.s32 @!p1 $0x1082;
	[sflag:s4] =	ssyncset.s32 $0xFFFFF086  }
0x25: {  	[simem:s6], [sflag:s4] =	dma.local [hbm:s3], $0xF7A  }
0x26: {  	[smem:$0x3F91] =	sst s1;
	(tag) =	ssettag s2;
	_ =	strace s9  }
0x27: {  	s1 =	sld [smem:$0x3FA1]  }
0x28: {  	s2 =	sld [smem:$0x3FA2]  }
0x29: {  	s4 =	sld [smem:$0x3FA4]  }
0x2a: {  	p0 =	seq.s32 s5, $0x0;
	s5 =	sld [smem:$0x3FA5]  }
0x2b: {  	s6 =	sld [smem:$0x3FA6]  }
0x2c: {  	s7 =	sld [smem:$0x3FA7]  }
0x2d: {  	s3 =	simm.s32 $0x108;
	s8 =	sld [smem:$0x3FA8]  }
0x2e: {  	s3 =	simm.s32 @!p0 $0x1082;
	s9 =	sld [smem:$0x3FA9]  }
0x2f: {  	lr =	sadd.s32 s0, s3;
	s0 =	sld [smem:$0x3FA0]  }
0x30: {  	s3 =	sld [smem:$0x3FA3]  }
0x31: {  	[smem:$0x3FAC] =	sst s10  }
0x32: {  	s10 =	sld [smem:$0x3FAA];
	_ =	sdelay $0x3  }
0x33: {  	p0 =	seq.s32 s10, $0x1;
	s10 =	sld [smem:$0x3FAC];
	_ =	sdelay $0x3  }
0x34: {  	[smem:$0x3FAC] =	sst s10  }
0x35: {  	s10 =	sld [smem:$0x3FAB];
	_ =	sdelay $0x3  }
0x36: {  	p1 =	seq.s32 s10, $0x1;
	s10 =	sld [smem:$0x3FAC];
	_ =	sdelay $0x3  }
0x37: {  	[smem:$0x3FAC] =	sst s10  }
0x38: {  	s10 =	sld [smem:$0x3FAD]  }
0x39: {  	_ = 	snop;
	(pc) =	sbr.ind lr, $3  }
0x3a: {  	_ = 	snop  }
0x3b: {  	_ = 	snop  }
0x3c: {  	p2 =	seq.s32 s10, $0x1;
	s10 =	sld [smem:$0x3FAC]  }
0x3d: {  	_ =	shalt  }
0x3e: {  	_ =	shalt  }
0x3f: {  	_ =	shalt  }
0x40: {  	_ =	shalt  }
0x41: {  	_ =	shalt  }
0x42: {  	_ =	shalt  }
0x43: {  	_ =	shalt  }
0x44: {  	_ =	shalt  }
0x45: {  	_ =	shalt  }
0x46: {  	_ =	shalt  }
0x47: {  	_ =	shalt  }
0x48: {  	_ =	shalt  }
0x49: {  	_ =	shalt  }
0x4a: {  	_ =	shalt  }
0x4b: {  	_ =	shalt  }
0x4c: {  	_ =	shalt  }
0x4d: {  	_ =	shalt  }
0x4e: {  	_ =	shalt  }
0x4f: {  	_ =	shalt  }
0x50: {  	_ =	shalt  }
0x51: {  	_ =	shalt  }
0x52: {  	_ =	shalt  }
0x53: {  	_ =	shalt  }
0x54: {  	_ =	shalt  }
0x55: {  	_ =	shalt  }
0x56: {  	_ =	shalt  }
0x57: {  	_ =	shalt  }
0x58: {  	_ =	shalt  }
0x59: {  	_ =	shalt  }
0x5a: {  	_ =	shalt  }
0x5b: {  	_ =	shalt  }
0x5c: {  	_ =	shalt  }
0x5d: {  	_ =	shalt  }
0x5e: {  	_ =	shalt  }
0x5f: {  	_ =	shalt  }
0x60: {  	_ =	shalt  }
0x61: {  	_ =	shalt  }
0x62: {  	_ =	shalt  }
0x63: {  	_ =	shalt  }
0x64: {  	_ =	shalt  }
0x65: {  	_ =	shalt  }
0x66: {  	_ =	shalt  }
0x67: {  	_ =	shalt  }
0x68: {  	_ =	shalt  }
0x69: {  	_ =	shalt  }
0x6a: {  	_ =	shalt  }
0x6b: {  	_ =	shalt  }
0x6c: {  	_ =	shalt  }
0x6d: {  	_ =	shalt  }
0x6e: {  	_ =	shalt  }
0x6f: {  	_ =	shalt  }
0x70: {  	_ =	shalt  }
0x71: {  	_ =	shalt  }
0x72: {  	_ =	shalt  }
0x73: {  	_ =	shalt  }
0x74: {  	_ =	shalt  }
0x75: {  	_ =	shalt  }
0x76: {  	_ =	shalt  }
0x77: {  	_ =	shalt  }
0x78: {  	_ =	shalt  }
0x79: {  	_ =	shalt  }
0x7a: {  	_ =	shalt  }
0x7b: {  	_ =	shalt  }
0x7c: {  	_ =	shalt  }
0x7d: {  	_ =	shalt  }
0x7e: {  	_ =	shalt  }
0x7f: {  	_ =	shalt  }
0x80: {  	_ =	shalt  }
0x81: {  	_ =	shalt  }
0x82: {  	_ =	shalt  }
0x83: {  	_ =	shalt  }
0x84: {  	_ =	shalt  }
0x85: {  	_ =	shalt  }
0x86: {  	_ =	shalt  }
0x87: {  	_ =	shalt  }
.Lfunc_end0:
.L_simem_size_0:
called_computation.1_lowered:
.L_overlay_start_0:
0x88: {  	s2 =	sld [smem:$0x3FD9]  }
0x89: {  	s3 =	sld [smem:$0x3FFE];
	_ =	sdelay $0x1  }
0x8a: {  	s1 =	srdreg.scid  }
0x8b: {  	s0 =	sand.u32 $0x1, s1  }
0x8c: {  	s14 =	sshll.u32 s0, $0xA;
	s2 =	sadd.s32 s3, s2  }
0x8d: {  	s2 =	sadd.s32 s2, s14  }
0x8e: {  	[smem:$0x3FB8] =	sst s2  }
0x8f: {  	_ = 	snop  }
0x90: {  	s2 =	sld [smem:$0x3FD0];
	_ =	sdelay $0x2  }
0x91: {  	s15 =	simm.s32 $0xA;
	s4 =	simm.s32 $0x10  }
0x92: {  	[smem:s4], [sflag:s15] =	dma.local [hbm:s2], $0x1  }
0x93: {  	_ =	swait.eq [sflag:s15], $0x1  }
0x94: {  	[sflag:s15] =	ssyncset.done $0x0  }
0x95: {  	s16 =	sld [smem:$0x10];
	[sflag:s15] =	ssyncadd.s32 $0xFFFFFFFF  }
0x96: {  	s17 =	sld [smem:$0x11];
	(tm) =	ssettm $0x1  }
0x97: {  	s18 =	sld [smem:$0x3FFB];
	_ =	sdelay $0x3  }
0x98: {  	_ =	strace s18  }
0x99: {  	s4 =	sld [smem:$0x3FFC];
	_ =	sdelay $0x3  }
0x9a: {  	_ =	strace s4  }
0x9b: {  	s4 =	sld [smem:$0x3FFD];
	_ =	sdelay $0x3  }
0x9c: {  	_ =	strace s4  }
0x9d: {  	_ =	strace $0x8FFFFFFF  }
0x9e: {  	s19 =	sld [smem:$0x3FDB];
	_ =	sdelay $0x1  }
0x9f: {  	s5 =	simm.s32 $_scs_section_size  }
0xa0: {  	s6 =	simm.s32 $_size__tile_overlayer_lowered;
	s7 =	simm.s32 $_tile_overlayer_lowered  }
0xa1: {  	s22 =	simm.s32 $0x1BFF;
	s21 =	sshll.u32 s7, $0x1;
	s4 =	sadd.s32 s5, s19  }
0xa2: {  	s8 =	simm.s32 $0x0;
	s20 =	sshll.u32 s6, $0x1;
	s6 =	sadd.s32 s21, s4  }
0xa3: {  	[timem:s8], [sflag:s22] =	dma.local [hbm:s6], s20  }
0xa4: {  	_ =	swait.ge [sflag:s22], s20  }
0xa5: {  	s5 =	ssub.s32 $0x0, s20;
	[sflag:s22] =	ssyncset.done $0x0  }
0xa6: {  	[sflag:s22] =	ssyncadd.s32 s5;
	_ =	sdelay $0x1  }
0xa7: {  	s23 =	simm.s32 $0x1B8B  }
0xa8: {  	_ =	swait.ge [sflag:s23], $0x1  }
0xa9: {  	[sflag:s23] =	ssyncset.done $0x0  }
0xaa: {  	s25 =	simm.s32 $0x1B8E;
	s24 =	sld [smem:$0x3FFE];
	[sflag:s23] =	ssyncadd.s32 $0xFFFFFFFF  }
0xab: {  	s26 =	simm.s32 $execute0_lowered;
	[smem:$0x3FD2] =	sst s25  }
0xac: {  	s6 =	sshll.u32 s26, $0x1;
	_ =	strace $0x80000049;
	[dreg:$0x1] =	wrdreg $0xFFFFFFFF  }
0xad: {  	s28 =	simm.s32 $_size_execute0_lowered;
	s4 =	sadd.s32 s4, s6;
	[dreg:$0x0] =	wrdreg $0x0  }
0xae: {  	s6 =	sshll.u32 s28, $0x1;
	[dreg:$0x2] =	wrdreg s4  }
0xaf: {  	[dreg:$0x3] =	wrdreg s6  }
0xb0: {  	[dreg:$0x4] =	wrdreg $0xC0  }
0xb1: {  	_ =	task [dreg:s8], $0x5FFFF  }
0xb2: {  	[dreg:$0x1] =	wrdreg $0xFFFFFFFF  }
0xb3: {  	[dreg:$0x0] =	wrdreg $0x60  }
0xb4: {  	[dreg:$0x2] =	wrdreg s17  }
0xb5: {  	[dreg:$0x3] =	wrdreg s24  }
0xb6: {  	[dreg:$0x4] =	wrdreg s16  }
0xb7: {  	[dreg:$0x5] =	wrdreg $0x138000  }
0xb8: {  	[dreg:$0x6] =	wrdreg $0x98000  }
0xb9: {  	[dreg:$0x7] =	wrdreg $0x9  }
0xba: {  	_ =	task.clear_ibuf [dreg:s8], $0x8FFFF;
	_ =	strace $0x90000049  }
0xbb: {  	s29 =	simm.s32 $0x9;
	_ =	strace $0x8000004B  }
0xbc: {  	_ =	swait.ge [sflag:s29], $0x1  }
0xbd: {  	[sflag:s29] =	ssyncadd.s32 $0xFFFFFFFF  }
0xbe: {  	_ =	strace $0x9000004B  }
0xbf: {  	_ =	sfence  }
0xc0: {  	s30 =	sld [smem:$0x0];
	_ =	sdelay $0x2  }
0xc1: {  	s31 =	sshll.u32 s1, $0xD;
	s1 =	sshrl.u32 s1, $0x2  }
0xc2: {  	s3 =	sand.u32 $0x4000, s31;
	s1 =	sadd.s32 s1, s30  }
0xc3: {  	s0 =	sor.u32 s3, s0;
	s1 =	sshll.u32 s1, $0x11  }
0xc4: {  	s0 =	sor.u32 s1, s0  }
0xc5: {  	s0 =	sadd.s32 $0x8F2B, s0  }
0xc6: {  	[sflag:s0] =	ssyncadd.remote.s32 $0x1  }
0xc7: {  	_ =	sfence.sel $0xFFFF  }
0xc8: {  	[dreg:$0x0] =	wrdreg $0xFFFFFFFF;
	(pc) =	sbr.abs _section_cstart, $3  }
0xc9: {  	[dreg:$0x1] =	wrdreg $0xFFFFFFFF  }
0xca: {  	_ =	task.clear_ibuf [dreg:s8], $0x2FFFF;
	_ =	strace $0x9FFFFFFF  }
0xcb: {  	(tm) =	ssettm $0x7FFFFFFF  }
tec
execute0_lowered:
.L_overlay_start_1:
0x0: {  	(tag) =	ssettag $0x1  }
0x1: {  	s0 =	rddreg [dreg:$0x0]  }
0x2: {  	s3 =	rddreg [dreg:$0x1]  }
0x3: {  	s6 =	rddreg [dreg:$0x2]  }
0x4: {  	s1 =	rddreg [dreg:$0x3];
	s12 =	stileid.u32  }
0x5: {  	s2 =	rddreg [dreg:$0x4];
	s9 =	smul.u32 $0x280, s12  }
0x6: {  	s4 =	simm.s32 $0x0;
	s5 =	srdreg.scid;
	s10 =	smul.u32 $0x28000, s12  }
0x7: {  	[smem:$0x7FF] =	sst s4;
	s23 =	smul.u32 $0xA000, s12  }
0x8: {  	s5 =	sand.u32 $0x1, s5;
	s8 =	sadd.s32 $0xE600, s3;
	s18 =	smul.u32 $0xA00, s12  }
0x9: {  	s3 =	sadd.s32 $0x4600, s3;
	s7 =	smul.u32 $0x2800, s5;
	s5 =	ssub.s32 $0x2, s5  }
0xa: {  	_ =	strace $0x8000004A;
	s11 =	sshrl.u32 s5, $0x1;
	s25 =	sadd.s32 s23, s2  }
0xb: {  	s24 =	sshrl.u32 s10, $0x2;
	s22 =	sadd.s32 s8, s18;
	[dreg:$0x6] =	wrdreg s25  }
0xc: {  	s7 =	sadd.s32 s9, s7;
	s9 =	sadd.s32 s23, s1;
	[dreg:$0x15] =	wrdreg s22  }
0xd: {  	s11 =	ssub.s32 s5, s11;
	s23 =	sadd.s32 s3, s18;
	[dreg:$0x9] =	wrdreg s9  }
0xe: {  	s5 =	sadd.s32 s24, s1;
	s11 =	smax.u32 s11, $0x1;
	[dreg:$0x16] =	wrdreg s23  }
0xf: {  	s12 =	simm.s32 $0x8;
	s13 =	sadd.s32 $0x800, s5;
	[dreg:$0xc] =	wrdreg s11  }
0x10: {  	s22 =	simm.s32 $0x0;
	s14 =	sadd.s32 $0x1000, s5;
	[dreg:$0xd] =	wrdreg s13  }
0x11: {  	s7 =	sshll.u32 s7, $0x4;
	s15 =	sadd.s32 $0x1800, s5;
	[dreg:$0xe] =	wrdreg s14  }
0x12: {  	s16 =	sadd.s32 $0x2000, s5;
	s17 =	sadd.s32 $0x2800, s5;
	[dreg:$0xf] =	wrdreg s15  }
0x13: {  	s19 =	sadd.s32 $0x3000, s5;
	s20 =	sadd.s32 $0x3800, s5;
	[dreg:$0x10] =	wrdreg s16  }
0x14: {  	s21 =	sadd.s32 $0x4000, s5;
	s25 =	sadd.s32 $0x4800, s5;
	[dreg:$0x11] =	wrdreg s17  }
0x15: {  	s29 =	sadd.s32 $0x6000, s5;
	s30 =	sadd.s32 $0x6800, s5;
	[dreg:$0x12] =	wrdreg s19  }
0x16: {  	s31 =	sadd.s32 $0x7000, s5;
	s9 =	simm.s32 $0x9000;
	[dreg:$0x13] =	wrdreg s20  }
0x17: {  	s26 =	sadd.s32 s0, s7;
	s28 =	sadd.s32 s6, s7;
	[dreg:$0x14] =	wrdreg s21  }
0x18: {  	s7 =	sor.u32 $0x8, s7;
	[dreg:$0x19] =	wrdreg s25;
	s11 =	simm.s32 $0x1  }
0x19: {  	s13 =	simm.s32 $0x10;
	s14 =	simm.s32 $0x2800;
	s15 =	simm.s32 $0x80  }
0x1a: {  	s16 =	simm.s32 $0x5000;
	s17 =	simm.s32 $0x7000;
	[dreg:$0x7] =	wrdreg s26  }
0x1b: {  	s19 =	simm.s32 $0x2880;
	[dreg:$0x8] =	wrdreg s28;
	s0 =	sadd.s32 s0, s7  }
0x1c: {  	s20 =	simm.s32 $0x3;
	s10 =	sadd.s32 s6, s7;
	[dreg:$0xa] =	wrdreg s0  }
0x1d: {  	s21 =	simm.s32 $0x4;
	s26 =	sadd.s32 $0x5000, s5;
	[dreg:$0xb] =	wrdreg s10  }
0x1e: {  	s28 =	sadd.s32 $0x5800, s5;
	s6 =	sadd.s32 $0x8800, s5;
	[dreg:$0x1a] =	wrdreg s26  }
0x1f: {  	s7 =	sadd.s32 $0x9000, s5;
	s0 =	sadd.s32 $0x500, s18;
	[dreg:$0x1b] =	wrdreg s28  }
0x20: {  	s10 =	simm.s32 $0x5;
	s18 =	simm.s32 $0x2;
	s24 =	sadd.s32 s8, s0  }
0x21: {  	s0 =	sadd.s32 s3, s0;
	s3 =	sadd.s32 $0x8000, s5;
	[dreg:$0x17] =	wrdreg s24  }
0x22: {  	v0 =	vimm.f32 $0.0e+00;
	s8 =	sadd.s32 $0x9800, s5;
	[dreg:$0x18] =	wrdreg s0;
	s0 =	sadd.s32 $0x7800, s5  }
.LBB2_1:
0x23: {  	s24 =	simm.s32 $0x100;
	s23 =	simm.s32 $0x0  }
.LBB2_2:
0x24: {  	p0 =	sne.s32 s24, $0x1F00;
	[tilespmem:s23+$0x9030] =	vst v0;
	s25 =	smov.u32 s24;
	s24 =	sadd.s32 $0x100, s24  }
.Ltmp0:
0x25: {  	[tilespmem:s23+$0x9020] =	vst v0;
	(pc) =	sbr.rel @p0 .LBB2_2-.Ltmp0, $3  }
0x26: {  	[tilespmem:s23+$0x9000] =	vst v0  }
0x27: {  	[tilespmem:s23+$0x9010] =	vst v0;
	_ =	sdelay $0x1  }
0x28: {  	s23 =	sshra.s32 s25, $0x2  }
0x29: {  	[tilespmem:s23+$0x9030] =	vst v0  }
0x2a: {  	[tilespmem:s23+$0x9020] =	vst v0  }
0x2b: {  	[tilespmem:s23+$0x9000] =	vst v0  }
0x2c: {  	[tilespmem:s23+$0x9010] =	vst v0  }
0x2d: {  	[spmem:s5] =	stream.linear.scatter [tilespmem:s9], [sflag:$0x5], $0x800, $0x38;
	[tilespmem:$0x1D800] =	vst v63  }
0x2e: {  	_ =	swait.ge [sflag:s10], $0x800  }
0x2f: {  	[sflag:s10] =	ssyncset.done $0x0  }
0x30: {  	s28 =	rddreg [dreg:$0xd];
	[sflag:s10] =	ssyncadd.s32 $0xFFFFF800  }
0x31: {  	[spmem:s28] =	stream.linear.scatter [tilespmem:s9], [sflag:$0x5], $0x800, $0x38;
	[tilespmem:$0x1D800] =	vst v63  }
0x32: {  	_ =	swait.ge [sflag:s10], $0x800  }
0x33: {  	[sflag:s10] =	ssyncset.done $0x0  }
0x34: {  	s24 =	rddreg [dreg:$0xe];
	[sflag:s10] =	ssyncadd.s32 $0xFFFFF800  }
0x35: {  	[spmem:s24] =	stream.linear.scatter [tilespmem:s9], [sflag:$0x5], $0x800, $0x38;
	[tilespmem:$0x1D800] =	vst v63  }
0x36: {  	_ =	swait.ge [sflag:s10], $0x800  }
0x37: {  	[sflag:s10] =	ssyncset.done $0x0  }
0x38: {  	s25 =	rddreg [dreg:$0xf];
	[sflag:s10] =	ssyncadd.s32 $0xFFFFF800  }
0x39: {  	[spmem:s25] =	stream.linear.scatter [tilespmem:s9], [sflag:$0x5], $0x800, $0x38;
	[tilespmem:$0x1D800] =	vst v63  }
0x3a: {  	_ =	swait.ge [sflag:s10], $0x800  }
0x3b: {  	[sflag:s10] =	ssyncset.done $0x0  }
0x3c: {  	s26 =	rddreg [dreg:$0x10];
	[sflag:s10] =	ssyncadd.s32 $0xFFFFF800  }
0x3d: {  	[spmem:s26] =	stream.linear.scatter [tilespmem:s9], [sflag:$0x5], $0x800, $0x38;
	[tilespmem:$0x1D800] =	vst v63  }
0x3e: {  	_ =	swait.ge [sflag:s10], $0x800  }
0x3f: {  	[sflag:s10] =	ssyncset.done $0x0  }
0x40: {  	s28 =	rddreg [dreg:$0x11];
	[sflag:s10] =	ssyncadd.s32 $0xFFFFF800  }
0x41: {  	[spmem:s28] =	stream.linear.scatter [tilespmem:s9], [sflag:$0x5], $0x800, $0x38;
	[tilespmem:$0x1D800] =	vst v63  }
0x42: {  	_ =	swait.ge [sflag:s10], $0x800  }
0x43: {  	[sflag:s10] =	ssyncset.done $0x0  }
0x44: {  	s24 =	rddreg [dreg:$0x12];
	[sflag:s10] =	ssyncadd.s32 $0xFFFFF800  }
0x45: {  	[spmem:s24] =	stream.linear.scatter [tilespmem:s9], [sflag:$0x5], $0x800, $0x38;
	[tilespmem:$0x1D800] =	vst v63  }
0x46: {  	_ =	swait.ge [sflag:s10], $0x800  }
0x47: {  	[sflag:s10] =	ssyncset.done $0x0  }
0x48: {  	s25 =	rddreg [dreg:$0x13];
	[sflag:s10] =	ssyncadd.s32 $0xFFFFF800  }
0x49: {  	[spmem:s25] =	stream.linear.scatter [tilespmem:s9], [sflag:$0x5], $0x800, $0x38;
	[tilespmem:$0x1D800] =	vst v63  }
0x4a: {  	_ =	swait.ge [sflag:s10], $0x800  }
0x4b: {  	[sflag:s10] =	ssyncset.done $0x0  }
0x4c: {  	s26 =	rddreg [dreg:$0x14];
	[sflag:s10] =	ssyncadd.s32 $0xFFFFF800  }
0x4d: {  	[spmem:s26] =	stream.linear.scatter [tilespmem:s9], [sflag:$0x5], $0x800, $0x38;
	[tilespmem:$0x1D800] =	vst v63  }
0x4e: {  	_ =	swait.ge [sflag:s10], $0x800  }
0x4f: {  	[sflag:s10] =	ssyncset.done $0x0  }
0x50: {  	s28 =	rddreg [dreg:$0x19];
	[sflag:s10] =	ssyncadd.s32 $0xFFFFF800  }
0x51: {  	[spmem:s28] =	stream.linear.scatter [tilespmem:s9], [sflag:$0x5], $0x800, $0x38;
	[tilespmem:$0x1D800] =	vst v63  }
0x52: {  	_ =	swait.ge [sflag:s10], $0x800  }
0x53: {  	[sflag:s10] =	ssyncset.done $0x0  }
0x54: {  	s24 =	rddreg [dreg:$0x1a];
	[sflag:s10] =	ssyncadd.s32 $0xFFFFF800  }
0x55: {  	[spmem:s24] =	stream.linear.scatter [tilespmem:s9], [sflag:$0x5], $0x800, $0x38;
	[tilespmem:$0x1D800] =	vst v63  }
0x56: {  	_ =	swait.ge [sflag:s10], $0x800  }
0x57: {  	[sflag:s10] =	ssyncset.done $0x0  }
0x58: {  	s25 =	rddreg [dreg:$0x1b];
	[sflag:s10] =	ssyncadd.s32 $0xFFFFF800  }
0x59: {  	[spmem:s25] =	stream.linear.scatter [tilespmem:s9], [sflag:$0x5], $0x800, $0x38;
	[tilespmem:$0x1D800] =	vst v63  }
0x5a: {  	_ =	swait.ge [sflag:s10], $0x800  }
0x5b: {  	[sflag:s10] =	ssyncset.done $0x0  }
0x5c: {  	[sflag:s10] =	ssyncadd.s32 $0xFFFFF800  }
0x5d: {  	[spmem:s29] =	stream.linear.scatter [tilespmem:s9], [sflag:$0x5], $0x800, $0x38;
	[tilespmem:$0x1D800] =	vst v63  }
0x5e: {  	_ =	swait.ge [sflag:s10], $0x800  }
0x5f: {  	[sflag:s10] =	ssyncset.done $0x0  }
0x60: {  	[sflag:s10] =	ssyncadd.s32 $0xFFFFF800  }
0x61: {  	[spmem:s30] =	stream.linear.scatter [tilespmem:s9], [sflag:$0x5], $0x800, $0x38;
	[tilespmem:$0x1D800] =	vst v63  }
0x62: {  	_ =	swait.ge [sflag:s10], $0x800  }
0x63: {  	[sflag:s10] =	ssyncset.done $0x0  }
0x64: {  	[sflag:s10] =	ssyncadd.s32 $0xFFFFF800  }
0x65: {  	[spmem:s31] =	stream.linear.scatter [tilespmem:s9], [sflag:$0x5], $0x800, $0x38;
	[tilespmem:$0x1D800] =	vst v63  }
0x66: {  	_ =	swait.ge [sflag:s10], $0x800  }
0x67: {  	[sflag:s10] =	ssyncset.done $0x0  }
0x68: {  	[sflag:s10] =	ssyncadd.s32 $0xFFFFF800  }
0x69: {  	[spmem:s0] =	stream.linear.scatter [tilespmem:s9], [sflag:$0x5], $0x800, $0x38;
	[tilespmem:$0x1D800] =	vst v63  }
0x6a: {  	_ =	swait.ge [sflag:s10], $0x800  }
0x6b: {  	[sflag:s10] =	ssyncset.done $0x0  }
0x6c: {  	[sflag:s10] =	ssyncadd.s32 $0xFFFFF800  }
0x6d: {  	[spmem:s3] =	stream.linear.scatter [tilespmem:s9], [sflag:$0x5], $0x800, $0x38;
	[tilespmem:$0x1D800] =	vst v63  }
0x6e: {  	_ =	swait.ge [sflag:s10], $0x800  }
0x6f: {  	[sflag:s10] =	ssyncset.done $0x0  }
0x70: {  	[sflag:s10] =	ssyncadd.s32 $0xFFFFF800  }
0x71: {  	[spmem:s6] =	stream.linear.scatter [tilespmem:s9], [sflag:$0x5], $0x800, $0x38;
	[tilespmem:$0x1D800] =	vst v63  }
0x72: {  	_ =	swait.ge [sflag:s10], $0x800  }
0x73: {  	[sflag:s10] =	ssyncset.done $0x0  }
0x74: {  	[sflag:s10] =	ssyncadd.s32 $0xFFFFF800  }
0x75: {  	[spmem:s7] =	stream.linear.scatter [tilespmem:s9], [sflag:$0x5], $0x800, $0x38;
	[tilespmem:$0x1D800] =	vst v63  }
0x76: {  	_ =	swait.ge [sflag:s10], $0x800  }
0x77: {  	[sflag:s10] =	ssyncset.done $0x0  }
0x78: {  	s26 =	stileid.u32;
	[sflag:s10] =	ssyncadd.s32 $0xFFFFF800  }
0x79: {  	[spmem:s8] =	stream.linear.scatter [tilespmem:s9], [sflag:$0x5], $0x800, $0x38;
	[tilespmem:$0x1D800] =	vst v63  }
0x7a: {  	s23 =	sshll.u32 s26, $0x6;
	_ =	swait.ge [sflag:s10], $0x800  }
0x7b: {  	s23 =	sor.u32 $0x1C05, s23;
	[sflag:s10] =	ssyncset.done $0x0;
	s24 =	rddreg [dreg:$0x6]  }
0x7c: {  	s25 =	rddreg [dreg:$0x7];
	[sflag:s10] =	ssyncadd.s32 $0xFFFFF800;
	s24 =	sshrl.u32 s24, $0x3  }
0x7d: {  	[spmem:s24@s12], [sflag:s23] =	dma.strided [hbm:s25@s13], $0x1400, s11, $0x8   }
0x7e: {  	_ =	swait.ge [sflag:s10], $0x1400  }
0x7f: {  	[sflag:s10] =	ssyncset.done $0x0  }
0x80: {  	[sflag:s10] =	ssyncadd.s32 $0xFFFFEC00  }
0x81: {  	[bflag:$0x0] =	sbarrier.arrive $0xFFFF  }
0x82: {  	s28 =	rddreg [dreg:$0x15]  }
0x83: {  	[tilespmem:s4], [sflag:$0x5] =	stream.linear.gather [hbm4b:s28+s4], $0x2800, $0x38;
	[tilespmem:$0x1D800] =	vst v63  }
0x84: {  	_ =	swait.ge [sflag:s10], $0x2800  }
0x85: {  	[sflag:s10] =	ssyncset.done $0x0  }
0x86: {  	s26 =	rddreg [dreg:$0x16];
	[sflag:s10] =	ssyncadd.s32 $0xFFFFD800  }
0x87: {  	[tilespmem:s14], [sflag:$0x5] =	stream.linear.gather [hbm4b:s26+s4], $0x2800, $0x38;
	[tilespmem:$0x1D800] =	vst v63  }
0x88: {  	_ =	swait.ge [sflag:s10], $0x2800  }
0x89: {  	[sflag:s10] =	ssyncset.done $0x0  }
0x8a: {  	[sflag:s10] =	ssyncadd.s32 $0xFFFFD800  }
0x8b: {  	[tilespmem:s16], [sflag:$0x1] =	stream.indirect.gather [spmem:s2], $0x40, s4, s15, $0xb8;
	[tilespmem:$0x1D800] =	vst v63  }
0x8c: {  	_ = 	snop  }
0x8d: {  	[tilespmem:s17], [sflag:$0x2] =	stream.indirect.gather [spmem:s2], $0x40, s15, s15, $0xb8;
	[tilespmem:$0x1D800] =	vst v63  }
0x8e: {  	_ =	swait.ge [sflag:s11], $0x2000  }
0x8f: {  	[sflag:s11] =	ssyncset.done $0x0  }
0x90: {  	[sflag:s11] =	ssyncadd.s32 $0xFFFFE000  }
0x91: {  	[spmem:s1] =	stream.indirect.scatter.add.f32 [tilespmem:s16], [sflag:$0x3], $0x40, s14, s15, $0xb8;
	[tilespmem:$0x1D800] =	vst v63  }
0x92: {  	_ =	swait.ge [sflag:s18], $0x2000  }
0x93: {  	[sflag:s18] =	ssyncset.done $0x0  }
0x94: {  	[sflag:s18] =	ssyncadd.s32 $0xFFFFE000  }
0x95: {  	[spmem:s1] =	stream.indirect.scatter.add.f32 [tilespmem:s17], [sflag:$0x4], $0x40, s19, s15, $0xb8;
	[tilespmem:$0x1D800] =	vst v63  }
0x96: {  	_ =	swait.ge [sflag:s20], $0x2000  }
0x97: {  	[sflag:s20] =	ssyncset.done $0x0  }
0x98: {  	[sflag:s20] =	ssyncadd.s32 $0xFFFFE000  }
0x99: {  	_ =	swait.ge [sflag:s21], $0x2000  }
0x9a: {  	[sflag:s21] =	ssyncset.done $0x0  }
0x9b: {  	s28 =	simm.s32 $0x100;
	[sflag:s21] =	ssyncadd.s32 $0xFFFFE000  }
0x9c: {  	[tilespmem:s16], [sflag:$0x1] =	stream.indirect.gather [spmem:s2], $0x40, s28, s15, $0xb8;
	[tilespmem:$0x1D800] =	vst v63  }
0x9d: {  	s26 =	simm.s32 $0x180  }
0x9e: {  	[tilespmem:s17], [sflag:$0x2] =	stream.indirect.gather [spmem:s2], $0x40, s26, s15, $0xb8;
	[tilespmem:$0x1D800] =	vst v63  }
0x9f: {  	_ =	swait.ge [sflag:s11], $0x2000  }
0xa0: {  	[sflag:s11] =	ssyncset.done $0x0  }
0xa1: {  	s28 =	simm.s32 $0x2900;
	[sflag:s11] =	ssyncadd.s32 $0xFFFFE000  }
0xa2: {  	[spmem:s1] =	stream.indirect.scatter.add.f32 [tilespmem:s16], [sflag:$0x3], $0x40, s28, s15, $0xb8;
	[tilespmem:$0x1D800] =	vst v63  }
0xa3: {  	_ =	swait.ge [sflag:s18], $0x2000  }
0xa4: {  	[sflag:s18] =	ssyncset.done $0x0  }
0xa5: {  	s25 =	simm.s32 $0xFFFF6800;
	s26 =	simm.s32 $0x2980;
	[sflag:s18] =	ssyncadd.s32 $0xFFFFE000  }
.LBB2_4:
0xa6: {  	[spmem:s1] =	stream.indirect.scatter.add.f32 [tilespmem:s17], [sflag:$0x4], $0x40, s26, s15, $0xb8;
	[tilespmem:$0x1D800] =	vst v63  }
0xa7: {  	s26 =	smov.u32 s25  }
0xa8: {  	p0 =	sne.s32 s25, $0xFFFFFC00;
	s25 =	sadd.s32 $0x400, s25;
	_ =	swait.ge [sflag:s20], $0x2000  }
0xa9: {  	[sflag:s20] =	ssyncset.done $0x0  }
0xaa: {  	[sflag:s20] =	ssyncadd.s32 $0xFFFFE000  }
0xab: {  	_ =	swait.ge [sflag:s21], $0x2000  }
0xac: {  	s26 =	sshra.s32 s26, $0x2;
	[sflag:s21] =	ssyncset.done $0x0  }
0xad: {  	s28 =	sadd.s32 $0x2800, s26;
	[sflag:s21] =	ssyncadd.s32 $0xFFFFE000  }
0xae: {  	[tilespmem:s16], [sflag:$0x1] =	stream.indirect.gather [spmem:s2], $0x40, s28, s15, $0xb8;
	[tilespmem:$0x1D800] =	vst v63  }
0xaf: {  	s28 =	sadd.s32 $0x2880, s26  }
0xb0: {  	[tilespmem:s17], [sflag:$0x2] =	stream.indirect.gather [spmem:s2], $0x40, s28, s15, $0xb8;
	[tilespmem:$0x1D800] =	vst v63  }
0xb1: {  	_ =	swait.ge [sflag:s11], $0x2000  }
0xb2: {  	[sflag:s11] =	ssyncset.done $0x0  }
.Ltmp1:
0xb3: {  	s28 =	sadd.s32 $0x5000, s26;
	[sflag:s11] =	ssyncadd.s32 $0xFFFFE000;
	(pc) =	sbr.rel @p0 .LBB2_4-.Ltmp1, $4  }
0xb4: {  	[spmem:s1] =	stream.indirect.scatter.add.f32 [tilespmem:s16], [sflag:$0x3], $0x40, s28, s15, $0xb8;
	[tilespmem:$0x1D800] =	vst v63  }
0xb5: {  	_ =	swait.ge [sflag:s18], $0x2000  }
0xb6: {  	[sflag:s18] =	ssyncset.done $0x0  }
0xb7: {  	s26 =	sadd.s32 $0x5080, s26;
	[sflag:s18] =	ssyncadd.s32 $0xFFFFE000  }
0xb8: {  	[spmem:s1] =	stream.indirect.scatter.add.f32 [tilespmem:s17], [sflag:$0x4], $0x40, s26, s15, $0xb8;
	[tilespmem:$0x1D800] =	vst v63  }
0xb9: {  	_ =	swait.ge [sflag:s20], $0x2000  }
0xba: {  	[sflag:s20] =	ssyncset.done $0x0  }
0xbb: {  	[sflag:s20] =	ssyncadd.s32 $0xFFFFE000  }
0xbc: {  	_ =	swait.ge [sflag:s21], $0x2000  }
0xbd: {  	[sflag:s21] =	ssyncset.done $0x0  }
0xbe: {  	s25 =	rddreg [dreg:$0x17];
	[sflag:s21] =	ssyncadd.s32 $0xFFFFE000  }
0xbf: {  	[tilespmem:s4], [sflag:$0x5] =	stream.linear.gather [hbm4b:s25+s4], $0x2800, $0x38;
	[tilespmem:$0x1D800] =	vst v63  }
0xc0: {  	_ =	swait.ge [sflag:s10], $0x2800  }
0xc1: {  	[sflag:s10] =	ssyncset.done $0x0  }
0xc2: {  	s26 =	rddreg [dreg:$0x18];
	[sflag:s10] =	ssyncadd.s32 $0xFFFFD800  }
0xc3: {  	[tilespmem:s14], [sflag:$0x5] =	stream.linear.gather [hbm4b:s26+s4], $0x2800, $0x38;
	[tilespmem:$0x1D800] =	vst v63  }
0xc4: {  	_ =	swait.ge [sflag:s10], $0x2800  }
0xc5: {  	[sflag:s10] =	ssyncset.done $0x0  }
0xc6: {  	[sflag:s10] =	ssyncadd.s32 $0xFFFFD800  }
0xc7: {  	[tilespmem:s16], [sflag:$0x1] =	stream.indirect.gather [spmem:s2], $0x40, s4, s15, $0xb8;
	[tilespmem:$0x1D800] =	vst v63  }
0xc8: {  	_ = 	snop  }
0xc9: {  	[tilespmem:s17], [sflag:$0x2] =	stream.indirect.gather [spmem:s2], $0x40, s15, s15, $0xb8;
	[tilespmem:$0x1D800] =	vst v63  }
0xca: {  	_ =	swait.ge [sflag:s11], $0x2000  }
0xcb: {  	[sflag:s11] =	ssyncset.done $0x0  }
0xcc: {  	[sflag:s11] =	ssyncadd.s32 $0xFFFFE000  }
0xcd: {  	[spmem:s1] =	stream.indirect.scatter.add.f32 [tilespmem:s16], [sflag:$0x3], $0x40, s14, s15, $0xb8;
	[tilespmem:$0x1D800] =	vst v63  }
0xce: {  	_ =	swait.ge [sflag:s18], $0x2000  }
0xcf: {  	[sflag:s18] =	ssyncset.done $0x0  }
0xd0: {  	[sflag:s18] =	ssyncadd.s32 $0xFFFFE000  }
0xd1: {  	[spmem:s1] =	stream.indirect.scatter.add.f32 [tilespmem:s17], [sflag:$0x4], $0x40, s19, s15, $0xb8;
	[tilespmem:$0x1D800] =	vst v63  }
0xd2: {  	_ =	swait.ge [sflag:s20], $0x2000  }
0xd3: {  	[sflag:s20] =	ssyncset.done $0x0  }
0xd4: {  	[sflag:s20] =	ssyncadd.s32 $0xFFFFE000  }
0xd5: {  	_ =	swait.ge [sflag:s21], $0x2000  }
0xd6: {  	[sflag:s21] =	ssyncset.done $0x0  }
0xd7: {  	s28 =	simm.s32 $0x100;
	[sflag:s21] =	ssyncadd.s32 $0xFFFFE000  }
0xd8: {  	[tilespmem:s16], [sflag:$0x1] =	stream.indirect.gather [spmem:s2], $0x40, s28, s15, $0xb8;
	[tilespmem:$0x1D800] =	vst v63  }
0xd9: {  	s26 =	simm.s32 $0x180  }
0xda: {  	[tilespmem:s17], [sflag:$0x2] =	stream.indirect.gather [spmem:s2], $0x40, s26, s15, $0xb8;
	[tilespmem:$0x1D800] =	vst v63  }
0xdb: {  	_ =	swait.ge [sflag:s11], $0x2000  }
0xdc: {  	[sflag:s11] =	ssyncset.done $0x0  }
0xdd: {  	s28 =	simm.s32 $0x2900;
	[sflag:s11] =	ssyncadd.s32 $0xFFFFE000  }
0xde: {  	[spmem:s1] =	stream.indirect.scatter.add.f32 [tilespmem:s16], [sflag:$0x3], $0x40, s28, s15, $0xb8;
	[tilespmem:$0x1D800] =	vst v63  }
0xdf: {  	_ =	swait.ge [sflag:s18], $0x2000  }
0xe0: {  	[sflag:s18] =	ssyncset.done $0x0  }
0xe1: {  	s25 =	simm.s32 $0xFFFF6800;
	s26 =	simm.s32 $0x2980;
	[sflag:s18] =	ssyncadd.s32 $0xFFFFE000  }
.LBB2_6:
0xe2: {  	[spmem:s1] =	stream.indirect.scatter.add.f32 [tilespmem:s17], [sflag:$0x4], $0x40, s26, s15, $0xb8;
	[tilespmem:$0x1D800] =	vst v63  }
0xe3: {  	s26 =	smov.u32 s25  }
0xe4: {  	p0 =	sne.s32 s25, $0xFFFFFC00;
	s25 =	sadd.s32 $0x400, s25;
	_ =	swait.ge [sflag:s20], $0x2000  }
0xe5: {  	[sflag:s20] =	ssyncset.done $0x0  }
0xe6: {  	[sflag:s20] =	ssyncadd.s32 $0xFFFFE000  }
0xe7: {  	_ =	swait.ge [sflag:s21], $0x2000  }
0xe8: {  	s26 =	sshra.s32 s26, $0x2;
	[sflag:s21] =	ssyncset.done $0x0  }
0xe9: {  	s28 =	sadd.s32 $0x2800, s26;
	[sflag:s21] =	ssyncadd.s32 $0xFFFFE000  }
0xea: {  	[tilespmem:s16], [sflag:$0x1] =	stream.indirect.gather [spmem:s2], $0x40, s28, s15, $0xb8;
	[tilespmem:$0x1D800] =	vst v63  }
0xeb: {  	s28 =	sadd.s32 $0x2880, s26  }
0xec: {  	[tilespmem:s17], [sflag:$0x2] =	stream.indirect.gather [spmem:s2], $0x40, s28, s15, $0xb8;
	[tilespmem:$0x1D800] =	vst v63  }
0xed: {  	_ =	swait.ge [sflag:s11], $0x2000  }
0xee: {  	[sflag:s11] =	ssyncset.done $0x0  }
.Ltmp2:
0xef: {  	s28 =	sadd.s32 $0x5000, s26;
	[sflag:s11] =	ssyncadd.s32 $0xFFFFE000;
	(pc) =	sbr.rel @p0 .LBB2_6-.Ltmp2, $4  }
0xf0: {  	[spmem:s1] =	stream.indirect.scatter.add.f32 [tilespmem:s16], [sflag:$0x3], $0x40, s28, s15, $0xb8;
	[tilespmem:$0x1D800] =	vst v63  }
0xf1: {  	_ =	swait.ge [sflag:s18], $0x2000  }
0xf2: {  	[sflag:s18] =	ssyncset.done $0x0  }
0xf3: {  	s26 =	sadd.s32 $0x5080, s26;
	[sflag:s18] =	ssyncadd.s32 $0xFFFFE000  }
0xf4: {  	[spmem:s1] =	stream.indirect.scatter.add.f32 [tilespmem:s17], [sflag:$0x4], $0x40, s26, s15, $0xb8;
	[tilespmem:$0x1D800] =	vst v63  }
0xf5: {  	_ =	swait.ge [sflag:s20], $0x2000  }
0xf6: {  	[sflag:s20] =	ssyncset.done $0x0  }
0xf7: {  	[sflag:s20] =	ssyncadd.s32 $0xFFFFE000  }
0xf8: {  	_ =	swait.ge [sflag:s21], $0x2000  }
0xf9: {  	[sflag:s21] =	ssyncset.done $0x0  }
0xfa: {  	[sflag:s21] =	ssyncadd.s32 $0xFFFFE000  }
0xfb: {  	[bflag:$0x0] =	sbarrier.arrive $0xFFFF  }
0xfc: {  	s25 =	rddreg [dreg:$0x9]  }
0xfd: {  	s28 =	rddreg [dreg:$0x8];
	s25 =	sshrl.u32 s25, $0x3  }
0xfe: {  	[hbm:s28@s13], [sflag:s23] =	dma.strided [spmem:s25@s12], $0x1400, s11, $0x8   }
0xff: {  	_ =	swait.ge [sflag:s10], $0x1400  }
0x100: {  	[sflag:s10] =	ssyncset.done $0x0  }
0x101: {  	[sflag:s10] =	ssyncadd.s32 $0xFFFFEC00  }
0x102: {  	[spmem:s5] =	stream.linear.scatter [tilespmem:s9], [sflag:$0x5], $0x800, $0x38;
	[tilespmem:$0x1D800] =	vst v63  }
0x103: {  	_ =	swait.ge [sflag:s10], $0x800  }
0x104: {  	[sflag:s10] =	ssyncset.done $0x0  }
0x105: {  	s28 =	rddreg [dreg:$0xd];
	[sflag:s10] =	ssyncadd.s32 $0xFFFFF800  }
0x106: {  	[spmem:s28] =	stream.linear.scatter [tilespmem:s9], [sflag:$0x5], $0x800, $0x38;
	[tilespmem:$0x1D800] =	vst v63  }
0x107: {  	_ =	swait.ge [sflag:s10], $0x800  }
0x108: {  	[sflag:s10] =	ssyncset.done $0x0  }
0x109: {  	s28 =	rddreg [dreg:$0xe];
	[sflag:s10] =	ssyncadd.s32 $0xFFFFF800  }
0x10a: {  	[spmem:s28] =	stream.linear.scatter [tilespmem:s9], [sflag:$0x5], $0x800, $0x38;
	[tilespmem:$0x1D800] =	vst v63  }
0x10b: {  	_ =	swait.ge [sflag:s10], $0x800  }
0x10c: {  	[sflag:s10] =	ssyncset.done $0x0  }
0x10d: {  	s28 =	rddreg [dreg:$0xf];
	[sflag:s10] =	ssyncadd.s32 $0xFFFFF800  }
0x10e: {  	[spmem:s28] =	stream.linear.scatter [tilespmem:s9], [sflag:$0x5], $0x800, $0x38;
	[tilespmem:$0x1D800] =	vst v63  }
0x10f: {  	_ =	swait.ge [sflag:s10], $0x800  }
0x110: {  	[sflag:s10] =	ssyncset.done $0x0  }
0x111: {  	s28 =	rddreg [dreg:$0x10];
	[sflag:s10] =	ssyncadd.s32 $0xFFFFF800  }
0x112: {  	[spmem:s28] =	stream.linear.scatter [tilespmem:s9], [sflag:$0x5], $0x800, $0x38;
	[tilespmem:$0x1D800] =	vst v63  }
0x113: {  	_ =	swait.ge [sflag:s10], $0x800  }
0x114: {  	[sflag:s10] =	ssyncset.done $0x0  }
0x115: {  	s28 =	rddreg [dreg:$0x11];
	[sflag:s10] =	ssyncadd.s32 $0xFFFFF800  }
0x116: {  	[spmem:s28] =	stream.linear.scatter [tilespmem:s9], [sflag:$0x5], $0x800, $0x38;
	[tilespmem:$0x1D800] =	vst v63  }
0x117: {  	_ =	swait.ge [sflag:s10], $0x800  }
0x118: {  	[sflag:s10] =	ssyncset.done $0x0  }
0x119: {  	s28 =	rddreg [dreg:$0x12];
	[sflag:s10] =	ssyncadd.s32 $0xFFFFF800  }
0x11a: {  	[spmem:s28] =	stream.linear.scatter [tilespmem:s9], [sflag:$0x5], $0x800, $0x38;
	[tilespmem:$0x1D800] =	vst v63  }
0x11b: {  	_ =	swait.ge [sflag:s10], $0x800  }
0x11c: {  	[sflag:s10] =	ssyncset.done $0x0  }
0x11d: {  	s28 =	rddreg [dreg:$0x13];
	[sflag:s10] =	ssyncadd.s32 $0xFFFFF800  }
0x11e: {  	[spmem:s28] =	stream.linear.scatter [tilespmem:s9], [sflag:$0x5], $0x800, $0x38;
	[tilespmem:$0x1D800] =	vst v63  }
0x11f: {  	_ =	swait.ge [sflag:s10], $0x800  }
0x120: {  	[sflag:s10] =	ssyncset.done $0x0  }
0x121: {  	s28 =	rddreg [dreg:$0x14];
	[sflag:s10] =	ssyncadd.s32 $0xFFFFF800  }
0x122: {  	[spmem:s28] =	stream.linear.scatter [tilespmem:s9], [sflag:$0x5], $0x800, $0x38;
	[tilespmem:$0x1D800] =	vst v63  }
0x123: {  	_ =	swait.ge [sflag:s10], $0x800  }
0x124: {  	[sflag:s10] =	ssyncset.done $0x0  }
0x125: {  	s28 =	rddreg [dreg:$0x19];
	[sflag:s10] =	ssyncadd.s32 $0xFFFFF800  }
0x126: {  	[spmem:s28] =	stream.linear.scatter [tilespmem:s9], [sflag:$0x5], $0x800, $0x38;
	[tilespmem:$0x1D800] =	vst v63  }
0x127: {  	_ =	swait.ge [sflag:s10], $0x800  }
0x128: {  	[sflag:s10] =	ssyncset.done $0x0  }
0x129: {  	s28 =	rddreg [dreg:$0x1a];
	[sflag:s10] =	ssyncadd.s32 $0xFFFFF800  }
0x12a: {  	[spmem:s28] =	stream.linear.scatter [tilespmem:s9], [sflag:$0x5], $0x800, $0x38;
	[tilespmem:$0x1D800] =	vst v63  }
0x12b: {  	_ =	swait.ge [sflag:s10], $0x800  }
0x12c: {  	[sflag:s10] =	ssyncset.done $0x0  }
0x12d: {  	s28 =	rddreg [dreg:$0x1b];
	[sflag:s10] =	ssyncadd.s32 $0xFFFFF800  }
0x12e: {  	[spmem:s28] =	stream.linear.scatter [tilespmem:s9], [sflag:$0x5], $0x800, $0x38;
	[tilespmem:$0x1D800] =	vst v63  }
0x12f: {  	_ =	swait.ge [sflag:s10], $0x800  }
0x130: {  	[sflag:s10] =	ssyncset.done $0x0  }
0x131: {  	[sflag:s10] =	ssyncadd.s32 $0xFFFFF800  }
0x132: {  	[spmem:s29] =	stream.linear.scatter [tilespmem:s9], [sflag:$0x5], $0x800, $0x38;
	[tilespmem:$0x1D800] =	vst v63  }
0x133: {  	_ =	swait.ge [sflag:s10], $0x800  }
0x134: {  	[sflag:s10] =	ssyncset.done $0x0  }
0x135: {  	[sflag:s10] =	ssyncadd.s32 $0xFFFFF800  }
0x136: {  	[spmem:s30] =	stream.linear.scatter [tilespmem:s9], [sflag:$0x5], $0x800, $0x38;
	[tilespmem:$0x1D800] =	vst v63  }
0x137: {  	_ =	swait.ge [sflag:s10], $0x800  }
0x138: {  	[sflag:s10] =	ssyncset.done $0x0  }
0x139: {  	[sflag:s10] =	ssyncadd.s32 $0xFFFFF800  }
0x13a: {  	[spmem:s31] =	stream.linear.scatter [tilespmem:s9], [sflag:$0x5], $0x800, $0x38;
	[tilespmem:$0x1D800] =	vst v63  }
0x13b: {  	_ =	swait.ge [sflag:s10], $0x800  }
0x13c: {  	[sflag:s10] =	ssyncset.done $0x0  }
0x13d: {  	[sflag:s10] =	ssyncadd.s32 $0xFFFFF800  }
0x13e: {  	[spmem:s0] =	stream.linear.scatter [tilespmem:s9], [sflag:$0x5], $0x800, $0x38;
	[tilespmem:$0x1D800] =	vst v63  }
0x13f: {  	_ =	swait.ge [sflag:s10], $0x800  }
0x140: {  	[sflag:s10] =	ssyncset.done $0x0  }
0x141: {  	[sflag:s10] =	ssyncadd.s32 $0xFFFFF800  }
0x142: {  	[spmem:s3] =	stream.linear.scatter [tilespmem:s9], [sflag:$0x5], $0x800, $0x38;
	[tilespmem:$0x1D800] =	vst v63  }
0x143: {  	_ =	swait.ge [sflag:s10], $0x800  }
0x144: {  	[sflag:s10] =	ssyncset.done $0x0  }
0x145: {  	[sflag:s10] =	ssyncadd.s32 $0xFFFFF800  }
0x146: {  	[spmem:s6] =	stream.linear.scatter [tilespmem:s9], [sflag:$0x5], $0x800, $0x38;
	[tilespmem:$0x1D800] =	vst v63  }
0x147: {  	_ =	swait.ge [sflag:s10], $0x800  }
0x148: {  	[sflag:s10] =	ssyncset.done $0x0  }
0x149: {  	[sflag:s10] =	ssyncadd.s32 $0xFFFFF800  }
0x14a: {  	[spmem:s7] =	stream.linear.scatter [tilespmem:s9], [sflag:$0x5], $0x800, $0x38;
	[tilespmem:$0x1D800] =	vst v63  }
0x14b: {  	_ =	swait.ge [sflag:s10], $0x800  }
0x14c: {  	[sflag:s10] =	ssyncset.done $0x0  }
0x14d: {  	[sflag:s10] =	ssyncadd.s32 $0xFFFFF800  }
0x14e: {  	[spmem:s8] =	stream.linear.scatter [tilespmem:s9], [sflag:$0x5], $0x800, $0x38;
	[tilespmem:$0x1D800] =	vst v63  }
0x14f: {  	_ =	swait.ge [sflag:s10], $0x800  }
0x150: {  	[sflag:s10] =	ssyncset.done $0x0  }
0x151: {  	s28 =	rddreg [dreg:$0xa];
	[sflag:s10] =	ssyncadd.s32 $0xFFFFF800  }
0x152: {  	[spmem:s24@s12], [sflag:s23] =	dma.strided [hbm:s28@s13], $0x1400, s11, $0x8   }
0x153: {  	_ =	swait.ge [sflag:s10], $0x1400  }
0x154: {  	[sflag:s10] =	ssyncset.done $0x0  }
0x155: {  	[sflag:s10] =	ssyncadd.s32 $0xFFFFEC00  }
0x156: {  	[bflag:$0x0] =	sbarrier.arrive $0xFFFF  }
0x157: {  	s28 =	rddreg [dreg:$0x15]  }
0x158: {  	[tilespmem:s4], [sflag:$0x5] =	stream.linear.gather [hbm4b:s28+s4], $0x2800, $0x38;
	[tilespmem:$0x1D800] =	vst v63  }
0x159: {  	_ =	swait.ge [sflag:s10], $0x2800  }
0x15a: {  	[sflag:s10] =	ssyncset.done $0x0  }
0x15b: {  	s26 =	rddreg [dreg:$0x16];
	[sflag:s10] =	ssyncadd.s32 $0xFFFFD800  }
0x15c: {  	[tilespmem:s14], [sflag:$0x5] =	stream.linear.gather [hbm4b:s26+s4], $0x2800, $0x38;
	[tilespmem:$0x1D800] =	vst v63  }
0x15d: {  	_ =	swait.ge [sflag:s10], $0x2800  }
0x15e: {  	[sflag:s10] =	ssyncset.done $0x0  }
0x15f: {  	[sflag:s10] =	ssyncadd.s32 $0xFFFFD800  }
0x160: {  	[tilespmem:s16], [sflag:$0x1] =	stream.indirect.gather [spmem:s2], $0x40, s4, s15, $0xb8;
	[tilespmem:$0x1D800] =	vst v63  }
0x161: {  	_ = 	snop  }
0x162: {  	[tilespmem:s17], [sflag:$0x2] =	stream.indirect.gather [spmem:s2], $0x40, s15, s15, $0xb8;
	[tilespmem:$0x1D800] =	vst v63  }
0x163: {  	_ =	swait.ge [sflag:s11], $0x2000  }
0x164: {  	[sflag:s11] =	ssyncset.done $0x0  }
0x165: {  	[sflag:s11] =	ssyncadd.s32 $0xFFFFE000  }
0x166: {  	[spmem:s1] =	stream.indirect.scatter.add.f32 [tilespmem:s16], [sflag:$0x3], $0x40, s14, s15, $0xb8;
	[tilespmem:$0x1D800] =	vst v63  }
0x167: {  	_ =	swait.ge [sflag:s18], $0x2000  }
0x168: {  	[sflag:s18] =	ssyncset.done $0x0  }
0x169: {  	[sflag:s18] =	ssyncadd.s32 $0xFFFFE000  }
0x16a: {  	[spmem:s1] =	stream.indirect.scatter.add.f32 [tilespmem:s17], [sflag:$0x4], $0x40, s19, s15, $0xb8;
	[tilespmem:$0x1D800] =	vst v63  }
0x16b: {  	_ =	swait.ge [sflag:s20], $0x2000  }
0x16c: {  	[sflag:s20] =	ssyncset.done $0x0  }
0x16d: {  	[sflag:s20] =	ssyncadd.s32 $0xFFFFE000  }
0x16e: {  	_ =	swait.ge [sflag:s21], $0x2000  }
0x16f: {  	[sflag:s21] =	ssyncset.done $0x0  }
0x170: {  	s28 =	simm.s32 $0x100;
	[sflag:s21] =	ssyncadd.s32 $0xFFFFE000  }
0x171: {  	[tilespmem:s16], [sflag:$0x1] =	stream.indirect.gather [spmem:s2], $0x40, s28, s15, $0xb8;
	[tilespmem:$0x1D800] =	vst v63  }
0x172: {  	s26 =	simm.s32 $0x180  }
0x173: {  	[tilespmem:s17], [sflag:$0x2] =	stream.indirect.gather [spmem:s2], $0x40, s26, s15, $0xb8;
	[tilespmem:$0x1D800] =	vst v63  }
0x174: {  	_ =	swait.ge [sflag:s11], $0x2000  }
0x175: {  	[sflag:s11] =	ssyncset.done $0x0  }
0x176: {  	s28 =	simm.s32 $0x2900;
	[sflag:s11] =	ssyncadd.s32 $0xFFFFE000  }
0x177: {  	[spmem:s1] =	stream.indirect.scatter.add.f32 [tilespmem:s16], [sflag:$0x3], $0x40, s28, s15, $0xb8;
	[tilespmem:$0x1D800] =	vst v63  }
0x178: {  	_ =	swait.ge [sflag:s18], $0x2000  }
0x179: {  	[sflag:s18] =	ssyncset.done $0x0  }
0x17a: {  	s24 =	simm.s32 $0xFFFF6800;
	s26 =	simm.s32 $0x2980;
	[sflag:s18] =	ssyncadd.s32 $0xFFFFE000  }
.LBB2_8:
0x17b: {  	[spmem:s1] =	stream.indirect.scatter.add.f32 [tilespmem:s17], [sflag:$0x4], $0x40, s26, s15, $0xb8;
	[tilespmem:$0x1D800] =	vst v63  }
0x17c: {  	s26 =	smov.u32 s24  }
0x17d: {  	p0 =	sne.s32 s24, $0xFFFFFC00;
	s24 =	sadd.s32 $0x400, s24;
	_ =	swait.ge [sflag:s20], $0x2000  }
0x17e: {  	[sflag:s20] =	ssyncset.done $0x0  }
0x17f: {  	[sflag:s20] =	ssyncadd.s32 $0xFFFFE000  }
0x180: {  	_ =	swait.ge [sflag:s21], $0x2000  }
0x181: {  	s26 =	sshra.s32 s26, $0x2;
	[sflag:s21] =	ssyncset.done $0x0  }
0x182: {  	s28 =	sadd.s32 $0x2800, s26;
	[sflag:s21] =	ssyncadd.s32 $0xFFFFE000  }
0x183: {  	[tilespmem:s16], [sflag:$0x1] =	stream.indirect.gather [spmem:s2], $0x40, s28, s15, $0xb8;
	[tilespmem:$0x1D800] =	vst v63  }
0x184: {  	s28 =	sadd.s32 $0x2880, s26  }
0x185: {  	[tilespmem:s17], [sflag:$0x2] =	stream.indirect.gather [spmem:s2], $0x40, s28, s15, $0xb8;
	[tilespmem:$0x1D800] =	vst v63  }
0x186: {  	_ =	swait.ge [sflag:s11], $0x2000  }
0x187: {  	[sflag:s11] =	ssyncset.done $0x0  }
.Ltmp3:
0x188: {  	s28 =	sadd.s32 $0x5000, s26;
	[sflag:s11] =	ssyncadd.s32 $0xFFFFE000;
	(pc) =	sbr.rel @p0 .LBB2_8-.Ltmp3, $4  }
0x189: {  	[spmem:s1] =	stream.indirect.scatter.add.f32 [tilespmem:s16], [sflag:$0x3], $0x40, s28, s15, $0xb8;
	[tilespmem:$0x1D800] =	vst v63  }
0x18a: {  	_ =	swait.ge [sflag:s18], $0x2000  }
0x18b: {  	[sflag:s18] =	ssyncset.done $0x0  }
0x18c: {  	s26 =	sadd.s32 $0x5080, s26;
	[sflag:s18] =	ssyncadd.s32 $0xFFFFE000  }
0x18d: {  	[spmem:s1] =	stream.indirect.scatter.add.f32 [tilespmem:s17], [sflag:$0x4], $0x40, s26, s15, $0xb8;
	[tilespmem:$0x1D800] =	vst v63  }
0x18e: {  	_ =	swait.ge [sflag:s20], $0x2000  }
0x18f: {  	[sflag:s20] =	ssyncset.done $0x0  }
0x190: {  	[sflag:s20] =	ssyncadd.s32 $0xFFFFE000  }
0x191: {  	_ =	swait.ge [sflag:s21], $0x2000  }
0x192: {  	[sflag:s21] =	ssyncset.done $0x0  }
0x193: {  	s24 =	rddreg [dreg:$0x17];
	[sflag:s21] =	ssyncadd.s32 $0xFFFFE000  }
0x194: {  	[tilespmem:s4], [sflag:$0x5] =	stream.linear.gather [hbm4b:s24+s4], $0x2800, $0x38;
	[tilespmem:$0x1D800] =	vst v63  }
0x195: {  	_ =	swait.ge [sflag:s10], $0x2800  }
0x196: {  	[sflag:s10] =	ssyncset.done $0x0  }
0x197: {  	s26 =	rddreg [dreg:$0x18];
	[sflag:s10] =	ssyncadd.s32 $0xFFFFD800  }
0x198: {  	[tilespmem:s14], [sflag:$0x5] =	stream.linear.gather [hbm4b:s26+s4], $0x2800, $0x38;
	[tilespmem:$0x1D800] =	vst v63  }
0x199: {  	_ =	swait.ge [sflag:s10], $0x2800  }
0x19a: {  	[sflag:s10] =	ssyncset.done $0x0  }
0x19b: {  	[sflag:s10] =	ssyncadd.s32 $0xFFFFD800  }
0x19c: {  	[tilespmem:s16], [sflag:$0x1] =	stream.indirect.gather [spmem:s2], $0x40, s4, s15, $0xb8;
	[tilespmem:$0x1D800] =	vst v63  }
0x19d: {  	_ = 	snop  }
0x19e: {  	[tilespmem:s17], [sflag:$0x2] =	stream.indirect.gather [spmem:s2], $0x40, s15, s15, $0xb8;
	[tilespmem:$0x1D800] =	vst v63  }
0x19f: {  	_ =	swait.ge [sflag:s11], $0x2000  }
0x1a0: {  	[sflag:s11] =	ssyncset.done $0x0  }
0x1a1: {  	[sflag:s11] =	ssyncadd.s32 $0xFFFFE000  }
0x1a2: {  	[spmem:s1] =	stream.indirect.scatter.add.f32 [tilespmem:s16], [sflag:$0x3], $0x40, s14, s15, $0xb8;
	[tilespmem:$0x1D800] =	vst v63  }
0x1a3: {  	_ =	swait.ge [sflag:s18], $0x2000  }
0x1a4: {  	[sflag:s18] =	ssyncset.done $0x0  }
0x1a5: {  	[sflag:s18] =	ssyncadd.s32 $0xFFFFE000  }
0x1a6: {  	[spmem:s1] =	stream.indirect.scatter.add.f32 [tilespmem:s17], [sflag:$0x4], $0x40, s19, s15, $0xb8;
	[tilespmem:$0x1D800] =	vst v63  }
0x1a7: {  	_ =	swait.ge [sflag:s20], $0x2000  }
0x1a8: {  	[sflag:s20] =	ssyncset.done $0x0  }
0x1a9: {  	[sflag:s20] =	ssyncadd.s32 $0xFFFFE000  }
0x1aa: {  	_ =	swait.ge [sflag:s21], $0x2000  }
0x1ab: {  	[sflag:s21] =	ssyncset.done $0x0  }
0x1ac: {  	s28 =	simm.s32 $0x100;
	[sflag:s21] =	ssyncadd.s32 $0xFFFFE000  }
0x1ad: {  	[tilespmem:s16], [sflag:$0x1] =	stream.indirect.gather [spmem:s2], $0x40, s28, s15, $0xb8;
	[tilespmem:$0x1D800] =	vst v63  }
0x1ae: {  	s26 =	simm.s32 $0x180  }
0x1af: {  	[tilespmem:s17], [sflag:$0x2] =	stream.indirect.gather [spmem:s2], $0x40, s26, s15, $0xb8;
	[tilespmem:$0x1D800] =	vst v63  }
0x1b0: {  	_ =	swait.ge [sflag:s11], $0x2000  }
0x1b1: {  	[sflag:s11] =	ssyncset.done $0x0  }
0x1b2: {  	s28 =	simm.s32 $0x2900;
	[sflag:s11] =	ssyncadd.s32 $0xFFFFE000  }
0x1b3: {  	[spmem:s1] =	stream.indirect.scatter.add.f32 [tilespmem:s16], [sflag:$0x3], $0x40, s28, s15, $0xb8;
	[tilespmem:$0x1D800] =	vst v63  }
0x1b4: {  	_ =	swait.ge [sflag:s18], $0x2000  }
0x1b5: {  	[sflag:s18] =	ssyncset.done $0x0  }
0x1b6: {  	s24 =	simm.s32 $0xFFFF6800;
	s26 =	simm.s32 $0x2980;
	[sflag:s18] =	ssyncadd.s32 $0xFFFFE000  }
.LBB2_10:
0x1b7: {  	[spmem:s1] =	stream.indirect.scatter.add.f32 [tilespmem:s17], [sflag:$0x4], $0x40, s26, s15, $0xb8;
	[tilespmem:$0x1D800] =	vst v63  }
0x1b8: {  	s26 =	smov.u32 s24  }
0x1b9: {  	p0 =	sne.s32 s24, $0xFFFFFC00;
	s24 =	sadd.s32 $0x400, s24;
	_ =	swait.ge [sflag:s20], $0x2000  }
0x1ba: {  	[sflag:s20] =	ssyncset.done $0x0  }
0x1bb: {  	[sflag:s20] =	ssyncadd.s32 $0xFFFFE000  }
0x1bc: {  	_ =	swait.ge [sflag:s21], $0x2000  }
0x1bd: {  	s26 =	sshra.s32 s26, $0x2;
	[sflag:s21] =	ssyncset.done $0x0  }
0x1be: {  	s28 =	sadd.s32 $0x2800, s26;
	[sflag:s21] =	ssyncadd.s32 $0xFFFFE000  }
0x1bf: {  	[tilespmem:s16], [sflag:$0x1] =	stream.indirect.gather [spmem:s2], $0x40, s28, s15, $0xb8;
	[tilespmem:$0x1D800] =	vst v63  }
0x1c0: {  	s28 =	sadd.s32 $0x2880, s26  }
0x1c1: {  	[tilespmem:s17], [sflag:$0x2] =	stream.indirect.gather [spmem:s2], $0x40, s28, s15, $0xb8;
	[tilespmem:$0x1D800] =	vst v63  }
0x1c2: {  	_ =	swait.ge [sflag:s11], $0x2000  }
0x1c3: {  	[sflag:s11] =	ssyncset.done $0x0  }
.Ltmp4:
0x1c4: {  	s28 =	sadd.s32 $0x5000, s26;
	[sflag:s11] =	ssyncadd.s32 $0xFFFFE000;
	(pc) =	sbr.rel @p0 .LBB2_10-.Ltmp4, $4  }
0x1c5: {  	[spmem:s1] =	stream.indirect.scatter.add.f32 [tilespmem:s16], [sflag:$0x3], $0x40, s28, s15, $0xb8;
	[tilespmem:$0x1D800] =	vst v63  }
0x1c6: {  	_ =	swait.ge [sflag:s18], $0x2000  }
0x1c7: {  	[sflag:s18] =	ssyncset.done $0x0  }
0x1c8: {  	s26 =	sadd.s32 $0x5080, s26;
	[sflag:s18] =	ssyncadd.s32 $0xFFFFE000  }
0x1c9: {  	[spmem:s1] =	stream.indirect.scatter.add.f32 [tilespmem:s17], [sflag:$0x4], $0x40, s26, s15, $0xb8;
	[tilespmem:$0x1D800] =	vst v63  }
0x1ca: {  	_ =	swait.ge [sflag:s20], $0x2000  }
0x1cb: {  	[sflag:s20] =	ssyncset.done $0x0  }
0x1cc: {  	[sflag:s20] =	ssyncadd.s32 $0xFFFFE000  }
0x1cd: {  	_ =	swait.ge [sflag:s21], $0x2000  }
0x1ce: {  	[sflag:s21] =	ssyncset.done $0x0  }
0x1cf: {  	[sflag:s21] =	ssyncadd.s32 $0xFFFFE000  }
0x1d0: {  	[bflag:$0x0] =	sbarrier.arrive $0xFFFF  }
0x1d1: {  	s24 =	rddreg [dreg:$0xb]  }
0x1d2: {  	[hbm:s24@s13], [sflag:s23] =	dma.strided [spmem:s25@s12], $0x1400, s11, $0x8   }
0x1d3: {  	_ =	swait.ge [sflag:s10], $0x1400  }
0x1d4: {  	s22 =	sadd.s32 $0x1, s22;
	s28 =	rddreg [dreg:$0xc]  }
0x1d5: {  	p0 =	sne.s32 s22, s28  }
.Ltmp5:
0x1d6: {  	_ = 	snop;
	(pc) =	sbr.rel @p0 .LBB2_1-.Ltmp5, $3  }
0x1d7: {  	_ =	sdelay $0x1  }
0x1d8: {  	[sflag:s10] =	ssyncset.done $0x0  }
0x1d9: {  	[sflag:s10] =	ssyncadd.s32 $0xFFFFEC00  }
0x1da: {  	_ =	sfence.sel $0x180000  }
0x1db: {  	[bflag:$0x0] =	sbarrier.arrive $0xFFFF  }
0x1dc: {  	_ =	strace $0x9000004A  }
0x1dd: {  	s0 =	stileid.u32;
	[bflag:$0x2] =	sbarrier.arrive $0xFFFF  }
0x1de: {  	p0 =	sne.s32 s0, $0x0;
	s0 =	rddreg [dreg:$0x5]  }
0x1df: {  	s0 =	sadd.s32 @!p0 $0x100000, s0  }
0x1e0: {  	[sflag:s0] =	ssyncadd.tile.s32 @!p0 $0x1;
	_ =	shalt  }
.Lfunc_end2:
_tile_overlayer_lowered:
.L_overlay_start_2:
0x1e1: {  	(tag) =	ssettag $0x2  }
0x1e2: {  	s0 =	rddreg [dreg:$0x0];
	s2 =	stileid.u32  }
0x1e3: {  	s1 =	rddreg [dreg:$0x1];
	p0 =	sne.s32 s2, $0x0  }
0x1e4: {  	s3 =	rddreg [dreg:$0x2];
	[bflag:$0x3] =	sbarrier.arrive $0xFFFF;
	s2 =	simm.s32 @!p0 $0x1C05  }
0x1e5: {  	[timem:s3], [sflag:s2] =	dma.local @!p0 [hbm:s0], s1  }
0x1e6: {  	s0 =	simm.s32 @!p0 $0x5  }
0x1e7: {  	_ =	swait.ge @!p0 [sflag:s0], s1  }
0x1e8: {  	s1 =	ssub.s32 @!p0 $0x0, s1;
	[sflag:s0] =	ssyncset.done @!p0 $0x0  }
0x1e9: {  	[sflag:s0] =	ssyncadd.s32 @!p0 s1  }
0x1ea: {  	[bflag:$0x3] =	sbarrier.arrive $0xFFFF  }
0x1eb: {  	_ =	shalt  }

// kernel: kernel.15.cloned.1.call-start
scs
__scs_entry_jumppad:
0x0: {  	(pc) =	sbr.rel $0x88, $3  }
0x1: {  	(tag) =	ssettag $0x0;
	lr =	simm.s32 $0x1  }
0x2: {  	[smem:$0x3F91] =	sst lr;
	_ =	strace $0xD0000000  }
0x3: {  	_ = 	snop  }
0x4: {  	_ = 	snop  }
0x5: {  	_ = 	snop  }
0x6: {  	_ = 	snop  }
0x7: {  	_ = 	snop  }
__scs_overlays_trampoline_lowered:
0x8: {  	[smem:$0x3FA0] =	sst s0  }
0x9: {  	[smem:$0x3FA1] =	sst s1  }
0xa: {  	[smem:$0x3FA2] =	sst s2  }
0xb: {  	[smem:$0x3FA3] =	sst s3  }
0xc: {  	[smem:$0x3FA4] =	sst s4  }
0xd: {  	[smem:$0x3FA5] =	sst s5  }
0xe: {  	[smem:$0x3FA6] =	sst s6  }
0xf: {  	[smem:$0x3FA7] =	sst s7  }
0x10: {  	[smem:$0x3FA8] =	sst s8  }
0x11: {  	[smem:$0x3FA9] =	sst s9;
	s0 =	simm.s32 @!p0 $0x0  }
0x12: {  	s1 =	sld [smem:$0x3F8F];
	s0 =	simm.s32 @p0 $0x1  }
0x13: {  	[smem:$0x3FAA] =	sst s0;
	s0 =	simm.s32 @!p1 $0x0  }
0x14: {  	s2 =	sld [smem:$0x3F8E];
	s0 =	simm.s32 @p1 $0x1  }
0x15: {  	[smem:$0x3FAB] =	sst s0;
	s0 =	simm.s32 @!p2 $0x0  }
0x16: {  	s3 =	sld [smem:$0x3FDB];
	s0 =	simm.s32 @p2 $0x1  }
0x17: {  	s4 =	simm.s32 $0x1BF5;
	[smem:$0x3FAD] =	sst s0  }
0x18: {  	s0 =	sld [smem:$0x3F90];
	_ =	swait.ge [sflag:s4], $0x0  }
0x19: {  	s7 =	sld [smem:$0x3F91]  }
0x1a: {  	s8 =	sadd.s32 $0xFFFFE003, lr  }
0x1b: {  	s9 =	sadd.s32 $0xFFFFFEF7, lr;
	s5 =	simm.s32 $0xFFFFFFFF;
	p2 =	slt.u32 s8, $0xFFFFF086  }
0x1c: {  	p1 =	slt.u32 s9, $0xF7A;
	s5 =	simm.s32 @!p2 $0x0  }
0x1d: {  	s5 =	simm.s32 @p1 $0x1;
	p0 =	seq.s32 s7, s2  }
0x1e: {  	s7 =	smul.u32 @!p0 $0xF7A, s2;
	p2 =	seq.s32 @!p0 s5, $0x0  }
0x1f: {  	s9 =	smul.u32 $0xF7A, s1;
	s8 =	simm.s32 @!p0 $0x1BF5;
	p2 =	por !p2, p0  }
0x20: {  	[sflag:s8] =	ssyncset.s32 @!p0 $0xFFFFF086;
	s6 =	sadd.s32 @!p0 s3, s7;
	s7 =	simm.s32 @!p0 $0x108  }
0x21: {  	s3 =	sadd.s32 s3, s9;
	s6 =	sadd.s32 @!p0 $0x88, s6;
	s7 =	simm.s32 @p2 $0x1082  }
0x22: {  	[simem:s7], [sflag:s8] =	dma.local @!p0 [hbm:s6], $0xF7A  }
0x23: {  	s9 =	sor.u32 $0xD0000000, s2;
	s6 =	simm.s32 $0x108;
	_ =	swait.ge @!p0 [sflag:s8], $0x0  }
0x24: {  	s3 =	sadd.s32 $0x88, s3;
	s6 =	simm.s32 @!p1 $0x1082;
	[sflag:s4] =	ssyncset.s32 $0xFFFFF086  }
0x25: {  	[simem:s6], [sflag:s4] =	dma.local [hbm:s3], $0xF7A  }
0x26: {  	[smem:$0x3F91] =	sst s1;
	(tag) =	ssettag s2;
	_ =	strace s9  }
0x27: {  	s1 =	sld [smem:$0x3FA1]  }
0x28: {  	s2 =	sld [smem:$0x3FA2]  }
0x29: {  	s4 =	sld [smem:$0x3FA4]  }
0x2a: {  	p0 =	seq.s32 s5, $0x0;
	s5 =	sld [smem:$0x3FA5]  }
0x2b: {  	s6 =	sld [smem:$0x3FA6]  }
0x2c: {  	s7 =	sld [smem:$0x3FA7]  }
0x2d: {  	s3 =	simm.s32 $0x108;
	s8 =	sld [smem:$0x3FA8]  }
0x2e: {  	s3 =	simm.s32 @!p0 $0x1082;
	s9 =	sld [smem:$0x3FA9]  }
0x2f: {  	lr =	sadd.s32 s0, s3;
	s0 =	sld [smem:$0x3FA0]  }
0x30: {  	s3 =	sld [smem:$0x3FA3]  }
0x31: {  	[smem:$0x3FAC] =	sst s10  }
0x32: {  	s10 =	sld [smem:$0x3FAA];
	_ =	sdelay $0x3  }
0x33: {  	p0 =	seq.s32 s10, $0x1;
	s10 =	sld [smem:$0x3FAC];
	_ =	sdelay $0x3  }
0x34: {  	[smem:$0x3FAC] =	sst s10  }
0x35: {  	s10 =	sld [smem:$0x3FAB];
	_ =	sdelay $0x3  }
0x36: {  	p1 =	seq.s32 s10, $0x1;
	s10 =	sld [smem:$0x3FAC];
	_ =	sdelay $0x3  }
0x37: {  	[smem:$0x3FAC] =	sst s10  }
0x38: {  	s10 =	sld [smem:$0x3FAD]  }
0x39: {  	_ = 	snop;
	(pc) =	sbr.ind lr, $3  }
0x3a: {  	_ = 	snop  }
0x3b: {  	_ = 	snop  }
0x3c: {  	p2 =	seq.s32 s10, $0x1;
	s10 =	sld [smem:$0x3FAC]  }
0x3d: {  	_ =	shalt  }
0x3e: {  	_ =	shalt  }
0x3f: {  	_ =	shalt  }
0x40: {  	_ =	shalt  }
0x41: {  	_ =	shalt  }
0x42: {  	_ =	shalt  }
0x43: {  	_ =	shalt  }
0x44: {  	_ =	shalt  }
0x45: {  	_ =	shalt  }
0x46: {  	_ =	shalt  }
0x47: {  	_ =	shalt  }
0x48: {  	_ =	shalt  }
0x49: {  	_ =	shalt  }
0x4a: {  	_ =	shalt  }
0x4b: {  	_ =	shalt  }
0x4c: {  	_ =	shalt  }
0x4d: {  	_ =	shalt  }
0x4e: {  	_ =	shalt  }
0x4f: {  	_ =	shalt  }
0x50: {  	_ =	shalt  }
0x51: {  	_ =	shalt  }
0x52: {  	_ =	shalt  }
0x53: {  	_ =	shalt  }
0x54: {  	_ =	shalt  }
0x55: {  	_ =	shalt  }
0x56: {  	_ =	shalt  }
0x57: {  	_ =	shalt  }
0x58: {  	_ =	shalt  }
0x59: {  	_ =	shalt  }
0x5a: {  	_ =	shalt  }
0x5b: {  	_ =	shalt  }
0x5c: {  	_ =	shalt  }
0x5d: {  	_ =	shalt  }
0x5e: {  	_ =	shalt  }
0x5f: {  	_ =	shalt  }
0x60: {  	_ =	shalt  }
0x61: {  	_ =	shalt  }
0x62: {  	_ =	shalt  }
0x63: {  	_ =	shalt  }
0x64: {  	_ =	shalt  }
0x65: {  	_ =	shalt  }
0x66: {  	_ =	shalt  }
0x67: {  	_ =	shalt  }
0x68: {  	_ =	shalt  }
0x69: {  	_ =	shalt  }
0x6a: {  	_ =	shalt  }
0x6b: {  	_ =	shalt  }
0x6c: {  	_ =	shalt  }
0x6d: {  	_ =	shalt  }
0x6e: {  	_ =	shalt  }
0x6f: {  	_ =	shalt  }
0x70: {  	_ =	shalt  }
0x71: {  	_ =	shalt  }
0x72: {  	_ =	shalt  }
0x73: {  	_ =	shalt  }
0x74: {  	_ =	shalt  }
0x75: {  	_ =	shalt  }
0x76: {  	_ =	shalt  }
0x77: {  	_ =	shalt  }
0x78: {  	_ =	shalt  }
0x79: {  	_ =	shalt  }
0x7a: {  	_ =	shalt  }
0x7b: {  	_ =	shalt  }
0x7c: {  	_ =	shalt  }
0x7d: {  	_ =	shalt  }
0x7e: {  	_ =	shalt  }
0x7f: {  	_ =	shalt  }
0x80: {  	_ =	shalt  }
0x81: {  	_ =	shalt  }
0x82: {  	_ =	shalt  }
0x83: {  	_ =	shalt  }
0x84: {  	_ =	shalt  }
0x85: {  	_ =	shalt  }
0x86: {  	_ =	shalt  }
0x87: {  	_ =	shalt  }
.Lfunc_end0:
.L_simem_size_0:
called_computation.2_lowered:
.L_overlay_start_0:
0x88: {  	s2 =	sld [smem:$0x3FD9]  }
0x89: {  	s3 =	sld [smem:$0x3FFE];
	_ =	sdelay $0x1  }
0x8a: {  	s1 =	srdreg.scid  }
0x8b: {  	s0 =	sand.u32 $0x1, s1  }
0x8c: {  	s14 =	sshll.u32 s0, $0xA;
	s2 =	sadd.s32 s3, s2  }
0x8d: {  	s2 =	sadd.s32 s2, s14  }
0x8e: {  	[smem:$0x3FB8] =	sst s2  }
0x8f: {  	_ = 	snop  }
0x90: {  	s2 =	sld [smem:$0x3FD0];
	_ =	sdelay $0x2  }
0x91: {  	s15 =	simm.s32 $0xA;
	s4 =	simm.s32 $0x10  }
0x92: {  	[smem:s4], [sflag:s15] =	dma.local [hbm:s2], $0x1  }
0x93: {  	_ =	swait.eq [sflag:s15], $0x1  }
0x94: {  	[sflag:s15] =	ssyncset.done $0x0  }
0x95: {  	[sflag:s15] =	ssyncadd.s32 $0xFFFFFFFF  }
0x96: {  	s16 =	sld [smem:$0x11];
	(tm) =	ssettm $0x1  }
0x97: {  	s17 =	sld [smem:$0x3FFB];
	_ =	sdelay $0x3  }
0x98: {  	_ =	strace s17  }
0x99: {  	s3 =	sld [smem:$0x3FFC];
	_ =	sdelay $0x3  }
0x9a: {  	_ =	strace s3  }
0x9b: {  	s3 =	sld [smem:$0x3FFD];
	_ =	sdelay $0x3  }
0x9c: {  	_ =	strace s3  }
0x9d: {  	_ =	strace $0x8FFFFFFF  }
0x9e: {  	s18 =	sld [smem:$0x3FDB];
	_ =	sdelay $0x1  }
0x9f: {  	s19 =	simm.s32 $_scs_section_size  }
0xa0: {  	s5 =	simm.s32 $_size__tile_overlayer_lowered;
	s6 =	simm.s32 $_tile_overlayer_lowered  }
0xa1: {  	s22 =	simm.s32 $0x1BFF;
	s21 =	sshll.u32 s6, $0x1;
	s3 =	sadd.s32 s19, s18  }
0xa2: {  	s7 =	simm.s32 $0x0;
	s20 =	sshll.u32 s5, $0x1;
	s5 =	sadd.s32 s21, s3  }
0xa3: {  	[timem:s7], [sflag:s22] =	dma.local [hbm:s5], s20  }
0xa4: {  	_ =	swait.ge [sflag:s22], s20  }
0xa5: {  	s4 =	ssub.s32 $0x0, s20;
	[sflag:s22] =	ssyncset.done $0x0  }
0xa6: {  	[sflag:s22] =	ssyncadd.s32 s4;
	_ =	sdelay $0x1  }
0xa7: {  	s23 =	simm.s32 $0x1B8B  }
0xa8: {  	_ =	swait.ge [sflag:s23], $0x1  }
0xa9: {  	[sflag:s23] =	ssyncset.done $0x0  }
0xaa: {  	s25 =	simm.s32 $0x1B8E;
	s24 =	sld [smem:$0x3FFE];
	[sflag:s23] =	ssyncadd.s32 $0xFFFFFFFF  }
0xab: {  	s26 =	simm.s32 $execute0_lowered;
	[smem:$0x3FD2] =	sst s25  }
0xac: {  	s5 =	sshll.u32 s26, $0x1;
	_ =	strace $0x8000004C;
	[dreg:$0x1] =	wrdreg $0xFFFFFFFF  }
0xad: {  	s28 =	simm.s32 $_size_execute0_lowered;
	s3 =	sadd.s32 s3, s5;
	[dreg:$0x0] =	wrdreg $0x0  }
0xae: {  	s5 =	sshll.u32 s28, $0x1;
	[dreg:$0x2] =	wrdreg s3  }
0xaf: {  	[dreg:$0x3] =	wrdreg s5  }
0xb0: {  	[dreg:$0x4] =	wrdreg $0xC0  }
0xb1: {  	_ =	task [dreg:s7], $0x5FFFF  }
0xb2: {  	[dreg:$0x1] =	wrdreg $0xFFFFFFFF  }
0xb3: {  	[dreg:$0x0] =	wrdreg $0x60  }
0xb4: {  	[dreg:$0x2] =	wrdreg s16  }
0xb5: {  	[dreg:$0x3] =	wrdreg s24  }
0xb6: {  	[dreg:$0x4] =	wrdreg $0x138000  }
0xb7: {  	[dreg:$0x5] =	wrdreg $0x98000  }
0xb8: {  	[dreg:$0x6] =	wrdreg $0x9  }
0xb9: {  	_ =	task.clear_ibuf [dreg:s7], $0x7FFFF;
	_ =	strace $0x9000004C  }
0xba: {  	s29 =	simm.s32 $0x9;
	_ =	strace $0x8000004E  }
0xbb: {  	_ =	swait.ge [sflag:s29], $0x1  }
0xbc: {  	[sflag:s29] =	ssyncadd.s32 $0xFFFFFFFF  }
0xbd: {  	_ =	strace $0x9000004E  }
0xbe: {  	_ =	sfence  }
0xbf: {  	s30 =	sld [smem:$0x0];
	_ =	sdelay $0x2  }
0xc0: {  	s31 =	sshll.u32 s1, $0xD;
	s1 =	sshrl.u32 s1, $0x2  }
0xc1: {  	s3 =	sand.u32 $0x4000, s31;
	s1 =	sadd.s32 s1, s30  }
0xc2: {  	s0 =	sor.u32 s3, s0;
	s1 =	sshll.u32 s1, $0x11  }
0xc3: {  	s0 =	sor.u32 s1, s0  }
0xc4: {  	s0 =	sadd.s32 $0x8F2B, s0  }
0xc5: {  	[sflag:s0] =	ssyncadd.remote.s32 $0x1  }
0xc6: {  	_ =	sfence.sel $0xFFFF  }
0xc7: {  	[dreg:$0x0] =	wrdreg $0xFFFFFFFF;
	(pc) =	sbr.abs _section_cstart, $3  }
0xc8: {  	[dreg:$0x1] =	wrdreg $0xFFFFFFFF  }
0xc9: {  	_ =	task.clear_ibuf [dreg:s7], $0x2FFFF;
	_ =	strace $0x9FFFFFFF  }
0xca: {  	(tm) =	ssettm $0x7FFFFFFF  }
0xcb: {  	_ =	shalt  }
tec
execute0_lowered:
.L_overlay_start_1:
0x0: {  	(tag) =	ssettag $0x1  }
0x1: {  	s0 =	rddreg [dreg:$0x0]  }
0x2: {  	s4 =	rddreg [dreg:$0x1]  }
0x3: {  	s1 =	rddreg [dreg:$0x2];
	s12 =	stileid.u32  }
0x4: {  	s2 =	rddreg [dreg:$0x3];
	s9 =	smul.u32 $0x280, s12  }
0x5: {  	s3 =	simm.s32 $0x0;
	s5 =	srdreg.scid;
	s10 =	smul.u32 $0x28000, s12  }
0x6: {  	[smem:$0x7FF] =	sst s3;
	s5 =	sand.u32 $0x1, s5;
	s23 =	smul.u32 $0xA000, s12  }
0x7: {  	s7 =	sadd.s32 $0xE600, s4;
	s8 =	sadd.s32 $0x4600, s4;
	s18 =	smul.u32 $0xA00, s12  }
0x8: {  	s4 =	sadd.s32 $0x68600, s4;
	s6 =	smul.u32 $0x2800, s5;
	s5 =	ssub.s32 $0x2, s5  }
0x9: {  	_ =	strace $0x8000004D;
	s11 =	sshrl.u32 s5, $0x1;
	s25 =	sadd.s32 s23, s2  }
0xa: {  	s24 =	sshrl.u32 s10, $0x2;
	s22 =	sadd.s32 s7, s18;
	[dreg:$0x5] =	wrdreg s25  }
0xb: {  	s6 =	sadd.s32 s9, s6;
	s9 =	sadd.s32 s23, s1;
	[dreg:$0x14] =	wrdreg s22  }
0xc: {  	s11 =	ssub.s32 s5, s11;
	s23 =	sadd.s32 s8, s18;
	[dreg:$0x8] =	wrdreg s9  }
0xd: {  	s5 =	sadd.s32 s24, s1;
	s11 =	smax.u32 s11, $0x1;
	[dreg:$0x15] =	wrdreg s23  }
0xe: {  	s12 =	simm.s32 $0x8;
	s13 =	sadd.s32 $0x800, s5;
	[dreg:$0xb] =	wrdreg s11  }
0xf: {  	s22 =	simm.s32 $0x0;
	s14 =	sadd.s32 $0x1000, s5;
	[dreg:$0xc] =	wrdreg s13  }
0x10: {  	s6 =	sshll.u32 s6, $0x4;
	s15 =	sadd.s32 $0x1800, s5;
	[dreg:$0xd] =	wrdreg s14  }
0x11: {  	s16 =	sadd.s32 $0x2000, s5;
	s17 =	sadd.s32 $0x2800, s5;
	[dreg:$0xe] =	wrdreg s15  }
0x12: {  	s19 =	sadd.s32 $0x3000, s5;
	s20 =	sadd.s32 $0x3800, s5;
	[dreg:$0xf] =	wrdreg s16  }
0x13: {  	s21 =	sadd.s32 $0x4000, s5;
	s25 =	sadd.s32 $0x4800, s5;
	[dreg:$0x10] =	wrdreg s17  }
0x14: {  	s29 =	sadd.s32 $0x6000, s5;
	s30 =	sadd.s32 $0x6800, s5;
	[dreg:$0x11] =	wrdreg s19  }
0x15: {  	s31 =	sadd.s32 $0x7000, s5;
	s9 =	simm.s32 $0x9000;
	[dreg:$0x12] =	wrdreg s20  }
0x16: {  	s26 =	sadd.s32 s0, s6;
	s28 =	sadd.s32 s4, s6;
	[dreg:$0x13] =	wrdreg s21  }
0x17: {  	s6 =	sor.u32 $0x8, s6;
	[dreg:$0x18] =	wrdreg s25;
	s11 =	simm.s32 $0x1  }
0x18: {  	s13 =	simm.s32 $0x10;
	s14 =	simm.s32 $0x2800;
	s15 =	simm.s32 $0x80  }
0x19: {  	s16 =	simm.s32 $0x5000;
	s17 =	simm.s32 $0x7000;
	[dreg:$0x6] =	wrdreg s26  }
0x1a: {  	s19 =	simm.s32 $0x2880;
	[dreg:$0x7] =	wrdreg s28;
	s0 =	sadd.s32 s0, s6  }
0x1b: {  	s20 =	simm.s32 $0x3;
	s10 =	sadd.s32 s4, s6;
	[dreg:$0x9] =	wrdreg s0  }
0x1c: {  	s21 =	simm.s32 $0x4;
	s26 =	sadd.s32 $0x5000, s5;
	[dreg:$0xa] =	wrdreg s10  }
0x1d: {  	s28 =	sadd.s32 $0x5800, s5;
	s4 =	sadd.s32 $0x8000, s5;
	[dreg:$0x19] =	wrdreg s26  }
0x1e: {  	s6 =	sadd.s32 $0x8800, s5;
	s0 =	sadd.s32 $0x500, s18;
	[dreg:$0x1a] =	wrdreg s28  }
0x1f: {  	s10 =	simm.s32 $0x5;
	s18 =	simm.s32 $0x2;
	s24 =	sadd.s32 s7, s0  }
0x20: {  	s0 =	sadd.s32 s8, s0;
	s7 =	sadd.s32 $0x9000, s5;
	[dreg:$0x16] =	wrdreg s24  }
0x21: {  	v0 =	vimm.f32 $0.0e+00;
	s8 =	sadd.s32 $0x9800, s5;
	[dreg:$0x17] =	wrdreg s0;
	s0 =	sadd.s32 $0x7800, s5  }
.LBB2_1:
0x22: {  	s24 =	simm.s32 $0x100;
	s23 =	simm.s32 $0x0  }
.LBB2_2:
0x23: {  	p0 =	sne.s32 s24, $0x1F00;
	[tilespmem:s23+$0x9030] =	vst v0;
	s25 =	smov.u32 s24;
	s24 =	sadd.s32 $0x100, s24  }
.Ltmp0:
0x24: {  	[tilespmem:s23+$0x9020] =	vst v0;
	(pc) =	sbr.rel @p0 .LBB2_2-.Ltmp0, $3  }
0x25: {  	[tilespmem:s23+$0x9000] =	vst v0  }
0x26: {  	[tilespmem:s23+$0x9010] =	vst v0;
	_ =	sdelay $0x1  }
0x27: {  	s23 =	sshra.s32 s25, $0x2  }
0x28: {  	[tilespmem:s23+$0x9030] =	vst v0  }
0x29: {  	[tilespmem:s23+$0x9020] =	vst v0  }
0x2a: {  	[tilespmem:s23+$0x9000] =	vst v0  }
0x2b: {  	[tilespmem:s23+$0x9010] =	vst v0  }
0x2c: {  	[spmem:s5] =	stream.linear.scatter [tilespmem:s9], [sflag:$0x5], $0x800, $0x38;
	[tilespmem:$0x1D800] =	vst v63  }
0x2d: {  	_ =	swait.ge [sflag:s10], $0x800  }
0x2e: {  	[sflag:s10] =	ssyncset.done $0x0  }
0x2f: {  	s28 =	rddreg [dreg:$0xc];
	[sflag:s10] =	ssyncadd.s32 $0xFFFFF800  }
0x30: {  	[spmem:s28] =	stream.linear.scatter [tilespmem:s9], [sflag:$0x5], $0x800, $0x38;
	[tilespmem:$0x1D800] =	vst v63  }
0x31: {  	_ =	swait.ge [sflag:s10], $0x800  }
0x32: {  	[sflag:s10] =	ssyncset.done $0x0  }
0x33: {  	s24 =	rddreg [dreg:$0xd];
	[sflag:s10] =	ssyncadd.s32 $0xFFFFF800  }
0x34: {  	[spmem:s24] =	stream.linear.scatter [tilespmem:s9], [sflag:$0x5], $0x800, $0x38;
	[tilespmem:$0x1D800] =	vst v63  }
0x35: {  	_ =	swait.ge [sflag:s10], $0x800  }
0x36: {  	[sflag:s10] =	ssyncset.done $0x0  }
0x37: {  	s25 =	rddreg [dreg:$0xe];
	[sflag:s10] =	ssyncadd.s32 $0xFFFFF800  }
0x38: {  	[spmem:s25] =	stream.linear.scatter [tilespmem:s9], [sflag:$0x5], $0x800, $0x38;
	[tilespmem:$0x1D800] =	vst v63  }
0x39: {  	_ =	swait.ge [sflag:s10], $0x800  }
0x3a: {  	[sflag:s10] =	ssyncset.done $0x0  }
0x3b: {  	s26 =	rddreg [dreg:$0xf];
	[sflag:s10] =	ssyncadd.s32 $0xFFFFF800  }
0x3c: {  	[spmem:s26] =	stream.linear.scatter [tilespmem:s9], [sflag:$0x5], $0x800, $0x38;
	[tilespmem:$0x1D800] =	vst v63  }
0x3d: {  	_ =	swait.ge [sflag:s10], $0x800  }
0x3e: {  	[sflag:s10] =	ssyncset.done $0x0  }
0x3f: {  	s28 =	rddreg [dreg:$0x10];
	[sflag:s10] =	ssyncadd.s32 $0xFFFFF800  }
0x40: {  	[spmem:s28] =	stream.linear.scatter [tilespmem:s9], [sflag:$0x5], $0x800, $0x38;
	[tilespmem:$0x1D800] =	vst v63  }
0x41: {  	_ =	swait.ge [sflag:s10], $0x800  }
0x42: {  	[sflag:s10] =	ssyncset.done $0x0  }
0x43: {  	s24 =	rddreg [dreg:$0x11];
	[sflag:s10] =	ssyncadd.s32 $0xFFFFF800  }
0x44: {  	[spmem:s24] =	stream.linear.scatter [tilespmem:s9], [sflag:$0x5], $0x800, $0x38;
	[tilespmem:$0x1D800] =	vst v63  }
0x45: {  	_ =	swait.ge [sflag:s10], $0x800  }
0x46: {  	[sflag:s10] =	ssyncset.done $0x0  }
0x47: {  	s25 =	rddreg [dreg:$0x12];
	[sflag:s10] =	ssyncadd.s32 $0xFFFFF800  }
0x48: {  	[spmem:s25] =	stream.linear.scatter [tilespmem:s9], [sflag:$0x5], $0x800, $0x38;
	[tilespmem:$0x1D800] =	vst v63  }
0x49: {  	_ =	swait.ge [sflag:s10], $0x800  }
0x4a: {  	[sflag:s10] =	ssyncset.done $0x0  }
0x4b: {  	s26 =	rddreg [dreg:$0x13];
	[sflag:s10] =	ssyncadd.s32 $0xFFFFF800  }
0x4c: {  	[spmem:s26] =	stream.linear.scatter [tilespmem:s9], [sflag:$0x5], $0x800, $0x38;
	[tilespmem:$0x1D800] =	vst v63  }
0x4d: {  	_ =	swait.ge [sflag:s10], $0x800  }
0x4e: {  	[sflag:s10] =	ssyncset.done $0x0  }
0x4f: {  	s28 =	rddreg [dreg:$0x18];
	[sflag:s10] =	ssyncadd.s32 $0xFFFFF800  }
0x50: {  	[spmem:s28] =	stream.linear.scatter [tilespmem:s9], [sflag:$0x5], $0x800, $0x38;
	[tilespmem:$0x1D800] =	vst v63  }
0x51: {  	_ =	swait.ge [sflag:s10], $0x800  }
0x52: {  	[sflag:s10] =	ssyncset.done $0x0  }
0x53: {  	s24 =	rddreg [dreg:$0x19];
	[sflag:s10] =	ssyncadd.s32 $0xFFFFF800  }
0x54: {  	[spmem:s24] =	stream.linear.scatter [tilespmem:s9], [sflag:$0x5], $0x800, $0x38;
	[tilespmem:$0x1D800] =	vst v63  }
0x55: {  	_ =	swait.ge [sflag:s10], $0x800  }
0x56: {  	[sflag:s10] =	ssyncset.done $0x0  }
0x57: {  	s25 =	rddreg [dreg:$0x1a];
	[sflag:s10] =	ssyncadd.s32 $0xFFFFF800  }
0x58: {  	[spmem:s25] =	stream.linear.scatter [tilespmem:s9], [sflag:$0x5], $0x800, $0x38;
	[tilespmem:$0x1D800] =	vst v63  }
0x59: {  	_ =	swait.ge [sflag:s10], $0x800  }
0x5a: {  	[sflag:s10] =	ssyncset.done $0x0  }
0x5b: {  	[sflag:s10] =	ssyncadd.s32 $0xFFFFF800  }
0x5c: {  	[spmem:s29] =	stream.linear.scatter [tilespmem:s9], [sflag:$0x5], $0x800, $0x38;
	[tilespmem:$0x1D800] =	vst v63  }
0x5d: {  	_ =	swait.ge [sflag:s10], $0x800  }
0x5e: {  	[sflag:s10] =	ssyncset.done $0x0  }
0x5f: {  	[sflag:s10] =	ssyncadd.s32 $0xFFFFF800  }
0x60: {  	[spmem:s30] =	stream.linear.scatter [tilespmem:s9], [sflag:$0x5], $0x800, $0x38;
	[tilespmem:$0x1D800] =	vst v63  }
0x61: {  	_ =	swait.ge [sflag:s10], $0x800  }
0x62: {  	[sflag:s10] =	ssyncset.done $0x0  }
0x63: {  	[sflag:s10] =	ssyncadd.s32 $0xFFFFF800  }
0x64: {  	[spmem:s31] =	stream.linear.scatter [tilespmem:s9], [sflag:$0x5], $0x800, $0x38;
	[tilespmem:$0x1D800] =	vst v63  }
0x65: {  	_ =	swait.ge [sflag:s10], $0x800  }
0x66: {  	[sflag:s10] =	ssyncset.done $0x0  }
0x67: {  	[sflag:s10] =	ssyncadd.s32 $0xFFFFF800  }
0x68: {  	[spmem:s0] =	stream.linear.scatter [tilespmem:s9], [sflag:$0x5], $0x800, $0x38;
	[tilespmem:$0x1D800] =	vst v63  }
0x69: {  	_ =	swait.ge [sflag:s10], $0x800  }
0x6a: {  	[sflag:s10] =	ssyncset.done $0x0  }
0x6b: {  	[sflag:s10] =	ssyncadd.s32 $0xFFFFF800  }
0x6c: {  	[spmem:s4] =	stream.linear.scatter [tilespmem:s9], [sflag:$0x5], $0x800, $0x38;
	[tilespmem:$0x1D800] =	vst v63  }
0x6d: {  	_ =	swait.ge [sflag:s10], $0x800  }
0x6e: {  	[sflag:s10] =	ssyncset.done $0x0  }
0x6f: {  	[sflag:s10] =	ssyncadd.s32 $0xFFFFF800  }
0x70: {  	[spmem:s6] =	stream.linear.scatter [tilespmem:s9], [sflag:$0x5], $0x800, $0x38;
	[tilespmem:$0x1D800] =	vst v63  }
0x71: {  	_ =	swait.ge [sflag:s10], $0x800  }
0x72: {  	[sflag:s10] =	ssyncset.done $0x0  }
0x73: {  	[sflag:s10] =	ssyncadd.s32 $0xFFFFF800  }
0x74: {  	[spmem:s7] =	stream.linear.scatter [tilespmem:s9], [sflag:$0x5], $0x800, $0x38;
	[tilespmem:$0x1D800] =	vst v63  }
0x75: {  	_ =	swait.ge [sflag:s10], $0x800  }
0x76: {  	[sflag:s10] =	ssyncset.done $0x0  }
0x77: {  	s26 =	stileid.u32;
	[sflag:s10] =	ssyncadd.s32 $0xFFFFF800  }
0x78: {  	[spmem:s8] =	stream.linear.scatter [tilespmem:s9], [sflag:$0x5], $0x800, $0x38;
	[tilespmem:$0x1D800] =	vst v63  }
0x79: {  	s23 =	sshll.u32 s26, $0x6;
	_ =	swait.ge [sflag:s10], $0x800  }
0x7a: {  	s23 =	sor.u32 $0x1C05, s23;
	[sflag:s10] =	ssyncset.done $0x0;
	s24 =	rddreg [dreg:$0x5]  }
0x7b: {  	s25 =	rddreg [dreg:$0x6];
	[sflag:s10] =	ssyncadd.s32 $0xFFFFF800;
	s24 =	sshrl.u32 s24, $0x3  }
0x7c: {  	[spmem:s24@s12], [sflag:s23] =	dma.strided [hbm:s25@s13], $0x1400, s11, $0x8   }
0x7d: {  	_ =	swait.ge [sflag:s10], $0x1400  }
0x7e: {  	[sflag:s10] =	ssyncset.done $0x0  }
0x7f: {  	[sflag:s10] =	ssyncadd.s32 $0xFFFFEC00  }
0x80: {  	[bflag:$0x0] =	sbarrier.arrive $0xFFFF  }
0x81: {  	s28 =	rddreg [dreg:$0x14]  }
0x82: {  	[tilespmem:s3], [sflag:$0x5] =	stream.linear.gather [hbm4b:s28+s3], $0x2800, $0x38;
	[tilespmem:$0x1D800] =	vst v63  }
0x83: {  	_ =	swait.ge [sflag:s10], $0x2800  }
0x84: {  	[sflag:s10] =	ssyncset.done $0x0  }
0x85: {  	s26 =	rddreg [dreg:$0x15];
	[sflag:s10] =	ssyncadd.s32 $0xFFFFD800  }
0x86: {  	[tilespmem:s14], [sflag:$0x5] =	stream.linear.gather [hbm4b:s26+s3], $0x2800, $0x38;
	[tilespmem:$0x1D800] =	vst v63  }
0x87: {  	_ =	swait.ge [sflag:s10], $0x2800  }
0x88: {  	[sflag:s10] =	ssyncset.done $0x0  }
0x89: {  	[sflag:s10] =	ssyncadd.s32 $0xFFFFD800  }
0x8a: {  	[tilespmem:s16], [sflag:$0x1] =	stream.indirect.gather [spmem:s2], $0x40, s3, s15, $0xb8;
	[tilespmem:$0x1D800] =	vst v63  }
0x8b: {  	_ = 	snop  }
0x8c: {  	[tilespmem:s17], [sflag:$0x2] =	stream.indirect.gather [spmem:s2], $0x40, s15, s15, $0xb8;
	[tilespmem:$0x1D800] =	vst v63  }
0x8d: {  	_ =	swait.ge [sflag:s11], $0x2000  }
0x8e: {  	[sflag:s11] =	ssyncset.done $0x0  }
0x8f: {  	[sflag:s11] =	ssyncadd.s32 $0xFFFFE000  }
0x90: {  	[spmem:s1] =	stream.indirect.scatter.add.f32 [tilespmem:s16], [sflag:$0x3], $0x40, s14, s15, $0xb8;
	[tilespmem:$0x1D800] =	vst v63  }
0x91: {  	_ =	swait.ge [sflag:s18], $0x2000  }
0x92: {  	[sflag:s18] =	ssyncset.done $0x0  }
0x93: {  	[sflag:s18] =	ssyncadd.s32 $0xFFFFE000  }
0x94: {  	[spmem:s1] =	stream.indirect.scatter.add.f32 [tilespmem:s17], [sflag:$0x4], $0x40, s19, s15, $0xb8;
	[tilespmem:$0x1D800] =	vst v63  }
0x95: {  	_ =	swait.ge [sflag:s20], $0x2000  }
0x96: {  	[sflag:s20] =	ssyncset.done $0x0  }
0x97: {  	[sflag:s20] =	ssyncadd.s32 $0xFFFFE000  }
0x98: {  	_ =	swait.ge [sflag:s21], $0x2000  }
0x99: {  	[sflag:s21] =	ssyncset.done $0x0  }
0x9a: {  	s28 =	simm.s32 $0x100;
	[sflag:s21] =	ssyncadd.s32 $0xFFFFE000  }
0x9b: {  	[tilespmem:s16], [sflag:$0x1] =	stream.indirect.gather [spmem:s2], $0x40, s28, s15, $0xb8;
	[tilespmem:$0x1D800] =	vst v63  }
0x9c: {  	s26 =	simm.s32 $0x180  }
0x9d: {  	[tilespmem:s17], [sflag:$0x2] =	stream.indirect.gather [spmem:s2], $0x40, s26, s15, $0xb8;
	[tilespmem:$0x1D800] =	vst v63  }
0x9e: {  	_ =	swait.ge [sflag:s11], $0x2000  }
0x9f: {  	[sflag:s11] =	ssyncset.done $0x0  }
0xa0: {  	s28 =	simm.s32 $0x2900;
	[sflag:s11] =	ssyncadd.s32 $0xFFFFE000  }
0xa1: {  	[spmem:s1] =	stream.indirect.scatter.add.f32 [tilespmem:s16], [sflag:$0x3], $0x40, s28, s15, $0xb8;
	[tilespmem:$0x1D800] =	vst v63  }
0xa2: {  	_ =	swait.ge [sflag:s18], $0x2000  }
0xa3: {  	[sflag:s18] =	ssyncset.done $0x0  }
0xa4: {  	s25 =	simm.s32 $0xFFFF6800;
	s26 =	simm.s32 $0x2980;
	[sflag:s18] =	ssyncadd.s32 $0xFFFFE000  }
.LBB2_4:
0xa5: {  	[spmem:s1] =	stream.indirect.scatter.add.f32 [tilespmem:s17], [sflag:$0x4], $0x40, s26, s15, $0xb8;
	[tilespmem:$0x1D800] =	vst v63  }
0xa6: {  	s26 =	smov.u32 s25  }
0xa7: {  	p0 =	sne.s32 s25, $0xFFFFFC00;
	s25 =	sadd.s32 $0x400, s25;
	_ =	swait.ge [sflag:s20], $0x2000  }
0xa8: {  	[sflag:s20] =	ssyncset.done $0x0  }
0xa9: {  	[sflag:s20] =	ssyncadd.s32 $0xFFFFE000  }
0xaa: {  	_ =	swait.ge [sflag:s21], $0x2000  }
0xab: {  	s26 =	sshra.s32 s26, $0x2;
	[sflag:s21] =	ssyncset.done $0x0  }
0xac: {  	s28 =	sadd.s32 $0x2800, s26;
	[sflag:s21] =	ssyncadd.s32 $0xFFFFE000  }
0xad: {  	[tilespmem:s16], [sflag:$0x1] =	stream.indirect.gather [spmem:s2], $0x40, s28, s15, $0xb8;
	[tilespmem:$0x1D800] =	vst v63  }
0xae: {  	s28 =	sadd.s32 $0x2880, s26  }
0xaf: {  	[tilespmem:s17], [sflag:$0x2] =	stream.indirect.gather [spmem:s2], $0x40, s28, s15, $0xb8;
	[tilespmem:$0x1D800] =	vst v63  }
0xb0: {  	_ =	swait.ge [sflag:s11], $0x2000  }
0xb1: {  	[sflag:s11] =	ssyncset.done $0x0  }
.Ltmp1:
0xb2: {  	s28 =	sadd.s32 $0x5000, s26;
	[sflag:s11] =	ssyncadd.s32 $0xFFFFE000;
	(pc) =	sbr.rel @p0 .LBB2_4-.Ltmp1, $4  }
0xb3: {  	[spmem:s1] =	stream.indirect.scatter.add.f32 [tilespmem:s16], [sflag:$0x3], $0x40, s28, s15, $0xb8;
	[tilespmem:$0x1D800] =	vst v63  }
0xb4: {  	_ =	swait.ge [sflag:s18], $0x2000  }
0xb5: {  	[sflag:s18] =	ssyncset.done $0x0  }
0xb6: {  	s26 =	sadd.s32 $0x5080, s26;
	[sflag:s18] =	ssyncadd.s32 $0xFFFFE000  }
0xb7: {  	[spmem:s1] =	stream.indirect.scatter.add.f32 [tilespmem:s17], [sflag:$0x4], $0x40, s26, s15, $0xb8;
	[tilespmem:$0x1D800] =	vst v63  }
0xb8: {  	_ =	swait.ge [sflag:s20], $0x2000  }
0xb9: {  	[sflag:s20] =	ssyncset.done $0x0  }
0xba: {  	[sflag:s20] =	ssyncadd.s32 $0xFFFFE000  }
0xbb: {  	_ =	swait.ge [sflag:s21], $0x2000  }
0xbc: {  	[sflag:s21] =	ssyncset.done $0x0  }
0xbd: {  	s25 =	rddreg [dreg:$0x16];
	[sflag:s21] =	ssyncadd.s32 $0xFFFFE000  }
0xbe: {  	[tilespmem:s3], [sflag:$0x5] =	stream.linear.gather [hbm4b:s25+s3], $0x2800, $0x38;
	[tilespmem:$0x1D800] =	vst v63  }
0xbf: {  	_ =	swait.ge [sflag:s10], $0x2800  }
0xc0: {  	[sflag:s10] =	ssyncset.done $0x0  }
0xc1: {  	s26 =	rddreg [dreg:$0x17];
	[sflag:s10] =	ssyncadd.s32 $0xFFFFD800  }
0xc2: {  	[tilespmem:s14], [sflag:$0x5] =	stream.linear.gather [hbm4b:s26+s3], $0x2800, $0x38;
	[tilespmem:$0x1D800] =	vst v63  }
0xc3: {  	_ =	swait.ge [sflag:s10], $0x2800  }
0xc4: {  	[sflag:s10] =	ssyncset.done $0x0  }
0xc5: {  	[sflag:s10] =	ssyncadd.s32 $0xFFFFD800  }
0xc6: {  	[tilespmem:s16], [sflag:$0x1] =	stream.indirect.gather [spmem:s2], $0x40, s3, s15, $0xb8;
	[tilespmem:$0x1D800] =	vst v63  }
0xc7: {  	_ = 	snop  }
0xc8: {  	[tilespmem:s17], [sflag:$0x2] =	stream.indirect.gather [spmem:s2], $0x40, s15, s15, $0xb8;
	[tilespmem:$0x1D800] =	vst v63  }
0xc9: {  	_ =	swait.ge [sflag:s11], $0x2000  }
0xca: {  	[sflag:s11] =	ssyncset.done $0x0  }
0xcb: {  	[sflag:s11] =	ssyncadd.s32 $0xFFFFE000  }
0xcc: {  	[spmem:s1] =	stream.indirect.scatter.add.f32 [tilespmem:s16], [sflag:$0x3], $0x40, s14, s15, $0xb8;
	[tilespmem:$0x1D800] =	vst v63  }
0xcd: {  	_ =	swait.ge [sflag:s18], $0x2000  }
0xce: {  	[sflag:s18] =	ssyncset.done $0x0  }
0xcf: {  	[sflag:s18] =	ssyncadd.s32 $0xFFFFE000  }
0xd0: {  	[spmem:s1] =	stream.indirect.scatter.add.f32 [tilespmem:s17], [sflag:$0x4], $0x40, s19, s15, $0xb8;
	[tilespmem:$0x1D800] =	vst v63  }
0xd1: {  	_ =	swait.ge [sflag:s20], $0x2000  }
0xd2: {  	[sflag:s20] =	ssyncset.done $0x0  }
0xd3: {  	[sflag:s20] =	ssyncadd.s32 $0xFFFFE000  }
0xd4: {  	_ =	swait.ge [sflag:s21], $0x2000  }
0xd5: {  	[sflag:s21] =	ssyncset.done $0x0  }
0xd6: {  	s28 =	simm.s32 $0x100;
	[sflag:s21] =	ssyncadd.s32 $0xFFFFE000  }
0xd7: {  	[tilespmem:s16], [sflag:$0x1] =	stream.indirect.gather [spmem:s2], $0x40, s28, s15, $0xb8;
	[tilespmem:$0x1D800] =	vst v63  }
0xd8: {  	s26 =	simm.s32 $0x180  }
0xd9: {  	[tilespmem:s17], [sflag:$0x2] =	stream.indirect.gather [spmem:s2], $0x40, s26, s15, $0xb8;
	[tilespmem:$0x1D800] =	vst v63  }
0xda: {  	_ =	swait.ge [sflag:s11], $0x2000  }
0xdb: {  	[sflag:s11] =	ssyncset.done $0x0  }
0xdc: {  	s28 =	simm.s32 $0x2900;
	[sflag:s11] =	ssyncadd.s32 $0xFFFFE000  }
0xdd: {  	[spmem:s1] =	stream.indirect.scatter.add.f32 [tilespmem:s16], [sflag:$0x3], $0x40, s28, s15, $0xb8;
	[tilespmem:$0x1D800] =	vst v63  }
0xde: {  	_ =	swait.ge [sflag:s18], $0x2000  }
0xdf: {  	[sflag:s18] =	ssyncset.done $0x0  }
0xe0: {  	s25 =	simm.s32 $0xFFFF6800;
	s26 =	simm.s32 $0x2980;
	[sflag:s18] =	ssyncadd.s32 $0xFFFFE000  }
.LBB2_6:
0xe1: {  	[spmem:s1] =	stream.indirect.scatter.add.f32 [tilespmem:s17], [sflag:$0x4], $0x40, s26, s15, $0xb8;
	[tilespmem:$0x1D800] =	vst v63  }
0xe2: {  	s26 =	smov.u32 s25  }
0xe3: {  	p0 =	sne.s32 s25, $0xFFFFFC00;
	s25 =	sadd.s32 $0x400, s25;
	_ =	swait.ge [sflag:s20], $0x2000  }
0xe4: {  	[sflag:s20] =	ssyncset.done $0x0  }
0xe5: {  	[sflag:s20] =	ssyncadd.s32 $0xFFFFE000  }
0xe6: {  	_ =	swait.ge [sflag:s21], $0x2000  }
0xe7: {  	s26 =	sshra.s32 s26, $0x2;
	[sflag:s21] =	ssyncset.done $0x0  }
0xe8: {  	s28 =	sadd.s32 $0x2800, s26;
	[sflag:s21] =	ssyncadd.s32 $0xFFFFE000  }
0xe9: {  	[tilespmem:s16], [sflag:$0x1] =	stream.indirect.gather [spmem:s2], $0x40, s28, s15, $0xb8;
	[tilespmem:$0x1D800] =	vst v63  }
0xea: {  	s28 =	sadd.s32 $0x2880, s26  }
0xeb: {  	[tilespmem:s17], [sflag:$0x2] =	stream.indirect.gather [spmem:s2], $0x40, s28, s15, $0xb8;
	[tilespmem:$0x1D800] =	vst v63  }
0xec: {  	_ =	swait.ge [sflag:s11], $0x2000  }
0xed: {  	[sflag:s11] =	ssyncset.done $0x0  }
.Ltmp2:
0xee: {  	s28 =	sadd.s32 $0x5000, s26;
	[sflag:s11] =	ssyncadd.s32 $0xFFFFE000;
	(pc) =	sbr.rel @p0 .LBB2_6-.Ltmp2, $4  }
0xef: {  	[spmem:s1] =	stream.indirect.scatter.add.f32 [tilespmem:s16], [sflag:$0x3], $0x40, s28, s15, $0xb8;
	[tilespmem:$0x1D800] =	vst v63  }
0xf0: {  	_ =	swait.ge [sflag:s18], $0x2000  }
0xf1: {  	[sflag:s18] =	ssyncset.done $0x0  }
0xf2: {  	s26 =	sadd.s32 $0x5080, s26;
	[sflag:s18] =	ssyncadd.s32 $0xFFFFE000  }
0xf3: {  	[spmem:s1] =	stream.indirect.scatter.add.f32 [tilespmem:s17], [sflag:$0x4], $0x40, s26, s15, $0xb8;
	[tilespmem:$0x1D800] =	vst v63  }
0xf4: {  	_ =	swait.ge [sflag:s20], $0x2000  }
0xf5: {  	[sflag:s20] =	ssyncset.done $0x0  }
0xf6: {  	[sflag:s20] =	ssyncadd.s32 $0xFFFFE000  }
0xf7: {  	_ =	swait.ge [sflag:s21], $0x2000  }
0xf8: {  	[sflag:s21] =	ssyncset.done $0x0  }
0xf9: {  	[sflag:s21] =	ssyncadd.s32 $0xFFFFE000  }
0xfa: {  	[bflag:$0x0] =	sbarrier.arrive $0xFFFF  }
0xfb: {  	s25 =	rddreg [dreg:$0x8]  }
0xfc: {  	s28 =	rddreg [dreg:$0x7];
	s25 =	sshrl.u32 s25, $0x3  }
0xfd: {  	[hbm:s28@s13], [sflag:s23] =	dma.strided [spmem:s25@s12], $0x1400, s11, $0x8   }
0xfe: {  	_ =	swait.ge [sflag:s10], $0x1400  }
0xff: {  	[sflag:s10] =	ssyncset.done $0x0  }
0x100: {  	[sflag:s10] =	ssyncadd.s32 $0xFFFFEC00  }
0x101: {  	[spmem:s5] =	stream.linear.scatter [tilespmem:s9], [sflag:$0x5], $0x800, $0x38;
	[tilespmem:$0x1D800] =	vst v63  }
0x102: {  	_ =	swait.ge [sflag:s10], $0x800  }
0x103: {  	[sflag:s10] =	ssyncset.done $0x0  }
0x104: {  	s28 =	rddreg [dreg:$0xc];
	[sflag:s10] =	ssyncadd.s32 $0xFFFFF800  }
0x105: {  	[spmem:s28] =	stream.linear.scatter [tilespmem:s9], [sflag:$0x5], $0x800, $0x38;
	[tilespmem:$0x1D800] =	vst v63  }
0x106: {  	_ =	swait.ge [sflag:s10], $0x800  }
0x107: {  	[sflag:s10] =	ssyncset.done $0x0  }
0x108: {  	s28 =	rddreg [dreg:$0xd];
	[sflag:s10] =	ssyncadd.s32 $0xFFFFF800  }
0x109: {  	[spmem:s28] =	stream.linear.scatter [tilespmem:s9], [sflag:$0x5], $0x800, $0x38;
	[tilespmem:$0x1D800] =	vst v63  }
0x10a: {  	_ =	swait.ge [sflag:s10], $0x800  }
0x10b: {  	[sflag:s10] =	ssyncset.done $0x0  }
0x10c: {  	s28 =	rddreg [dreg:$0xe];
	[sflag:s10] =	ssyncadd.s32 $0xFFFFF800  }
0x10d: {  	[spmem:s28] =	stream.linear.scatter [tilespmem:s9], [sflag:$0x5], $0x800, $0x38;
	[tilespmem:$0x1D800] =	vst v63  }
0x10e: {  	_ =	swait.ge [sflag:s10], $0x800  }
0x10f: {  	[sflag:s10] =	ssyncset.done $0x0  }
0x110: {  	s28 =	rddreg [dreg:$0xf];
	[sflag:s10] =	ssyncadd.s32 $0xFFFFF800  }
0x111: {  	[spmem:s28] =	stream.linear.scatter [tilespmem:s9], [sflag:$0x5], $0x800, $0x38;
	[tilespmem:$0x1D800] =	vst v63  }
0x112: {  	_ =	swait.ge [sflag:s10], $0x800  }
0x113: {  	[sflag:s10] =	ssyncset.done $0x0  }
0x114: {  	s28 =	rddreg [dreg:$0x10];
	[sflag:s10] =	ssyncadd.s32 $0xFFFFF800  }
0x115: {  	[spmem:s28] =	stream.linear.scatter [tilespmem:s9], [sflag:$0x5], $0x800, $0x38;
	[tilespmem:$0x1D800] =	vst v63  }
0x116: {  	_ =	swait.ge [sflag:s10], $0x800  }
0x117: {  	[sflag:s10] =	ssyncset.done $0x0  }
0x118: {  	s28 =	rddreg [dreg:$0x11];
	[sflag:s10] =	ssyncadd.s32 $0xFFFFF800  }
0x119: {  	[spmem:s28] =	stream.linear.scatter [tilespmem:s9], [sflag:$0x5], $0x800, $0x38;
	[tilespmem:$0x1D800] =	vst v63  }
0x11a: {  	_ =	swait.ge [sflag:s10], $0x800  }
0x11b: {  	[sflag:s10] =	ssyncset.done $0x0  }
0x11c: {  	s28 =	rddreg [dreg:$0x12];
	[sflag:s10] =	ssyncadd.s32 $0xFFFFF800  }
0x11d: {  	[spmem:s28] =	stream.linear.scatter [tilespmem:s9], [sflag:$0x5], $0x800, $0x38;
	[tilespmem:$0x1D800] =	vst v63  }
0x11e: {  	_ =	swait.ge [sflag:s10], $0x800  }
0x11f: {  	[sflag:s10] =	ssyncset.done $0x0  }
0x120: {  	s28 =	rddreg [dreg:$0x13];
	[sflag:s10] =	ssyncadd.s32 $0xFFFFF800  }
0x121: {  	[spmem:s28] =	stream.linear.scatter [tilespmem:s9], [sflag:$0x5], $0x800, $0x38;
	[tilespmem:$0x1D800] =	vst v63  }
0x122: {  	_ =	swait.ge [sflag:s10], $0x800  }
0x123: {  	[sflag:s10] =	ssyncset.done $0x0  }
0x124: {  	s28 =	rddreg [dreg:$0x18];
	[sflag:s10] =	ssyncadd.s32 $0xFFFFF800  }
0x125: {  	[spmem:s28] =	stream.linear.scatter [tilespmem:s9], [sflag:$0x5], $0x800, $0x38;
	[tilespmem:$0x1D800] =	vst v63  }
0x126: {  	_ =	swait.ge [sflag:s10], $0x800  }
0x127: {  	[sflag:s10] =	ssyncset.done $0x0  }
0x128: {  	s28 =	rddreg [dreg:$0x19];
	[sflag:s10] =	ssyncadd.s32 $0xFFFFF800  }
0x129: {  	[spmem:s28] =	stream.linear.scatter [tilespmem:s9], [sflag:$0x5], $0x800, $0x38;
	[tilespmem:$0x1D800] =	vst v63  }
0x12a: {  	_ =	swait.ge [sflag:s10], $0x800  }
0x12b: {  	[sflag:s10] =	ssyncset.done $0x0  }
0x12c: {  	s28 =	rddreg [dreg:$0x1a];
	[sflag:s10] =	ssyncadd.s32 $0xFFFFF800  }
0x12d: {  	[spmem:s28] =	stream.linear.scatter [tilespmem:s9], [sflag:$0x5], $0x800, $0x38;
	[tilespmem:$0x1D800] =	vst v63  }
0x12e: {  	_ =	swait.ge [sflag:s10], $0x800  }
0x12f: {  	[sflag:s10] =	ssyncset.done $0x0  }
0x130: {  	[sflag:s10] =	ssyncadd.s32 $0xFFFFF800  }
0x131: {  	[spmem:s29] =	stream.linear.scatter [tilespmem:s9], [sflag:$0x5], $0x800, $0x38;
	[tilespmem:$0x1D800] =	vst v63  }
0x132: {  	_ =	swait.ge [sflag:s10], $0x800  }
0x133: {  	[sflag:s10] =	ssyncset.done $0x0  }
0x134: {  	[sflag:s10] =	ssyncadd.s32 $0xFFFFF800  }
0x135: {  	[spmem:s30] =	stream.linear.scatter [tilespmem:s9], [sflag:$0x5], $0x800, $0x38;
	[tilespmem:$0x1D800] =	vst v63  }
0x136: {  	_ =	swait.ge [sflag:s10], $0x800  }
0x137: {  	[sflag:s10] =	ssyncset.done $0x0  }
0x138: {  	[sflag:s10] =	ssyncadd.s32 $0xFFFFF800  }
0x139: {  	[spmem:s31] =	stream.linear.scatter [tilespmem:s9], [sflag:$0x5], $0x800, $0x38;
	[tilespmem:$0x1D800] =	vst v63  }
0x13a: {  	_ =	swait.ge [sflag:s10], $0x800  }
0x13b: {  	[sflag:s10] =	ssyncset.done $0x0  }
0x13c: {  	[sflag:s10] =	ssyncadd.s32 $0xFFFFF800  }
0x13d: {  	[spmem:s0] =	stream.linear.scatter [tilespmem:s9], [sflag:$0x5], $0x800, $0x38;
	[tilespmem:$0x1D800] =	vst v63  }
0x13e: {  	_ =	swait.ge [sflag:s10], $0x800  }
0x13f: {  	[sflag:s10] =	ssyncset.done $0x0  }
0x140: {  	[sflag:s10] =	ssyncadd.s32 $0xFFFFF800  }
0x141: {  	[spmem:s4] =	stream.linear.scatter [tilespmem:s9], [sflag:$0x5], $0x800, $0x38;
	[tilespmem:$0x1D800] =	vst v63  }
0x142: {  	_ =	swait.ge [sflag:s10], $0x800  }
0x143: {  	[sflag:s10] =	ssyncset.done $0x0  }
0x144: {  	[sflag:s10] =	ssyncadd.s32 $0xFFFFF800  }
0x145: {  	[spmem:s6] =	stream.linear.scatter [tilespmem:s9], [sflag:$0x5], $0x800, $0x38;
	[tilespmem:$0x1D800] =	vst v63  }
0x146: {  	_ =	swait.ge [sflag:s10], $0x800  }
0x147: {  	[sflag:s10] =	ssyncset.done $0x0  }
0x148: {  	[sflag:s10] =	ssyncadd.s32 $0xFFFFF800  }
0x149: {  	[spmem:s7] =	stream.linear.scatter [tilespmem:s9], [sflag:$0x5], $0x800, $0x38;
	[tilespmem:$0x1D800] =	vst v63  }
0x14a: {  	_ =	swait.ge [sflag:s10], $0x800  }
0x14b: {  	[sflag:s10] =	ssyncset.done $0x0  }
0x14c: {  	[sflag:s10] =	ssyncadd.s32 $0xFFFFF800  }
0x14d: {  	[spmem:s8] =	stream.linear.scatter [tilespmem:s9], [sflag:$0x5], $0x800, $0x38;
	[tilespmem:$0x1D800] =	vst v63  }
0x14e: {  	_ =	swait.ge [sflag:s10], $0x800  }
0x14f: {  	[sflag:s10] =	ssyncset.done $0x0  }
0x150: {  	s28 =	rddreg [dreg:$0x9];
	[sflag:s10] =	ssyncadd.s32 $0xFFFFF800  }
0x151: {  	[spmem:s24@s12], [sflag:s23] =	dma.strided [hbm:s28@s13], $0x1400, s11, $0x8   }
0x152: {  	_ =	swait.ge [sflag:s10], $0x1400  }
0x153: {  	[sflag:s10] =	ssyncset.done $0x0  }
0x154: {  	[sflag:s10] =	ssyncadd.s32 $0xFFFFEC00  }
0x155: {  	[bflag:$0x0] =	sbarrier.arrive $0xFFFF  }
0x156: {  	s28 =	rddreg [dreg:$0x14]  }
0x157: {  	[tilespmem:s3], [sflag:$0x5] =	stream.linear.gather [hbm4b:s28+s3], $0x2800, $0x38;
	[tilespmem:$0x1D800] =	vst v63  }
0x158: {  	_ =	swait.ge [sflag:s10], $0x2800  }
0x159: {  	[sflag:s10] =	ssyncset.done $0x0  }
0x15a: {  	s26 =	rddreg [dreg:$0x15];
	[sflag:s10] =	ssyncadd.s32 $0xFFFFD800  }
0x15b: {  	[tilespmem:s14], [sflag:$0x5] =	stream.linear.gather [hbm4b:s26+s3], $0x2800, $0x38;
	[tilespmem:$0x1D800] =	vst v63  }
0x15c: {  	_ =	swait.ge [sflag:s10], $0x2800  }
0x15d: {  	[sflag:s10] =	ssyncset.done $0x0  }
0x15e: {  	[sflag:s10] =	ssyncadd.s32 $0xFFFFD800  }
0x15f: {  	[tilespmem:s16], [sflag:$0x1] =	stream.indirect.gather [spmem:s2], $0x40, s3, s15, $0xb8;
	[tilespmem:$0x1D800] =	vst v63  }
0x160: {  	_ = 	snop  }
0x161: {  	[tilespmem:s17], [sflag:$0x2] =	stream.indirect.gather [spmem:s2], $0x40, s15, s15, $0xb8;
	[tilespmem:$0x1D800] =	vst v63  }
0x162: {  	_ =	swait.ge [sflag:s11], $0x2000  }
0x163: {  	[sflag:s11] =	ssyncset.done $0x0  }
0x164: {  	[sflag:s11] =	ssyncadd.s32 $0xFFFFE000  }
0x165: {  	[spmem:s1] =	stream.indirect.scatter.add.f32 [tilespmem:s16], [sflag:$0x3], $0x40, s14, s15, $0xb8;
	[tilespmem:$0x1D800] =	vst v63  }
0x166: {  	_ =	swait.ge [sflag:s18], $0x2000  }
0x167: {  	[sflag:s18] =	ssyncset.done $0x0  }
0x168: {  	[sflag:s18] =	ssyncadd.s32 $0xFFFFE000  }
0x169: {  	[spmem:s1] =	stream.indirect.scatter.add.f32 [tilespmem:s17], [sflag:$0x4], $0x40, s19, s15, $0xb8;
	[tilespmem:$0x1D800] =	vst v63  }
0x16a: {  	_ =	swait.ge [sflag:s20], $0x2000  }
0x16b: {  	[sflag:s20] =	ssyncset.done $0x0  }
0x16c: {  	[sflag:s20] =	ssyncadd.s32 $0xFFFFE000  }
0x16d: {  	_ =	swait.ge [sflag:s21], $0x2000  }
0x16e: {  	[sflag:s21] =	ssyncset.done $0x0  }
0x16f: {  	s28 =	simm.s32 $0x100;
	[sflag:s21] =	ssyncadd.s32 $0xFFFFE000  }
0x170: {  	[tilespmem:s16], [sflag:$0x1] =	stream.indirect.gather [spmem:s2], $0x40, s28, s15, $0xb8;
	[tilespmem:$0x1D800] =	vst v63  }
0x171: {  	s26 =	simm.s32 $0x180  }
0x172: {  	[tilespmem:s17], [sflag:$0x2] =	stream.indirect.gather [spmem:s2], $0x40, s26, s15, $0xb8;
	[tilespmem:$0x1D800] =	vst v63  }
0x173: {  	_ =	swait.ge [sflag:s11], $0x2000  }
0x174: {  	[sflag:s11] =	ssyncset.done $0x0  }
0x175: {  	s28 =	simm.s32 $0x2900;
	[sflag:s11] =	ssyncadd.s32 $0xFFFFE000  }
0x176: {  	[spmem:s1] =	stream.indirect.scatter.add.f32 [tilespmem:s16], [sflag:$0x3], $0x40, s28, s15, $0xb8;
	[tilespmem:$0x1D800] =	vst v63  }
0x177: {  	_ =	swait.ge [sflag:s18], $0x2000  }
0x178: {  	[sflag:s18] =	ssyncset.done $0x0  }
0x179: {  	s24 =	simm.s32 $0xFFFF6800;
	s26 =	simm.s32 $0x2980;
	[sflag:s18] =	ssyncadd.s32 $0xFFFFE000  }
.LBB2_8:
0x17a: {  	[spmem:s1] =	stream.indirect.scatter.add.f32 [tilespmem:s17], [sflag:$0x4], $0x40, s26, s15, $0xb8;
	[tilespmem:$0x1D800] =	vst v63  }
0x17b: {  	s26 =	smov.u32 s24  }
0x17c: {  	p0 =	sne.s32 s24, $0xFFFFFC00;
	s24 =	sadd.s32 $0x400, s24;
	_ =	swait.ge [sflag:s20], $0x2000  }
0x17d: {  	[sflag:s20] =	ssyncset.done $0x0  }
0x17e: {  	[sflag:s20] =	ssyncadd.s32 $0xFFFFE000  }
0x17f: {  	_ =	swait.ge [sflag:s21], $0x2000  }
0x180: {  	s26 =	sshra.s32 s26, $0x2;
	[sflag:s21] =	ssyncset.done $0x0  }
0x181: {  	s28 =	sadd.s32 $0x2800, s26;
	[sflag:s21] =	ssyncadd.s32 $0xFFFFE000  }
0x182: {  	[tilespmem:s16], [sflag:$0x1] =	stream.indirect.gather [spmem:s2], $0x40, s28, s15, $0xb8;
	[tilespmem:$0x1D800] =	vst v63  }
0x183: {  	s28 =	sadd.s32 $0x2880, s26  }
0x184: {  	[tilespmem:s17], [sflag:$0x2] =	stream.indirect.gather [spmem:s2], $0x40, s28, s15, $0xb8;
	[tilespmem:$0x1D800] =	vst v63  }
0x185: {  	_ =	swait.ge [sflag:s11], $0x2000  }
0x186: {  	[sflag:s11] =	ssyncset.done $0x0  }
.Ltmp3:
0x187: {  	s28 =	sadd.s32 $0x5000, s26;
	[sflag:s11] =	ssyncadd.s32 $0xFFFFE000;
	(pc) =	sbr.rel @p0 .LBB2_8-.Ltmp3, $4  }
0x188: {  	[spmem:s1] =	stream.indirect.scatter.add.f32 [tilespmem:s16], [sflag:$0x3], $0x40, s28, s15, $0xb8;
	[tilespmem:$0x1D800] =	vst v63  }
0x189: {  	_ =	swait.ge [sflag:s18], $0x2000  }
0x18a: {  	[sflag:s18] =	ssyncset.done $0x0  }
0x18b: {  	s26 =	sadd.s32 $0x5080, s26;
	[sflag:s18] =	ssyncadd.s32 $0xFFFFE000  }
0x18c: {  	[spmem:s1] =	stream.indirect.scatter.add.f32 [tilespmem:s17], [sflag:$0x4], $0x40, s26, s15, $0xb8;
	[tilespmem:$0x1D800] =	vst v63  }
0x18d: {  	_ =	swait.ge [sflag:s20], $0x2000  }
0x18e: {  	[sflag:s20] =	ssyncset.done $0x0  }
0x18f: {  	[sflag:s20] =	ssyncadd.s32 $0xFFFFE000  }
0x190: {  	_ =	swait.ge [sflag:s21], $0x2000  }
0x191: {  	[sflag:s21] =	ssyncset.done $0x0  }
0x192: {  	s24 =	rddreg [dreg:$0x16];
	[sflag:s21] =	ssyncadd.s32 $0xFFFFE000  }
0x193: {  	[tilespmem:s3], [sflag:$0x5] =	stream.linear.gather [hbm4b:s24+s3], $0x2800, $0x38;
	[tilespmem:$0x1D800] =	vst v63  }
0x194: {  	_ =	swait.ge [sflag:s10], $0x2800  }
0x195: {  	[sflag:s10] =	ssyncset.done $0x0  }
0x196: {  	s26 =	rddreg [dreg:$0x17];
	[sflag:s10] =	ssyncadd.s32 $0xFFFFD800  }
0x197: {  	[tilespmem:s14], [sflag:$0x5] =	stream.linear.gather [hbm4b:s26+s3], $0x2800, $0x38;
	[tilespmem:$0x1D800] =	vst v63  }
0x198: {  	_ =	swait.ge [sflag:s10], $0x2800  }
0x199: {  	[sflag:s10] =	ssyncset.done $0x0  }
0x19a: {  	[sflag:s10] =	ssyncadd.s32 $0xFFFFD800  }
0x19b: {  	[tilespmem:s16], [sflag:$0x1] =	stream.indirect.gather [spmem:s2], $0x40, s3, s15, $0xb8;
	[tilespmem:$0x1D800] =	vst v63  }
0x19c: {  	_ = 	snop  }
0x19d: {  	[tilespmem:s17], [sflag:$0x2] =	stream.indirect.gather [spmem:s2], $0x40, s15, s15, $0xb8;
	[tilespmem:$0x1D800] =	vst v63  }
0x19e: {  	_ =	swait.ge [sflag:s11], $0x2000  }
0x19f: {  	[sflag:s11] =	ssyncset.done $0x0  }
0x1a0: {  	[sflag:s11] =	ssyncadd.s32 $0xFFFFE000  }
0x1a1: {  	[spmem:s1] =	stream.indirect.scatter.add.f32 [tilespmem:s16], [sflag:$0x3], $0x40, s14, s15, $0xb8;
	[tilespmem:$0x1D800] =	vst v63  }
0x1a2: {  	_ =	swait.ge [sflag:s18], $0x2000  }
0x1a3: {  	[sflag:s18] =	ssyncset.done $0x0  }
0x1a4: {  	[sflag:s18] =	ssyncadd.s32 $0xFFFFE000  }
0x1a5: {  	[spmem:s1] =	stream.indirect.scatter.add.f32 [tilespmem:s17], [sflag:$0x4], $0x40, s19, s15, $0xb8;
	[tilespmem:$0x1D800] =	vst v63  }
0x1a6: {  	_ =	swait.ge [sflag:s20], $0x2000  }
0x1a7: {  	[sflag:s20] =	ssyncset.done $0x0  }
0x1a8: {  	[sflag:s20] =	ssyncadd.s32 $0xFFFFE000  }
0x1a9: {  	_ =	swait.ge [sflag:s21], $0x2000  }
0x1aa: {  	[sflag:s21] =	ssyncset.done $0x0  }
0x1ab: {  	s28 =	simm.s32 $0x100;
	[sflag:s21] =	ssyncadd.s32 $0xFFFFE000  }
0x1ac: {  	[tilespmem:s16], [sflag:$0x1] =	stream.indirect.gather [spmem:s2], $0x40, s28, s15, $0xb8;
	[tilespmem:$0x1D800] =	vst v63  }
0x1ad: {  	s26 =	simm.s32 $0x180  }
0x1ae: {  	[tilespmem:s17], [sflag:$0x2] =	stream.indirect.gather [spmem:s2], $0x40, s26, s15, $0xb8;
	[tilespmem:$0x1D800] =	vst v63  }
0x1af: {  	_ =	swait.ge [sflag:s11], $0x2000  }
0x1b0: {  	[sflag:s11] =	ssyncset.done $0x0  }
0x1b1: {  	s28 =	simm.s32 $0x2900;
	[sflag:s11] =	ssyncadd.s32 $0xFFFFE000  }
0x1b2: {  	[spmem:s1] =	stream.indirect.scatter.add.f32 [tilespmem:s16], [sflag:$0x3], $0x40, s28, s15, $0xb8;
	[tilespmem:$0x1D800] =	vst v63  }
0x1b3: {  	_ =	swait.ge [sflag:s18], $0x2000  }
0x1b4: {  	[sflag:s18] =	ssyncset.done $0x0  }
0x1b5: {  	s24 =	simm.s32 $0xFFFF6800;
	s26 =	simm.s32 $0x2980;
	[sflag:s18] =	ssyncadd.s32 $0xFFFFE000  }
.LBB2_10:
0x1b6: {  	[spmem:s1] =	stream.indirect.scatter.add.f32 [tilespmem:s17], [sflag:$0x4], $0x40, s26, s15, $0xb8;
	[tilespmem:$0x1D800] =	vst v63  }
0x1b7: {  	s26 =	smov.u32 s24  }
0x1b8: {  	p0 =	sne.s32 s24, $0xFFFFFC00;
	s24 =	sadd.s32 $0x400, s24;
	_ =	swait.ge [sflag:s20], $0x2000  }
0x1b9: {  	[sflag:s20] =	ssyncset.done $0x0  }
0x1ba: {  	[sflag:s20] =	ssyncadd.s32 $0xFFFFE000  }
0x1bb: {  	_ =	swait.ge [sflag:s21], $0x2000  }
0x1bc: {  	s26 =	sshra.s32 s26, $0x2;
	[sflag:s21] =	ssyncset.done $0x0  }
0x1bd: {  	s28 =	sadd.s32 $0x2800, s26;
	[sflag:s21] =	ssyncadd.s32 $0xFFFFE000  }
0x1be: {  	[tilespmem:s16], [sflag:$0x1] =	stream.indirect.gather [spmem:s2], $0x40, s28, s15, $0xb8;
	[tilespmem:$0x1D800] =	vst v63  }
0x1bf: {  	s28 =	sadd.s32 $0x2880, s26  }
0x1c0: {  	[tilespmem:s17], [sflag:$0x2] =	stream.indirect.gather [spmem:s2], $0x40, s28, s15, $0xb8;
	[tilespmem:$0x1D800] =	vst v63  }
0x1c1: {  	_ =	swait.ge [sflag:s11], $0x2000  }
0x1c2: {  	[sflag:s11] =	ssyncset.done $0x0  }
.Ltmp4:
0x1c3: {  	s28 =	sadd.s32 $0x5000, s26;
	[sflag:s11] =	ssyncadd.s32 $0xFFFFE000;
	(pc) =	sbr.rel @p0 .LBB2_10-.Ltmp4, $4  }
0x1c4: {  	[spmem:s1] =	stream.indirect.scatter.add.f32 [tilespmem:s16], [sflag:$0x3], $0x40, s28, s15, $0xb8;
	[tilespmem:$0x1D800] =	vst v63  }
0x1c5: {  	_ =	swait.ge [sflag:s18], $0x2000  }
0x1c6: {  	[sflag:s18] =	ssyncset.done $0x0  }
0x1c7: {  	s26 =	sadd.s32 $0x5080, s26;
	[sflag:s18] =	ssyncadd.s32 $0xFFFFE000  }
0x1c8: {  	[spmem:s1] =	stream.indirect.scatter.add.f32 [tilespmem:s17], [sflag:$0x4], $0x40, s26, s15, $0xb8;
	[tilespmem:$0x1D800] =	vst v63  }
0x1c9: {  	_ =	swait.ge [sflag:s20], $0x2000  }
0x1ca: {  	[sflag:s20] =	ssyncset.done $0x0  }
0x1cb: {  	[sflag:s20] =	ssyncadd.s32 $0xFFFFE000  }
0x1cc: {  	_ =	swait.ge [sflag:s21], $0x2000  }
0x1cd: {  	[sflag:s21] =	ssyncset.done $0x0  }
0x1ce: {  	[sflag:s21] =	ssyncadd.s32 $0xFFFFE000  }
0x1cf: {  	[bflag:$0x0] =	sbarrier.arrive $0xFFFF  }
0x1d0: {  	s24 =	rddreg [dreg:$0xa]  }
0x1d1: {  	[hbm:s24@s13], [sflag:s23] =	dma.strided [spmem:s25@s12], $0x1400, s11, $0x8   }
0x1d2: {  	_ =	swait.ge [sflag:s10], $0x1400  }
0x1d3: {  	s22 =	sadd.s32 $0x1, s22;
	s28 =	rddreg [dreg:$0xb]  }
0x1d4: {  	p0 =	sne.s32 s22, s28  }
.Ltmp5:
0x1d5: {  	_ = 	snop;
	(pc) =	sbr.rel @p0 .LBB2_1-.Ltmp5, $3  }
0x1d6: {  	_ =	sdelay $0x1  }
0x1d7: {  	[sflag:s10] =	ssyncset.done $0x0  }
0x1d8: {  	[sflag:s10] =	ssyncadd.s32 $0xFFFFEC00  }
0x1d9: {  	_ =	sfence.sel $0x180000  }
0x1da: {  	[bflag:$0x0] =	sbarrier.arrive $0xFFFF  }
0x1db: {  	_ =	strace $0x9000004D  }
0x1dc: {  	s0 =	stileid.u32;
	[bflag:$0x2] =	sbarrier.arrive $0xFFFF  }
0x1dd: {  	p0 =	sne.s32 s0, $0x0;
	s0 =	rddreg [dreg:$0x4]  }
0x1de: {  	s0 =	sadd.s32 @!p0 $0x100000, s0  }
0x1df: {  	[sflag:s0] =	ssyncadd.tile.s32 @!p0 $0x1;
	_ =	shalt  }
.Lfunc_end2:
_tile_overlayer_lowered:
.L_overlay_start_2:
0x1e0: {  	(tag) =	ssettag $0x2  }
0x1e1: {  	s0 =	rddreg [dreg:$0x0];
	s2 =	stileid.u32  }
0x1e2: {  	s1 =	rddreg [dreg:$0x1];
	p0 =	sne.s32 s2, $0x0  }
0x1e3: {  	s3 =	rddreg [dreg:$0x2];
	[bflag:$0x3] =	sbarrier.arrive $0xFFFF;
	s2 =	simm.s32 @!p0 $0x1C05  }
0x1e4: {  	[timem:s3], [sflag:s2] =	dma.local @!p0 [hbm:s0], s1  }
0x1e5: {  	s0 =	simm.s32 @!p0 $0x5  }
0x1e6: {  	_ =	swait.ge @!p0 [sflag:s0], s1  }
0x1e7: {  	s1 =	ssub.s32 @!p0 $0x0, s1;
	[sflag:s0] =	ssyncset.done @!p0 $0x0  }
0x1e8: {  	[sflag:s0] =	ssyncadd.s32 @!p0 s1  }
0x1e9: {  	[bflag:$0x3] =	sbarrier.arrive $0xFFFF  }
0x1ea: {  	_ =	shalt  }

// kernel: kernel.9.cloned.1.call-start
scs
__scs_entry_jumppad:
0x0: {  	(pc) =	sbr.rel $0x88, $3  }
0x1: {  	(tag) =	ssettag $0x0;
	lr =	simm.s32 $0x1  }
0x2: {  	[smem:$0x3F91] =	sst lr;
	_ =	strace $0xD0000000  }
0x3: {  	_ = 	snop  }
0x4: {  	_ = 	snop  }
0x5: {  	_ = 	snop  }
0x6: {  	_ = 	snop  }
0x7: {  	_ = 	snop  }
__scs_overlays_trampoline_lowered:
0x8: {  	[smem:$0x3FA0] =	sst s0  }
0x9: {  	[smem:$0x3FA1] =	sst s1  }
0xa: {  	[smem:$0x3FA2] =	sst s2  }
0xb: {  	[smem:$0x3FA3] =	sst s3  }
0xc: {  	[smem:$0x3FA4] =	sst s4  }
0xd: {  	[smem:$0x3FA5] =	sst s5  }
0xe: {  	[smem:$0x3FA6] =	sst s6  }
0xf: {  	[smem:$0x3FA7] =	sst s7  }
0x10: {  	[smem:$0x3FA8] =	sst s8  }
0x11: {  	[smem:$0x3FA9] =	sst s9;
	s0 =	simm.s32 @!p0 $0x0  }
0x12: {  	s1 =	sld [smem:$0x3F8F];
	s0 =	simm.s32 @p0 $0x1  }
0x13: {  	[smem:$0x3FAA] =	sst s0;
	s0 =	simm.s32 @!p1 $0x0  }
0x14: {  	s2 =	sld [smem:$0x3F8E];
	s0 =	simm.s32 @p1 $0x1  }
0x15: {  	[smem:$0x3FAB] =	sst s0;
	s0 =	simm.s32 @!p2 $0x0  }
0x16: {  	s3 =	sld [smem:$0x3FDB];
	s0 =	simm.s32 @p2 $0x1  }
0x17: {  	s4 =	simm.s32 $0x1BF5;
	[smem:$0x3FAD] =	sst s0  }
0x18: {  	s0 =	sld [smem:$0x3F90];
	_ =	swait.ge [sflag:s4], $0x0  }
0x19: {  	s7 =	sld [smem:$0x3F91]  }
0x1a: {  	s8 =	sadd.s32 $0xFFFFE003, lr  }
0x1b: {  	s9 =	sadd.s32 $0xFFFFFEF7, lr;
	s5 =	simm.s32 $0xFFFFFFFF;
	p2 =	slt.u32 s8, $0xFFFFF086  }
0x1c: {  	p1 =	slt.u32 s9, $0xF7A;
	s5 =	simm.s32 @!p2 $0x0  }
0x1d: {  	s5 =	simm.s32 @p1 $0x1;
	p0 =	seq.s32 s7, s2  }
0x1e: {  	s7 =	smul.u32 @!p0 $0xF7A, s2;
	p2 =	seq.s32 @!p0 s5, $0x0  }
0x1f: {  	s9 =	smul.u32 $0xF7A, s1;
	s8 =	simm.s32 @!p0 $0x1BF5;
	p2 =	por !p2, p0  }
0x20: {  	[sflag:s8] =	ssyncset.s32 @!p0 $0xFFFFF086;
	s6 =	sadd.s32 @!p0 s3, s7;
	s7 =	simm.s32 @!p0 $0x108  }
0x21: {  	s3 =	sadd.s32 s3, s9;
	s6 =	sadd.s32 @!p0 $0x88, s6;
	s7 =	simm.s32 @p2 $0x1082  }
0x22: {  	[simem:s7], [sflag:s8] =	dma.local @!p0 [hbm:s6], $0xF7A  }
0x23: {  	s9 =	sor.u32 $0xD0000000, s2;
	s6 =	simm.s32 $0x108;
	_ =	swait.ge @!p0 [sflag:s8], $0x0  }
0x24: {  	s3 =	sadd.s32 $0x88, s3;
	s6 =	simm.s32 @!p1 $0x1082;
	[sflag:s4] =	ssyncset.s32 $0xFFFFF086  }
0x25: {  	[simem:s6], [sflag:s4] =	dma.local [hbm:s3], $0xF7A  }
0x26: {  	[smem:$0x3F91] =	sst s1;
	(tag) =	ssettag s2;
	_ =	strace s9  }
0x27: {  	s1 =	sld [smem:$0x3FA1]  }
0x28: {  	s2 =	sld [smem:$0x3FA2]  }
0x29: {  	s4 =	sld [smem:$0x3FA4]  }
0x2a: {  	p0 =	seq.s32 s5, $0x0;
	s5 =	sld [smem:$0x3FA5]  }
0x2b: {  	s6 =	sld [smem:$0x3FA6]  }
0x2c: {  	s7 =	sld [smem:$0x3FA7]  }
0x2d: {  	s3 =	simm.s32 $0x108;
	s8 =	sld [smem:$0x3FA8]  }
0x2e: {  	s3 =	simm.s32 @!p0 $0x1082;
	s9 =	sld [smem:$0x3FA9]  }
0x2f: {  	lr =	sadd.s32 s0, s3;
	s0 =	sld [smem:$0x3FA0]  }
0x30: {  	s3 =	sld [smem:$0x3FA3]  }
0x31: {  	[smem:$0x3FAC] =	sst s10  }
0x32: {  	s10 =	sld [smem:$0x3FAA];
	_ =	sdelay $0x3  }
0x33: {  	p0 =	seq.s32 s10, $0x1;
	s10 =	sld [smem:$0x3FAC];
	_ =	sdelay $0x3  }
0x34: {  	[smem:$0x3FAC] =	sst s10  }
0x35: {  	s10 =	sld [smem:$0x3FAB];
	_ =	sdelay $0x3  }
0x36: {  	p1 =	seq.s32 s10, $0x1;
	s10 =	sld [smem:$0x3FAC];
	_ =	sdelay $0x3  }
0x37: {  	[smem:$0x3FAC] =	sst s10  }
0x38: {  	s10 =	sld [smem:$0x3FAD]  }
0x39: {  	_ = 	snop;
	(pc) =	sbr.ind lr, $3  }
0x3a: {  	_ = 	snop  }
0x3b: {  	_ = 	snop  }
0x3c: {  	p2 =	seq.s32 s10, $0x1;
	s10 =	sld [smem:$0x3FAC]  }
0x3d: {  	_ =	shalt  }
0x3e: {  	_ =	shalt  }
0x3f: {  	_ =	shalt  }
0x40: {  	_ =	shalt  }
0x41: {  	_ =	shalt  }
0x42: {  	_ =	shalt  }
0x43: {  	_ =	shalt  }
0x44: {  	_ =	shalt  }
0x45: {  	_ =	shalt  }
0x46: {  	_ =	shalt  }
0x47: {  	_ =	shalt  }
0x48: {  	_ =	shalt  }
0x49: {  	_ =	shalt  }
0x4a: {  	_ =	shalt  }
0x4b: {  	_ =	shalt  }
0x4c: {  	_ =	shalt  }
0x4d: {  	_ =	shalt  }
0x4e: {  	_ =	shalt  }
0x4f: {  	_ =	shalt  }
0x50: {  	_ =	shalt  }
0x51: {  	_ =	shalt  }
0x52: {  	_ =	shalt  }
0x53: {  	_ =	shalt  }
0x54: {  	_ =	shalt  }
0x55: {  	_ =	shalt  }
0x56: {  	_ =	shalt  }
0x57: {  	_ =	shalt  }
0x58: {  	_ =	shalt  }
0x59: {  	_ =	shalt  }
0x5a: {  	_ =	shalt  }
0x5b: {  	_ =	shalt  }
0x5c: {  	_ =	shalt  }
0x5d: {  	_ =	shalt  }
0x5e: {  	_ =	shalt  }
0x5f: {  	_ =	shalt  }
0x60: {  	_ =	shalt  }
0x61: {  	_ =	shalt  }
0x62: {  	_ =	shalt  }
0x63: {  	_ =	shalt  }
0x64: {  	_ =	shalt  }
0x65: {  	_ =	shalt  }
0x66: {  	_ =	shalt  }
0x67: {  	_ =	shalt  }
0x68: {  	_ =	shalt  }
0x69: {  	_ =	shalt  }
0x6a: {  	_ =	shalt  }
0x6b: {  	_ =	shalt  }
0x6c: {  	_ =	shalt  }
0x6d: {  	_ =	shalt  }
0x6e: {  	_ =	shalt  }
0x6f: {  	_ =	shalt  }
0x70: {  	_ =	shalt  }
0x71: {  	_ =	shalt  }
0x72: {  	_ =	shalt  }
0x73: {  	_ =	shalt  }
0x74: {  	_ =	shalt  }
0x75: {  	_ =	shalt  }
0x76: {  	_ =	shalt  }
0x77: {  	_ =	shalt  }
0x78: {  	_ =	shalt  }
0x79: {  	_ =	shalt  }
0x7a: {  	_ =	shalt  }
0x7b: {  	_ =	shalt  }
0x7c: {  	_ =	shalt  }
0x7d: {  	_ =	shalt  }
0x7e: {  	_ =	shalt  }
0x7f: {  	_ =	shalt  }
0x80: {  	_ =	shalt  }
0x81: {  	_ =	shalt  }
0x82: {  	_ =	shalt  }
0x83: {  	_ =	shalt  }
0x84: {  	_ =	shalt  }
0x85: {  	_ =	shalt  }
0x86: {  	_ =	shalt  }
0x87: {  	_ =	shalt  }
.Lfunc_end0:
.L_simem_size_0:
called_computation_lowered:
.L_overlay_start_0:
0x88: {  	s2 =	sld [smem:$0x3FD9]  }
0x89: {  	s3 =	sld [smem:$0x3FFE];
	_ =	sdelay $0x1  }
0x8a: {  	s1 =	srdreg.scid  }
0x8b: {  	s0 =	sand.u32 $0x1, s1  }
0x8c: {  	s14 =	sshll.u32 s0, $0xA;
	s2 =	sadd.s32 s3, s2  }
0x8d: {  	s2 =	sadd.s32 s2, s14  }
0x8e: {  	[smem:$0x3FB8] =	sst s2  }
0x8f: {  	_ = 	snop  }
0x90: {  	s2 =	sld [smem:$0x3FD0];
	_ =	sdelay $0x2  }
0x91: {  	s15 =	simm.s32 $0xA;
	s4 =	simm.s32 $0x10  }
0x92: {  	[smem:s4], [sflag:s15] =	dma.local [hbm:s2], $0x1  }
0x93: {  	_ =	swait.eq [sflag:s15], $0x1  }
0x94: {  	[sflag:s15] =	ssyncset.done $0x0  }
0x95: {  	s16 =	sld [smem:$0x10];
	[sflag:s15] =	ssyncadd.s32 $0xFFFFFFFF  }
0x96: {  	s17 =	sld [smem:$0x11];
	(tm) =	ssettm $0x1  }
0x97: {  	s18 =	sld [smem:$0x3FFB];
	_ =	sdelay $0x3  }
0x98: {  	_ =	strace s18  }
0x99: {  	s4 =	sld [smem:$0x3FFC];
	_ =	sdelay $0x3  }
0x9a: {  	_ =	strace s4  }
0x9b: {  	s4 =	sld [smem:$0x3FFD];
	_ =	sdelay $0x3  }
0x9c: {  	_ =	strace s4  }
0x9d: {  	_ =	strace $0x8FFFFFFF  }
0x9e: {  	s19 =	sld [smem:$0x3FDB];
	_ =	sdelay $0x1  }
0x9f: {  	s5 =	simm.s32 $_scs_section_size  }
0xa0: {  	s6 =	simm.s32 $_size__tile_overlayer_lowered;
	s7 =	simm.s32 $_tile_overlayer_lowered  }
0xa1: {  	s22 =	simm.s32 $0x1BFF;
	s21 =	sshll.u32 s7, $0x1;
	s4 =	sadd.s32 s5, s19  }
0xa2: {  	s8 =	simm.s32 $0x0;
	s20 =	sshll.u32 s6, $0x1;
	s6 =	sadd.s32 s21, s4  }
0xa3: {  	[timem:s8], [sflag:s22] =	dma.local [hbm:s6], s20  }
0xa4: {  	_ =	swait.ge [sflag:s22], s20  }
0xa5: {  	s5 =	ssub.s32 $0x0, s20;
	[sflag:s22] =	ssyncset.done $0x0  }
0xa6: {  	[sflag:s22] =	ssyncadd.s32 s5;
	_ =	sdelay $0x1  }
0xa7: {  	s23 =	simm.s32 $0x1B8B  }
0xa8: {  	_ =	swait.ge [sflag:s23], $0x1  }
0xa9: {  	[sflag:s23] =	ssyncset.done $0x0  }
0xaa: {  	s25 =	simm.s32 $0x1B8E;
	s24 =	sld [smem:$0x3FFE];
	[sflag:s23] =	ssyncadd.s32 $0xFFFFFFFF  }
0xab: {  	s26 =	simm.s32 $execute0_lowered;
	[smem:$0x3FD2] =	sst s25  }
0xac: {  	s6 =	sshll.u32 s26, $0x1;
	_ =	strace $0x80000046;
	[dreg:$0x1] =	wrdreg $0xFFFFFFFF  }
0xad: {  	s28 =	simm.s32 $_size_execute0_lowered;
	s4 =	sadd.s32 s4, s6;
	[dreg:$0x0] =	wrdreg $0x0  }
0xae: {  	s6 =	sshll.u32 s28, $0x1;
	[dreg:$0x2] =	wrdreg s4  }
0xaf: {  	[dreg:$0x3] =	wrdreg s6  }
0xb0: {  	[dreg:$0x4] =	wrdreg $0xC0  }
0xb1: {  	_ =	task [dreg:s8], $0x5FFFF  }
0xb2: {  	[dreg:$0x1] =	wrdreg $0xFFFFFFFF  }
0xb3: {  	[dreg:$0x0] =	wrdreg $0x60  }
0xb4: {  	[dreg:$0x2] =	wrdreg s17  }
0xb5: {  	[dreg:$0x3] =	wrdreg s24  }
0xb6: {  	[dreg:$0x4] =	wrdreg s16  }
0xb7: {  	[dreg:$0x5] =	wrdreg $0x1DB000  }
0xb8: {  	[dreg:$0x6] =	wrdreg $0x138000  }
0xb9: {  	[dreg:$0x7] =	wrdreg $0x98000  }
0xba: {  	[dreg:$0x8] =	wrdreg $0x9  }
0xbb: {  	_ =	task.clear_ibuf [dreg:s8], $0x9FFFF;
	_ =	strace $0x90000046  }
0xbc: {  	s29 =	simm.s32 $0x9;
	_ =	strace $0x80000048  }
0xbd: {  	_ =	swait.ge [sflag:s29], $0x1  }
0xbe: {  	[sflag:s29] =	ssyncadd.s32 $0xFFFFFFFF  }
0xbf: {  	_ =	strace $0x90000048  }
0xc0: {  	_ =	sfence  }
0xc1: {  	s30 =	sld [smem:$0x0];
	_ =	sdelay $0x2  }
0xc2: {  	s31 =	sshll.u32 s1, $0xD;
	s1 =	sshrl.u32 s1, $0x2  }
0xc3: {  	s3 =	sand.u32 $0x4000, s31;
	s1 =	sadd.s32 s1, s30  }
0xc4: {  	s0 =	sor.u32 s3, s0;
	s1 =	sshll.u32 s1, $0x11  }
0xc5: {  	s0 =	sor.u32 s1, s0  }
0xc6: {  	s0 =	sadd.s32 $0x8F2B, s0  }
0xc7: {  	[sflag:s0] =	ssyncadd.remote.s32 $0x1  }
0xc8: {  	_ =	sfence.sel $0xFFFF  }
0xc9: {  	[dreg:$0x0] =	wrdreg $0xFFFFFFFF;
	(pc) =	sbr.abs _section_cstart, $3  }
0xca: {  	[dreg:$0x1] =	wrdreg $0xFFFFFFFF  }
0xcb: {  	_ =	task.clear_ibuf [dreg:s8], $0x2FFFF;
	_ =	strace $0x9FFFFFFF  }
0xcc: {  	(tm) =	ssettm $0x7FFFFFFF  }
0xcd: {  	_ =	shalt  }
tec
execute0_lowered:
.L_overlay_start_1:
0x0: {  	(tag) =	ssettag $0x1  }
0x1: {  	s0 =	rddreg [dreg:$0x0]  }
0x2: {  	s3 =	rddreg [dreg:$0x1]  }
0x3: {  	s6 =	rddreg [dreg:$0x2]  }
0x4: {  	s1 =	rddreg [dreg:$0x3]  }
0x5: {  	s2 =	rddreg [dreg:$0x4]  }
0x6: {  	s4 =	rddreg [dreg:$0x5]  }
0x7: {  	s5 =	simm.s32 $0x0;
	s17 =	stileid.u32;
	s7 =	srdreg.scid  }
0x8: {  	s28 =	simm.s32 $0x1DA80;
	s29 =	simm.s32 $0x0;
	s8 =	smul.u32 $0x280, s17  }
0x9: {  	[smem:$0x7FF] =	sst s5;
	s9 =	sadd.s32 $0xE600, s3;
	s11 =	smul.u32 $0xA00, s17  }
0xa: {  	s10 =	sand.u32 $0x1, s7;
	s12 =	sadd.s32 $0x4600, s3;
	s13 =	smul.u32 $0x28000, s17  }
0xb: {  	s22 =	smul.u32 $0xA000, s17;
	_ =	strace $0x80000047;
	s7 =	ssub.s32 $0x2, s10  }
0xc: {  	s16 =	smul.u32 $0x2800, s10;
	p0 =	sne.s32 s10, $0x0;
	s14 =	sshrl.u32 s8, $0x3  }
0xd: {  	s15 =	sshrl.u32 s7, $0x1;
	s20 =	sshrl.u32 s11, $0x2;
	s24 =	sadd.s32 s22, s4  }
0xe: {  	s13 =	sshrl.u32 s13, $0x2;
	s30 =	sadd.s32 s22, s2;
	[dreg:$0x8] =	wrdreg s24  }
0xf: {  	s17 =	sadd.s32 s12, s11;
	s3 =	sadd.s32 s14, s3;
	[dreg:$0xb] =	wrdreg s30  }
0x10: {  	s19 =	ssub.s32 s7, s15;
	s7 =	sadd.s32 s20, s1;
	[dreg:$0x14] =	wrdreg s17  }
0x11: {  	s21 =	sadd.s32 s8, s16;
	s15 =	sadd.s32 s9, s11;
	[dreg:$0x7] =	wrdreg s7  }
0x12: {  	s16 =	sadd.s32 $0x500, s11;
	s3 =	sadd.s32 $0x18600, s3;
	[dreg:$0x13] =	wrdreg s15  }
0x13: {  	s23 =	sshll.u32 s21, $0x4;
	s18 =	sadd.s32 s9, s16;
	[dreg:$0xe] =	wrdreg s3  }
0x14: {  	s17 =	simm.s32 $0x10;
	s25 =	sadd.s32 s0, s23;
	[dreg:$0x15] =	wrdreg s18  }
0x15: {  	s7 =	sadd.s32 s13, s2;
	s13 =	sadd.s32 s6, s23;
	[dreg:$0x9] =	wrdreg s25  }
0x16: {  	s15 =	simm.s32 $0x5;
	s14 =	sadd.s32 $0x1800, s7;
	[dreg:$0xa] =	wrdreg s13  }
0x17: {  	s26 =	sor.u32 $0x8, s23;
	s3 =	sadd.s32 s12, s16;
	[dreg:$0x12] =	wrdreg s14  }
0x18: {  	s20 =	sadd.s32 $0x2800, s7;
	s21 =	sadd.s32 $0x3000, s7;
	[dreg:$0x16] =	wrdreg s3  }
0x19: {  	s22 =	sadd.s32 $0x3800, s7;
	s23 =	sadd.s32 $0x4000, s7;
	[dreg:$0x18] =	wrdreg s20  }
0x1a: {  	s24 =	sadd.s32 $0x4800, s7;
	s30 =	sadd.s32 $0x6000, s7;
	[dreg:$0x1a] =	wrdreg s21  }
0x1b: {  	s9 =	sadd.s32 $0x7800, s7;
	s10 =	sadd.s32 $0x8000, s7;
	[dreg:$0x1b] =	wrdreg s22  }
0x1c: {  	s11 =	sadd.s32 $0x8800, s7;
	s12 =	sadd.s32 $0x9000, s7;
	[dreg:$0x1c] =	wrdreg s23  }
0x1d: {  	s16 =	simm.s32 $0x8;
	s18 =	simm.s32 $0x2800;
	[dreg:$0x1d] =	wrdreg s24  }
0x1e: {  	s0 =	sadd.s32 s0, s26;
	s31 =	sadd.s32 s6, s26;
	[smem:$0x7FC] =	sst s30  }
0x1f: {  	s6 =	smax.u32 s19, $0x1;
	s13 =	sadd.s32 $0x1000, s7;
	[dreg:$0xc] =	wrdreg s0  }
0x20: {  	s19 =	sadd.s32 $0x2000, s7;
	s25 =	sadd.s32 $0x5000, s7;
	[dreg:$0xd] =	wrdreg s31  }
0x21: {  	s26 =	sadd.s32 $0x5800, s7;
	s14 =	simm.s32 $0x9000;
	[dreg:$0xf] =	wrdreg s6  }
0x22: {  	s20 =	simm.s32 $0x5000;
	s21 =	simm.s32 $0x7000;
	[dreg:$0x11] =	wrdreg s13  }
0x23: {  	s22 =	simm.s32 $0x2;
	s23 =	simm.s32 $0x2880;
	[dreg:$0x17] =	wrdreg s19  }
0x24: {  	s24 =	simm.s32 $0x3;
	s0 =	sadd.s32 s8, s1;
	[dreg:$0x1e] =	wrdreg s25  }
0x25: {  	s8 =	sadd.s32 $0x800, s7;
	[dreg:$0x1f] =	wrdreg s26;
	s31 =	sadd.s32 $0x6800, s7  }
0x26: {  	s13 =	sadd.s32 $0x9800, s7;
	s25 =	simm.s32 $0x1;
	[dreg:$0x10] =	wrdreg s8  }
0x27: {  	s19 =	simm.s32 $0x80;
	s0 =	sshrl.u32 @!p0 s0, $0x3;
	[smem:$0x7FD] =	sst s31  }
0x28: {  	v0 =	vimm.f32 $0.0e+00;
	v1 =	vimm.f32 $1.000000000e+00;
	s26 =	simm.s32 $0x4;
	s8 =	sadd.s32 $0x7000, s7;
	[dreg:$0x19] =	wrdreg s0  }
.LBB2_1:
0x29: {  	s30 =	simm.s32 $0x100;
	s0 =	simm.s32 $0x0  }
.LBB2_2:
0x2a: {  	p1 =	sne.s32 s30, $0x1F00;
	[tilespmem:s0+$0x9030] =	vst v0;
	s3 =	smov.u32 s30;
	s30 =	sadd.s32 $0x100, s30  }
.Ltmp0:
0x2b: {  	[tilespmem:s0+$0x9020] =	vst v0;
	(pc) =	sbr.rel @p1 .LBB2_2-.Ltmp0, $3  }
0x2c: {  	[tilespmem:s0+$0x9000] =	vst v0  }
0x2d: {  	[tilespmem:s0+$0x9010] =	vst v0;
	_ =	sdelay $0x1  }
0x2e: {  	s0 =	sshra.s32 s3, $0x2  }
0x2f: {  	[tilespmem:s0+$0x9030] =	vst v0  }
0x30: {  	[tilespmem:s0+$0x9020] =	vst v0  }
0x31: {  	[tilespmem:s0+$0x9000] =	vst v0  }
0x32: {  	[tilespmem:s0+$0x9010] =	vst v0  }
0x33: {  	[tilespmem:$0x1D800] =	vst v0  }
0x34: {  	[tilespmem:$0x1D810] =	vst v0  }
0x35: {  	[tilespmem:$0x1D820] =	vst v0  }
0x36: {  	[tilespmem:$0x1D830] =	vst v0  }
0x37: {  	[tilespmem:$0x1D840] =	vst v0  }
0x38: {  	[tilespmem:$0x1D850] =	vst v0  }
0x39: {  	[tilespmem:$0x1D860] =	vst v0  }
0x3a: {  	[tilespmem:$0x1D870] =	vst v0  }
0x3b: {  	[tilespmem:$0x1D880] =	vst v0  }
0x3c: {  	[tilespmem:$0x1D890] =	vst v0  }
0x3d: {  	[tilespmem:$0x1D8A0] =	vst v0  }
0x3e: {  	[tilespmem:$0x1D8B0] =	vst v0  }
0x3f: {  	[tilespmem:$0x1D8C0] =	vst v0  }
0x40: {  	[tilespmem:$0x1D8D0] =	vst v0  }
0x41: {  	[tilespmem:$0x1D8E0] =	vst v0  }
0x42: {  	[tilespmem:$0x1D8F0] =	vst v0  }
0x43: {  	[tilespmem:$0x1D900] =	vst v0  }
0x44: {  	[tilespmem:$0x1D910] =	vst v0  }
0x45: {  	[tilespmem:$0x1D920] =	vst v0  }
0x46: {  	[tilespmem:$0x1D930] =	vst v0  }
0x47: {  	[tilespmem:$0x1D940] =	vst v0  }
0x48: {  	[tilespmem:$0x1D950] =	vst v0  }
0x49: {  	[tilespmem:$0x1D960] =	vst v0  }
0x4a: {  	[tilespmem:$0x1D970] =	vst v0  }
0x4b: {  	[tilespmem:$0x1D980] =	vst v0  }
0x4c: {  	[tilespmem:$0x1D990] =	vst v0  }
0x4d: {  	[tilespmem:$0x1D9A0] =	vst v0  }
0x4e: {  	[tilespmem:$0x1D9B0] =	vst v0  }
0x4f: {  	[tilespmem:$0x1D9C0] =	vst v0  }
0x50: {  	[tilespmem:$0x1D9D0] =	vst v0  }
0x51: {  	[tilespmem:$0x1D9E0] =	vst v0  }
0x52: {  	[tilespmem:$0x1D9F0] =	vst v0  }
0x53: {  	[tilespmem:$0x1DA00] =	vst v0  }
0x54: {  	[tilespmem:$0x1DA10] =	vst v0  }
0x55: {  	[tilespmem:$0x1DA20] =	vst v0  }
0x56: {  	[tilespmem:$0x1DA30] =	vst v0  }
0x57: {  	[tilespmem:$0x1DA40] =	vst v0  }
0x58: {  	[tilespmem:$0x1DA50] =	vst v0  }
0x59: {  	[tilespmem:$0x1DA60] =	vst v0  }
0x5a: {  	[tilespmem:$0x1DA70] =	vst v0  }
0x5b: {  	[tilespmem:$0x1DA80] =	vst v1  }
0x5c: {  	[tilespmem:$0x1DA90] =	vst v1  }
0x5d: {  	[tilespmem:$0x1DAA0] =	vst v1  }
0x5e: {  	[tilespmem:$0x1DAB0] =	vst v1  }
0x5f: {  	[tilespmem:$0x1DAC0] =	vst v1  }
0x60: {  	[tilespmem:$0x1DAD0] =	vst v1  }
0x61: {  	[tilespmem:$0x1DAE0] =	vst v1  }
0x62: {  	s0 =	simm.s32 @!p0 $0x1D800;
	s3 =	rddreg [dreg:$0x7];
	[tilespmem:$0x1DAF0] =	vst v1  }
0x63: {  	[spmem:s3] =	stream.linear.scatter @!p0 [tilespmem:s0], [sflag:$0x5], $0x280, $0x38;
	[tilespmem:$0x1DD80] =	vst v63  }
0x64: {  	s0 =	simm.s32 @!p0 $0x5  }
0x65: {  	_ =	swait.ge @!p0 [sflag:s0], $0x280  }
0x66: {  	[sflag:s0] =	ssyncset.done @!p0 $0x0  }
0x67: {  	[sflag:s0] =	ssyncadd.s32 @!p0 $0xFFFFFD80  }
0x68: {  	[spmem:s7] =	stream.linear.scatter [tilespmem:s14], [sflag:$0x5], $0x800, $0x38;
	[tilespmem:$0x1DD80] =	vst v63  }
0x69: {  	_ =	swait.ge [sflag:s15], $0x800  }
0x6a: {  	[sflag:s15] =	ssyncset.done $0x0  }
0x6b: {  	s6 =	rddreg [dreg:$0x10];
	[sflag:s15] =	ssyncadd.s32 $0xFFFFF800  }
0x6c: {  	[spmem:s6] =	stream.linear.scatter [tilespmem:s14], [sflag:$0x5], $0x800, $0x38;
	[tilespmem:$0x1DD80] =	vst v63  }
0x6d: {  	_ =	swait.ge [sflag:s15], $0x800  }
0x6e: {  	[sflag:s15] =	ssyncset.done $0x0  }
0x6f: {  	s3 =	rddreg [dreg:$0x11];
	[sflag:s15] =	ssyncadd.s32 $0xFFFFF800  }
0x70: {  	[spmem:s3] =	stream.linear.scatter [tilespmem:s14], [sflag:$0x5], $0x800, $0x38;
	[tilespmem:$0x1DD80] =	vst v63  }
0x71: {  	_ =	swait.ge [sflag:s15], $0x800  }
0x72: {  	[sflag:s15] =	ssyncset.done $0x0  }
0x73: {  	s6 =	rddreg [dreg:$0x12];
	[sflag:s15] =	ssyncadd.s32 $0xFFFFF800  }
0x74: {  	[spmem:s6] =	stream.linear.scatter [tilespmem:s14], [sflag:$0x5], $0x800, $0x38;
	[tilespmem:$0x1DD80] =	vst v63  }
0x75: {  	_ =	swait.ge [sflag:s15], $0x800  }
0x76: {  	[sflag:s15] =	ssyncset.done $0x0  }
0x77: {  	s3 =	rddreg [dreg:$0x17];
	[sflag:s15] =	ssyncadd.s32 $0xFFFFF800  }
0x78: {  	[spmem:s3] =	stream.linear.scatter [tilespmem:s14], [sflag:$0x5], $0x800, $0x38;
	[tilespmem:$0x1DD80] =	vst v63  }
0x79: {  	_ =	swait.ge [sflag:s15], $0x800  }
0x7a: {  	[sflag:s15] =	ssyncset.done $0x0  }
0x7b: {  	s6 =	rddreg [dreg:$0x18];
	[sflag:s15] =	ssyncadd.s32 $0xFFFFF800  }
0x7c: {  	[spmem:s6] =	stream.linear.scatter [tilespmem:s14], [sflag:$0x5], $0x800, $0x38;
	[tilespmem:$0x1DD80] =	vst v63  }
0x7d: {  	_ =	swait.ge [sflag:s15], $0x800  }
0x7e: {  	[sflag:s15] =	ssyncset.done $0x0  }
0x7f: {  	s3 =	rddreg [dreg:$0x1a];
	[sflag:s15] =	ssyncadd.s32 $0xFFFFF800  }
0x80: {  	[spmem:s3] =	stream.linear.scatter [tilespmem:s14], [sflag:$0x5], $0x800, $0x38;
	[tilespmem:$0x1DD80] =	vst v63  }
0x81: {  	_ =	swait.ge [sflag:s15], $0x800  }
0x82: {  	[sflag:s15] =	ssyncset.done $0x0  }
0x83: {  	s6 =	rddreg [dreg:$0x1b];
	[sflag:s15] =	ssyncadd.s32 $0xFFFFF800  }
0x84: {  	[spmem:s6] =	stream.linear.scatter [tilespmem:s14], [sflag:$0x5], $0x800, $0x38;
	[tilespmem:$0x1DD80] =	vst v63  }
0x85: {  	_ =	swait.ge [sflag:s15], $0x800  }
0x86: {  	[sflag:s15] =	ssyncset.done $0x0  }
0x87: {  	s3 =	rddreg [dreg:$0x1c];
	[sflag:s15] =	ssyncadd.s32 $0xFFFFF800  }
0x88: {  	[spmem:s3] =	stream.linear.scatter [tilespmem:s14], [sflag:$0x5], $0x800, $0x38;
	[tilespmem:$0x1DD80] =	vst v63  }
0x89: {  	_ =	swait.ge [sflag:s15], $0x800  }
0x8a: {  	[sflag:s15] =	ssyncset.done $0x0  }
0x8b: {  	s6 =	rddreg [dreg:$0x1d];
	[sflag:s15] =	ssyncadd.s32 $0xFFFFF800  }
0x8c: {  	[spmem:s6] =	stream.linear.scatter [tilespmem:s14], [sflag:$0x5], $0x800, $0x38;
	[tilespmem:$0x1DD80] =	vst v63  }
0x8d: {  	_ =	swait.ge [sflag:s15], $0x800  }
0x8e: {  	[sflag:s15] =	ssyncset.done $0x0  }
0x8f: {  	s3 =	rddreg [dreg:$0x1e];
	[sflag:s15] =	ssyncadd.s32 $0xFFFFF800  }
0x90: {  	[spmem:s3] =	stream.linear.scatter [tilespmem:s14], [sflag:$0x5], $0x800, $0x38;
	[tilespmem:$0x1DD80] =	vst v63  }
0x91: {  	_ =	swait.ge [sflag:s15], $0x800  }
0x92: {  	[sflag:s15] =	ssyncset.done $0x0  }
0x93: {  	s6 =	rddreg [dreg:$0x1f];
	[sflag:s15] =	ssyncadd.s32 $0xFFFFF800  }
0x94: {  	[spmem:s6] =	stream.linear.scatter [tilespmem:s14], [sflag:$0x5], $0x800, $0x38;
	[tilespmem:$0x1DD80] =	vst v63  }
0x95: {  	_ =	swait.ge [sflag:s15], $0x800  }
0x96: {  	s3 =	sld [smem:$0x7FC]  }
0x97: {  	[sflag:s15] =	ssyncset.done $0x0  }
0x98: {  	[sflag:s15] =	ssyncadd.s32 $0xFFFFF800  }
0x99: {  	[spmem:s3] =	stream.linear.scatter [tilespmem:s14], [sflag:$0x5], $0x800, $0x38;
	[tilespmem:$0x1DD80] =	vst v63  }
0x9a: {  	_ =	swait.ge [sflag:s15], $0x800  }
0x9b: {  	s6 =	sld [smem:$0x7FD]  }
0x9c: {  	[sflag:s15] =	ssyncset.done $0x0  }
0x9d: {  	[sflag:s15] =	ssyncadd.s32 $0xFFFFF800  }
0x9e: {  	[spmem:s6] =	stream.linear.scatter [tilespmem:s14], [sflag:$0x5], $0x800, $0x38;
	[tilespmem:$0x1DD80] =	vst v63  }
0x9f: {  	_ =	swait.ge [sflag:s15], $0x800  }
0xa0: {  	[sflag:s15] =	ssyncset.done $0x0  }
0xa1: {  	[sflag:s15] =	ssyncadd.s32 $0xFFFFF800  }
0xa2: {  	[spmem:s8] =	stream.linear.scatter [tilespmem:s14], [sflag:$0x5], $0x800, $0x38;
	[tilespmem:$0x1DD80] =	vst v63  }
0xa3: {  	_ =	swait.ge [sflag:s15], $0x800  }
0xa4: {  	[sflag:s15] =	ssyncset.done $0x0  }
0xa5: {  	[sflag:s15] =	ssyncadd.s32 $0xFFFFF800  }
0xa6: {  	[spmem:s9] =	stream.linear.scatter [tilespmem:s14], [sflag:$0x5], $0x800, $0x38;
	[tilespmem:$0x1DD80] =	vst v63  }
0xa7: {  	_ =	swait.ge [sflag:s15], $0x800  }
0xa8: {  	[sflag:s15] =	ssyncset.done $0x0  }
0xa9: {  	[sflag:s15] =	ssyncadd.s32 $0xFFFFF800  }
0xaa: {  	[spmem:s10] =	stream.linear.scatter [tilespmem:s14], [sflag:$0x5], $0x800, $0x38;
	[tilespmem:$0x1DD80] =	vst v63  }
0xab: {  	_ =	swait.ge [sflag:s15], $0x800  }
0xac: {  	[sflag:s15] =	ssyncset.done $0x0  }
0xad: {  	[sflag:s15] =	ssyncadd.s32 $0xFFFFF800  }
0xae: {  	[spmem:s11] =	stream.linear.scatter [tilespmem:s14], [sflag:$0x5], $0x800, $0x38;
	[tilespmem:$0x1DD80] =	vst v63  }
0xaf: {  	_ =	swait.ge [sflag:s15], $0x800  }
0xb0: {  	[sflag:s15] =	ssyncset.done $0x0  }
0xb1: {  	[sflag:s15] =	ssyncadd.s32 $0xFFFFF800  }
0xb2: {  	[spmem:s12] =	stream.linear.scatter [tilespmem:s14], [sflag:$0x5], $0x800, $0x38;
	[tilespmem:$0x1DD80] =	vst v63  }
0xb3: {  	_ =	swait.ge [sflag:s15], $0x800  }
0xb4: {  	[sflag:s15] =	ssyncset.done $0x0  }
0xb5: {  	s3 =	stileid.u32;
	[sflag:s15] =	ssyncadd.s32 $0xFFFFF800  }
0xb6: {  	[spmem:s13] =	stream.linear.scatter [tilespmem:s14], [sflag:$0x5], $0x800, $0x38;
	[tilespmem:$0x1DD80] =	vst v63  }
0xb7: {  	s0 =	sshll.u32 s3, $0x6;
	_ =	swait.ge [sflag:s15], $0x800  }
0xb8: {  	s30 =	sor.u32 $0x1C05, s0;
	[sflag:s15] =	ssyncset.done $0x0;
	s6 =	rddreg [dreg:$0x8]  }
0xb9: {  	s3 =	rddreg [dreg:$0x9];
	[sflag:s15] =	ssyncadd.s32 $0xFFFFF800;
	s31 =	sshrl.u32 s6, $0x3  }
0xba: {  	[spmem:s31@s16], [sflag:s30] =	dma.strided [hbm:s3@s17], $0x1400, s25, $0x8   }
0xbb: {  	_ =	swait.ge [sflag:s15], $0x1400  }
0xbc: {  	[sflag:s15] =	ssyncset.done $0x0  }
0xbd: {  	[sflag:s15] =	ssyncadd.s32 $0xFFFFEC00  }
0xbe: {  	[bflag:$0x0] =	sbarrier.arrive $0xFFFF  }
0xbf: {  	s6 =	rddreg [dreg:$0x13]  }
0xc0: {  	[tilespmem:s5], [sflag:$0x5] =	stream.linear.gather [hbm4b:s6+s5], $0x2800, $0x38;
	[tilespmem:$0x1DD80] =	vst v63  }
0xc1: {  	_ =	swait.ge [sflag:s15], $0x2800  }
0xc2: {  	[sflag:s15] =	ssyncset.done $0x0  }
0xc3: {  	s3 =	rddreg [dreg:$0x14];
	[sflag:s15] =	ssyncadd.s32 $0xFFFFD800  }
0xc4: {  	[tilespmem:s18], [sflag:$0x5] =	stream.linear.gather [hbm4b:s3+s5], $0x2800, $0x38;
	[tilespmem:$0x1DD80] =	vst v63  }
0xc5: {  	_ =	swait.ge [sflag:s15], $0x2800  }
0xc6: {  	[sflag:s15] =	ssyncset.done $0x0  }
0xc7: {  	[sflag:s15] =	ssyncadd.s32 $0xFFFFD800  }
0xc8: {  	[tilespmem:s20], [sflag:$0x1] =	stream.indirect.gather [spmem:s4], $0x40, s5, s19, $0xb8;
	[tilespmem:$0x1DD80] =	vst v63  }
0xc9: {  	_ = 	snop  }
0xca: {  	[tilespmem:s21], [sflag:$0x2] =	stream.indirect.gather [spmem:s4], $0x40, s19, s19, $0xb8;
	[tilespmem:$0x1DD80] =	vst v63  }
0xcb: {  	_ =	swait.ge [sflag:s25], $0x2000  }
0xcc: {  	[sflag:s25] =	ssyncset.done $0x0  }
0xcd: {  	[sflag:s25] =	ssyncadd.s32 $0xFFFFE000  }
0xce: {  	[spmem:s2] =	stream.indirect.scatter.add.f32 [tilespmem:s20], [sflag:$0x3], $0x40, s18, s19, $0xb8;
	[tilespmem:$0x1DD80] =	vst v63  }
0xcf: {  	_ =	swait.ge [sflag:s22], $0x2000  }
0xd0: {  	[sflag:s22] =	ssyncset.done $0x0  }
0xd1: {  	[sflag:s22] =	ssyncadd.s32 $0xFFFFE000  }
0xd2: {  	[spmem:s2] =	stream.indirect.scatter.add.f32 [tilespmem:s21], [sflag:$0x4], $0x40, s23, s19, $0xb8;
	[tilespmem:$0x1DD80] =	vst v63  }
0xd3: {  	_ =	swait.ge [sflag:s24], $0x2000  }
0xd4: {  	[sflag:s24] =	ssyncset.done $0x0  }
0xd5: {  	[sflag:s24] =	ssyncadd.s32 $0xFFFFE000  }
0xd6: {  	_ =	swait.ge [sflag:s26], $0x2000  }
0xd7: {  	[sflag:s26] =	ssyncset.done $0x0  }
0xd8: {  	s6 =	simm.s32 $0x100;
	[sflag:s26] =	ssyncadd.s32 $0xFFFFE000  }
0xd9: {  	[tilespmem:s20], [sflag:$0x1] =	stream.indirect.gather [spmem:s4], $0x40, s6, s19, $0xb8;
	[tilespmem:$0x1DD80] =	vst v63  }
0xda: {  	s3 =	simm.s32 $0x180  }
0xdb: {  	[tilespmem:s21], [sflag:$0x2] =	stream.indirect.gather [spmem:s4], $0x40, s3, s19, $0xb8;
	[tilespmem:$0x1DD80] =	vst v63  }
0xdc: {  	_ =	swait.ge [sflag:s25], $0x2000  }
0xdd: {  	[sflag:s25] =	ssyncset.done $0x0  }
0xde: {  	s6 =	simm.s32 $0x2900;
	[sflag:s25] =	ssyncadd.s32 $0xFFFFE000  }
0xdf: {  	[spmem:s2] =	stream.indirect.scatter.add.f32 [tilespmem:s20], [sflag:$0x3], $0x40, s6, s19, $0xb8;
	[tilespmem:$0x1DD80] =	vst v63  }
0xe0: {  	_ =	swait.ge [sflag:s22], $0x2000  }
0xe1: {  	[sflag:s22] =	ssyncset.done $0x0  }
0xe2: {  	s0 =	simm.s32 $0xFFFF6800;
	s3 =	simm.s32 $0x2980;
	[sflag:s22] =	ssyncadd.s32 $0xFFFFE000  }
.LBB2_4:
0xe3: {  	[spmem:s2] =	stream.indirect.scatter.add.f32 [tilespmem:s21], [sflag:$0x4], $0x40, s3, s19, $0xb8;
	[tilespmem:$0x1DD80] =	vst v63  }
0xe4: {  	s3 =	smov.u32 s0  }
0xe5: {  	p1 =	sne.s32 s0, $0xFFFFFC00;
	s0 =	sadd.s32 $0x400, s0;
	_ =	swait.ge [sflag:s24], $0x2000  }
0xe6: {  	[sflag:s24] =	ssyncset.done $0x0  }
0xe7: {  	[sflag:s24] =	ssyncadd.s32 $0xFFFFE000  }
0xe8: {  	_ =	swait.ge [sflag:s26], $0x2000  }
0xe9: {  	s3 =	sshra.s32 s3, $0x2;
	[sflag:s26] =	ssyncset.done $0x0  }
0xea: {  	s6 =	sadd.s32 $0x2800, s3;
	[sflag:s26] =	ssyncadd.s32 $0xFFFFE000  }
0xeb: {  	[tilespmem:s20], [sflag:$0x1] =	stream.indirect.gather [spmem:s4], $0x40, s6, s19, $0xb8;
	[tilespmem:$0x1DD80] =	vst v63  }
0xec: {  	s6 =	sadd.s32 $0x2880, s3  }
0xed: {  	[tilespmem:s21], [sflag:$0x2] =	stream.indirect.gather [spmem:s4], $0x40, s6, s19, $0xb8;
	[tilespmem:$0x1DD80] =	vst v63  }
0xee: {  	_ =	swait.ge [sflag:s25], $0x2000  }
0xef: {  	[sflag:s25] =	ssyncset.done $0x0  }
.Ltmp1:
0xf0: {  	s6 =	sadd.s32 $0x5000, s3;
	[sflag:s25] =	ssyncadd.s32 $0xFFFFE000;
	(pc) =	sbr.rel @p1 .LBB2_4-.Ltmp1, $4  }
0xf1: {  	[spmem:s2] =	stream.indirect.scatter.add.f32 [tilespmem:s20], [sflag:$0x3], $0x40, s6, s19, $0xb8;
	[tilespmem:$0x1DD80] =	vst v63  }
0xf2: {  	_ =	swait.ge [sflag:s22], $0x2000  }
0xf3: {  	[sflag:s22] =	ssyncset.done $0x0  }
0xf4: {  	s3 =	sadd.s32 $0x5080, s3;
	[sflag:s22] =	ssyncadd.s32 $0xFFFFE000  }
.Ltmp2:
0xf5: {  	(pc) =	sbr.rel @p0 .LBB2_9-.Ltmp2, $3  }
0xf6: {  	_ =	sdelay $0x1  }
0xf7: {  	[spmem:s2] =	stream.indirect.scatter.add.f32 [tilespmem:s21], [sflag:$0x4], $0x40, s3, s19, $0xb8;
	[tilespmem:$0x1DD80] =	vst v63  }
0xf8: {  	s0 =	simm.s32 $0x0  }
0xf9: {  	s3 =	sshra.s32 s0, $0x2  }
0xfa: {  	s3 =	sadd.s32 $0x2800, s3  }
0xfb: {  	[spmem:s1] =	stream.indirect.scatter.add.f32 [tilespmem:s28], [sflag:$0x5], $0x1, s3, s19, $0xb8;
	[tilespmem:$0x1DD80] =	vst v63  }
0xfc: {  	s0 =	sadd.s32 $0x200, s0;
	_ =	swait.ge [sflag:s15], $0x80  }
.LBB2_7:
0xfd: {  	s3 =	sshra.s32 s0, $0x2;
	[sflag:s15] =	ssyncset.done $0x0;
	p1 =	sne.s32 s0, $0x9E00  }
.Ltmp3:
0xfe: {  	s3 =	sadd.s32 $0x2800, s3;
	[sflag:s15] =	ssyncadd.s32 $0xFFFFFF80;
	(pc) =	sbr.rel @p1 .LBB2_7-.Ltmp3, $3  }
0xff: {  	[spmem:s1] =	stream.indirect.scatter.add.f32 [tilespmem:s28], [sflag:$0x5], $0x1, s3, s19, $0xb8;
	[tilespmem:$0x1DD80] =	vst v63  }
0x100: {  	s0 =	sadd.s32 $0x200, s0;
	_ =	sdelay $0x1  }
0x101: {  	_ =	swait.ge [sflag:s15], $0x80  }
0x102: {  	[sflag:s15] =	ssyncset.done $0x0  }
0x103: {  	[sflag:s15] =	ssyncadd.s32 $0xFFFFFF80  }
.LBB2_9:
0x104: {  	_ =	swait.ge [sflag:s24], $0x2000  }
0x105: {  	[sflag:s24] =	ssyncset.done $0x0  }
0x106: {  	[sflag:s24] =	ssyncadd.s32 $0xFFFFE000  }
0x107: {  	_ =	swait.ge [sflag:s26], $0x2000  }
0x108: {  	[sflag:s26] =	ssyncset.done $0x0  }
0x109: {  	s0 =	rddreg [dreg:$0x15];
	[sflag:s26] =	ssyncadd.s32 $0xFFFFE000  }
0x10a: {  	[tilespmem:s5], [sflag:$0x5] =	stream.linear.gather [hbm4b:s0+s5], $0x2800, $0x38;
	[tilespmem:$0x1DD80] =	vst v63  }
0x10b: {  	_ =	swait.ge [sflag:s15], $0x2800  }
0x10c: {  	[sflag:s15] =	ssyncset.done $0x0  }
0x10d: {  	s3 =	rddreg [dreg:$0x16];
	[sflag:s15] =	ssyncadd.s32 $0xFFFFD800  }
0x10e: {  	[tilespmem:s18], [sflag:$0x5] =	stream.linear.gather [hbm4b:s3+s5], $0x2800, $0x38;
	[tilespmem:$0x1DD80] =	vst v63  }
0x10f: {  	_ =	swait.ge [sflag:s15], $0x2800  }
0x110: {  	[sflag:s15] =	ssyncset.done $0x0  }
0x111: {  	[sflag:s15] =	ssyncadd.s32 $0xFFFFD800  }
0x112: {  	[tilespmem:s20], [sflag:$0x1] =	stream.indirect.gather [spmem:s4], $0x40, s5, s19, $0xb8;
	[tilespmem:$0x1DD80] =	vst v63  }
0x113: {  	_ = 	snop  }
0x114: {  	[tilespmem:s21], [sflag:$0x2] =	stream.indirect.gather [spmem:s4], $0x40, s19, s19, $0xb8;
	[tilespmem:$0x1DD80] =	vst v63  }
0x115: {  	_ =	swait.ge [sflag:s25], $0x2000  }
0x116: {  	[sflag:s25] =	ssyncset.done $0x0  }
0x117: {  	[sflag:s25] =	ssyncadd.s32 $0xFFFFE000  }
0x118: {  	[spmem:s2] =	stream.indirect.scatter.add.f32 [tilespmem:s20], [sflag:$0x3], $0x40, s18, s19, $0xb8;
	[tilespmem:$0x1DD80] =	vst v63  }
0x119: {  	_ =	swait.ge [sflag:s22], $0x2000  }
0x11a: {  	[sflag:s22] =	ssyncset.done $0x0  }
0x11b: {  	[sflag:s22] =	ssyncadd.s32 $0xFFFFE000  }
0x11c: {  	[spmem:s2] =	stream.indirect.scatter.add.f32 [tilespmem:s21], [sflag:$0x4], $0x40, s23, s19, $0xb8;
	[tilespmem:$0x1DD80] =	vst v63  }
0x11d: {  	_ =	swait.ge [sflag:s24], $0x2000  }
0x11e: {  	[sflag:s24] =	ssyncset.done $0x0  }
0x11f: {  	[sflag:s24] =	ssyncadd.s32 $0xFFFFE000  }
0x120: {  	_ =	swait.ge [sflag:s26], $0x2000  }
0x121: {  	[sflag:s26] =	ssyncset.done $0x0  }
0x122: {  	s6 =	simm.s32 $0x100;
	[sflag:s26] =	ssyncadd.s32 $0xFFFFE000  }
0x123: {  	[tilespmem:s20], [sflag:$0x1] =	stream.indirect.gather [spmem:s4], $0x40, s6, s19, $0xb8;
	[tilespmem:$0x1DD80] =	vst v63  }
0x124: {  	s3 =	simm.s32 $0x180  }
0x125: {  	[tilespmem:s21], [sflag:$0x2] =	stream.indirect.gather [spmem:s4], $0x40, s3, s19, $0xb8;
	[tilespmem:$0x1DD80] =	vst v63  }
0x126: {  	_ =	swait.ge [sflag:s25], $0x2000  }
0x127: {  	[sflag:s25] =	ssyncset.done $0x0  }
0x128: {  	s6 =	simm.s32 $0x2900;
	[sflag:s25] =	ssyncadd.s32 $0xFFFFE000  }
0x129: {  	[spmem:s2] =	stream.indirect.scatter.add.f32 [tilespmem:s20], [sflag:$0x3], $0x40, s6, s19, $0xb8;
	[tilespmem:$0x1DD80] =	vst v63  }
0x12a: {  	_ =	swait.ge [sflag:s22], $0x2000  }
0x12b: {  	[sflag:s22] =	ssyncset.done $0x0  }
0x12c: {  	s0 =	simm.s32 $0xFFFF6800;
	s3 =	simm.s32 $0x2980;
	[sflag:s22] =	ssyncadd.s32 $0xFFFFE000  }
.LBB2_10:
0x12d: {  	[spmem:s2] =	stream.indirect.scatter.add.f32 [tilespmem:s21], [sflag:$0x4], $0x40, s3, s19, $0xb8;
	[tilespmem:$0x1DD80] =	vst v63  }
0x12e: {  	s3 =	smov.u32 s0  }
0x12f: {  	p1 =	sne.s32 s0, $0xFFFFFC00;
	s0 =	sadd.s32 $0x400, s0;
	_ =	swait.ge [sflag:s24], $0x2000  }
0x130: {  	[sflag:s24] =	ssyncset.done $0x0  }
0x131: {  	[sflag:s24] =	ssyncadd.s32 $0xFFFFE000  }
0x132: {  	_ =	swait.ge [sflag:s26], $0x2000  }
0x133: {  	s3 =	sshra.s32 s3, $0x2;
	[sflag:s26] =	ssyncset.done $0x0  }
0x134: {  	s6 =	sadd.s32 $0x2800, s3;
	[sflag:s26] =	ssyncadd.s32 $0xFFFFE000  }
0x135: {  	[tilespmem:s20], [sflag:$0x1] =	stream.indirect.gather [spmem:s4], $0x40, s6, s19, $0xb8;
	[tilespmem:$0x1DD80] =	vst v63  }
0x136: {  	s6 =	sadd.s32 $0x2880, s3  }
0x137: {  	[tilespmem:s21], [sflag:$0x2] =	stream.indirect.gather [spmem:s4], $0x40, s6, s19, $0xb8;
	[tilespmem:$0x1DD80] =	vst v63  }
0x138: {  	_ =	swait.ge [sflag:s25], $0x2000  }
0x139: {  	[sflag:s25] =	ssyncset.done $0x0  }
.Ltmp4:
0x13a: {  	s6 =	sadd.s32 $0x5000, s3;
	[sflag:s25] =	ssyncadd.s32 $0xFFFFE000;
	(pc) =	sbr.rel @p1 .LBB2_10-.Ltmp4, $4  }
0x13b: {  	[spmem:s2] =	stream.indirect.scatter.add.f32 [tilespmem:s20], [sflag:$0x3], $0x40, s6, s19, $0xb8;
	[tilespmem:$0x1DD80] =	vst v63  }
0x13c: {  	_ =	swait.ge [sflag:s22], $0x2000  }
0x13d: {  	[sflag:s22] =	ssyncset.done $0x0  }
0x13e: {  	s3 =	sadd.s32 $0x5080, s3;
	[sflag:s22] =	ssyncadd.s32 $0xFFFFE000  }
.Ltmp5:
0x13f: {  	(pc) =	sbr.rel @p0 .LBB2_15-.Ltmp5, $3  }
0x140: {  	_ =	sdelay $0x1  }
0x141: {  	[spmem:s2] =	stream.indirect.scatter.add.f32 [tilespmem:s21], [sflag:$0x4], $0x40, s3, s19, $0xb8;
	[tilespmem:$0x1DD80] =	vst v63  }
0x142: {  	s0 =	simm.s32 $0x0  }
0x143: {  	s3 =	sshra.s32 s0, $0x2  }
0x144: {  	s3 =	sadd.s32 $0x2800, s3  }
0x145: {  	[spmem:s1] =	stream.indirect.scatter.add.f32 [tilespmem:s28], [sflag:$0x5], $0x1, s3, s19, $0xb8;
	[tilespmem:$0x1DD80] =	vst v63  }
0x146: {  	s0 =	sadd.s32 $0x200, s0;
	_ =	swait.ge [sflag:s15], $0x80  }
.LBB2_13:
0x147: {  	s3 =	sshra.s32 s0, $0x2;
	[sflag:s15] =	ssyncset.done $0x0;
	p1 =	sne.s32 s0, $0x9E00  }
.Ltmp6:
0x148: {  	s3 =	sadd.s32 $0x2800, s3;
	[sflag:s15] =	ssyncadd.s32 $0xFFFFFF80;
	(pc) =	sbr.rel @p1 .LBB2_13-.Ltmp6, $3  }
0x149: {  	[spmem:s1] =	stream.indirect.scatter.add.f32 [tilespmem:s28], [sflag:$0x5], $0x1, s3, s19, $0xb8;
	[tilespmem:$0x1DD80] =	vst v63  }
0x14a: {  	s0 =	sadd.s32 $0x200, s0;
	_ =	sdelay $0x1  }
0x14b: {  	_ =	swait.ge [sflag:s15], $0x80  }
0x14c: {  	[sflag:s15] =	ssyncset.done $0x0  }
0x14d: {  	[sflag:s15] =	ssyncadd.s32 $0xFFFFFF80  }
.LBB2_15:
0x14e: {  	_ =	swait.ge [sflag:s24], $0x2000  }
0x14f: {  	[sflag:s24] =	ssyncset.done $0x0  }
0x150: {  	[sflag:s24] =	ssyncadd.s32 $0xFFFFE000  }
0x151: {  	_ =	swait.ge [sflag:s26], $0x2000  }
0x152: {  	[sflag:s26] =	ssyncset.done $0x0  }
0x153: {  	[sflag:s26] =	ssyncadd.s32 $0xFFFFE000  }
0x154: {  	[bflag:$0x0] =	sbarrier.arrive $0xFFFF  }
0x155: {  	s0 =	rddreg [dreg:$0xb]  }
0x156: {  	s3 =	rddreg [dreg:$0xa];
	s0 =	sshrl.u32 s0, $0x3  }
0x157: {  	[hbm:s3@s17], [sflag:s30] =	dma.strided [spmem:s0@s16], $0x1400, s25, $0x8   }
0x158: {  	_ =	swait.ge [sflag:s15], $0x1400  }
0x159: {  	[sflag:s15] =	ssyncset.done $0x0  }
0x15a: {  	[sflag:s15] =	ssyncadd.s32 $0xFFFFEC00  }
0x15b: {  	[spmem:s7] =	stream.linear.scatter [tilespmem:s14], [sflag:$0x5], $0x800, $0x38;
	[tilespmem:$0x1DD80] =	vst v63  }
0x15c: {  	_ =	swait.ge [sflag:s15], $0x800  }
0x15d: {  	[sflag:s15] =	ssyncset.done $0x0  }
0x15e: {  	s6 =	rddreg [dreg:$0x10];
	[sflag:s15] =	ssyncadd.s32 $0xFFFFF800  }
0x15f: {  	[spmem:s6] =	stream.linear.scatter [tilespmem:s14], [sflag:$0x5], $0x800, $0x38;
	[tilespmem:$0x1DD80] =	vst v63  }
0x160: {  	_ =	swait.ge [sflag:s15], $0x800  }
0x161: {  	[sflag:s15] =	ssyncset.done $0x0  }
0x162: {  	s6 =	rddreg [dreg:$0x11];
	[sflag:s15] =	ssyncadd.s32 $0xFFFFF800  }
0x163: {  	[spmem:s6] =	stream.linear.scatter [tilespmem:s14], [sflag:$0x5], $0x800, $0x38;
	[tilespmem:$0x1DD80] =	vst v63  }
0x164: {  	_ =	swait.ge [sflag:s15], $0x800  }
0x165: {  	[sflag:s15] =	ssyncset.done $0x0  }
0x166: {  	s6 =	rddreg [dreg:$0x12];
	[sflag:s15] =	ssyncadd.s32 $0xFFFFF800  }
0x167: {  	[spmem:s6] =	stream.linear.scatter [tilespmem:s14], [sflag:$0x5], $0x800, $0x38;
	[tilespmem:$0x1DD80] =	vst v63  }
0x168: {  	_ =	swait.ge [sflag:s15], $0x800  }
0x169: {  	[sflag:s15] =	ssyncset.done $0x0  }
0x16a: {  	s6 =	rddreg [dreg:$0x17];
	[sflag:s15] =	ssyncadd.s32 $0xFFFFF800  }
0x16b: {  	[spmem:s6] =	stream.linear.scatter [tilespmem:s14], [sflag:$0x5], $0x800, $0x38;
	[tilespmem:$0x1DD80] =	vst v63  }
0x16c: {  	_ =	swait.ge [sflag:s15], $0x800  }
0x16d: {  	[sflag:s15] =	ssyncset.done $0x0  }
0x16e: {  	s6 =	rddreg [dreg:$0x18];
	[sflag:s15] =	ssyncadd.s32 $0xFFFFF800  }
0x16f: {  	[spmem:s6] =	stream.linear.scatter [tilespmem:s14], [sflag:$0x5], $0x800, $0x38;
	[tilespmem:$0x1DD80] =	vst v63  }
0x170: {  	_ =	swait.ge [sflag:s15], $0x800  }
0x171: {  	[sflag:s15] =	ssyncset.done $0x0  }
0x172: {  	s6 =	rddreg [dreg:$0x1a];
	[sflag:s15] =	ssyncadd.s32 $0xFFFFF800  }
0x173: {  	[spmem:s6] =	stream.linear.scatter [tilespmem:s14], [sflag:$0x5], $0x800, $0x38;
	[tilespmem:$0x1DD80] =	vst v63  }
0x174: {  	_ =	swait.ge [sflag:s15], $0x800  }
0x175: {  	[sflag:s15] =	ssyncset.done $0x0  }
0x176: {  	s6 =	rddreg [dreg:$0x1b];
	[sflag:s15] =	ssyncadd.s32 $0xFFFFF800  }
0x177: {  	[spmem:s6] =	stream.linear.scatter [tilespmem:s14], [sflag:$0x5], $0x800, $0x38;
	[tilespmem:$0x1DD80] =	vst v63  }
0x178: {  	_ =	swait.ge [sflag:s15], $0x800  }
0x179: {  	[sflag:s15] =	ssyncset.done $0x0  }
0x17a: {  	s6 =	rddreg [dreg:$0x1c];
	[sflag:s15] =	ssyncadd.s32 $0xFFFFF800  }
0x17b: {  	[spmem:s6] =	stream.linear.scatter [tilespmem:s14], [sflag:$0x5], $0x800, $0x38;
	[tilespmem:$0x1DD80] =	vst v63  }
0x17c: {  	_ =	swait.ge [sflag:s15], $0x800  }
0x17d: {  	[sflag:s15] =	ssyncset.done $0x0  }
0x17e: {  	s6 =	rddreg [dreg:$0x1d];
	[sflag:s15] =	ssyncadd.s32 $0xFFFFF800  }
0x17f: {  	[spmem:s6] =	stream.linear.scatter [tilespmem:s14], [sflag:$0x5], $0x800, $0x38;
	[tilespmem:$0x1DD80] =	vst v63  }
0x180: {  	_ =	swait.ge [sflag:s15], $0x800  }
0x181: {  	[sflag:s15] =	ssyncset.done $0x0  }
0x182: {  	s6 =	rddreg [dreg:$0x1e];
	[sflag:s15] =	ssyncadd.s32 $0xFFFFF800  }
0x183: {  	[spmem:s6] =	stream.linear.scatter [tilespmem:s14], [sflag:$0x5], $0x800, $0x38;
	[tilespmem:$0x1DD80] =	vst v63  }
0x184: {  	_ =	swait.ge [sflag:s15], $0x800  }
0x185: {  	[sflag:s15] =	ssyncset.done $0x0  }
0x186: {  	s6 =	rddreg [dreg:$0x1f];
	[sflag:s15] =	ssyncadd.s32 $0xFFFFF800  }
0x187: {  	[spmem:s6] =	stream.linear.scatter [tilespmem:s14], [sflag:$0x5], $0x800, $0x38;
	[tilespmem:$0x1DD80] =	vst v63  }
0x188: {  	_ =	swait.ge [sflag:s15], $0x800  }
0x189: {  	s6 =	sld [smem:$0x7FC]  }
0x18a: {  	[sflag:s15] =	ssyncset.done $0x0  }
0x18b: {  	[sflag:s15] =	ssyncadd.s32 $0xFFFFF800  }
0x18c: {  	[spmem:s6] =	stream.linear.scatter [tilespmem:s14], [sflag:$0x5], $0x800, $0x38;
	[tilespmem:$0x1DD80] =	vst v63  }
0x18d: {  	_ =	swait.ge [sflag:s15], $0x800  }
0x18e: {  	s6 =	sld [smem:$0x7FD]  }
0x18f: {  	[sflag:s15] =	ssyncset.done $0x0  }
0x190: {  	[sflag:s15] =	ssyncadd.s32 $0xFFFFF800  }
0x191: {  	[spmem:s6] =	stream.linear.scatter [tilespmem:s14], [sflag:$0x5], $0x800, $0x38;
	[tilespmem:$0x1DD80] =	vst v63  }
0x192: {  	_ =	swait.ge [sflag:s15], $0x800  }
0x193: {  	[sflag:s15] =	ssyncset.done $0x0  }
0x194: {  	[sflag:s15] =	ssyncadd.s32 $0xFFFFF800  }
0x195: {  	[spmem:s8] =	stream.linear.scatter [tilespmem:s14], [sflag:$0x5], $0x800, $0x38;
	[tilespmem:$0x1DD80] =	vst v63  }
0x196: {  	_ =	swait.ge [sflag:s15], $0x800  }
0x197: {  	[sflag:s15] =	ssyncset.done $0x0  }
0x198: {  	[sflag:s15] =	ssyncadd.s32 $0xFFFFF800  }
0x199: {  	[spmem:s9] =	stream.linear.scatter [tilespmem:s14], [sflag:$0x5], $0x800, $0x38;
	[tilespmem:$0x1DD80] =	vst v63  }
0x19a: {  	_ =	swait.ge [sflag:s15], $0x800  }
0x19b: {  	[sflag:s15] =	ssyncset.done $0x0  }
0x19c: {  	[sflag:s15] =	ssyncadd.s32 $0xFFFFF800  }
0x19d: {  	[spmem:s10] =	stream.linear.scatter [tilespmem:s14], [sflag:$0x5], $0x800, $0x38;
	[tilespmem:$0x1DD80] =	vst v63  }
0x19e: {  	_ =	swait.ge [sflag:s15], $0x800  }
0x19f: {  	[sflag:s15] =	ssyncset.done $0x0  }
0x1a0: {  	[sflag:s15] =	ssyncadd.s32 $0xFFFFF800  }
0x1a1: {  	[spmem:s11] =	stream.linear.scatter [tilespmem:s14], [sflag:$0x5], $0x800, $0x38;
	[tilespmem:$0x1DD80] =	vst v63  }
0x1a2: {  	_ =	swait.ge [sflag:s15], $0x800  }
0x1a3: {  	[sflag:s15] =	ssyncset.done $0x0  }
0x1a4: {  	[sflag:s15] =	ssyncadd.s32 $0xFFFFF800  }
0x1a5: {  	[spmem:s12] =	stream.linear.scatter [tilespmem:s14], [sflag:$0x5], $0x800, $0x38;
	[tilespmem:$0x1DD80] =	vst v63  }
0x1a6: {  	_ =	swait.ge [sflag:s15], $0x800  }
0x1a7: {  	[sflag:s15] =	ssyncset.done $0x0  }
0x1a8: {  	[sflag:s15] =	ssyncadd.s32 $0xFFFFF800  }
0x1a9: {  	[spmem:s13] =	stream.linear.scatter [tilespmem:s14], [sflag:$0x5], $0x800, $0x38;
	[tilespmem:$0x1DD80] =	vst v63  }
0x1aa: {  	_ =	swait.ge [sflag:s15], $0x800  }
0x1ab: {  	[sflag:s15] =	ssyncset.done $0x0  }
0x1ac: {  	s6 =	rddreg [dreg:$0xc];
	[sflag:s15] =	ssyncadd.s32 $0xFFFFF800  }
0x1ad: {  	[spmem:s31@s16], [sflag:s30] =	dma.strided [hbm:s6@s17], $0x1400, s25, $0x8   }
0x1ae: {  	_ =	swait.ge [sflag:s15], $0x1400  }
0x1af: {  	[sflag:s15] =	ssyncset.done $0x0  }
0x1b0: {  	[sflag:s15] =	ssyncadd.s32 $0xFFFFEC00  }
0x1b1: {  	[bflag:$0x0] =	sbarrier.arrive $0xFFFF  }
0x1b2: {  	s6 =	rddreg [dreg:$0x13]  }
0x1b3: {  	[tilespmem:s5], [sflag:$0x5] =	stream.linear.gather [hbm4b:s6+s5], $0x2800, $0x38;
	[tilespmem:$0x1DD80] =	vst v63  }
0x1b4: {  	_ =	swait.ge [sflag:s15], $0x2800  }
0x1b5: {  	[sflag:s15] =	ssyncset.done $0x0  }
0x1b6: {  	s6 =	rddreg [dreg:$0x14];
	[sflag:s15] =	ssyncadd.s32 $0xFFFFD800  }
0x1b7: {  	[tilespmem:s18], [sflag:$0x5] =	stream.linear.gather [hbm4b:s6+s5], $0x2800, $0x38;
	[tilespmem:$0x1DD80] =	vst v63  }
0x1b8: {  	_ =	swait.ge [sflag:s15], $0x2800  }
0x1b9: {  	[sflag:s15] =	ssyncset.done $0x0  }
0x1ba: {  	[sflag:s15] =	ssyncadd.s32 $0xFFFFD800  }
0x1bb: {  	[tilespmem:s20], [sflag:$0x1] =	stream.indirect.gather [spmem:s4], $0x40, s5, s19, $0xb8;
	[tilespmem:$0x1DD80] =	vst v63  }
0x1bc: {  	_ = 	snop  }
0x1bd: {  	[tilespmem:s21], [sflag:$0x2] =	stream.indirect.gather [spmem:s4], $0x40, s19, s19, $0xb8;
	[tilespmem:$0x1DD80] =	vst v63  }
0x1be: {  	_ =	swait.ge [sflag:s25], $0x2000  }
0x1bf: {  	[sflag:s25] =	ssyncset.done $0x0  }
0x1c0: {  	[sflag:s25] =	ssyncadd.s32 $0xFFFFE000  }
0x1c1: {  	[spmem:s2] =	stream.indirect.scatter.add.f32 [tilespmem:s20], [sflag:$0x3], $0x40, s18, s19, $0xb8;
	[tilespmem:$0x1DD80] =	vst v63  }
0x1c2: {  	_ =	swait.ge [sflag:s22], $0x2000  }
0x1c3: {  	[sflag:s22] =	ssyncset.done $0x0  }
0x1c4: {  	[sflag:s22] =	ssyncadd.s32 $0xFFFFE000  }
0x1c5: {  	[spmem:s2] =	stream.indirect.scatter.add.f32 [tilespmem:s21], [sflag:$0x4], $0x40, s23, s19, $0xb8;
	[tilespmem:$0x1DD80] =	vst v63  }
0x1c6: {  	_ =	swait.ge [sflag:s24], $0x2000  }
0x1c7: {  	[sflag:s24] =	ssyncset.done $0x0  }
0x1c8: {  	[sflag:s24] =	ssyncadd.s32 $0xFFFFE000  }
0x1c9: {  	_ =	swait.ge [sflag:s26], $0x2000  }
0x1ca: {  	[sflag:s26] =	ssyncset.done $0x0  }
0x1cb: {  	s6 =	simm.s32 $0x100;
	[sflag:s26] =	ssyncadd.s32 $0xFFFFE000  }
0x1cc: {  	[tilespmem:s20], [sflag:$0x1] =	stream.indirect.gather [spmem:s4], $0x40, s6, s19, $0xb8;
	[tilespmem:$0x1DD80] =	vst v63  }
0x1cd: {  	s6 =	simm.s32 $0x180  }
0x1ce: {  	[tilespmem:s21], [sflag:$0x2] =	stream.indirect.gather [spmem:s4], $0x40, s6, s19, $0xb8;
	[tilespmem:$0x1DD80] =	vst v63  }
0x1cf: {  	_ =	swait.ge [sflag:s25], $0x2000  }
0x1d0: {  	[sflag:s25] =	ssyncset.done $0x0  }
0x1d1: {  	s6 =	simm.s32 $0x2900;
	[sflag:s25] =	ssyncadd.s32 $0xFFFFE000  }
0x1d2: {  	[spmem:s2] =	stream.indirect.scatter.add.f32 [tilespmem:s20], [sflag:$0x3], $0x40, s6, s19, $0xb8;
	[tilespmem:$0x1DD80] =	vst v63  }
0x1d3: {  	_ =	swait.ge [sflag:s22], $0x2000  }
0x1d4: {  	[sflag:s22] =	ssyncset.done $0x0  }
0x1d5: {  	s3 =	simm.s32 $0x2980;
	s31 =	simm.s32 $0xFFFF6800;
	[sflag:s22] =	ssyncadd.s32 $0xFFFFE000  }
.LBB2_16:
0x1d6: {  	[spmem:s2] =	stream.indirect.scatter.add.f32 [tilespmem:s21], [sflag:$0x4], $0x40, s3, s19, $0xb8;
	[tilespmem:$0x1DD80] =	vst v63  }
0x1d7: {  	s3 =	smov.u32 s31  }
0x1d8: {  	p1 =	sne.s32 s31, $0xFFFFFC00;
	s31 =	sadd.s32 $0x400, s31;
	_ =	swait.ge [sflag:s24], $0x2000  }
0x1d9: {  	[sflag:s24] =	ssyncset.done $0x0  }
0x1da: {  	[sflag:s24] =	ssyncadd.s32 $0xFFFFE000  }
0x1db: {  	_ =	swait.ge [sflag:s26], $0x2000  }
0x1dc: {  	s3 =	sshra.s32 s3, $0x2;
	[sflag:s26] =	ssyncset.done $0x0  }
0x1dd: {  	s6 =	sadd.s32 $0x2800, s3;
	[sflag:s26] =	ssyncadd.s32 $0xFFFFE000  }
0x1de: {  	[tilespmem:s20], [sflag:$0x1] =	stream.indirect.gather [spmem:s4], $0x40, s6, s19, $0xb8;
	[tilespmem:$0x1DD80] =	vst v63  }
0x1df: {  	s6 =	sadd.s32 $0x2880, s3  }
0x1e0: {  	[tilespmem:s21], [sflag:$0x2] =	stream.indirect.gather [spmem:s4], $0x40, s6, s19, $0xb8;
	[tilespmem:$0x1DD80] =	vst v63  }
0x1e1: {  	_ =	swait.ge [sflag:s25], $0x2000  }
0x1e2: {  	[sflag:s25] =	ssyncset.done $0x0  }
.Ltmp7:
0x1e3: {  	s6 =	sadd.s32 $0x5000, s3;
	[sflag:s25] =	ssyncadd.s32 $0xFFFFE000;
	(pc) =	sbr.rel @p1 .LBB2_16-.Ltmp7, $4  }
0x1e4: {  	[spmem:s2] =	stream.indirect.scatter.add.f32 [tilespmem:s20], [sflag:$0x3], $0x40, s6, s19, $0xb8;
	[tilespmem:$0x1DD80] =	vst v63  }
0x1e5: {  	_ =	swait.ge [sflag:s22], $0x2000  }
0x1e6: {  	[sflag:s22] =	ssyncset.done $0x0  }
0x1e7: {  	s3 =	sadd.s32 $0x5080, s3;
	[sflag:s22] =	ssyncadd.s32 $0xFFFFE000  }
0x1e8: {  	[spmem:s2] =	stream.indirect.scatter.add.f32 [tilespmem:s21], [sflag:$0x4], $0x40, s3, s19, $0xb8;
	[tilespmem:$0x1DD80] =	vst v63  }
0x1e9: {  	_ =	swait.ge [sflag:s24], $0x2000  }
0x1ea: {  	[sflag:s24] =	ssyncset.done $0x0  }
0x1eb: {  	[sflag:s24] =	ssyncadd.s32 $0xFFFFE000  }
0x1ec: {  	_ =	swait.ge [sflag:s26], $0x2000  }
0x1ed: {  	[sflag:s26] =	ssyncset.done $0x0  }
0x1ee: {  	s6 =	rddreg [dreg:$0x15];
	[sflag:s26] =	ssyncadd.s32 $0xFFFFE000  }
0x1ef: {  	[tilespmem:s5], [sflag:$0x5] =	stream.linear.gather [hbm4b:s6+s5], $0x2800, $0x38;
	[tilespmem:$0x1DD80] =	vst v63  }
0x1f0: {  	_ =	swait.ge [sflag:s15], $0x2800  }
0x1f1: {  	[sflag:s15] =	ssyncset.done $0x0  }
0x1f2: {  	s6 =	rddreg [dreg:$0x16];
	[sflag:s15] =	ssyncadd.s32 $0xFFFFD800  }
0x1f3: {  	[tilespmem:s18], [sflag:$0x5] =	stream.linear.gather [hbm4b:s6+s5], $0x2800, $0x38;
	[tilespmem:$0x1DD80] =	vst v63  }
0x1f4: {  	_ =	swait.ge [sflag:s15], $0x2800  }
0x1f5: {  	[sflag:s15] =	ssyncset.done $0x0  }
0x1f6: {  	[sflag:s15] =	ssyncadd.s32 $0xFFFFD800  }
0x1f7: {  	[tilespmem:s20], [sflag:$0x1] =	stream.indirect.gather [spmem:s4], $0x40, s5, s19, $0xb8;
	[tilespmem:$0x1DD80] =	vst v63  }
0x1f8: {  	_ = 	snop  }
0x1f9: {  	[tilespmem:s21], [sflag:$0x2] =	stream.indirect.gather [spmem:s4], $0x40, s19, s19, $0xb8;
	[tilespmem:$0x1DD80] =	vst v63  }
0x1fa: {  	_ =	swait.ge [sflag:s25], $0x2000  }
0x1fb: {  	[sflag:s25] =	ssyncset.done $0x0  }
0x1fc: {  	[sflag:s25] =	ssyncadd.s32 $0xFFFFE000  }
0x1fd: {  	[spmem:s2] =	stream.indirect.scatter.add.f32 [tilespmem:s20], [sflag:$0x3], $0x40, s18, s19, $0xb8;
	[tilespmem:$0x1DD80] =	vst v63  }
0x1fe: {  	_ =	swait.ge [sflag:s22], $0x2000  }
0x1ff: {  	[sflag:s22] =	ssyncset.done $0x0  }
0x200: {  	[sflag:s22] =	ssyncadd.s32 $0xFFFFE000  }
0x201: {  	[spmem:s2] =	stream.indirect.scatter.add.f32 [tilespmem:s21], [sflag:$0x4], $0x40, s23, s19, $0xb8;
	[tilespmem:$0x1DD80] =	vst v63  }
0x202: {  	_ =	swait.ge [sflag:s24], $0x2000  }
0x203: {  	[sflag:s24] =	ssyncset.done $0x0  }
0x204: {  	[sflag:s24] =	ssyncadd.s32 $0xFFFFE000  }
0x205: {  	_ =	swait.ge [sflag:s26], $0x2000  }
0x206: {  	[sflag:s26] =	ssyncset.done $0x0  }
0x207: {  	s6 =	simm.s32 $0x100;
	[sflag:s26] =	ssyncadd.s32 $0xFFFFE000  }
0x208: {  	[tilespmem:s20], [sflag:$0x1] =	stream.indirect.gather [spmem:s4], $0x40, s6, s19, $0xb8;
	[tilespmem:$0x1DD80] =	vst v63  }
0x209: {  	s6 =	simm.s32 $0x180  }
0x20a: {  	[tilespmem:s21], [sflag:$0x2] =	stream.indirect.gather [spmem:s4], $0x40, s6, s19, $0xb8;
	[tilespmem:$0x1DD80] =	vst v63  }
0x20b: {  	_ =	swait.ge [sflag:s25], $0x2000  }
0x20c: {  	[sflag:s25] =	ssyncset.done $0x0  }
0x20d: {  	s6 =	simm.s32 $0x2900;
	[sflag:s25] =	ssyncadd.s32 $0xFFFFE000  }
0x20e: {  	[spmem:s2] =	stream.indirect.scatter.add.f32 [tilespmem:s20], [sflag:$0x3], $0x40, s6, s19, $0xb8;
	[tilespmem:$0x1DD80] =	vst v63  }
0x20f: {  	_ =	swait.ge [sflag:s22], $0x2000  }
0x210: {  	[sflag:s22] =	ssyncset.done $0x0  }
0x211: {  	s31 =	simm.s32 $0xFFFF6800;
	s3 =	simm.s32 $0x2980;
	[sflag:s22] =	ssyncadd.s32 $0xFFFFE000  }
.LBB2_18:
0x212: {  	[spmem:s2] =	stream.indirect.scatter.add.f32 [tilespmem:s21], [sflag:$0x4], $0x40, s3, s19, $0xb8;
	[tilespmem:$0x1DD80] =	vst v63  }
0x213: {  	s3 =	smov.u32 s31  }
0x214: {  	p1 =	sne.s32 s31, $0xFFFFFC00;
	s31 =	sadd.s32 $0x400, s31;
	_ =	swait.ge [sflag:s24], $0x2000  }
0x215: {  	[sflag:s24] =	ssyncset.done $0x0  }
0x216: {  	[sflag:s24] =	ssyncadd.s32 $0xFFFFE000  }
0x217: {  	_ =	swait.ge [sflag:s26], $0x2000  }
0x218: {  	s3 =	sshra.s32 s3, $0x2;
	[sflag:s26] =	ssyncset.done $0x0  }
0x219: {  	s6 =	sadd.s32 $0x2800, s3;
	[sflag:s26] =	ssyncadd.s32 $0xFFFFE000  }
0x21a: {  	[tilespmem:s20], [sflag:$0x1] =	stream.indirect.gather [spmem:s4], $0x40, s6, s19, $0xb8;
	[tilespmem:$0x1DD80] =	vst v63  }
0x21b: {  	s6 =	sadd.s32 $0x2880, s3  }
0x21c: {  	[tilespmem:s21], [sflag:$0x2] =	stream.indirect.gather [spmem:s4], $0x40, s6, s19, $0xb8;
	[tilespmem:$0x1DD80] =	vst v63  }
0x21d: {  	_ =	swait.ge [sflag:s25], $0x2000  }
0x21e: {  	[sflag:s25] =	ssyncset.done $0x0  }
.Ltmp8:
0x21f: {  	s6 =	sadd.s32 $0x5000, s3;
	[sflag:s25] =	ssyncadd.s32 $0xFFFFE000;
	(pc) =	sbr.rel @p1 .LBB2_18-.Ltmp8, $4  }
0x220: {  	[spmem:s2] =	stream.indirect.scatter.add.f32 [tilespmem:s20], [sflag:$0x3], $0x40, s6, s19, $0xb8;
	[tilespmem:$0x1DD80] =	vst v63  }
0x221: {  	_ =	swait.ge [sflag:s22], $0x2000  }
0x222: {  	[sflag:s22] =	ssyncset.done $0x0  }
0x223: {  	s3 =	sadd.s32 $0x5080, s3;
	[sflag:s22] =	ssyncadd.s32 $0xFFFFE000  }
0x224: {  	[spmem:s2] =	stream.indirect.scatter.add.f32 [tilespmem:s21], [sflag:$0x4], $0x40, s3, s19, $0xb8;
	[tilespmem:$0x1DD80] =	vst v63  }
0x225: {  	_ =	swait.ge [sflag:s24], $0x2000  }
0x226: {  	[sflag:s24] =	ssyncset.done $0x0  }
0x227: {  	[sflag:s24] =	ssyncadd.s32 $0xFFFFE000  }
0x228: {  	_ =	swait.ge [sflag:s26], $0x2000  }
0x229: {  	[sflag:s26] =	ssyncset.done $0x0  }
0x22a: {  	[sflag:s26] =	ssyncadd.s32 $0xFFFFE000  }
0x22b: {  	[bflag:$0x0] =	sbarrier.arrive $0xFFFF  }
0x22c: {  	s6 =	rddreg [dreg:$0xd]  }
0x22d: {  	[hbm:s6@s17], [sflag:s30] =	dma.strided [spmem:s0@s16], $0x1400, s25, $0x8   }
0x22e: {  	_ =	swait.ge [sflag:s15], $0x1400  }
0x22f: {  	[sflag:s15] =	ssyncset.done $0x0;
	s0 =	rddreg [dreg:$0xe]  }
0x230: {  	s3 =	rddreg [dreg:$0x19];
	[sflag:s15] =	ssyncadd.s32 $0xFFFFEC00  }
0x231: {  	[hbm:s0], [sflag:s30] =	dma.local @!p0 [spmem:s3], $0x50  }
0x232: {  	s0 =	simm.s32 @!p0 $0x5  }
0x233: {  	_ =	swait.ge @!p0 [sflag:s0], $0x50  }
0x234: {  	s29 =	sadd.s32 $0x1, s29;
	s31 =	rddreg [dreg:$0xf]  }
0x235: {  	p1 =	sne.s32 s29, s31  }
.Ltmp9:
0x236: {  	_ = 	snop;
	(pc) =	sbr.rel @p1 .LBB2_1-.Ltmp9, $3  }
0x237: {  	_ =	sdelay $0x1  }
0x238: {  	[sflag:s0] =	ssyncset.done @!p0 $0x0  }
0x239: {  	[sflag:s0] =	ssyncadd.s32 @!p0 $0xFFFFFFB0  }
0x23a: {  	_ =	sfence.sel $0x180000  }
0x23b: {  	[bflag:$0x0] =	sbarrier.arrive $0xFFFF  }
0x23c: {  	_ =	strace $0x90000047  }
0x23d: {  	s0 =	stileid.u32;
	[bflag:$0x2] =	sbarrier.arrive $0xFFFF  }
0x23e: {  	p0 =	sne.s32 s0, $0x0;
	s0 =	rddreg [dreg:$0x6]  }
0x23f: {  	s0 =	sadd.s32 @!p0 $0x100000, s0  }
0x240: {  	[sflag:s0] =	ssyncadd.tile.s32 @!p0 $0x1;
	_ =	shalt  }
.Lfunc_end2:
_tile_overlayer_lowered:
.L_overlay_start_2:
0x241: {  	(tag) =	ssettag $0x2  }
0x242: {  	s0 =	rddreg [dreg:$0x0];
	s2 =	stileid.u32  }
0x243: {  	s1 =	rddreg [dreg:$0x1];
	p0 =	sne.s32 s2, $0x0  }
0x244: {  	s3 =	rddreg [dreg:$0x2];
	[bflag:$0x3] =	sbarrier.arrive $0xFFFF;
	s2 =	simm.s32 @!p0 $0x1C05  }
0x245: {  	[timem:s3], [sflag:s2] =	dma.local @!p0 [hbm:s0], s1  }
0x246: {  	s0 =	simm.s32 @!p0 $0x5  }
0x247: {  	_ =	swait.ge @!p0 [sflag:s0], s1  }
0x248: {  	s1 =	ssub.s32 @!p0 $0x0, s1;
	[sflag:s0] =	ssyncset.done @!p0 $0x0  }
0x249: {  	[sflag:s0] =	ssyncadd.s32 @!p0 s1  }
0x24a: {  	[bflag:$0x3] =	sbarrier.arrive $0xFFFF  }
0x24b: {  	_ =	shalt  }

</sc_bundles>
